<compile_context>
chip_gen: v7x
topology: tpu7x:2x2x1
jax: 0.10.2.dev20260603
libtpu: 0.0.44.dev20260713+nightly
codegen_flags: <defaults>
</compile_context>

<pallas_src>
import functools
import jax
import jax.numpy as jnp
from jax import lax
from jax.experimental import pallas as pl
from jax.experimental.pallas import tpu as pltpu
from jax.experimental.pallas import tpu_sc as plsc

DIM = 1024
NUM_EXPERTS = 8
HIDDEN = DIM * 2
TOKENS = 4096
SLOTS = 2 * TOKENS

BT = 256
NB = SLOTS // BT + NUM_EXPERTS
NPAD = NB * BT
NBPAD = 128

NWORKERS = 32
GCHUNK = 64

GR = 64
GC = 128


def _gate_body(x_ref, gw_ref, gb_ref, e1_ref, e2_ref, p1_ref, p2_ref):
    logits = lax.dot_general(
        gw_ref[...], x_ref[...], (((0,), (1,)), ((), ())),
        precision=lax.Precision.DEFAULT,
        preferred_element_type=jnp.float32) + gb_ref[...]
    i1 = jnp.argmax(logits, axis=0, keepdims=True)
    m1 = jnp.max(logits, axis=0, keepdims=True)
    eidx = lax.broadcasted_iota(jnp.int32, logits.shape, 0)
    masked = jnp.where(eidx == i1, -jnp.inf, logits)
    i2 = jnp.argmax(masked, axis=0, keepdims=True)
    m2 = jnp.max(masked, axis=0, keepdims=True)
    p1 = 1.0 / (1.0 + jnp.exp(m2 - m1))
    e1_ref[0] = i1.astype(jnp.int32)
    e2_ref[0] = i2.astype(jnp.int32)
    p1_ref[0] = p1
    p2_ref[0] = 1.0 - p1


def _gate(x, gate_w, gate_b):
    bt = 1024
    nt = TOKENS // bt
    return pl.pallas_call(
        _gate_body,
        grid=(nt,),
        in_specs=[
            pl.BlockSpec((bt, DIM), lambda i: (i, 0)),
            pl.BlockSpec((DIM, NUM_EXPERTS), lambda i: (0, 0)),
            pl.BlockSpec((NUM_EXPERTS, 1), lambda i: (0, 0)),
        ],
        out_specs=[
            pl.BlockSpec((1, 1, bt), lambda i: (i, 0, 0)),
            pl.BlockSpec((1, 1, bt), lambda i: (i, 0, 0)),
            pl.BlockSpec((1, 1, bt), lambda i: (i, 0, 0)),
            pl.BlockSpec((1, 1, bt), lambda i: (i, 0, 0)),
        ],
        out_shape=[
            jax.ShapeDtypeStruct((nt, 1, bt), jnp.int32),
            jax.ShapeDtypeStruct((nt, 1, bt), jnp.int32),
            jax.ShapeDtypeStruct((nt, 1, bt), jnp.float32),
            jax.ShapeDtypeStruct((nt, 1, bt), jnp.float32),
        ],
    )(x, gate_w, gate_b.reshape(NUM_EXPERTS, 1))


def _routing_body(e1_ref, e2_ref, dest_ref, be_ref):
    e1 = jnp.reshape(e1_ref[...], (GR // 2, GC))
    e2 = jnp.reshape(e2_ref[...], (GR // 2, GC))
    ea = jnp.concatenate([e1, e2], axis=0)

    ci = lax.broadcasted_iota(jnp.int32, (GC, GC), 0)
    cj = lax.broadcasted_iota(jnp.int32, (GC, GC), 1)
    tri_inc = (ci <= cj).astype(jnp.bfloat16)
    ri = lax.broadcasted_iota(jnp.int32, (GR, GR), 0)
    rj = lax.broadcasted_iota(jnp.int32, (GR, GR), 1)
    tri_strict = (ri > rj).astype(jnp.bfloat16)

    dest = jnp.zeros((GR, GC), jnp.float32)
    running = jnp.zeros((), jnp.float32)
    cumblk = []
    for e in range(NUM_EXPERTS):
        m = (ea == e).astype(jnp.float32)
        rowcs = lax.dot_general(m.astype(jnp.bfloat16), tri_inc,
                                (((1,), (0,)), ((), ())),
                                preferred_element_type=jnp.float32)
        rowsum = rowcs[:, GC - 1:GC]
        prevrows = lax.dot_general(tri_strict,
                                   rowsum.astype(jnp.bfloat16),
                                   (((1,), (0,)), ((), ())),
                                   preferred_element_type=jnp.float32)
        rank = rowcs - m + prevrows
        cnt = jnp.sum(m)
        dest = dest + m * (running + rank)
        running = running + jnp.ceil(cnt / BT) * BT
        cumblk.append(running / BT)

    dest_ref[...] = dest.astype(jnp.int32)

    bi = lax.broadcasted_iota(jnp.int32, (1, NBPAD), 1).astype(jnp.float32)
    be = jnp.zeros((1, NBPAD), jnp.int32)
    for e in range(NUM_EXPERTS - 1):
        be = be + (bi >= cumblk[e]).astype(jnp.int32)
    used = cumblk[NUM_EXPERTS - 1].astype(jnp.int32)
    be = jnp.where(lax.broadcasted_iota(jnp.int32, (1, NBPAD), 1)
                   == NBPAD - 1, used, be)
    be_ref[...] = be


def _routing(e1, e2):
    nt = TOKENS // 1024
    specs = [pl.BlockSpec((nt, 1, 1024), lambda: (0, 0, 0))] * 2
    return pl.pallas_call(
        _routing_body,
        in_specs=specs,
        out_specs=[
            pl.BlockSpec((GR, GC), lambda: (0, 0)),
            pl.BlockSpec((1, NBPAD), lambda: (0, 0)),
        ],
        out_shape=[
            jax.ShapeDtypeStruct((GR, GC), jnp.int32),
            jax.ShapeDtypeStruct((1, NBPAD), jnp.int32),
        ],
    )(e1, e2)


GD = 32
SLOTS_PER_W = SLOTS // NWORKERS
NCH = SLOTS_PER_W // GD


@functools.lru_cache(maxsize=None)
def _make_sc_dispatch():
    mesh = plsc.VectorSubcoreMesh(core_axis_name="c", subcore_axis_name="s")

    @functools.partial(
        pl.kernel, mesh=mesh,
        out_type=jax.ShapeDtypeStruct((NPAD, DIM), jnp.float32),
        scratch_types=[
            pltpu.VMEM((NCH, GD), jnp.int32),
            pltpu.VMEM((2, GD), jnp.int32),
            pltpu.VMEM((2, GD, DIM), jnp.float32),
            pltpu.SemaphoreType.DMA,
            pltpu.SemaphoreType.DMA,
        ],
    )
    def dispatch_k(x_hbm, dest_hbm, xg_hbm,
                   dest_v, tok_v, rows_v, semg, sems):
        wid = lax.axis_index("s") * 2 + lax.axis_index("c")
        base = wid * SLOTS_PER_W
        pltpu.sync_copy(dest_hbm.at[wid], dest_v)
        pend = []
        for c in range(NCH):
            b = c % 2
            for g in range(GD // 16):
                s16 = (base + c * GD + g * 16 +
                       lax.broadcasted_iota(jnp.int32, (16,), 0))
                tok_v[b, pl.ds(g * 16, 16)] = jnp.where(
                    s16 >= TOKENS, s16 - TOKENS, s16)
            if c >= 2:
                pend[c - 2].wait()
            pltpu.async_copy(x_hbm.at[tok_v.at[b]], rows_v.at[b], semg).wait()
            pend.append(
                pltpu.async_copy(rows_v.at[b], xg_hbm.at[dest_v.at[c]], sems))
        for h in pend[-2:]:
            h.wait()

    return dispatch_k


def _sc_dispatch(x, dest3):
    return _make_sc_dispatch()(x, dest3)


@functools.lru_cache(maxsize=None)
def _make_sc_gather(n_rows, dim, dtype):
    rows_per_w = n_rows // NWORKERS
    n_chunks = rows_per_w // GD
    mesh = plsc.VectorSubcoreMesh(core_axis_name="c", subcore_axis_name="s")

    @functools.partial(
        pl.kernel, mesh=mesh,
        out_type=jax.ShapeDtypeStruct((n_rows, dim), dtype),
        scratch_types=[
            pltpu.VMEM((n_chunks, GD), jnp.int32),
            pltpu.VMEM((2, GD, dim), dtype),
            pltpu.SemaphoreType.DMA,
            pltpu.SemaphoreType.DMA,
        ],
    )
    def gather_k(table_hbm, idx_hbm, out_hbm, idx_v, rows_v, semg, semo):
        wid = lax.axis_index("s") * 2 + lax.axis_index("c")
        base = wid * rows_per_w
        pltpu.sync_copy(idx_hbm.at[wid], idx_v)
        pend = []
        for c in range(n_chunks):
            b = c % 2
            if c >= 2:
                pend[c - 2].wait()
            pltpu.async_copy(table_hbm.at[idx_v.at[c]], rows_v.at[b],
                             semg).wait()
            pend.append(
                pltpu.async_copy(rows_v.at[b],
                                 out_hbm.at[pl.ds(base + c * GD, GD)], semo))
        for h in pend[-2:]:
            h.wait()

    return gather_k


def _sc_gather_y(table, idx):
    return _make_sc_gather(SLOTS, DIM, jnp.float32)(table, idx)


def _ffn_body(be_ref, xg_ref, w1_ref, b1_ref, w2_ref, b2_ref, y_ref):
    @pl.when(pl.program_id(0) < be_ref[NBPAD - 1])
    def _compute():
        xb = xg_ref[...].astype(jnp.bfloat16)
        h = lax.dot_general(
            xb, w1_ref[0], (((1,), (0,)), ((), ())),
            preferred_element_type=jnp.float32) + b1_ref[0]
        h = 0.5 * h * (1.0 + lax.erf(h * 0.7071067811865476))
        y = lax.dot_general(
            h.astype(jnp.bfloat16), w2_ref[0], (((1,), (0,)), ((), ())),
            preferred_element_type=jnp.float32) + b2_ref[0]
        y_ref[...] = y


def _ffn(block_expert, xg, w1, b1, w2, b2):
    grid_spec = pltpu.PrefetchScalarGridSpec(
        num_scalar_prefetch=1,
        grid=(NB,),
        in_specs=[
            pl.BlockSpec((BT, DIM), lambda b, be: (b, 0)),
            pl.BlockSpec((1, DIM, HIDDEN), lambda b, be: (be[b], 0, 0)),
            pl.BlockSpec((1, 1, HIDDEN), lambda b, be: (be[b], 0, 0)),
            pl.BlockSpec((1, HIDDEN, DIM), lambda b, be: (be[b], 0, 0)),
            pl.BlockSpec((1, 1, DIM), lambda b, be: (be[b], 0, 0)),
        ],
        out_specs=pl.BlockSpec((BT, DIM), lambda b, be: (b, 0)),
    )
    return pl.pallas_call(
        _ffn_body,
        grid_spec=grid_spec,
        out_shape=jax.ShapeDtypeStruct((NPAD, DIM), jnp.float32),
    )(block_expert, xg,
      w1.astype(jnp.bfloat16), b1.reshape(NUM_EXPERTS, 1, HIDDEN),
      w2.astype(jnp.bfloat16), b2.reshape(NUM_EXPERTS, 1, DIM))


def _add_body(a_ref, b_ref, pa_ref, pb_ref, o_ref):
    o_ref[...] = a_ref[...] * pa_ref[...] + b_ref[...] * pb_ref[...]


def _combine_add(y01, p1, p2):
    bt = 512
    return pl.pallas_call(
        _add_body,
        grid=(TOKENS // bt,),
        in_specs=[
            pl.BlockSpec((bt, DIM), lambda i: (i, 0)),
            pl.BlockSpec((bt, DIM), lambda i: (i + TOKENS // bt, 0)),
            pl.BlockSpec((bt, 1), lambda i: (i, 0)),
            pl.BlockSpec((bt, 1), lambda i: (i, 0)),
        ],
        out_specs=pl.BlockSpec((bt, DIM), lambda i: (i, 0)),
        out_shape=jax.ShapeDtypeStruct((TOKENS, DIM), jnp.float32),
    )(y01, y01, p1.reshape(TOKENS, 1), p2.reshape(TOKENS, 1))


@jax.jit
def _moe(x, gate_w, gate_b, w1, b1, w2, b2):
    e1, e2, p1, p2 = _gate(x, gate_w, gate_b)
    dest2d, bexp = _routing(e1, e2)
    dest3 = dest2d.reshape(NWORKERS, NCH, GD)
    xg = _sc_dispatch(x, dest3)
    y = _ffn(bexp.reshape(NBPAD), xg, w1, b1, w2, b2)
    y01 = _sc_gather_y(y, dest3)
    return _combine_add(y01, p1, p2)


def kernel(x, gate_w, gate_b, w1, b1, w2, b2):
    return _moe(x, gate_w, gate_b, w1, b1, w2, b2)

# --- scband reference (transcript-rebuilt; emitter-appended) ---
"""Pipeline reference for scband-mixture-of-experts-80711025426905 (READ-ONLY COPY).

The authoritative reference and input builder live on the scoring server;
editing this copy changes nothing except your own understanding.
"""

import jax, jax.numpy as jnp
import numpy as np

DIM = 1024
NUM_EXPERTS = 8
TOP_K = 2
HIDDEN = DIM * 2
TOKENS = 4096


def setup_inputs(seed: int = 0) -> dict:
    key = jax.random.key(seed)
    ks = jax.random.split(key, 8)
    x = jax.random.normal(ks[0], (TOKENS, DIM), dtype=jnp.float32)
    gate_w = jax.random.normal(ks[1], (DIM, NUM_EXPERTS), dtype=jnp.float32) * 0.02
    gate_b = jnp.zeros((NUM_EXPERTS,), dtype=jnp.float32)
    w1 = jax.random.normal(ks[2], (NUM_EXPERTS, DIM, HIDDEN), dtype=jnp.float32) * 0.02
    b1 = jnp.zeros((NUM_EXPERTS, HIDDEN), dtype=jnp.float32)
    w2 = jax.random.normal(ks[3], (NUM_EXPERTS, HIDDEN, DIM), dtype=jnp.float32) * 0.02
    b2 = jnp.zeros((NUM_EXPERTS, DIM), dtype=jnp.float32)
    return {"x": x, "gate_w": gate_w, "gate_b": gate_b, "w1": w1, "b1": b1, "w2": w2, "b2": b2}


def reference(x, gate_w, gate_b, w1, b1, w2, b2):
    # gate
    gate_logits = x @ gate_w + gate_b  # [T, E]
    top_k_weights, top_k_indices = jax.lax.top_k(gate_logits, TOP_K)  # [T, k]
    top_k_weights = jax.nn.softmax(top_k_weights, axis=-1)
    output = jnp.zeros_like(x)
    for i in range(NUM_EXPERTS):
        expert_mask = (top_k_indices == i)  # [T, k]
        current_weights = jnp.where(expert_mask, top_k_weights, jnp.zeros_like(top_k_weights)).sum(axis=-1, keepdims=True)  # [T, 1]
        h = jax.nn.gelu(x @ w1[i] + b1[i], approximate=False)
        expert_output = h @ w2[i] + b2[i]
        output = output + expert_output * current_weights
    return output

if __name__ == "__main__":
    import jax
    _d = setup_inputs()
    print(jax.jit(kernel)(*tuple(_d.values())))

</pallas_src>

<mosaic_0001>
#map = affine_map<(d0, d1) -> (0, 0)>
#map1 = affine_map<(d0, d1) -> (0, 0, 0)>
module attributes {stable_mosaic.version = 14 : i64} {
  func.func @gather_k(%arg0: i32, %arg1: i32, %arg2: memref<10240x1024xf32, #tpu.memory_space<hbm>>, %arg3: memref<32x8x32xi32, #tpu.memory_space<hbm>>, %arg4: memref<8192x1024xf32, #tpu.memory_space<hbm>>, %arg5: memref<8x32xi32, #tpu.memory_space<vmem>>, %arg6: memref<2x32x1024xf32, #tpu.memory_space<vmem>>, %arg7: memref<!tpu.dma_semaphore, #tpu.memory_space<semaphore_mem>>, %arg8: memref<!tpu.dma_semaphore, #tpu.memory_space<semaphore_mem>>) attributes {dimension_semantics = [#tpu.dimension_semantics<core_parallel>, #tpu.dimension_semantics<subcore_parallel>], iteration_bounds = array<i64: 2, 16>, scalar_prefetch = 0 : i64, scratch_operands = 4 : i64, tpu.core_type = #tpu.core_type<sc_vector_subcore>, window_params = [{transform_indices = #map}, {transform_indices = #map1}, {transform_indices = #map}]} {
    %mul3A = arith.constant 2 : i32
    %mul3A_0 = arith.muli %arg1, %mul3A : i32
    %add3A = arith.addi %mul3A_0, %arg0 : i32
    %mul3A_1 = arith.constant 256 : i32
    %mul3A_2 = arith.muli %add3A, %mul3A_1 : i32
    "tpu.region"() ({
      %run_scoped3A = tpu.sem_alloc : memref<!tpu.dma_semaphore, #tpu.memory_space<semaphore_mem>>
      %dma_start3A_417 = arith.constant 0 : i32
      %dma_start3A_418 = arith.constant 0 : i32
      %dma_start3A_419 = tpu.memref_slice %arg3[%add3A, %dma_start3A_417, %dma_start3A_418] : memref<32x8x32xi32, #tpu.memory_space<hbm>> -> memref<1x8x32xi32, #tpu.memory_space<hbm>>
      %dma_start3A_420 = tpu.memref_squeeze %dma_start3A_419 : memref<1x8x32xi32, #tpu.memory_space<hbm>> -> memref<8x32xi32, #tpu.memory_space<hbm>>
      %dma_start3A_421 = arith.constant 0 : i32
      %dma_start3A_422 = arith.constant 0 : i32
      %dma_start3A_423 = tpu.memref_slice %arg3[%add3A, %dma_start3A_421, %dma_start3A_422] : memref<32x8x32xi32, #tpu.memory_space<hbm>> -> memref<1x8x32xi32, #tpu.memory_space<hbm>>
      %dma_start3A_424 = tpu.memref_squeeze %dma_start3A_423 : memref<1x8x32xi32, #tpu.memory_space<hbm>> -> memref<8x32xi32, #tpu.memory_space<hbm>>
      tpu.enqueue_dma source(%dma_start3A_424 : memref<8x32xi32, #tpu.memory_space<hbm>>) target(%arg5 : memref<8x32xi32, #tpu.memory_space<vmem>>) target_semaphore(%run_scoped3A : memref<!tpu.dma_semaphore, #tpu.memory_space<semaphore_mem>>)
      %dma_wait3A_425 = arith.constant 0 : i32
      %dma_wait3A_426 = arith.constant 0 : i32
      %dma_wait3A_427 = tpu.memref_slice %arg3[%add3A, %dma_wait3A_425, %dma_wait3A_426] : memref<32x8x32xi32, #tpu.memory_space<hbm>> -> memref<1x8x32xi32, #tpu.memory_space<hbm>>
      %dma_wait3A_428 = tpu.memref_squeeze %dma_wait3A_427 : memref<1x8x32xi32, #tpu.memory_space<hbm>> -> memref<8x32xi32, #tpu.memory_space<hbm>>
      %dma_wait3A_429 = arith.constant 0 : i32
      %dma_wait3A_430 = arith.constant 0 : i32
      %dma_wait3A_431 = tpu.memref_slice %arg3[%add3A, %dma_wait3A_429, %dma_wait3A_430] : memref<32x8x32xi32, #tpu.memory_space<hbm>> -> memref<1x8x32xi32, #tpu.memory_space<hbm>>
      %dma_wait3A_432 = tpu.memref_squeeze %dma_wait3A_431 : memref<1x8x32xi32, #tpu.memory_space<hbm>> -> memref<8x32xi32, #tpu.memory_space<hbm>>
      tpu.wait_dma2 semaphore(%run_scoped3A : memref<!tpu.dma_semaphore, #tpu.memory_space<semaphore_mem>>) src(%dma_wait3A_432 : memref<8x32xi32, #tpu.memory_space<hbm>>) dst(%arg5 : memref<8x32xi32, #tpu.memory_space<vmem>>)
      tpu.yield
    }) : () -> ()
    %dma_start3A = arith.constant 0 : i32
    %dma_start3A_3 = arith.constant 0 : i32
    %dma_start3A_4 = arith.constant 0 : i32
    %dma_start3A_5 = arith.constant 0 : i32
    %dma_start3A_6 = tpu.memref_slice %arg6[%dma_start3A_3, %dma_start3A_4, %dma_start3A_5] : memref<2x32x1024xf32, #tpu.memory_space<vmem>> -> memref<1x32x1024xf32, #tpu.memory_space<vmem>>
    %dma_start3A_7 = tpu.memref_squeeze %dma_start3A_6 : memref<1x32x1024xf32, #tpu.memory_space<vmem>> -> memref<32x1024xf32, #tpu.memory_space<vmem>>
    %dma_start3A_8 = arith.constant 0 : i32
    %dma_start3A_9 = tpu.memref_slice %arg5[%dma_start3A, %dma_start3A_8] : memref<8x32xi32, #tpu.memory_space<vmem>> -> memref<1x32xi32, #tpu.memory_space<vmem>>
    %dma_start3A_10 = tpu.memref_squeeze %dma_start3A_9 : memref<1x32xi32, #tpu.memory_space<vmem>> -> memref<32xi32, #tpu.memory_space<vmem>>
    %dma_start3A_11 = arith.constant 0 : i32
    %dma_start3A_12 = arith.constant 0 : i32
    %dma_start3A_13 = tpu.memref_slice %arg2[%dma_start3A_11, %dma_start3A_12] : memref<10240x1024xf32, #tpu.memory_space<hbm>> -> memref<10240x1024xf32, #tpu.memory_space<hbm>>
    tpu.enqueue_indirect_dma source(%dma_start3A_13 : memref<10240x1024xf32, #tpu.memory_space<hbm>>) target(%dma_start3A_7 : memref<32x1024xf32, #tpu.memory_space<vmem>>) offsets(%dma_start3A_10 : memref<32xi32, #tpu.memory_space<vmem>>) semaphore(%arg7 : memref<!tpu.dma_semaphore, #tpu.memory_space<semaphore_mem>>)
    %dma_wait3A = arith.constant 0 : i32
    %dma_wait3A_14 = arith.constant 0 : i32
    %dma_wait3A_15 = arith.constant 0 : i32
    %dma_wait3A_16 = arith.constant 0 : i32
    %dma_wait3A_17 = tpu.memref_slice %arg6[%dma_wait3A_14, %dma_wait3A_15, %dma_wait3A_16] : memref<2x32x1024xf32, #tpu.memory_space<vmem>> -> memref<1x32x1024xf32, #tpu.memory_space<vmem>>
    %dma_wait3A_18 = tpu.memref_squeeze %dma_wait3A_17 : memref<1x32x1024xf32, #tpu.memory_space<vmem>> -> memref<32x1024xf32, #tpu.memory_space<vmem>>
    %dma_wait3A_19 = arith.constant 0 : i32
    %dma_wait3A_20 = tpu.memref_slice %arg5[%dma_wait3A, %dma_wait3A_19] : memref<8x32xi32, #tpu.memory_space<vmem>> -> memref<1x32xi32, #tpu.memory_space<vmem>>
    %dma_wait3A_21 = tpu.memref_squeeze %dma_wait3A_20 : memref<1x32xi32, #tpu.memory_space<vmem>> -> memref<32xi32, #tpu.memory_space<vmem>>
    %dma_wait3A_22 = arith.constant 0 : i32
    %dma_wait3A_23 = arith.constant 0 : i32
    %dma_wait3A_24 = tpu.memref_slice %arg2[%dma_wait3A_22, %dma_wait3A_23] : memref<10240x1024xf32, #tpu.memory_space<hbm>> -> memref<10240x1024xf32, #tpu.memory_space<hbm>>
    tpu.wait_indirect_dma semaphore(%arg7 : memref<!tpu.dma_semaphore, #tpu.memory_space<semaphore_mem>>) src(%dma_wait3A_24 : memref<10240x1024xf32, #tpu.memory_space<hbm>>) dst(%dma_wait3A_18 : memref<32x1024xf32, #tpu.memory_space<vmem>>)
    %add3A_25 = arith.constant 0 : i32
    %add3A_26 = arith.addi %mul3A_2, %add3A_25 : i32
    %dma_start3A_27 = arith.constant 0 : i32
    %dma_start3A_28 = arith.constant 0 : i32
    %dma_start3A_29 = arith.constant 0 : i32
    %dma_start3A_30 = tpu.memref_slice %arg6[%dma_start3A_27, %dma_start3A_28, %dma_start3A_29] : memref<2x32x1024xf32, #tpu.memory_space<vmem>> -> memref<1x32x1024xf32, #tpu.memory_space<vmem>>
    %dma_start3A_31 = tpu.memref_squeeze %dma_start3A_30 : memref<1x32x1024xf32, #tpu.memory_space<vmem>> -> memref<32x1024xf32, #tpu.memory_space<vmem>>
    %dma_start3A_32 = arith.constant 0 : i32
    %dma_start3A_33 = tpu.memref_slice %arg4[%add3A_26, %dma_start3A_32] : memref<8192x1024xf32, #tpu.memory_space<hbm>> -> memref<32x1024xf32, #tpu.memory_space<hbm>>
    %dma_start3A_34 = arith.constant 0 : i32
    %dma_start3A_35 = tpu.memref_slice %arg4[%add3A_26, %dma_start3A_34] : memref<8192x1024xf32, #tpu.memory_space<hbm>> -> memref<32x1024xf32, #tpu.memory_space<hbm>>
    %dma_start3A_36 = arith.constant 0 : i32
    %dma_start3A_37 = arith.constant 0 : i32
    %dma_start3A_38 = tpu.memref_slice %arg6[%dma_start3A_27, %dma_start3A_36, %dma_start3A_37] : memref<2x32x1024xf32, #tpu.memory_space<vmem>> -> memref<1x32x1024xf32, #tpu.memory_space<vmem>>
    %dma_start3A_39 = tpu.memref_squeeze %dma_start3A_38 : memref<1x32x1024xf32, #tpu.memory_space<vmem>> -> memref<32x1024xf32, #tpu.memory_space<vmem>>
    tpu.enqueue_dma source(%dma_start3A_39 : memref<32x1024xf32, #tpu.memory_space<vmem>>) target(%dma_start3A_35 : memref<32x1024xf32, #tpu.memory_space<hbm>>) target_semaphore(%arg8 : memref<!tpu.dma_semaphore, #tpu.memory_space<semaphore_mem>>)
    %dma_start3A_40 = arith.constant 1 : i32
    %dma_start3A_41 = arith.constant 1 : i32
    %dma_start3A_42 = arith.constant 0 : i32
    %dma_start3A_43 = arith.constant 0 : i32
    %dma_start3A_44 = tpu.memref_slice %arg6[%dma_start3A_41, %dma_start3A_42, %dma_start3A_43] : memref<2x32x1024xf32, #tpu.memory_space<vmem>> -> memref<1x32x1024xf32, #tpu.memory_space<vmem>>
    %dma_start3A_45 = tpu.memref_squeeze %dma_start3A_44 : memref<1x32x1024xf32, #tpu.memory_space<vmem>> -> memref<32x1024xf32, #tpu.memory_space<vmem>>
    %dma_start3A_46 = arith.constant 0 : i32
    %dma_start3A_47 = tpu.memref_slice %arg5[%dma_start3A_40, %dma_start3A_46] : memref<8x32xi32, #tpu.memory_space<vmem>> -> memref<1x32xi32, #tpu.memory_space<vmem>>
    %dma_start3A_48 = tpu.memref_squeeze %dma_start3A_47 : memref<1x32xi32, #tpu.memory_space<vmem>> -> memref<32xi32, #tpu.memory_space<vmem>>
    %dma_start3A_49 = arith.constant 0 : i32
    %dma_start3A_50 = arith.constant 0 : i32
    %dma_start3A_51 = tpu.memref_slice %arg2[%dma_start3A_49, %dma_start3A_50] : memref<10240x1024xf32, #tpu.memory_space<hbm>> -> memref<10240x1024xf32, #tpu.memory_space<hbm>>
    tpu.enqueue_indirect_dma source(%dma_start3A_51 : memref<10240x1024xf32, #tpu.memory_space<hbm>>) target(%dma_start3A_45 : memref<32x1024xf32, #tpu.memory_space<vmem>>) offsets(%dma_start3A_48 : memref<32xi32, #tpu.memory_space<vmem>>) semaphore(%arg7 : memref<!tpu.dma_semaphore, #tpu.memory_space<semaphore_mem>>)
    %dma_wait3A_52 = arith.constant 1 : i32
    %dma_wait3A_53 = arith.constant 1 : i32
    %dma_wait3A_54 = arith.constant 0 : i32
    %dma_wait3A_55 = arith.constant 0 : i32
    %dma_wait3A_56 = tpu.memref_slice %arg6[%dma_wait3A_53, %dma_wait3A_54, %dma_wait3A_55] : memref<2x32x1024xf32, #tpu.memory_space<vmem>> -> memref<1x32x1024xf32, #tpu.memory_space<vmem>>
    %dma_wait3A_57 = tpu.memref_squeeze %dma_wait3A_56 : memref<1x32x1024xf32, #tpu.memory_space<vmem>> -> memref<32x1024xf32, #tpu.memory_space<vmem>>
    %dma_wait3A_58 = arith.constant 0 : i32
    %dma_wait3A_59 = tpu.memref_slice %arg5[%dma_wait3A_52, %dma_wait3A_58] : memref<8x32xi32, #tpu.memory_space<vmem>> -> memref<1x32xi32, #tpu.memory_space<vmem>>
    %dma_wait3A_60 = tpu.memref_squeeze %dma_wait3A_59 : memref<1x32xi32, #tpu.memory_space<vmem>> -> memref<32xi32, #tpu.memory_space<vmem>>
    %dma_wait3A_61 = arith.constant 0 : i32
    %dma_wait3A_62 = arith.constant 0 : i32
    %dma_wait3A_63 = tpu.memref_slice %arg2[%dma_wait3A_61, %dma_wait3A_62] : memref<10240x1024xf32, #tpu.memory_space<hbm>> -> memref<10240x1024xf32, #tpu.memory_space<hbm>>
    tpu.wait_indirect_dma semaphore(%arg7 : memref<!tpu.dma_semaphore, #tpu.memory_space<semaphore_mem>>) src(%dma_wait3A_63 : memref<10240x1024xf32, #tpu.memory_space<hbm>>) dst(%dma_wait3A_57 : memref<32x1024xf32, #tpu.memory_space<vmem>>)
    %add3A_64 = arith.constant 32 : i32
    %add3A_65 = arith.addi %mul3A_2, %add3A_64 : i32
    %dma_start3A_66 = arith.constant 1 : i32
    %dma_start3A_67 = arith.constant 0 : i32
    %dma_start3A_68 = arith.constant 0 : i32
    %dma_start3A_69 = tpu.memref_slice %arg6[%dma_start3A_66, %dma_start3A_67, %dma_start3A_68] : memref<2x32x1024xf32, #tpu.memory_space<vmem>> -> memref<1x32x1024xf32, #tpu.memory_space<vmem>>
    %dma_start3A_70 = tpu.memref_squeeze %dma_start3A_69 : memref<1x32x1024xf32, #tpu.memory_space<vmem>> -> memref<32x1024xf32, #tpu.memory_space<vmem>>
    %dma_start3A_71 = arith.constant 0 : i32
    %dma_start3A_72 = tpu.memref_slice %arg4[%add3A_65, %dma_start3A_71] : memref<8192x1024xf32, #tpu.memory_space<hbm>> -> memref<32x1024xf32, #tpu.memory_space<hbm>>
    %dma_start3A_73 = arith.constant 0 : i32
    %dma_start3A_74 = tpu.memref_slice %arg4[%add3A_65, %dma_start3A_73] : memref<8192x1024xf32, #tpu.memory_space<hbm>> -> memref<32x1024xf32, #tpu.memory_space<hbm>>
    %dma_start3A_75 = arith.constant 0 : i32
    %dma_start3A_76 = arith.constant 0 : i32
    %dma_start3A_77 = tpu.memref_slice %arg6[%dma_start3A_66, %dma_start3A_75, %dma_start3A_76] : memref<2x32x1024xf32, #tpu.memory_space<vmem>> -> memref<1x32x1024xf32, #tpu.memory_space<vmem>>
    %dma_start3A_78 = tpu.memref_squeeze %dma_start3A_77 : memref<1x32x1024xf32, #tpu.memory_space<vmem>> -> memref<32x1024xf32, #tpu.memory_space<vmem>>
    tpu.enqueue_dma source(%dma_start3A_78 : memref<32x1024xf32, #tpu.memory_space<vmem>>) target(%dma_start3A_74 : memref<32x1024xf32, #tpu.memory_space<hbm>>) target_semaphore(%arg8 : memref<!tpu.dma_semaphore, #tpu.memory_space<semaphore_mem>>)
    %dma_wait3A_79 = arith.constant 0 : i32
    %dma_wait3A_80 = arith.constant 0 : i32
    %dma_wait3A_81 = arith.constant 0 : i32
    %dma_wait3A_82 = tpu.memref_slice %arg6[%dma_wait3A_79, %dma_wait3A_80, %dma_wait3A_81] : memref<2x32x1024xf32, #tpu.memory_space<vmem>> -> memref<1x32x1024xf32, #tpu.memory_space<vmem>>
    %dma_wait3A_83 = tpu.memref_squeeze %dma_wait3A_82 : memref<1x32x1024xf32, #tpu.memory_space<vmem>> -> memref<32x1024xf32, #tpu.memory_space<vmem>>
    %dma_wait3A_84 = arith.constant 0 : i32
    %dma_wait3A_85 = tpu.memref_slice %arg4[%add3A_26, %dma_wait3A_84] : memref<8192x1024xf32, #tpu.memory_space<hbm>> -> memref<32x1024xf32, #tpu.memory_space<hbm>>
    %dma_wait3A_86 = arith.constant 0 : i32
    %dma_wait3A_87 = tpu.memref_slice %arg4[%add3A_26, %dma_wait3A_86] : memref<8192x1024xf32, #tpu.memory_space<hbm>> -> memref<32x1024xf32, #tpu.memory_space<hbm>>
    %dma_wait3A_88 = arith.constant 0 : i32
    %dma_wait3A_89 = arith.constant 0 : i32
    %dma_wait3A_90 = tpu.memref_slice %arg6[%dma_wait3A_79, %dma_wait3A_88, %dma_wait3A_89] : memref<2x32x1024xf32, #tpu.memory_space<vmem>> -> memref<1x32x1024xf32, #tpu.memory_space<vmem>>
    %dma_wait3A_91 = tpu.memref_squeeze %dma_wait3A_90 : memref<1x32x1024xf32, #tpu.memory_space<vmem>> -> memref<32x1024xf32, #tpu.memory_space<vmem>>
    tpu.wait_dma2 semaphore(%arg8 : memref<!tpu.dma_semaphore, #tpu.memory_space<semaphore_mem>>) src(%dma_wait3A_91 : memref<32x1024xf32, #tpu.memory_space<vmem>>) dst(%dma_wait3A_87 : memref<32x1024xf32, #tpu.memory_space<hbm>>)
    %dma_start3A_92 = arith.constant 2 : i32
    %dma_start3A_93 = arith.constant 0 : i32
    %dma_start3A_94 = arith.constant 0 : i32
    %dma_start3A_95 = arith.constant 0 : i32
    %dma_start3A_96 = tpu.memref_slice %arg6[%dma_start3A_93, %dma_start3A_94, %dma_start3A_95] : memref<2x32x1024xf32, #tpu.memory_space<vmem>> -> memref<1x32x1024xf32, #tpu.memory_space<vmem>>
    %dma_start3A_97 = tpu.memref_squeeze %dma_start3A_96 : memref<1x32x1024xf32, #tpu.memory_space<vmem>> -> memref<32x1024xf32, #tpu.memory_space<vmem>>
    %dma_start3A_98 = arith.constant 0 : i32
    %dma_start3A_99 = tpu.memref_slice %arg5[%dma_start3A_92, %dma_start3A_98] : memref<8x32xi32, #tpu.memory_space<vmem>> -> memref<1x32xi32, #tpu.memory_space<vmem>>
    %dma_start3A_100 = tpu.memref_squeeze %dma_start3A_99 : memref<1x32xi32, #tpu.memory_space<vmem>> -> memref<32xi32, #tpu.memory_space<vmem>>
    %dma_start3A_101 = arith.constant 0 : i32
    %dma_start3A_102 = arith.constant 0 : i32
    %dma_start3A_103 = tpu.memref_slice %arg2[%dma_start3A_101, %dma_start3A_102] : memref<10240x1024xf32, #tpu.memory_space<hbm>> -> memref<10240x1024xf32, #tpu.memory_space<hbm>>
    tpu.enqueue_indirect_dma source(%dma_start3A_103 : memref<10240x1024xf32, #tpu.memory_space<hbm>>) target(%dma_start3A_97 : memref<32x1024xf32, #tpu.memory_space<vmem>>) offsets(%dma_start3A_100 : memref<32xi32, #tpu.memory_space<vmem>>) semaphore(%arg7 : memref<!tpu.dma_semaphore, #tpu.memory_space<semaphore_mem>>)
    %dma_wait3A_104 = arith.constant 2 : i32
    %dma_wait3A_105 = arith.constant 0 : i32
    %dma_wait3A_106 = arith.constant 0 : i32
    %dma_wait3A_107 = arith.constant 0 : i32
    %dma_wait3A_108 = tpu.memref_slice %arg6[%dma_wait3A_105, %dma_wait3A_106, %dma_wait3A_107] : memref<2x32x1024xf32, #tpu.memory_space<vmem>> -> memref<1x32x1024xf32, #tpu.memory_space<vmem>>
    %dma_wait3A_109 = tpu.memref_squeeze %dma_wait3A_108 : memref<1x32x1024xf32, #tpu.memory_space<vmem>> -> memref<32x1024xf32, #tpu.memory_space<vmem>>
    %dma_wait3A_110 = arith.constant 0 : i32
    %dma_wait3A_111 = tpu.memref_slice %arg5[%dma_wait3A_104, %dma_wait3A_110] : memref<8x32xi32, #tpu.memory_space<vmem>> -> memref<1x32xi32, #tpu.memory_space<vmem>>
    %dma_wait3A_112 = tpu.memref_squeeze %dma_wait3A_111 : memref<1x32xi32, #tpu.memory_space<vmem>> -> memref<32xi32, #tpu.memory_space<vmem>>
    %dma_wait3A_113 = arith.constant 0 : i32
    %dma_wait3A_114 = arith.constant 0 : i32
    %dma_wait3A_115 = tpu.memref_slice %arg2[%dma_wait3A_113, %dma_wait3A_114] : memref<10240x1024xf32, #tpu.memory_space<hbm>> -> memref<10240x1024xf32, #tpu.memory_space<hbm>>
    tpu.wait_indirect_dma semaphore(%arg7 : memref<!tpu.dma_semaphore, #tpu.memory_space<semaphore_mem>>) src(%dma_wait3A_115 : memref<10240x1024xf32, #tpu.memory_space<hbm>>) dst(%dma_wait3A_109 : memref<32x1024xf32, #tpu.memory_space<vmem>>)
    %add3A_116 = arith.constant 64 : i32
    %add3A_117 = arith.addi %mul3A_2, %add3A_116 : i32
    %dma_start3A_118 = arith.constant 0 : i32
    %dma_start3A_119 = arith.constant 0 : i32
    %dma_start3A_120 = arith.constant 0 : i32
    %dma_start3A_121 = tpu.memref_slice %arg6[%dma_start3A_118, %dma_start3A_119, %dma_start3A_120] : memref<2x32x1024xf32, #tpu.memory_space<vmem>> -> memref<1x32x1024xf32, #tpu.memory_space<vmem>>
    %dma_start3A_122 = tpu.memref_squeeze %dma_start3A_121 : memref<1x32x1024xf32, #tpu.memory_space<vmem>> -> memref<32x1024xf32, #tpu.memory_space<vmem>>
    %dma_start3A_123 = arith.constant 0 : i32
    %dma_start3A_124 = tpu.memref_slice %arg4[%add3A_117, %dma_start3A_123] : memref<8192x1024xf32, #tpu.memory_space<hbm>> -> memref<32x1024xf32, #tpu.memory_space<hbm>>
    %dma_start3A_125 = arith.constant 0 : i32
    %dma_start3A_126 = tpu.memref_slice %arg4[%add3A_117, %dma_start3A_125] : memref<8192x1024xf32, #tpu.memory_space<hbm>> -> memref<32x1024xf32, #tpu.memory_space<hbm>>
    %dma_start3A_127 = arith.constant 0 : i32
    %dma_start3A_128 = arith.constant 0 : i32
    %dma_start3A_129 = tpu.memref_slice %arg6[%dma_start3A_118, %dma_start3A_127, %dma_start3A_128] : memref<2x32x1024xf32, #tpu.memory_space<vmem>> -> memref<1x32x1024xf32, #tpu.memory_space<vmem>>
    %dma_start3A_130 = tpu.memref_squeeze %dma_start3A_129 : memref<1x32x1024xf32, #tpu.memory_space<vmem>> -> memref<32x1024xf32, #tpu.memory_space<vmem>>
    tpu.enqueue_dma source(%dma_start3A_130 : memref<32x1024xf32, #tpu.memory_space<vmem>>) target(%dma_start3A_126 : memref<32x1024xf32, #tpu.memory_space<hbm>>) target_semaphore(%arg8 : memref<!tpu.dma_semaphore, #tpu.memory_space<semaphore_mem>>)
    %dma_wait3A_131 = arith.constant 1 : i32
    %dma_wait3A_132 = arith.constant 0 : i32
    %dma_wait3A_133 = arith.constant 0 : i32
    %dma_wait3A_134 = tpu.memref_slice %arg6[%dma_wait3A_131, %dma_wait3A_132, %dma_wait3A_133] : memref<2x32x1024xf32, #tpu.memory_space<vmem>> -> memref<1x32x1024xf32, #tpu.memory_space<vmem>>
    %dma_wait3A_135 = tpu.memref_squeeze %dma_wait3A_134 : memref<1x32x1024xf32, #tpu.memory_space<vmem>> -> memref<32x1024xf32, #tpu.memory_space<vmem>>
    %dma_wait3A_136 = arith.constant 0 : i32
    %dma_wait3A_137 = tpu.memref_slice %arg4[%add3A_65, %dma_wait3A_136] : memref<8192x1024xf32, #tpu.memory_space<hbm>> -> memref<32x1024xf32, #tpu.memory_space<hbm>>
    %dma_wait3A_138 = arith.constant 0 : i32
    %dma_wait3A_139 = tpu.memref_slice %arg4[%add3A_65, %dma_wait3A_138] : memref<8192x1024xf32, #tpu.memory_space<hbm>> -> memref<32x1024xf32, #tpu.memory_space<hbm>>
    %dma_wait3A_140 = arith.constant 0 : i32
    %dma_wait3A_141 = arith.constant 0 : i32
    %dma_wait3A_142 = tpu.memref_slice %arg6[%dma_wait3A_131, %dma_wait3A_140, %dma_wait3A_141] : memref<2x32x1024xf32, #tpu.memory_space<vmem>> -> memref<1x32x1024xf32, #tpu.memory_space<vmem>>
    %dma_wait3A_143 = tpu.memref_squeeze %dma_wait3A_142 : memref<1x32x1024xf32, #tpu.memory_space<vmem>> -> memref<32x1024xf32, #tpu.memory_space<vmem>>
    tpu.wait_dma2 semaphore(%arg8 : memref<!tpu.dma_semaphore, #tpu.memory_space<semaphore_mem>>) src(%dma_wait3A_143 : memref<32x1024xf32, #tpu.memory_space<vmem>>) dst(%dma_wait3A_139 : memref<32x1024xf32, #tpu.memory_space<hbm>>)
    %dma_start3A_144 = arith.constant 3 : i32
    %dma_start3A_145 = arith.constant 1 : i32
    %dma_start3A_146 = arith.constant 0 : i32
    %dma_start3A_147 = arith.constant 0 : i32
    %dma_start3A_148 = tpu.memref_slice %arg6[%dma_start3A_145, %dma_start3A_146, %dma_start3A_147] : memref<2x32x1024xf32, #tpu.memory_space<vmem>> -> memref<1x32x1024xf32, #tpu.memory_space<vmem>>
    %dma_start3A_149 = tpu.memref_squeeze %dma_start3A_148 : memref<1x32x1024xf32, #tpu.memory_space<vmem>> -> memref<32x1024xf32, #tpu.memory_space<vmem>>
    %dma_start3A_150 = arith.constant 0 : i32
    %dma_start3A_151 = tpu.memref_slice %arg5[%dma_start3A_144, %dma_start3A_150] : memref<8x32xi32, #tpu.memory_space<vmem>> -> memref<1x32xi32, #tpu.memory_space<vmem>>
    %dma_start3A_152 = tpu.memref_squeeze %dma_start3A_151 : memref<1x32xi32, #tpu.memory_space<vmem>> -> memref<32xi32, #tpu.memory_space<vmem>>
    %dma_start3A_153 = arith.constant 0 : i32
    %dma_start3A_154 = arith.constant 0 : i32
    %dma_start3A_155 = tpu.memref_slice %arg2[%dma_start3A_153, %dma_start3A_154] : memref<10240x1024xf32, #tpu.memory_space<hbm>> -> memref<10240x1024xf32, #tpu.memory_space<hbm>>
    tpu.enqueue_indirect_dma source(%dma_start3A_155 : memref<10240x1024xf32, #tpu.memory_space<hbm>>) target(%dma_start3A_149 : memref<32x1024xf32, #tpu.memory_space<vmem>>) offsets(%dma_start3A_152 : memref<32xi32, #tpu.memory_space<vmem>>) semaphore(%arg7 : memref<!tpu.dma_semaphore, #tpu.memory_space<semaphore_mem>>)
    %dma_wait3A_156 = arith.constant 3 : i32
    %dma_wait3A_157 = arith.constant 1 : i32
    %dma_wait3A_158 = arith.constant 0 : i32
    %dma_wait3A_159 = arith.constant 0 : i32
    %dma_wait3A_160 = tpu.memref_slice %arg6[%dma_wait3A_157, %dma_wait3A_158, %dma_wait3A_159] : memref<2x32x1024xf32, #tpu.memory_space<vmem>> -> memref<1x32x1024xf32, #tpu.memory_space<vmem>>
    %dma_wait3A_161 = tpu.memref_squeeze %dma_wait3A_160 : memref<1x32x1024xf32, #tpu.memory_space<vmem>> -> memref<32x1024xf32, #tpu.memory_space<vmem>>
    %dma_wait3A_162 = arith.constant 0 : i32
    %dma_wait3A_163 = tpu.memref_slice %arg5[%dma_wait3A_156, %dma_wait3A_162] : memref<8x32xi32, #tpu.memory_space<vmem>> -> memref<1x32xi32, #tpu.memory_space<vmem>>
    %dma_wait3A_164 = tpu.memref_squeeze %dma_wait3A_163 : memref<1x32xi32, #tpu.memory_space<vmem>> -> memref<32xi32, #tpu.memory_space<vmem>>
    %dma_wait3A_165 = arith.constant 0 : i32
    %dma_wait3A_166 = arith.constant 0 : i32
    %dma_wait3A_167 = tpu.memref_slice %arg2[%dma_wait3A_165, %dma_wait3A_166] : memref<10240x1024xf32, #tpu.memory_space<hbm>> -> memref<10240x1024xf32, #tpu.memory_space<hbm>>
    tpu.wait_indirect_dma semaphore(%arg7 : memref<!tpu.dma_semaphore, #tpu.memory_space<semaphore_mem>>) src(%dma_wait3A_167 : memref<10240x1024xf32, #tpu.memory_space<hbm>>) dst(%dma_wait3A_161 : memref<32x1024xf32, #tpu.memory_space<vmem>>)
    %add3A_168 = arith.constant 96 : i32
    %add3A_169 = arith.addi %mul3A_2, %add3A_168 : i32
    %dma_start3A_170 = arith.constant 1 : i32
    %dma_start3A_171 = arith.constant 0 : i32
    %dma_start3A_172 = arith.constant 0 : i32
    %dma_start3A_173 = tpu.memref_slice %arg6[%dma_start3A_170, %dma_start3A_171, %dma_start3A_172] : memref<2x32x1024xf32, #tpu.memory_space<vmem>> -> memref<1x32x1024xf32, #tpu.memory_space<vmem>>
    %dma_start3A_174 = tpu.memref_squeeze %dma_start3A_173 : memref<1x32x1024xf32, #tpu.memory_space<vmem>> -> memref<32x1024xf32, #tpu.memory_space<vmem>>
    %dma_start3A_175 = arith.constant 0 : i32
    %dma_start3A_176 = tpu.memref_slice %arg4[%add3A_169, %dma_start3A_175] : memref<8192x1024xf32, #tpu.memory_space<hbm>> -> memref<32x1024xf32, #tpu.memory_space<hbm>>
    %dma_start3A_177 = arith.constant 0 : i32
    %dma_start3A_178 = tpu.memref_slice %arg4[%add3A_169, %dma_start3A_177] : memref<8192x1024xf32, #tpu.memory_space<hbm>> -> memref<32x1024xf32, #tpu.memory_space<hbm>>
    %dma_start3A_179 = arith.constant 0 : i32
    %dma_start3A_180 = arith.constant 0 : i32
    %dma_start3A_181 = tpu.memref_slice %arg6[%dma_start3A_170, %dma_start3A_179, %dma_start3A_180] : memref<2x32x1024xf32, #tpu.memory_space<vmem>> -> memref<1x32x1024xf32, #tpu.memory_space<vmem>>
    %dma_start3A_182 = tpu.memref_squeeze %dma_start3A_181 : memref<1x32x1024xf32, #tpu.memory_space<vmem>> -> memref<32x1024xf32, #tpu.memory_space<vmem>>
    tpu.enqueue_dma source(%dma_start3A_182 : memref<32x1024xf32, #tpu.memory_space<vmem>>) target(%dma_start3A_178 : memref<32x1024xf32, #tpu.memory_space<hbm>>) target_semaphore(%arg8 : memref<!tpu.dma_semaphore, #tpu.memory_space<semaphore_mem>>)
    %dma_wait3A_183 = arith.constant 0 : i32
    %dma_wait3A_184 = arith.constant 0 : i32
    %dma_wait3A_185 = arith.constant 0 : i32
    %dma_wait3A_186 = tpu.memref_slice %arg6[%dma_wait3A_183, %dma_wait3A_184, %dma_wait3A_185] : memref<2x32x1024xf32, #tpu.memory_space<vmem>> -> memref<1x32x1024xf32, #tpu.memory_space<vmem>>
    %dma_wait3A_187 = tpu.memref_squeeze %dma_wait3A_186 : memref<1x32x1024xf32, #tpu.memory_space<vmem>> -> memref<32x1024xf32, #tpu.memory_space<vmem>>
    %dma_wait3A_188 = arith.constant 0 : i32
    %dma_wait3A_189 = tpu.memref_slice %arg4[%add3A_117, %dma_wait3A_188] : memref<8192x1024xf32, #tpu.memory_space<hbm>> -> memref<32x1024xf32, #tpu.memory_space<hbm>>
    %dma_wait3A_190 = arith.constant 0 : i32
    %dma_wait3A_191 = tpu.memref_slice %arg4[%add3A_117, %dma_wait3A_190] : memref<8192x1024xf32, #tpu.memory_space<hbm>> -> memref<32x1024xf32, #tpu.memory_space<hbm>>
    %dma_wait3A_192 = arith.constant 0 : i32
    %dma_wait3A_193 = arith.constant 0 : i32
    %dma_wait3A_194 = tpu.memref_slice %arg6[%dma_wait3A_183, %dma_wait3A_192, %dma_wait3A_193] : memref<2x32x1024xf32, #tpu.memory_space<vmem>> -> memref<1x32x1024xf32, #tpu.memory_space<vmem>>
    %dma_wait3A_195 = tpu.memref_squeeze %dma_wait3A_194 : memref<1x32x1024xf32, #tpu.memory_space<vmem>> -> memref<32x1024xf32, #tpu.memory_space<vmem>>
    tpu.wait_dma2 semaphore(%arg8 : memref<!tpu.dma_semaphore, #tpu.memory_space<semaphore_mem>>) src(%dma_wait3A_195 : memref<32x1024xf32, #tpu.memory_space<vmem>>) dst(%dma_wait3A_191 : memref<32x1024xf32, #tpu.memory_space<hbm>>)
    %dma_start3A_196 = arith.constant 4 : i32
    %dma_start3A_197 = arith.constant 0 : i32
    %dma_start3A_198 = arith.constant 0 : i32
    %dma_start3A_199 = arith.constant 0 : i32
    %dma_start3A_200 = tpu.memref_slice %arg6[%dma_start3A_197, %dma_start3A_198, %dma_start3A_199] : memref<2x32x1024xf32, #tpu.memory_space<vmem>> -> memref<1x32x1024xf32, #tpu.memory_space<vmem>>
    %dma_start3A_201 = tpu.memref_squeeze %dma_start3A_200 : memref<1x32x1024xf32, #tpu.memory_space<vmem>> -> memref<32x1024xf32, #tpu.memory_space<vmem>>
    %dma_start3A_202 = arith.constant 0 : i32
    %dma_start3A_203 = tpu.memref_slice %arg5[%dma_start3A_196, %dma_start3A_202] : memref<8x32xi32, #tpu.memory_space<vmem>> -> memref<1x32xi32, #tpu.memory_space<vmem>>
    %dma_start3A_204 = tpu.memref_squeeze %dma_start3A_203 : memref<1x32xi32, #tpu.memory_space<vmem>> -> memref<32xi32, #tpu.memory_space<vmem>>
    %dma_start3A_205 = arith.constant 0 : i32
    %dma_start3A_206 = arith.constant 0 : i32
    %dma_start3A_207 = tpu.memref_slice %arg2[%dma_start3A_205, %dma_start3A_206] : memref<10240x1024xf32, #tpu.memory_space<hbm>> -> memref<10240x1024xf32, #tpu.memory_space<hbm>>
    tpu.enqueue_indirect_dma source(%dma_start3A_207 : memref<10240x1024xf32, #tpu.memory_space<hbm>>) target(%dma_start3A_201 : memref<32x1024xf32, #tpu.memory_space<vmem>>) offsets(%dma_start3A_204 : memref<32xi32, #tpu.memory_space<vmem>>) semaphore(%arg7 : memref<!tpu.dma_semaphore, #tpu.memory_space<semaphore_mem>>)
    %dma_wait3A_208 = arith.constant 4 : i32
    %dma_wait3A_209 = arith.constant 0 : i32
    %dma_wait3A_210 = arith.constant 0 : i32
    %dma_wait3A_211 = arith.constant 0 : i32
    %dma_wait3A_212 = tpu.memref_slice %arg6[%dma_wait3A_209, %dma_wait3A_210, %dma_wait3A_211] : memref<2x32x1024xf32, #tpu.memory_space<vmem>> -> memref<1x32x1024xf32, #tpu.memory_space<vmem>>
    %dma_wait3A_213 = tpu.memref_squeeze %dma_wait3A_212 : memref<1x32x1024xf32, #tpu.memory_space<vmem>> -> memref<32x1024xf32, #tpu.memory_space<vmem>>
    %dma_wait3A_214 = arith.constant 0 : i32
    %dma_wait3A_215 = tpu.memref_slice %arg5[%dma_wait3A_208, %dma_wait3A_214] : memref<8x32xi32, #tpu.memory_space<vmem>> -> memref<1x32xi32, #tpu.memory_space<vmem>>
    %dma_wait3A_216 = tpu.memref_squeeze %dma_wait3A_215 : memref<1x32xi32, #tpu.memory_space<vmem>> -> memref<32xi32, #tpu.memory_space<vmem>>
    %dma_wait3A_217 = arith.constant 0 : i32
    %dma_wait3A_218 = arith.constant 0 : i32
    %dma_wait3A_219 = tpu.memref_slice %arg2[%dma_wait3A_217, %dma_wait3A_218] : memref<10240x1024xf32, #tpu.memory_space<hbm>> -> memref<10240x1024xf32, #tpu.memory_space<hbm>>
    tpu.wait_indirect_dma semaphore(%arg7 : memref<!tpu.dma_semaphore, #tpu.memory_space<semaphore_mem>>) src(%dma_wait3A_219 : memref<10240x1024xf32, #tpu.memory_space<hbm>>) dst(%dma_wait3A_213 : memref<32x1024xf32, #tpu.memory_space<vmem>>)
    %add3A_220 = arith.constant 128 : i32
    %add3A_221 = arith.addi %mul3A_2, %add3A_220 : i32
    %dma_start3A_222 = arith.constant 0 : i32
    %dma_start3A_223 = arith.constant 0 : i32
    %dma_start3A_224 = arith.constant 0 : i32
    %dma_start3A_225 = tpu.memref_slice %arg6[%dma_start3A_222, %dma_start3A_223, %dma_start3A_224] : memref<2x32x1024xf32, #tpu.memory_space<vmem>> -> memref<1x32x1024xf32, #tpu.memory_space<vmem>>
    %dma_start3A_226 = tpu.memref_squeeze %dma_start3A_225 : memref<1x32x1024xf32, #tpu.memory_space<vmem>> -> memref<32x1024xf32, #tpu.memory_space<vmem>>
    %dma_start3A_227 = arith.constant 0 : i32
    %dma_start3A_228 = tpu.memref_slice %arg4[%add3A_221, %dma_start3A_227] : memref<8192x1024xf32, #tpu.memory_space<hbm>> -> memref<32x1024xf32, #tpu.memory_space<hbm>>
    %dma_start3A_229 = arith.constant 0 : i32
    %dma_start3A_230 = tpu.memref_slice %arg4[%add3A_221, %dma_start3A_229] : memref<8192x1024xf32, #tpu.memory_space<hbm>> -> memref<32x1024xf32, #tpu.memory_space<hbm>>
    %dma_start3A_231 = arith.constant 0 : i32
    %dma_start3A_232 = arith.constant 0 : i32
    %dma_start3A_233 = tpu.memref_slice %arg6[%dma_start3A_222, %dma_start3A_231, %dma_start3A_232] : memref<2x32x1024xf32, #tpu.memory_space<vmem>> -> memref<1x32x1024xf32, #tpu.memory_space<vmem>>
    %dma_start3A_234 = tpu.memref_squeeze %dma_start3A_233 : memref<1x32x1024xf32, #tpu.memory_space<vmem>> -> memref<32x1024xf32, #tpu.memory_space<vmem>>
    tpu.enqueue_dma source(%dma_start3A_234 : memref<32x1024xf32, #tpu.memory_space<vmem>>) target(%dma_start3A_230 : memref<32x1024xf32, #tpu.memory_space<hbm>>) target_semaphore(%arg8 : memref<!tpu.dma_semaphore, #tpu.memory_space<semaphore_mem>>)
    %dma_wait3A_235 = arith.constant 1 : i32
    %dma_wait3A_236 = arith.constant 0 : i32
    %dma_wait3A_237 = arith.constant 0 : i32
    %dma_wait3A_238 = tpu.memref_slice %arg6[%dma_wait3A_235, %dma_wait3A_236, %dma_wait3A_237] : memref<2x32x1024xf32, #tpu.memory_space<vmem>> -> memref<1x32x1024xf32, #tpu.memory_space<vmem>>
    %dma_wait3A_239 = tpu.memref_squeeze %dma_wait3A_238 : memref<1x32x1024xf32, #tpu.memory_space<vmem>> -> memref<32x1024xf32, #tpu.memory_space<vmem>>
    %dma_wait3A_240 = arith.constant 0 : i32
    %dma_wait3A_241 = tpu.memref_slice %arg4[%add3A_169, %dma_wait3A_240] : memref<8192x1024xf32, #tpu.memory_space<hbm>> -> memref<32x1024xf32, #tpu.memory_space<hbm>>
    %dma_wait3A_242 = arith.constant 0 : i32
    %dma_wait3A_243 = tpu.memref_slice %arg4[%add3A_169, %dma_wait3A_242] : memref<8192x1024xf32, #tpu.memory_space<hbm>> -> memref<32x1024xf32, #tpu.memory_space<hbm>>
    %dma_wait3A_244 = arith.constant 0 : i32
    %dma_wait3A_245 = arith.constant 0 : i32
    %dma_wait3A_246 = tpu.memref_slice %arg6[%dma_wait3A_235, %dma_wait3A_244, %dma_wait3A_245] : memref<2x32x1024xf32, #tpu.memory_space<vmem>> -> memref<1x32x1024xf32, #tpu.memory_space<vmem>>
    %dma_wait3A_247 = tpu.memref_squeeze %dma_wait3A_246 : memref<1x32x1024xf32, #tpu.memory_space<vmem>> -> memref<32x1024xf32, #tpu.memory_space<vmem>>
    tpu.wait_dma2 semaphore(%arg8 : memref<!tpu.dma_semaphore, #tpu.memory_space<semaphore_mem>>) src(%dma_wait3A_247 : memref<32x1024xf32, #tpu.memory_space<vmem>>) dst(%dma_wait3A_243 : memref<32x1024xf32, #tpu.memory_space<hbm>>)
    %dma_start3A_248 = arith.constant 5 : i32
    %dma_start3A_249 = arith.constant 1 : i32
    %dma_start3A_250 = arith.constant 0 : i32
    %dma_start3A_251 = arith.constant 0 : i32
    %dma_start3A_252 = tpu.memref_slice %arg6[%dma_start3A_249, %dma_start3A_250, %dma_start3A_251] : memref<2x32x1024xf32, #tpu.memory_space<vmem>> -> memref<1x32x1024xf32, #tpu.memory_space<vmem>>
    %dma_start3A_253 = tpu.memref_squeeze %dma_start3A_252 : memref<1x32x1024xf32, #tpu.memory_space<vmem>> -> memref<32x1024xf32, #tpu.memory_space<vmem>>
    %dma_start3A_254 = arith.constant 0 : i32
    %dma_start3A_255 = tpu.memref_slice %arg5[%dma_start3A_248, %dma_start3A_254] : memref<8x32xi32, #tpu.memory_space<vmem>> -> memref<1x32xi32, #tpu.memory_space<vmem>>
    %dma_start3A_256 = tpu.memref_squeeze %dma_start3A_255 : memref<1x32xi32, #tpu.memory_space<vmem>> -> memref<32xi32, #tpu.memory_space<vmem>>
    %dma_start3A_257 = arith.constant 0 : i32
    %dma_start3A_258 = arith.constant 0 : i32
    %dma_start3A_259 = tpu.memref_slice %arg2[%dma_start3A_257, %dma_start3A_258] : memref<10240x1024xf32, #tpu.memory_space<hbm>> -> memref<10240x1024xf32, #tpu.memory_space<hbm>>
    tpu.enqueue_indirect_dma source(%dma_start3A_259 : memref<10240x1024xf32, #tpu.memory_space<hbm>>) target(%dma_start3A_253 : memref<32x1024xf32, #tpu.memory_space<vmem>>) offsets(%dma_start3A_256 : memref<32xi32, #tpu.memory_space<vmem>>) semaphore(%arg7 : memref<!tpu.dma_semaphore, #tpu.memory_space<semaphore_mem>>)
    %dma_wait3A_260 = arith.constant 5 : i32
    %dma_wait3A_261 = arith.constant 1 : i32
    %dma_wait3A_262 = arith.constant 0 : i32
    %dma_wait3A_263 = arith.constant 0 : i32
    %dma_wait3A_264 = tpu.memref_slice %arg6[%dma_wait3A_261, %dma_wait3A_262, %dma_wait3A_263] : memref<2x32x1024xf32, #tpu.memory_space<vmem>> -> memref<1x32x1024xf32, #tpu.memory_space<vmem>>
    %dma_wait3A_265 = tpu.memref_squeeze %dma_wait3A_264 : memref<1x32x1024xf32, #tpu.memory_space<vmem>> -> memref<32x1024xf32, #tpu.memory_space<vmem>>
    %dma_wait3A_266 = arith.constant 0 : i32
    %dma_wait3A_267 = tpu.memref_slice %arg5[%dma_wait3A_260, %dma_wait3A_266] : memref<8x32xi32, #tpu.memory_space<vmem>> -> memref<1x32xi32, #tpu.memory_space<vmem>>
    %dma_wait3A_268 = tpu.memref_squeeze %dma_wait3A_267 : memref<1x32xi32, #tpu.memory_space<vmem>> -> memref<32xi32, #tpu.memory_space<vmem>>
    %dma_wait3A_269 = arith.constant 0 : i32
    %dma_wait3A_270 = arith.constant 0 : i32
    %dma_wait3A_271 = tpu.memref_slice %arg2[%dma_wait3A_269, %dma_wait3A_270] : memref<10240x1024xf32, #tpu.memory_space<hbm>> -> memref<10240x1024xf32, #tpu.memory_space<hbm>>
    tpu.wait_indirect_dma semaphore(%arg7 : memref<!tpu.dma_semaphore, #tpu.memory_space<semaphore_mem>>) src(%dma_wait3A_271 : memref<10240x1024xf32, #tpu.memory_space<hbm>>) dst(%dma_wait3A_265 : memref<32x1024xf32, #tpu.memory_space<vmem>>)
    %add3A_272 = arith.constant 160 : i32
    %add3A_273 = arith.addi %mul3A_2, %add3A_272 : i32
    %dma_start3A_274 = arith.constant 1 : i32
    %dma_start3A_275 = arith.constant 0 : i32
    %dma_start3A_276 = arith.constant 0 : i32
    %dma_start3A_277 = tpu.memref_slice %arg6[%dma_start3A_274, %dma_start3A_275, %dma_start3A_276] : memref<2x32x1024xf32, #tpu.memory_space<vmem>> -> memref<1x32x1024xf32, #tpu.memory_space<vmem>>
    %dma_start3A_278 = tpu.memref_squeeze %dma_start3A_277 : memref<1x32x1024xf32, #tpu.memory_space<vmem>> -> memref<32x1024xf32, #tpu.memory_space<vmem>>
    %dma_start3A_279 = arith.constant 0 : i32
    %dma_start3A_280 = tpu.memref_slice %arg4[%add3A_273, %dma_start3A_279] : memref<8192x1024xf32, #tpu.memory_space<hbm>> -> memref<32x1024xf32, #tpu.memory_space<hbm>>
    %dma_start3A_281 = arith.constant 0 : i32
    %dma_start3A_282 = tpu.memref_slice %arg4[%add3A_273, %dma_start3A_281] : memref<8192x1024xf32, #tpu.memory_space<hbm>> -> memref<32x1024xf32, #tpu.memory_space<hbm>>
    %dma_start3A_283 = arith.constant 0 : i32
    %dma_start3A_284 = arith.constant 0 : i32
    %dma_start3A_285 = tpu.memref_slice %arg6[%dma_start3A_274, %dma_start3A_283, %dma_start3A_284] : memref<2x32x1024xf32, #tpu.memory_space<vmem>> -> memref<1x32x1024xf32, #tpu.memory_space<vmem>>
    %dma_start3A_286 = tpu.memref_squeeze %dma_start3A_285 : memref<1x32x1024xf32, #tpu.memory_space<vmem>> -> memref<32x1024xf32, #tpu.memory_space<vmem>>
    tpu.enqueue_dma source(%dma_start3A_286 : memref<32x1024xf32, #tpu.memory_space<vmem>>) target(%dma_start3A_282 : memref<32x1024xf32, #tpu.memory_space<hbm>>) target_semaphore(%arg8 : memref<!tpu.dma_semaphore, #tpu.memory_space<semaphore_mem>>)
    %dma_wait3A_287 = arith.constant 0 : i32
    %dma_wait3A_288 = arith.constant 0 : i32
    %dma_wait3A_289 = arith.constant 0 : i32
    %dma_wait3A_290 = tpu.memref_slice %arg6[%dma_wait3A_287, %dma_wait3A_288, %dma_wait3A_289] : memref<2x32x1024xf32, #tpu.memory_space<vmem>> -> memref<1x32x1024xf32, #tpu.memory_space<vmem>>
    %dma_wait3A_291 = tpu.memref_squeeze %dma_wait3A_290 : memref<1x32x1024xf32, #tpu.memory_space<vmem>> -> memref<32x1024xf32, #tpu.memory_space<vmem>>
    %dma_wait3A_292 = arith.constant 0 : i32
    %dma_wait3A_293 = tpu.memref_slice %arg4[%add3A_221, %dma_wait3A_292] : memref<8192x1024xf32, #tpu.memory_space<hbm>> -> memref<32x1024xf32, #tpu.memory_space<hbm>>
    %dma_wait3A_294 = arith.constant 0 : i32
    %dma_wait3A_295 = tpu.memref_slice %arg4[%add3A_221, %dma_wait3A_294] : memref<8192x1024xf32, #tpu.memory_space<hbm>> -> memref<32x1024xf32, #tpu.memory_space<hbm>>
    %dma_wait3A_296 = arith.constant 0 : i32
    %dma_wait3A_297 = arith.constant 0 : i32
    %dma_wait3A_298 = tpu.memref_slice %arg6[%dma_wait3A_287, %dma_wait3A_296, %dma_wait3A_297] : memref<2x32x1024xf32, #tpu.memory_space<vmem>> -> memref<1x32x1024xf32, #tpu.memory_space<vmem>>
    %dma_wait3A_299 = tpu.memref_squeeze %dma_wait3A_298 : memref<1x32x1024xf32, #tpu.memory_space<vmem>> -> memref<32x1024xf32, #tpu.memory_space<vmem>>
    tpu.wait_dma2 semaphore(%arg8 : memref<!tpu.dma_semaphore, #tpu.memory_space<semaphore_mem>>) src(%dma_wait3A_299 : memref<32x1024xf32, #tpu.memory_space<vmem>>) dst(%dma_wait3A_295 : memref<32x1024xf32, #tpu.memory_space<hbm>>)
    %dma_start3A_300 = arith.constant 6 : i32
    %dma_start3A_301 = arith.constant 0 : i32
    %dma_start3A_302 = arith.constant 0 : i32
    %dma_start3A_303 = arith.constant 0 : i32
    %dma_start3A_304 = tpu.memref_slice %arg6[%dma_start3A_301, %dma_start3A_302, %dma_start3A_303] : memref<2x32x1024xf32, #tpu.memory_space<vmem>> -> memref<1x32x1024xf32, #tpu.memory_space<vmem>>
    %dma_start3A_305 = tpu.memref_squeeze %dma_start3A_304 : memref<1x32x1024xf32, #tpu.memory_space<vmem>> -> memref<32x1024xf32, #tpu.memory_space<vmem>>
    %dma_start3A_306 = arith.constant 0 : i32
    %dma_start3A_307 = tpu.memref_slice %arg5[%dma_start3A_300, %dma_start3A_306] : memref<8x32xi32, #tpu.memory_space<vmem>> -> memref<1x32xi32, #tpu.memory_space<vmem>>
    %dma_start3A_308 = tpu.memref_squeeze %dma_start3A_307 : memref<1x32xi32, #tpu.memory_space<vmem>> -> memref<32xi32, #tpu.memory_space<vmem>>
    %dma_start3A_309 = arith.constant 0 : i32
    %dma_start3A_310 = arith.constant 0 : i32
    %dma_start3A_311 = tpu.memref_slice %arg2[%dma_start3A_309, %dma_start3A_310] : memref<10240x1024xf32, #tpu.memory_space<hbm>> -> memref<10240x1024xf32, #tpu.memory_space<hbm>>
    tpu.enqueue_indirect_dma source(%dma_start3A_311 : memref<10240x1024xf32, #tpu.memory_space<hbm>>) target(%dma_start3A_305 : memref<32x1024xf32, #tpu.memory_space<vmem>>) offsets(%dma_start3A_308 : memref<32xi32, #tpu.memory_space<vmem>>) semaphore(%arg7 : memref<!tpu.dma_semaphore, #tpu.memory_space<semaphore_mem>>)
    %dma_wait3A_312 = arith.constant 6 : i32
    %dma_wait3A_313 = arith.constant 0 : i32
    %dma_wait3A_314 = arith.constant 0 : i32
    %dma_wait3A_315 = arith.constant 0 : i32
    %dma_wait3A_316 = tpu.memref_slice %arg6[%dma_wait3A_313, %dma_wait3A_314, %dma_wait3A_315] : memref<2x32x1024xf32, #tpu.memory_space<vmem>> -> memref<1x32x1024xf32, #tpu.memory_space<vmem>>
    %dma_wait3A_317 = tpu.memref_squeeze %dma_wait3A_316 : memref<1x32x1024xf32, #tpu.memory_space<vmem>> -> memref<32x1024xf32, #tpu.memory_space<vmem>>
    %dma_wait3A_318 = arith.constant 0 : i32
    %dma_wait3A_319 = tpu.memref_slice %arg5[%dma_wait3A_312, %dma_wait3A_318] : memref<8x32xi32, #tpu.memory_space<vmem>> -> memref<1x32xi32, #tpu.memory_space<vmem>>
    %dma_wait3A_320 = tpu.memref_squeeze %dma_wait3A_319 : memref<1x32xi32, #tpu.memory_space<vmem>> -> memref<32xi32, #tpu.memory_space<vmem>>
    %dma_wait3A_321 = arith.constant 0 : i32
    %dma_wait3A_322 = arith.constant 0 : i32
    %dma_wait3A_323 = tpu.memref_slice %arg2[%dma_wait3A_321, %dma_wait3A_322] : memref<10240x1024xf32, #tpu.memory_space<hbm>> -> memref<10240x1024xf32, #tpu.memory_space<hbm>>
    tpu.wait_indirect_dma semaphore(%arg7 : memref<!tpu.dma_semaphore, #tpu.memory_space<semaphore_mem>>) src(%dma_wait3A_323 : memref<10240x1024xf32, #tpu.memory_space<hbm>>) dst(%dma_wait3A_317 : memref<32x1024xf32, #tpu.memory_space<vmem>>)
    %add3A_324 = arith.constant 192 : i32
    %add3A_325 = arith.addi %mul3A_2, %add3A_324 : i32
    %dma_start3A_326 = arith.constant 0 : i32
    %dma_start3A_327 = arith.constant 0 : i32
    %dma_start3A_328 = arith.constant 0 : i32
    %dma_start3A_329 = tpu.memref_slice %arg6[%dma_start3A_326, %dma_start3A_327, %dma_start3A_328] : memref<2x32x1024xf32, #tpu.memory_space<vmem>> -> memref<1x32x1024xf32, #tpu.memory_space<vmem>>
    %dma_start3A_330 = tpu.memref_squeeze %dma_start3A_329 : memref<1x32x1024xf32, #tpu.memory_space<vmem>> -> memref<32x1024xf32, #tpu.memory_space<vmem>>
    %dma_start3A_331 = arith.constant 0 : i32
    %dma_start3A_332 = tpu.memref_slice %arg4[%add3A_325, %dma_start3A_331] : memref<8192x1024xf32, #tpu.memory_space<hbm>> -> memref<32x1024xf32, #tpu.memory_space<hbm>>
    %dma_start3A_333 = arith.constant 0 : i32
    %dma_start3A_334 = tpu.memref_slice %arg4[%add3A_325, %dma_start3A_333] : memref<8192x1024xf32, #tpu.memory_space<hbm>> -> memref<32x1024xf32, #tpu.memory_space<hbm>>
    %dma_start3A_335 = arith.constant 0 : i32
    %dma_start3A_336 = arith.constant 0 : i32
    %dma_start3A_337 = tpu.memref_slice %arg6[%dma_start3A_326, %dma_start3A_335, %dma_start3A_336] : memref<2x32x1024xf32, #tpu.memory_space<vmem>> -> memref<1x32x1024xf32, #tpu.memory_space<vmem>>
    %dma_start3A_338 = tpu.memref_squeeze %dma_start3A_337 : memref<1x32x1024xf32, #tpu.memory_space<vmem>> -> memref<32x1024xf32, #tpu.memory_space<vmem>>
    tpu.enqueue_dma source(%dma_start3A_338 : memref<32x1024xf32, #tpu.memory_space<vmem>>) target(%dma_start3A_334 : memref<32x1024xf32, #tpu.memory_space<hbm>>) target_semaphore(%arg8 : memref<!tpu.dma_semaphore, #tpu.memory_space<semaphore_mem>>)
    %dma_wait3A_339 = arith.constant 1 : i32
    %dma_wait3A_340 = arith.constant 0 : i32
    %dma_wait3A_341 = arith.constant 0 : i32
    %dma_wait3A_342 = tpu.memref_slice %arg6[%dma_wait3A_339, %dma_wait3A_340, %dma_wait3A_341] : memref<2x32x1024xf32, #tpu.memory_space<vmem>> -> memref<1x32x1024xf32, #tpu.memory_space<vmem>>
    %dma_wait3A_343 = tpu.memref_squeeze %dma_wait3A_342 : memref<1x32x1024xf32, #tpu.memory_space<vmem>> -> memref<32x1024xf32, #tpu.memory_space<vmem>>
    %dma_wait3A_344 = arith.constant 0 : i32
    %dma_wait3A_345 = tpu.memref_slice %arg4[%add3A_273, %dma_wait3A_344] : memref<8192x1024xf32, #tpu.memory_space<hbm>> -> memref<32x1024xf32, #tpu.memory_space<hbm>>
    %dma_wait3A_346 = arith.constant 0 : i32
    %dma_wait3A_347 = tpu.memref_slice %arg4[%add3A_273, %dma_wait3A_346] : memref<8192x1024xf32, #tpu.memory_space<hbm>> -> memref<32x1024xf32, #tpu.memory_space<hbm>>
    %dma_wait3A_348 = arith.constant 0 : i32
    %dma_wait3A_349 = arith.constant 0 : i32
    %dma_wait3A_350 = tpu.memref_slice %arg6[%dma_wait3A_339, %dma_wait3A_348, %dma_wait3A_349] : memref<2x32x1024xf32, #tpu.memory_space<vmem>> -> memref<1x32x1024xf32, #tpu.memory_space<vmem>>
    %dma_wait3A_351 = tpu.memref_squeeze %dma_wait3A_350 : memref<1x32x1024xf32, #tpu.memory_space<vmem>> -> memref<32x1024xf32, #tpu.memory_space<vmem>>
    tpu.wait_dma2 semaphore(%arg8 : memref<!tpu.dma_semaphore, #tpu.memory_space<semaphore_mem>>) src(%dma_wait3A_351 : memref<32x1024xf32, #tpu.memory_space<vmem>>) dst(%dma_wait3A_347 : memref<32x1024xf32, #tpu.memory_space<hbm>>)
    %dma_start3A_352 = arith.constant 7 : i32
    %dma_start3A_353 = arith.constant 1 : i32
    %dma_start3A_354 = arith.constant 0 : i32
    %dma_start3A_355 = arith.constant 0 : i32
    %dma_start3A_356 = tpu.memref_slice %arg6[%dma_start3A_353, %dma_start3A_354, %dma_start3A_355] : memref<2x32x1024xf32, #tpu.memory_space<vmem>> -> memref<1x32x1024xf32, #tpu.memory_space<vmem>>
    %dma_start3A_357 = tpu.memref_squeeze %dma_start3A_356 : memref<1x32x1024xf32, #tpu.memory_space<vmem>> -> memref<32x1024xf32, #tpu.memory_space<vmem>>
    %dma_start3A_358 = arith.constant 0 : i32
    %dma_start3A_359 = tpu.memref_slice %arg5[%dma_start3A_352, %dma_start3A_358] : memref<8x32xi32, #tpu.memory_space<vmem>> -> memref<1x32xi32, #tpu.memory_space<vmem>>
    %dma_start3A_360 = tpu.memref_squeeze %dma_start3A_359 : memref<1x32xi32, #tpu.memory_space<vmem>> -> memref<32xi32, #tpu.memory_space<vmem>>
    %dma_start3A_361 = arith.constant 0 : i32
    %dma_start3A_362 = arith.constant 0 : i32
    %dma_start3A_363 = tpu.memref_slice %arg2[%dma_start3A_361, %dma_start3A_362] : memref<10240x1024xf32, #tpu.memory_space<hbm>> -> memref<10240x1024xf32, #tpu.memory_space<hbm>>
    tpu.enqueue_indirect_dma source(%dma_start3A_363 : memref<10240x1024xf32, #tpu.memory_space<hbm>>) target(%dma_start3A_357 : memref<32x1024xf32, #tpu.memory_space<vmem>>) offsets(%dma_start3A_360 : memref<32xi32, #tpu.memory_space<vmem>>) semaphore(%arg7 : memref<!tpu.dma_semaphore, #tpu.memory_space<semaphore_mem>>)
    %dma_wait3A_364 = arith.constant 7 : i32
    %dma_wait3A_365 = arith.constant 1 : i32
    %dma_wait3A_366 = arith.constant 0 : i32
    %dma_wait3A_367 = arith.constant 0 : i32
    %dma_wait3A_368 = tpu.memref_slice %arg6[%dma_wait3A_365, %dma_wait3A_366, %dma_wait3A_367] : memref<2x32x1024xf32, #tpu.memory_space<vmem>> -> memref<1x32x1024xf32, #tpu.memory_space<vmem>>
    %dma_wait3A_369 = tpu.memref_squeeze %dma_wait3A_368 : memref<1x32x1024xf32, #tpu.memory_space<vmem>> -> memref<32x1024xf32, #tpu.memory_space<vmem>>
    %dma_wait3A_370 = arith.constant 0 : i32
    %dma_wait3A_371 = tpu.memref_slice %arg5[%dma_wait3A_364, %dma_wait3A_370] : memref<8x32xi32, #tpu.memory_space<vmem>> -> memref<1x32xi32, #tpu.memory_space<vmem>>
    %dma_wait3A_372 = tpu.memref_squeeze %dma_wait3A_371 : memref<1x32xi32, #tpu.memory_space<vmem>> -> memref<32xi32, #tpu.memory_space<vmem>>
    %dma_wait3A_373 = arith.constant 0 : i32
    %dma_wait3A_374 = arith.constant 0 : i32
    %dma_wait3A_375 = tpu.memref_slice %arg2[%dma_wait3A_373, %dma_wait3A_374] : memref<10240x1024xf32, #tpu.memory_space<hbm>> -> memref<10240x1024xf32, #tpu.memory_space<hbm>>
    tpu.wait_indirect_dma semaphore(%arg7 : memref<!tpu.dma_semaphore, #tpu.memory_space<semaphore_mem>>) src(%dma_wait3A_375 : memref<10240x1024xf32, #tpu.memory_space<hbm>>) dst(%dma_wait3A_369 : memref<32x1024xf32, #tpu.memory_space<vmem>>)
    %add3A_376 = arith.constant 224 : i32
    %add3A_377 = arith.addi %mul3A_2, %add3A_376 : i32
    %dma_start3A_378 = arith.constant 1 : i32
    %dma_start3A_379 = arith.constant 0 : i32
    %dma_start3A_380 = arith.constant 0 : i32
    %dma_start3A_381 = tpu.memref_slice %arg6[%dma_start3A_378, %dma_start3A_379, %dma_start3A_380] : memref<2x32x1024xf32, #tpu.memory_space<vmem>> -> memref<1x32x1024xf32, #tpu.memory_space<vmem>>
    %dma_start3A_382 = tpu.memref_squeeze %dma_start3A_381 : memref<1x32x1024xf32, #tpu.memory_space<vmem>> -> memref<32x1024xf32, #tpu.memory_space<vmem>>
    %dma_start3A_383 = arith.constant 0 : i32
    %dma_start3A_384 = tpu.memref_slice %arg4[%add3A_377, %dma_start3A_383] : memref<8192x1024xf32, #tpu.memory_space<hbm>> -> memref<32x1024xf32, #tpu.memory_space<hbm>>
    %dma_start3A_385 = arith.constant 0 : i32
    %dma_start3A_386 = tpu.memref_slice %arg4[%add3A_377, %dma_start3A_385] : memref<8192x1024xf32, #tpu.memory_space<hbm>> -> memref<32x1024xf32, #tpu.memory_space<hbm>>
    %dma_start3A_387 = arith.constant 0 : i32
    %dma_start3A_388 = arith.constant 0 : i32
    %dma_start3A_389 = tpu.memref_slice %arg6[%dma_start3A_378, %dma_start3A_387, %dma_start3A_388] : memref<2x32x1024xf32, #tpu.memory_space<vmem>> -> memref<1x32x1024xf32, #tpu.memory_space<vmem>>
    %dma_start3A_390 = tpu.memref_squeeze %dma_start3A_389 : memref<1x32x1024xf32, #tpu.memory_space<vmem>> -> memref<32x1024xf32, #tpu.memory_space<vmem>>
    tpu.enqueue_dma source(%dma_start3A_390 : memref<32x1024xf32, #tpu.memory_space<vmem>>) target(%dma_start3A_386 : memref<32x1024xf32, #tpu.memory_space<hbm>>) target_semaphore(%arg8 : memref<!tpu.dma_semaphore, #tpu.memory_space<semaphore_mem>>)
    %dma_wait3A_391 = arith.constant 0 : i32
    %dma_wait3A_392 = arith.constant 0 : i32
    %dma_wait3A_393 = arith.constant 0 : i32
    %dma_wait3A_394 = tpu.memref_slice %arg6[%dma_wait3A_391, %dma_wait3A_392, %dma_wait3A_393] : memref<2x32x1024xf32, #tpu.memory_space<vmem>> -> memref<1x32x1024xf32, #tpu.memory_space<vmem>>
    %dma_wait3A_395 = tpu.memref_squeeze %dma_wait3A_394 : memref<1x32x1024xf32, #tpu.memory_space<vmem>> -> memref<32x1024xf32, #tpu.memory_space<vmem>>
    %dma_wait3A_396 = arith.constant 0 : i32
    %dma_wait3A_397 = tpu.memref_slice %arg4[%add3A_325, %dma_wait3A_396] : memref<8192x1024xf32, #tpu.memory_space<hbm>> -> memref<32x1024xf32, #tpu.memory_space<hbm>>
    %dma_wait3A_398 = arith.constant 0 : i32
    %dma_wait3A_399 = tpu.memref_slice %arg4[%add3A_325, %dma_wait3A_398] : memref<8192x1024xf32, #tpu.memory_space<hbm>> -> memref<32x1024xf32, #tpu.memory_space<hbm>>
    %dma_wait3A_400 = arith.constant 0 : i32
    %dma_wait3A_401 = arith.constant 0 : i32
    %dma_wait3A_402 = tpu.memref_slice %arg6[%dma_wait3A_391, %dma_wait3A_400, %dma_wait3A_401] : memref<2x32x1024xf32, #tpu.memory_space<vmem>> -> memref<1x32x1024xf32, #tpu.memory_space<vmem>>
    %dma_wait3A_403 = tpu.memref_squeeze %dma_wait3A_402 : memref<1x32x1024xf32, #tpu.memory_space<vmem>> -> memref<32x1024xf32, #tpu.memory_space<vmem>>
    tpu.wait_dma2 semaphore(%arg8 : memref<!tpu.dma_semaphore, #tpu.memory_space<semaphore_mem>>) src(%dma_wait3A_403 : memref<32x1024xf32, #tpu.memory_space<vmem>>) dst(%dma_wait3A_399 : memref<32x1024xf32, #tpu.memory_space<hbm>>)
    %dma_wait3A_404 = arith.constant 1 : i32
    %dma_wait3A_405 = arith.constant 0 : i32
    %dma_wait3A_406 = arith.constant 0 : i32
    %dma_wait3A_407 = tpu.memref_slice %arg6[%dma_wait3A_404, %dma_wait3A_405, %dma_wait3A_406] : memref<2x32x1024xf32, #tpu.memory_space<vmem>> -> memref<1x32x1024xf32, #tpu.memory_space<vmem>>
    %dma_wait3A_408 = tpu.memref_squeeze %dma_wait3A_407 : memref<1x32x1024xf32, #tpu.memory_space<vmem>> -> memref<32x1024xf32, #tpu.memory_space<vmem>>
    %dma_wait3A_409 = arith.constant 0 : i32
    %dma_wait3A_410 = tpu.memref_slice %arg4[%add3A_377, %dma_wait3A_409] : memref<8192x1024xf32, #tpu.memory_space<hbm>> -> memref<32x1024xf32, #tpu.memory_space<hbm>>
    %dma_wait3A_411 = arith.constant 0 : i32
    %dma_wait3A_412 = tpu.memref_slice %arg4[%add3A_377, %dma_wait3A_411] : memref<8192x1024xf32, #tpu.memory_space<hbm>> -> memref<32x1024xf32, #tpu.memory_space<hbm>>
    %dma_wait3A_413 = arith.constant 0 : i32
    %dma_wait3A_414 = arith.constant 0 : i32
    %dma_wait3A_415 = tpu.memref_slice %arg6[%dma_wait3A_404, %dma_wait3A_413, %dma_wait3A_414] : memref<2x32x1024xf32, #tpu.memory_space<vmem>> -> memref<1x32x1024xf32, #tpu.memory_space<vmem>>
    %dma_wait3A_416 = tpu.memref_squeeze %dma_wait3A_415 : memref<1x32x1024xf32, #tpu.memory_space<vmem>> -> memref<32x1024xf32, #tpu.memory_space<vmem>>
    tpu.wait_dma2 semaphore(%arg8 : memref<!tpu.dma_semaphore, #tpu.memory_space<semaphore_mem>>) src(%dma_wait3A_416 : memref<32x1024xf32, #tpu.memory_space<vmem>>) dst(%dma_wait3A_412 : memref<32x1024xf32, #tpu.memory_space<hbm>>)
    return
  }
}

#map = affine_map<(d0, d1) -> (0, 0)>
#map1 = affine_map<(d0, d1) -> (0, 0, 0)>
module attributes {stable_mosaic.version = 14 : i64} {
  func.func @dispatch_k(%arg0: i32, %arg1: i32, %arg2: memref<4096x1024xf32, #tpu.memory_space<hbm>>, %arg3: memref<32x8x32xi32, #tpu.memory_space<hbm>>, %arg4: memref<10240x1024xf32, #tpu.memory_space<hbm>>, %arg5: memref<8x32xi32, #tpu.memory_space<vmem>>, %arg6: memref<2x32xi32, #tpu.memory_space<vmem>>, %arg7: memref<2x32x1024xf32, #tpu.memory_space<vmem>>, %arg8: memref<!tpu.dma_semaphore, #tpu.memory_space<semaphore_mem>>, %arg9: memref<!tpu.dma_semaphore, #tpu.memory_space<semaphore_mem>>) attributes {dimension_semantics = [#tpu.dimension_semantics<core_parallel>, #tpu.dimension_semantics<subcore_parallel>], iteration_bounds = array<i64: 2, 16>, scalar_prefetch = 0 : i64, scratch_operands = 5 : i64, tpu.core_type = #tpu.core_type<sc_vector_subcore>, window_params = [{transform_indices = #map}, {transform_indices = #map1}, {transform_indices = #map}]} {
    %mul3A = arith.constant 2 : i32
    %mul3A_0 = arith.muli %arg1, %mul3A : i32
    %add3A = arith.addi %mul3A_0, %arg0 : i32
    %mul3A_1 = arith.constant 256 : i32
    %mul3A_2 = arith.muli %add3A, %mul3A_1 : i32
    "tpu.region"() ({
      %run_scoped3A = tpu.sem_alloc : memref<!tpu.dma_semaphore, #tpu.memory_space<semaphore_mem>>
      %dma_start3A_700 = arith.constant 0 : i32
      %dma_start3A_701 = arith.constant 0 : i32
      %dma_start3A_702 = tpu.memref_slice %arg3[%add3A, %dma_start3A_700, %dma_start3A_701] : memref<32x8x32xi32, #tpu.memory_space<hbm>> -> memref<1x8x32xi32, #tpu.memory_space<hbm>>
      %dma_start3A_703 = tpu.memref_squeeze %dma_start3A_702 : memref<1x8x32xi32, #tpu.memory_space<hbm>> -> memref<8x32xi32, #tpu.memory_space<hbm>>
      %dma_start3A_704 = arith.constant 0 : i32
      %dma_start3A_705 = arith.constant 0 : i32
      %dma_start3A_706 = tpu.memref_slice %arg3[%add3A, %dma_start3A_704, %dma_start3A_705] : memref<32x8x32xi32, #tpu.memory_space<hbm>> -> memref<1x8x32xi32, #tpu.memory_space<hbm>>
      %dma_start3A_707 = tpu.memref_squeeze %dma_start3A_706 : memref<1x8x32xi32, #tpu.memory_space<hbm>> -> memref<8x32xi32, #tpu.memory_space<hbm>>
      tpu.enqueue_dma source(%dma_start3A_707 : memref<8x32xi32, #tpu.memory_space<hbm>>) target(%arg5 : memref<8x32xi32, #tpu.memory_space<vmem>>) target_semaphore(%run_scoped3A : memref<!tpu.dma_semaphore, #tpu.memory_space<semaphore_mem>>)
      %dma_wait3A_708 = arith.constant 0 : i32
      %dma_wait3A_709 = arith.constant 0 : i32
      %dma_wait3A_710 = tpu.memref_slice %arg3[%add3A, %dma_wait3A_708, %dma_wait3A_709] : memref<32x8x32xi32, #tpu.memory_space<hbm>> -> memref<1x8x32xi32, #tpu.memory_space<hbm>>
      %dma_wait3A_711 = tpu.memref_squeeze %dma_wait3A_710 : memref<1x8x32xi32, #tpu.memory_space<hbm>> -> memref<8x32xi32, #tpu.memory_space<hbm>>
      %dma_wait3A_712 = arith.constant 0 : i32
      %dma_wait3A_713 = arith.constant 0 : i32
      %dma_wait3A_714 = tpu.memref_slice %arg3[%add3A, %dma_wait3A_712, %dma_wait3A_713] : memref<32x8x32xi32, #tpu.memory_space<hbm>> -> memref<1x8x32xi32, #tpu.memory_space<hbm>>
      %dma_wait3A_715 = tpu.memref_squeeze %dma_wait3A_714 : memref<1x8x32xi32, #tpu.memory_space<hbm>> -> memref<8x32xi32, #tpu.memory_space<hbm>>
      tpu.wait_dma2 semaphore(%run_scoped3A : memref<!tpu.dma_semaphore, #tpu.memory_space<semaphore_mem>>) src(%dma_wait3A_715 : memref<8x32xi32, #tpu.memory_space<hbm>>) dst(%arg5 : memref<8x32xi32, #tpu.memory_space<vmem>>)
      tpu.yield
    }) : () -> ()
    %add3A_3 = arith.constant 0 : i32
    %add3A_4 = arith.addi %mul3A_2, %add3A_3 : i32
    %add3A_5 = arith.constant 0 : i32
    %add3A_6 = arith.addi %add3A_4, %add3A_5 : i32
    %iota3A = tpu.iota {dimensions = array<i32: 0>} : vector<16xi32>
    %add3A_7 = vector.broadcast %add3A_6 : i32 to vector<16xi32>
    %add3A_8 = arith.addi %add3A_7, %iota3A : vector<16xi32>
    %ge3A = arith.constant 4096 : i32
    %ge3A_9 = vector.broadcast %ge3A : i32 to vector<16xi32>
    %ge3A_10 = arith.cmpi sge, %add3A_8, %ge3A_9 : vector<16xi32>
    %sub3A = arith.constant 4096 : i32
    %sub3A_11 = vector.broadcast %sub3A : i32 to vector<16xi32>
    %sub3A_12 = arith.subi %add3A_8, %sub3A_11 : vector<16xi32>
    %select_n3A = arith.select %ge3A_10, %sub3A_12, %add3A_8 : vector<16xi1>, vector<16xi32>
    %swap3A = arith.constant 0 : i32
    %swap3A_13 = arith.index_cast %swap3A : i32 to index
    %swap3A_14 = arith.constant 0 : index
    %swap3A_15 = tpu.vector_load %arg6[%swap3A_13, %swap3A_14] {strides = array<i32>} : memref<2x32xi32, #tpu.memory_space<vmem>>, vector<1x16xi32>,
    %swap3A_16 = vector.shape_cast %swap3A_15 : vector<1x16xi32> to vector<16xi32>
    %swap3A_17 = vector.shape_cast %select_n3A : vector<16xi32> to vector<1x16xi32>
    tpu.vector_store %arg6[%swap3A_13, %swap3A_14], %swap3A_17 {strides = array<i32>} : memref<2x32xi32, #tpu.memory_space<vmem>>, vector<1x16xi32>,
    %add3A_18 = arith.constant 0 : i32
    %add3A_19 = arith.addi %mul3A_2, %add3A_18 : i32
    %add3A_20 = arith.constant 16 : i32
    %add3A_21 = arith.addi %add3A_19, %add3A_20 : i32
    %iota3A_22 = tpu.iota {dimensions = array<i32: 0>} : vector<16xi32>
    %add3A_23 = vector.broadcast %add3A_21 : i32 to vector<16xi32>
    %add3A_24 = arith.addi %add3A_23, %iota3A_22 : vector<16xi32>
    %ge3A_25 = arith.constant 4096 : i32
    %ge3A_26 = vector.broadcast %ge3A_25 : i32 to vector<16xi32>
    %ge3A_27 = arith.cmpi sge, %add3A_24, %ge3A_26 : vector<16xi32>
    %sub3A_28 = arith.constant 4096 : i32
    %sub3A_29 = vector.broadcast %sub3A_28 : i32 to vector<16xi32>
    %sub3A_30 = arith.subi %add3A_24, %sub3A_29 : vector<16xi32>
    %select_n3A_31 = arith.select %ge3A_27, %sub3A_30, %add3A_24 : vector<16xi1>, vector<16xi32>
    %swap3A_32 = arith.constant 0 : i32
    %swap3A_33 = arith.index_cast %swap3A_32 : i32 to index
    %swap3A_34 = arith.constant 16 : index
    %swap3A_35 = tpu.vector_load %arg6[%swap3A_33, %swap3A_34] {strides = array<i32>} : memref<2x32xi32, #tpu.memory_space<vmem>>, vector<1x16xi32>,
    %swap3A_36 = vector.shape_cast %swap3A_35 : vector<1x16xi32> to vector<16xi32>
    %swap3A_37 = vector.shape_cast %select_n3A_31 : vector<16xi32> to vector<1x16xi32>
    tpu.vector_store %arg6[%swap3A_33, %swap3A_34], %swap3A_37 {strides = array<i32>} : memref<2x32xi32, #tpu.memory_space<vmem>>, vector<1x16xi32>,
    %dma_start3A = arith.constant 0 : i32
    %dma_start3A_38 = arith.constant 0 : i32
    %dma_start3A_39 = arith.constant 0 : i32
    %dma_start3A_40 = arith.constant 0 : i32
    %dma_start3A_41 = tpu.memref_slice %arg7[%dma_start3A_38, %dma_start3A_39, %dma_start3A_40] : memref<2x32x1024xf32, #tpu.memory_space<vmem>> -> memref<1x32x1024xf32, #tpu.memory_space<vmem>>
    %dma_start3A_42 = tpu.memref_squeeze %dma_start3A_41 : memref<1x32x1024xf32, #tpu.memory_space<vmem>> -> memref<32x1024xf32, #tpu.memory_space<vmem>>
    %dma_start3A_43 = arith.constant 0 : i32
    %dma_start3A_44 = tpu.memref_slice %arg6[%dma_start3A, %dma_start3A_43] : memref<2x32xi32, #tpu.memory_space<vmem>> -> memref<1x32xi32, #tpu.memory_space<vmem>>
    %dma_start3A_45 = tpu.memref_squeeze %dma_start3A_44 : memref<1x32xi32, #tpu.memory_space<vmem>> -> memref<32xi32, #tpu.memory_space<vmem>>
    %dma_start3A_46 = arith.constant 0 : i32
    %dma_start3A_47 = arith.constant 0 : i32
    %dma_start3A_48 = tpu.memref_slice %arg2[%dma_start3A_46, %dma_start3A_47] : memref<4096x1024xf32, #tpu.memory_space<hbm>> -> memref<4096x1024xf32, #tpu.memory_space<hbm>>
    tpu.enqueue_indirect_dma source(%dma_start3A_48 : memref<4096x1024xf32, #tpu.memory_space<hbm>>) target(%dma_start3A_42 : memref<32x1024xf32, #tpu.memory_space<vmem>>) offsets(%dma_start3A_45 : memref<32xi32, #tpu.memory_space<vmem>>) semaphore(%arg8 : memref<!tpu.dma_semaphore, #tpu.memory_space<semaphore_mem>>)
    %dma_wait3A = arith.constant 0 : i32
    %dma_wait3A_49 = arith.constant 0 : i32
    %dma_wait3A_50 = arith.constant 0 : i32
    %dma_wait3A_51 = arith.constant 0 : i32
    %dma_wait3A_52 = tpu.memref_slice %arg7[%dma_wait3A_49, %dma_wait3A_50, %dma_wait3A_51] : memref<2x32x1024xf32, #tpu.memory_space<vmem>> -> memref<1x32x1024xf32, #tpu.memory_space<vmem>>
    %dma_wait3A_53 = tpu.memref_squeeze %dma_wait3A_52 : memref<1x32x1024xf32, #tpu.memory_space<vmem>> -> memref<32x1024xf32, #tpu.memory_space<vmem>>
    %dma_wait3A_54 = arith.constant 0 : i32
    %dma_wait3A_55 = tpu.memref_slice %arg6[%dma_wait3A, %dma_wait3A_54] : memref<2x32xi32, #tpu.memory_space<vmem>> -> memref<1x32xi32, #tpu.memory_space<vmem>>
    %dma_wait3A_56 = tpu.memref_squeeze %dma_wait3A_55 : memref<1x32xi32, #tpu.memory_space<vmem>> -> memref<32xi32, #tpu.memory_space<vmem>>
    %dma_wait3A_57 = arith.constant 0 : i32
    %dma_wait3A_58 = arith.constant 0 : i32
    %dma_wait3A_59 = tpu.memref_slice %arg2[%dma_wait3A_57, %dma_wait3A_58] : memref<4096x1024xf32, #tpu.memory_space<hbm>> -> memref<4096x1024xf32, #tpu.memory_space<hbm>>
    tpu.wait_indirect_dma semaphore(%arg8 : memref<!tpu.dma_semaphore, #tpu.memory_space<semaphore_mem>>) src(%dma_wait3A_59 : memref<4096x1024xf32, #tpu.memory_space<hbm>>) dst(%dma_wait3A_53 : memref<32x1024xf32, #tpu.memory_space<vmem>>)
    %dma_start3A_60 = arith.constant 0 : i32
    %dma_start3A_61 = arith.constant 0 : i32
    %dma_start3A_62 = arith.constant 0 : i32
    %dma_start3A_63 = arith.constant 0 : i32
    %dma_start3A_64 = tpu.memref_slice %arg7[%dma_start3A_60, %dma_start3A_62, %dma_start3A_63] : memref<2x32x1024xf32, #tpu.memory_space<vmem>> -> memref<1x32x1024xf32, #tpu.memory_space<vmem>>
    %dma_start3A_65 = tpu.memref_squeeze %dma_start3A_64 : memref<1x32x1024xf32, #tpu.memory_space<vmem>> -> memref<32x1024xf32, #tpu.memory_space<vmem>>
    %dma_start3A_66 = arith.constant 0 : i32
    %dma_start3A_67 = tpu.memref_slice %arg5[%dma_start3A_61, %dma_start3A_66] : memref<8x32xi32, #tpu.memory_space<vmem>> -> memref<1x32xi32, #tpu.memory_space<vmem>>
    %dma_start3A_68 = tpu.memref_squeeze %dma_start3A_67 : memref<1x32xi32, #tpu.memory_space<vmem>> -> memref<32xi32, #tpu.memory_space<vmem>>
    %dma_start3A_69 = arith.constant 0 : i32
    %dma_start3A_70 = arith.constant 0 : i32
    %dma_start3A_71 = tpu.memref_slice %arg4[%dma_start3A_69, %dma_start3A_70] : memref<10240x1024xf32, #tpu.memory_space<hbm>> -> memref<10240x1024xf32, #tpu.memory_space<hbm>>
    tpu.enqueue_indirect_dma source(%dma_start3A_65 : memref<32x1024xf32, #tpu.memory_space<vmem>>) target(%dma_start3A_71 : memref<10240x1024xf32, #tpu.memory_space<hbm>>) offsets(%dma_start3A_68 : memref<32xi32, #tpu.memory_space<vmem>>) semaphore(%arg9 : memref<!tpu.dma_semaphore, #tpu.memory_space<semaphore_mem>>)
    %add3A_72 = arith.constant 32 : i32
    %add3A_73 = arith.addi %mul3A_2, %add3A_72 : i32
    %add3A_74 = arith.constant 0 : i32
    %add3A_75 = arith.addi %add3A_73, %add3A_74 : i32
    %iota3A_76 = tpu.iota {dimensions = array<i32: 0>} : vector<16xi32>
    %add3A_77 = vector.broadcast %add3A_75 : i32 to vector<16xi32>
    %add3A_78 = arith.addi %add3A_77, %iota3A_76 : vector<16xi32>
    %ge3A_79 = arith.constant 4096 : i32
    %ge3A_80 = vector.broadcast %ge3A_79 : i32 to vector<16xi32>
    %ge3A_81 = arith.cmpi sge, %add3A_78, %ge3A_80 : vector<16xi32>
    %sub3A_82 = arith.constant 4096 : i32
    %sub3A_83 = vector.broadcast %sub3A_82 : i32 to vector<16xi32>
    %sub3A_84 = arith.subi %add3A_78, %sub3A_83 : vector<16xi32>
    %select_n3A_85 = arith.select %ge3A_81, %sub3A_84, %add3A_78 : vector<16xi1>, vector<16xi32>
    %swap3A_86 = arith.constant 1 : i32
    %swap3A_87 = arith.index_cast %swap3A_86 : i32 to index
    %swap3A_88 = arith.constant 0 : index
    %swap3A_89 = tpu.vector_load %arg6[%swap3A_87, %swap3A_88] {strides = array<i32>} : memref<2x32xi32, #tpu.memory_space<vmem>>, vector<1x16xi32>,
    %swap3A_90 = vector.shape_cast %swap3A_89 : vector<1x16xi32> to vector<16xi32>
    %swap3A_91 = vector.shape_cast %select_n3A_85 : vector<16xi32> to vector<1x16xi32>
    tpu.vector_store %arg6[%swap3A_87, %swap3A_88], %swap3A_91 {strides = array<i32>} : memref<2x32xi32, #tpu.memory_space<vmem>>, vector<1x16xi32>,
    %add3A_92 = arith.constant 32 : i32
    %add3A_93 = arith.addi %mul3A_2, %add3A_92 : i32
    %add3A_94 = arith.constant 16 : i32
    %add3A_95 = arith.addi %add3A_93, %add3A_94 : i32
    %iota3A_96 = tpu.iota {dimensions = array<i32: 0>} : vector<16xi32>
    %add3A_97 = vector.broadcast %add3A_95 : i32 to vector<16xi32>
    %add3A_98 = arith.addi %add3A_97, %iota3A_96 : vector<16xi32>
    %ge3A_99 = arith.constant 4096 : i32
    %ge3A_100 = vector.broadcast %ge3A_99 : i32 to vector<16xi32>
    %ge3A_101 = arith.cmpi sge, %add3A_98, %ge3A_100 : vector<16xi32>
    %sub3A_102 = arith.constant 4096 : i32
    %sub3A_103 = vector.broadcast %sub3A_102 : i32 to vector<16xi32>
    %sub3A_104 = arith.subi %add3A_98, %sub3A_103 : vector<16xi32>
    %select_n3A_105 = arith.select %ge3A_101, %sub3A_104, %add3A_98 : vector<16xi1>, vector<16xi32>
    %swap3A_106 = arith.constant 1 : i32
    %swap3A_107 = arith.index_cast %swap3A_106 : i32 to index
    %swap3A_108 = arith.constant 16 : index
    %swap3A_109 = tpu.vector_load %arg6[%swap3A_107, %swap3A_108] {strides = array<i32>} : memref<2x32xi32, #tpu.memory_space<vmem>>, vector<1x16xi32>,
    %swap3A_110 = vector.shape_cast %swap3A_109 : vector<1x16xi32> to vector<16xi32>
    %swap3A_111 = vector.shape_cast %select_n3A_105 : vector<16xi32> to vector<1x16xi32>
    tpu.vector_store %arg6[%swap3A_107, %swap3A_108], %swap3A_111 {strides = array<i32>} : memref<2x32xi32, #tpu.memory_space<vmem>>, vector<1x16xi32>,
    %dma_start3A_112 = arith.constant 1 : i32
    %dma_start3A_113 = arith.constant 1 : i32
    %dma_start3A_114 = arith.constant 0 : i32
    %dma_start3A_115 = arith.constant 0 : i32
    %dma_start3A_116 = tpu.memref_slice %arg7[%dma_start3A_113, %dma_start3A_114, %dma_start3A_115] : memref<2x32x1024xf32, #tpu.memory_space<vmem>> -> memref<1x32x1024xf32, #tpu.memory_space<vmem>>
    %dma_start3A_117 = tpu.memref_squeeze %dma_start3A_116 : memref<1x32x1024xf32, #tpu.memory_space<vmem>> -> memref<32x1024xf32, #tpu.memory_space<vmem>>
    %dma_start3A_118 = arith.constant 0 : i32
    %dma_start3A_119 = tpu.memref_slice %arg6[%dma_start3A_112, %dma_start3A_118] : memref<2x32xi32, #tpu.memory_space<vmem>> -> memref<1x32xi32, #tpu.memory_space<vmem>>
    %dma_start3A_120 = tpu.memref_squeeze %dma_start3A_119 : memref<1x32xi32, #tpu.memory_space<vmem>> -> memref<32xi32, #tpu.memory_space<vmem>>
    %dma_start3A_121 = arith.constant 0 : i32
    %dma_start3A_122 = arith.constant 0 : i32
    %dma_start3A_123 = tpu.memref_slice %arg2[%dma_start3A_121, %dma_start3A_122] : memref<4096x1024xf32, #tpu.memory_space<hbm>> -> memref<4096x1024xf32, #tpu.memory_space<hbm>>
    tpu.enqueue_indirect_dma source(%dma_start3A_123 : memref<4096x1024xf32, #tpu.memory_space<hbm>>) target(%dma_start3A_117 : memref<32x1024xf32, #tpu.memory_space<vmem>>) offsets(%dma_start3A_120 : memref<32xi32, #tpu.memory_space<vmem>>) semaphore(%arg8 : memref<!tpu.dma_semaphore, #tpu.memory_space<semaphore_mem>>)
    %dma_wait3A_124 = arith.constant 1 : i32
    %dma_wait3A_125 = arith.constant 1 : i32
    %dma_wait3A_126 = arith.constant 0 : i32
    %dma_wait3A_127 = arith.constant 0 : i32
    %dma_wait3A_128 = tpu.memref_slice %arg7[%dma_wait3A_125, %dma_wait3A_126, %dma_wait3A_127] : memref<2x32x1024xf32, #tpu.memory_space<vmem>> -> memref<1x32x1024xf32, #tpu.memory_space<vmem>>
    %dma_wait3A_129 = tpu.memref_squeeze %dma_wait3A_128 : memref<1x32x1024xf32, #tpu.memory_space<vmem>> -> memref<32x1024xf32, #tpu.memory_space<vmem>>
    %dma_wait3A_130 = arith.constant 0 : i32
    %dma_wait3A_131 = tpu.memref_slice %arg6[%dma_wait3A_124, %dma_wait3A_130] : memref<2x32xi32, #tpu.memory_space<vmem>> -> memref<1x32xi32, #tpu.memory_space<vmem>>
    %dma_wait3A_132 = tpu.memref_squeeze %dma_wait3A_131 : memref<1x32xi32, #tpu.memory_space<vmem>> -> memref<32xi32, #tpu.memory_space<vmem>>
    %dma_wait3A_133 = arith.constant 0 : i32
    %dma_wait3A_134 = arith.constant 0 : i32
    %dma_wait3A_135 = tpu.memref_slice %arg2[%dma_wait3A_133, %dma_wait3A_134] : memref<4096x1024xf32, #tpu.memory_space<hbm>> -> memref<4096x1024xf32, #tpu.memory_space<hbm>>
    tpu.wait_indirect_dma semaphore(%arg8 : memref<!tpu.dma_semaphore, #tpu.memory_space<semaphore_mem>>) src(%dma_wait3A_135 : memref<4096x1024xf32, #tpu.memory_space<hbm>>) dst(%dma_wait3A_129 : memref<32x1024xf32, #tpu.memory_space<vmem>>)
    %dma_start3A_136 = arith.constant 1 : i32
    %dma_start3A_137 = arith.constant 1 : i32
    %dma_start3A_138 = arith.constant 0 : i32
    %dma_start3A_139 = arith.constant 0 : i32
    %dma_start3A_140 = tpu.memref_slice %arg7[%dma_start3A_136, %dma_start3A_138, %dma_start3A_139] : memref<2x32x1024xf32, #tpu.memory_space<vmem>> -> memref<1x32x1024xf32, #tpu.memory_space<vmem>>
    %dma_start3A_141 = tpu.memref_squeeze %dma_start3A_140 : memref<1x32x1024xf32, #tpu.memory_space<vmem>> -> memref<32x1024xf32, #tpu.memory_space<vmem>>
    %dma_start3A_142 = arith.constant 0 : i32
    %dma_start3A_143 = tpu.memref_slice %arg5[%dma_start3A_137, %dma_start3A_142] : memref<8x32xi32, #tpu.memory_space<vmem>> -> memref<1x32xi32, #tpu.memory_space<vmem>>
    %dma_start3A_144 = tpu.memref_squeeze %dma_start3A_143 : memref<1x32xi32, #tpu.memory_space<vmem>> -> memref<32xi32, #tpu.memory_space<vmem>>
    %dma_start3A_145 = arith.constant 0 : i32
    %dma_start3A_146 = arith.constant 0 : i32
    %dma_start3A_147 = tpu.memref_slice %arg4[%dma_start3A_145, %dma_start3A_146] : memref<10240x1024xf32, #tpu.memory_space<hbm>> -> memref<10240x1024xf32, #tpu.memory_space<hbm>>
    tpu.enqueue_indirect_dma source(%dma_start3A_141 : memref<32x1024xf32, #tpu.memory_space<vmem>>) target(%dma_start3A_147 : memref<10240x1024xf32, #tpu.memory_space<hbm>>) offsets(%dma_start3A_144 : memref<32xi32, #tpu.memory_space<vmem>>) semaphore(%arg9 : memref<!tpu.dma_semaphore, #tpu.memory_space<semaphore_mem>>)
    %add3A_148 = arith.constant 64 : i32
    %add3A_149 = arith.addi %mul3A_2, %add3A_148 : i32
    %add3A_150 = arith.constant 0 : i32
    %add3A_151 = arith.addi %add3A_149, %add3A_150 : i32
    %iota3A_152 = tpu.iota {dimensions = array<i32: 0>} : vector<16xi32>
    %add3A_153 = vector.broadcast %add3A_151 : i32 to vector<16xi32>
    %add3A_154 = arith.addi %add3A_153, %iota3A_152 : vector<16xi32>
    %ge3A_155 = arith.constant 4096 : i32
    %ge3A_156 = vector.broadcast %ge3A_155 : i32 to vector<16xi32>
    %ge3A_157 = arith.cmpi sge, %add3A_154, %ge3A_156 : vector<16xi32>
    %sub3A_158 = arith.constant 4096 : i32
    %sub3A_159 = vector.broadcast %sub3A_158 : i32 to vector<16xi32>
    %sub3A_160 = arith.subi %add3A_154, %sub3A_159 : vector<16xi32>
    %select_n3A_161 = arith.select %ge3A_157, %sub3A_160, %add3A_154 : vector<16xi1>, vector<16xi32>
    %swap3A_162 = arith.constant 0 : i32
    %swap3A_163 = arith.index_cast %swap3A_162 : i32 to index
    %swap3A_164 = arith.constant 0 : index
    %swap3A_165 = tpu.vector_load %arg6[%swap3A_163, %swap3A_164] {strides = array<i32>} : memref<2x32xi32, #tpu.memory_space<vmem>>, vector<1x16xi32>,
    %swap3A_166 = vector.shape_cast %swap3A_165 : vector<1x16xi32> to vector<16xi32>
    %swap3A_167 = vector.shape_cast %select_n3A_161 : vector<16xi32> to vector<1x16xi32>
    tpu.vector_store %arg6[%swap3A_163, %swap3A_164], %swap3A_167 {strides = array<i32>} : memref<2x32xi32, #tpu.memory_space<vmem>>, vector<1x16xi32>,
    %add3A_168 = arith.constant 64 : i32
    %add3A_169 = arith.addi %mul3A_2, %add3A_168 : i32
    %add3A_170 = arith.constant 16 : i32
    %add3A_171 = arith.addi %add3A_169, %add3A_170 : i32
    %iota3A_172 = tpu.iota {dimensions = array<i32: 0>} : vector<16xi32>
    %add3A_173 = vector.broadcast %add3A_171 : i32 to vector<16xi32>
    %add3A_174 = arith.addi %add3A_173, %iota3A_172 : vector<16xi32>
    %ge3A_175 = arith.constant 4096 : i32
    %ge3A_176 = vector.broadcast %ge3A_175 : i32 to vector<16xi32>
    %ge3A_177 = arith.cmpi sge, %add3A_174, %ge3A_176 : vector<16xi32>
    %sub3A_178 = arith.constant 4096 : i32
    %sub3A_179 = vector.broadcast %sub3A_178 : i32 to vector<16xi32>
    %sub3A_180 = arith.subi %add3A_174, %sub3A_179 : vector<16xi32>
    %select_n3A_181 = arith.select %ge3A_177, %sub3A_180, %add3A_174 : vector<16xi1>, vector<16xi32>
    %swap3A_182 = arith.constant 0 : i32
    %swap3A_183 = arith.index_cast %swap3A_182 : i32 to index
    %swap3A_184 = arith.constant 16 : index
    %swap3A_185 = tpu.vector_load %arg6[%swap3A_183, %swap3A_184] {strides = array<i32>} : memref<2x32xi32, #tpu.memory_space<vmem>>, vector<1x16xi32>,
    %swap3A_186 = vector.shape_cast %swap3A_185 : vector<1x16xi32> to vector<16xi32>
    %swap3A_187 = vector.shape_cast %select_n3A_181 : vector<16xi32> to vector<1x16xi32>
    tpu.vector_store %arg6[%swap3A_183, %swap3A_184], %swap3A_187 {strides = array<i32>} : memref<2x32xi32, #tpu.memory_space<vmem>>, vector<1x16xi32>,
    %dma_wait3A_188 = arith.constant 0 : i32
    %dma_wait3A_189 = arith.constant 0 : i32
    %dma_wait3A_190 = arith.constant 0 : i32
    %dma_wait3A_191 = arith.constant 0 : i32
    %dma_wait3A_192 = tpu.memref_slice %arg7[%dma_wait3A_188, %dma_wait3A_190, %dma_wait3A_191] : memref<2x32x1024xf32, #tpu.memory_space<vmem>> -> memref<1x32x1024xf32, #tpu.memory_space<vmem>>
    %dma_wait3A_193 = tpu.memref_squeeze %dma_wait3A_192 : memref<1x32x1024xf32, #tpu.memory_space<vmem>> -> memref<32x1024xf32, #tpu.memory_space<vmem>>
    %dma_wait3A_194 = arith.constant 0 : i32
    %dma_wait3A_195 = tpu.memref_slice %arg5[%dma_wait3A_189, %dma_wait3A_194] : memref<8x32xi32, #tpu.memory_space<vmem>> -> memref<1x32xi32, #tpu.memory_space<vmem>>
    %dma_wait3A_196 = tpu.memref_squeeze %dma_wait3A_195 : memref<1x32xi32, #tpu.memory_space<vmem>> -> memref<32xi32, #tpu.memory_space<vmem>>
    %dma_wait3A_197 = arith.constant 0 : i32
    %dma_wait3A_198 = arith.constant 0 : i32
    %dma_wait3A_199 = tpu.memref_slice %arg4[%dma_wait3A_197, %dma_wait3A_198] : memref<10240x1024xf32, #tpu.memory_space<hbm>> -> memref<10240x1024xf32, #tpu.memory_space<hbm>>
    tpu.wait_indirect_dma semaphore(%arg9 : memref<!tpu.dma_semaphore, #tpu.memory_space<semaphore_mem>>) src(%dma_wait3A_193 : memref<32x1024xf32, #tpu.memory_space<vmem>>) dst(%dma_wait3A_199 : memref<10240x1024xf32, #tpu.memory_space<hbm>>)
    %dma_start3A_200 = arith.constant 0 : i32
    %dma_start3A_201 = arith.constant 0 : i32
    %dma_start3A_202 = arith.constant 0 : i32
    %dma_start3A_203 = arith.constant 0 : i32
    %dma_start3A_204 = tpu.memref_slice %arg7[%dma_start3A_201, %dma_start3A_202, %dma_start3A_203] : memref<2x32x1024xf32, #tpu.memory_space<vmem>> -> memref<1x32x1024xf32, #tpu.memory_space<vmem>>
    %dma_start3A_205 = tpu.memref_squeeze %dma_start3A_204 : memref<1x32x1024xf32, #tpu.memory_space<vmem>> -> memref<32x1024xf32, #tpu.memory_space<vmem>>
    %dma_start3A_206 = arith.constant 0 : i32
    %dma_start3A_207 = tpu.memref_slice %arg6[%dma_start3A_200, %dma_start3A_206] : memref<2x32xi32, #tpu.memory_space<vmem>> -> memref<1x32xi32, #tpu.memory_space<vmem>>
    %dma_start3A_208 = tpu.memref_squeeze %dma_start3A_207 : memref<1x32xi32, #tpu.memory_space<vmem>> -> memref<32xi32, #tpu.memory_space<vmem>>
    %dma_start3A_209 = arith.constant 0 : i32
    %dma_start3A_210 = arith.constant 0 : i32
    %dma_start3A_211 = tpu.memref_slice %arg2[%dma_start3A_209, %dma_start3A_210] : memref<4096x1024xf32, #tpu.memory_space<hbm>> -> memref<4096x1024xf32, #tpu.memory_space<hbm>>
    tpu.enqueue_indirect_dma source(%dma_start3A_211 : memref<4096x1024xf32, #tpu.memory_space<hbm>>) target(%dma_start3A_205 : memref<32x1024xf32, #tpu.memory_space<vmem>>) offsets(%dma_start3A_208 : memref<32xi32, #tpu.memory_space<vmem>>) semaphore(%arg8 : memref<!tpu.dma_semaphore, #tpu.memory_space<semaphore_mem>>)
    %dma_wait3A_212 = arith.constant 0 : i32
    %dma_wait3A_213 = arith.constant 0 : i32
    %dma_wait3A_214 = arith.constant 0 : i32
    %dma_wait3A_215 = arith.constant 0 : i32
    %dma_wait3A_216 = tpu.memref_slice %arg7[%dma_wait3A_213, %dma_wait3A_214, %dma_wait3A_215] : memref<2x32x1024xf32, #tpu.memory_space<vmem>> -> memref<1x32x1024xf32, #tpu.memory_space<vmem>>
    %dma_wait3A_217 = tpu.memref_squeeze %dma_wait3A_216 : memref<1x32x1024xf32, #tpu.memory_space<vmem>> -> memref<32x1024xf32, #tpu.memory_space<vmem>>
    %dma_wait3A_218 = arith.constant 0 : i32
    %dma_wait3A_219 = tpu.memref_slice %arg6[%dma_wait3A_212, %dma_wait3A_218] : memref<2x32xi32, #tpu.memory_space<vmem>> -> memref<1x32xi32, #tpu.memory_space<vmem>>
    %dma_wait3A_220 = tpu.memref_squeeze %dma_wait3A_219 : memref<1x32xi32, #tpu.memory_space<vmem>> -> memref<32xi32, #tpu.memory_space<vmem>>
    %dma_wait3A_221 = arith.constant 0 : i32
    %dma_wait3A_222 = arith.constant 0 : i32
    %dma_wait3A_223 = tpu.memref_slice %arg2[%dma_wait3A_221, %dma_wait3A_222] : memref<4096x1024xf32, #tpu.memory_space<hbm>> -> memref<4096x1024xf32, #tpu.memory_space<hbm>>
    tpu.wait_indirect_dma semaphore(%arg8 : memref<!tpu.dma_semaphore, #tpu.memory_space<semaphore_mem>>) src(%dma_wait3A_223 : memref<4096x1024xf32, #tpu.memory_space<hbm>>) dst(%dma_wait3A_217 : memref<32x1024xf32, #tpu.memory_space<vmem>>)
    %dma_start3A_224 = arith.constant 0 : i32
    %dma_start3A_225 = arith.constant 2 : i32
    %dma_start3A_226 = arith.constant 0 : i32
    %dma_start3A_227 = arith.constant 0 : i32
    %dma_start3A_228 = tpu.memref_slice %arg7[%dma_start3A_224, %dma_start3A_226, %dma_start3A_227] : memref<2x32x1024xf32, #tpu.memory_space<vmem>> -> memref<1x32x1024xf32, #tpu.memory_space<vmem>>
    %dma_start3A_229 = tpu.memref_squeeze %dma_start3A_228 : memref<1x32x1024xf32, #tpu.memory_space<vmem>> -> memref<32x1024xf32, #tpu.memory_space<vmem>>
    %dma_start3A_230 = arith.constant 0 : i32
    %dma_start3A_231 = tpu.memref_slice %arg5[%dma_start3A_225, %dma_start3A_230] : memref<8x32xi32, #tpu.memory_space<vmem>> -> memref<1x32xi32, #tpu.memory_space<vmem>>
    %dma_start3A_232 = tpu.memref_squeeze %dma_start3A_231 : memref<1x32xi32, #tpu.memory_space<vmem>> -> memref<32xi32, #tpu.memory_space<vmem>>
    %dma_start3A_233 = arith.constant 0 : i32
    %dma_start3A_234 = arith.constant 0 : i32
    %dma_start3A_235 = tpu.memref_slice %arg4[%dma_start3A_233, %dma_start3A_234] : memref<10240x1024xf32, #tpu.memory_space<hbm>> -> memref<10240x1024xf32, #tpu.memory_space<hbm>>
    tpu.enqueue_indirect_dma source(%dma_start3A_229 : memref<32x1024xf32, #tpu.memory_space<vmem>>) target(%dma_start3A_235 : memref<10240x1024xf32, #tpu.memory_space<hbm>>) offsets(%dma_start3A_232 : memref<32xi32, #tpu.memory_space<vmem>>) semaphore(%arg9 : memref<!tpu.dma_semaphore, #tpu.memory_space<semaphore_mem>>)
    %add3A_236 = arith.constant 96 : i32
    %add3A_237 = arith.addi %mul3A_2, %add3A_236 : i32
    %add3A_238 = arith.constant 0 : i32
    %add3A_239 = arith.addi %add3A_237, %add3A_238 : i32
    %iota3A_240 = tpu.iota {dimensions = array<i32: 0>} : vector<16xi32>
    %add3A_241 = vector.broadcast %add3A_239 : i32 to vector<16xi32>
    %add3A_242 = arith.addi %add3A_241, %iota3A_240 : vector<16xi32>
    %ge3A_243 = arith.constant 4096 : i32
    %ge3A_244 = vector.broadcast %ge3A_243 : i32 to vector<16xi32>
    %ge3A_245 = arith.cmpi sge, %add3A_242, %ge3A_244 : vector<16xi32>
    %sub3A_246 = arith.constant 4096 : i32
    %sub3A_247 = vector.broadcast %sub3A_246 : i32 to vector<16xi32>
    %sub3A_248 = arith.subi %add3A_242, %sub3A_247 : vector<16xi32>
    %select_n3A_249 = arith.select %ge3A_245, %sub3A_248, %add3A_242 : vector<16xi1>, vector<16xi32>
    %swap3A_250 = arith.constant 1 : i32
    %swap3A_251 = arith.index_cast %swap3A_250 : i32 to index
    %swap3A_252 = arith.constant 0 : index
    %swap3A_253 = tpu.vector_load %arg6[%swap3A_251, %swap3A_252] {strides = array<i32>} : memref<2x32xi32, #tpu.memory_space<vmem>>, vector<1x16xi32>,
    %swap3A_254 = vector.shape_cast %swap3A_253 : vector<1x16xi32> to vector<16xi32>
    %swap3A_255 = vector.shape_cast %select_n3A_249 : vector<16xi32> to vector<1x16xi32>
    tpu.vector_store %arg6[%swap3A_251, %swap3A_252], %swap3A_255 {strides = array<i32>} : memref<2x32xi32, #tpu.memory_space<vmem>>, vector<1x16xi32>,
    %add3A_256 = arith.constant 96 : i32
    %add3A_257 = arith.addi %mul3A_2, %add3A_256 : i32
    %add3A_258 = arith.constant 16 : i32
    %add3A_259 = arith.addi %add3A_257, %add3A_258 : i32
    %iota3A_260 = tpu.iota {dimensions = array<i32: 0>} : vector<16xi32>
    %add3A_261 = vector.broadcast %add3A_259 : i32 to vector<16xi32>
    %add3A_262 = arith.addi %add3A_261, %iota3A_260 : vector<16xi32>
    %ge3A_263 = arith.constant 4096 : i32
    %ge3A_264 = vector.broadcast %ge3A_263 : i32 to vector<16xi32>
    %ge3A_265 = arith.cmpi sge, %add3A_262, %ge3A_264 : vector<16xi32>
    %sub3A_266 = arith.constant 4096 : i32
    %sub3A_267 = vector.broadcast %sub3A_266 : i32 to vector<16xi32>
    %sub3A_268 = arith.subi %add3A_262, %sub3A_267 : vector<16xi32>
    %select_n3A_269 = arith.select %ge3A_265, %sub3A_268, %add3A_262 : vector<16xi1>, vector<16xi32>
    %swap3A_270 = arith.constant 1 : i32
    %swap3A_271 = arith.index_cast %swap3A_270 : i32 to index
    %swap3A_272 = arith.constant 16 : index
    %swap3A_273 = tpu.vector_load %arg6[%swap3A_271, %swap3A_272] {strides = array<i32>} : memref<2x32xi32, #tpu.memory_space<vmem>>, vector<1x16xi32>,
    %swap3A_274 = vector.shape_cast %swap3A_273 : vector<1x16xi32> to vector<16xi32>
    %swap3A_275 = vector.shape_cast %select_n3A_269 : vector<16xi32> to vector<1x16xi32>
    tpu.vector_store %arg6[%swap3A_271, %swap3A_272], %swap3A_275 {strides = array<i32>} : memref<2x32xi32, #tpu.memory_space<vmem>>, vector<1x16xi32>,
    %dma_wait3A_276 = arith.constant 1 : i32
    %dma_wait3A_277 = arith.constant 1 : i32
    %dma_wait3A_278 = arith.constant 0 : i32
    %dma_wait3A_279 = arith.constant 0 : i32
    %dma_wait3A_280 = tpu.memref_slice %arg7[%dma_wait3A_276, %dma_wait3A_278, %dma_wait3A_279] : memref<2x32x1024xf32, #tpu.memory_space<vmem>> -> memref<1x32x1024xf32, #tpu.memory_space<vmem>>
    %dma_wait3A_281 = tpu.memref_squeeze %dma_wait3A_280 : memref<1x32x1024xf32, #tpu.memory_space<vmem>> -> memref<32x1024xf32, #tpu.memory_space<vmem>>
    %dma_wait3A_282 = arith.constant 0 : i32
    %dma_wait3A_283 = tpu.memref_slice %arg5[%dma_wait3A_277, %dma_wait3A_282] : memref<8x32xi32, #tpu.memory_space<vmem>> -> memref<1x32xi32, #tpu.memory_space<vmem>>
    %dma_wait3A_284 = tpu.memref_squeeze %dma_wait3A_283 : memref<1x32xi32, #tpu.memory_space<vmem>> -> memref<32xi32, #tpu.memory_space<vmem>>
    %dma_wait3A_285 = arith.constant 0 : i32
    %dma_wait3A_286 = arith.constant 0 : i32
    %dma_wait3A_287 = tpu.memref_slice %arg4[%dma_wait3A_285, %dma_wait3A_286] : memref<10240x1024xf32, #tpu.memory_space<hbm>> -> memref<10240x1024xf32, #tpu.memory_space<hbm>>
    tpu.wait_indirect_dma semaphore(%arg9 : memref<!tpu.dma_semaphore, #tpu.memory_space<semaphore_mem>>) src(%dma_wait3A_281 : memref<32x1024xf32, #tpu.memory_space<vmem>>) dst(%dma_wait3A_287 : memref<10240x1024xf32, #tpu.memory_space<hbm>>)
    %dma_start3A_288 = arith.constant 1 : i32
    %dma_start3A_289 = arith.constant 1 : i32
    %dma_start3A_290 = arith.constant 0 : i32
    %dma_start3A_291 = arith.constant 0 : i32
    %dma_start3A_292 = tpu.memref_slice %arg7[%dma_start3A_289, %dma_start3A_290, %dma_start3A_291] : memref<2x32x1024xf32, #tpu.memory_space<vmem>> -> memref<1x32x1024xf32, #tpu.memory_space<vmem>>
    %dma_start3A_293 = tpu.memref_squeeze %dma_start3A_292 : memref<1x32x1024xf32, #tpu.memory_space<vmem>> -> memref<32x1024xf32, #tpu.memory_space<vmem>>
    %dma_start3A_294 = arith.constant 0 : i32
    %dma_start3A_295 = tpu.memref_slice %arg6[%dma_start3A_288, %dma_start3A_294] : memref<2x32xi32, #tpu.memory_space<vmem>> -> memref<1x32xi32, #tpu.memory_space<vmem>>
    %dma_start3A_296 = tpu.memref_squeeze %dma_start3A_295 : memref<1x32xi32, #tpu.memory_space<vmem>> -> memref<32xi32, #tpu.memory_space<vmem>>
    %dma_start3A_297 = arith.constant 0 : i32
    %dma_start3A_298 = arith.constant 0 : i32
    %dma_start3A_299 = tpu.memref_slice %arg2[%dma_start3A_297, %dma_start3A_298] : memref<4096x1024xf32, #tpu.memory_space<hbm>> -> memref<4096x1024xf32, #tpu.memory_space<hbm>>
    tpu.enqueue_indirect_dma source(%dma_start3A_299 : memref<4096x1024xf32, #tpu.memory_space<hbm>>) target(%dma_start3A_293 : memref<32x1024xf32, #tpu.memory_space<vmem>>) offsets(%dma_start3A_296 : memref<32xi32, #tpu.memory_space<vmem>>) semaphore(%arg8 : memref<!tpu.dma_semaphore, #tpu.memory_space<semaphore_mem>>)
    %dma_wait3A_300 = arith.constant 1 : i32
    %dma_wait3A_301 = arith.constant 1 : i32
    %dma_wait3A_302 = arith.constant 0 : i32
    %dma_wait3A_303 = arith.constant 0 : i32
    %dma_wait3A_304 = tpu.memref_slice %arg7[%dma_wait3A_301, %dma_wait3A_302, %dma_wait3A_303] : memref<2x32x1024xf32, #tpu.memory_space<vmem>> -> memref<1x32x1024xf32, #tpu.memory_space<vmem>>
    %dma_wait3A_305 = tpu.memref_squeeze %dma_wait3A_304 : memref<1x32x1024xf32, #tpu.memory_space<vmem>> -> memref<32x1024xf32, #tpu.memory_space<vmem>>
    %dma_wait3A_306 = arith.constant 0 : i32
    %dma_wait3A_307 = tpu.memref_slice %arg6[%dma_wait3A_300, %dma_wait3A_306] : memref<2x32xi32, #tpu.memory_space<vmem>> -> memref<1x32xi32, #tpu.memory_space<vmem>>
    %dma_wait3A_308 = tpu.memref_squeeze %dma_wait3A_307 : memref<1x32xi32, #tpu.memory_space<vmem>> -> memref<32xi32, #tpu.memory_space<vmem>>
    %dma_wait3A_309 = arith.constant 0 : i32
    %dma_wait3A_310 = arith.constant 0 : i32
    %dma_wait3A_311 = tpu.memref_slice %arg2[%dma_wait3A_309, %dma_wait3A_310] : memref<4096x1024xf32, #tpu.memory_space<hbm>> -> memref<4096x1024xf32, #tpu.memory_space<hbm>>
    tpu.wait_indirect_dma semaphore(%arg8 : memref<!tpu.dma_semaphore, #tpu.memory_space<semaphore_mem>>) src(%dma_wait3A_311 : memref<4096x1024xf32, #tpu.memory_space<hbm>>) dst(%dma_wait3A_305 : memref<32x1024xf32, #tpu.memory_space<vmem>>)
    %dma_start3A_312 = arith.constant 1 : i32
    %dma_start3A_313 = arith.constant 3 : i32
    %dma_start3A_314 = arith.constant 0 : i32
    %dma_start3A_315 = arith.constant 0 : i32
    %dma_start3A_316 = tpu.memref_slice %arg7[%dma_start3A_312, %dma_start3A_314, %dma_start3A_315] : memref<2x32x1024xf32, #tpu.memory_space<vmem>> -> memref<1x32x1024xf32, #tpu.memory_space<vmem>>
    %dma_start3A_317 = tpu.memref_squeeze %dma_start3A_316 : memref<1x32x1024xf32, #tpu.memory_space<vmem>> -> memref<32x1024xf32, #tpu.memory_space<vmem>>
    %dma_start3A_318 = arith.constant 0 : i32
    %dma_start3A_319 = tpu.memref_slice %arg5[%dma_start3A_313, %dma_start3A_318] : memref<8x32xi32, #tpu.memory_space<vmem>> -> memref<1x32xi32, #tpu.memory_space<vmem>>
    %dma_start3A_320 = tpu.memref_squeeze %dma_start3A_319 : memref<1x32xi32, #tpu.memory_space<vmem>> -> memref<32xi32, #tpu.memory_space<vmem>>
    %dma_start3A_321 = arith.constant 0 : i32
    %dma_start3A_322 = arith.constant 0 : i32
    %dma_start3A_323 = tpu.memref_slice %arg4[%dma_start3A_321, %dma_start3A_322] : memref<10240x1024xf32, #tpu.memory_space<hbm>> -> memref<10240x1024xf32, #tpu.memory_space<hbm>>
    tpu.enqueue_indirect_dma source(%dma_start3A_317 : memref<32x1024xf32, #tpu.memory_space<vmem>>) target(%dma_start3A_323 : memref<10240x1024xf32, #tpu.memory_space<hbm>>) offsets(%dma_start3A_320 : memref<32xi32, #tpu.memory_space<vmem>>) semaphore(%arg9 : memref<!tpu.dma_semaphore, #tpu.memory_space<semaphore_mem>>)
    %add3A_324 = arith.constant 128 : i32
    %add3A_325 = arith.addi %mul3A_2, %add3A_324 : i32
    %add3A_326 = arith.constant 0 : i32
    %add3A_327 = arith.addi %add3A_325, %add3A_326 : i32
    %iota3A_328 = tpu.iota {dimensions = array<i32: 0>} : vector<16xi32>
    %add3A_329 = vector.broadcast %add3A_327 : i32 to vector<16xi32>
    %add3A_330 = arith.addi %add3A_329, %iota3A_328 : vector<16xi32>
    %ge3A_331 = arith.constant 4096 : i32
    %ge3A_332 = vector.broadcast %ge3A_331 : i32 to vector<16xi32>
    %ge3A_333 = arith.cmpi sge, %add3A_330, %ge3A_332 : vector<16xi32>
    %sub3A_334 = arith.constant 4096 : i32
    %sub3A_335 = vector.broadcast %sub3A_334 : i32 to vector<16xi32>
    %sub3A_336 = arith.subi %add3A_330, %sub3A_335 : vector<16xi32>
    %select_n3A_337 = arith.select %ge3A_333, %sub3A_336, %add3A_330 : vector<16xi1>, vector<16xi32>
    %swap3A_338 = arith.constant 0 : i32
    %swap3A_339 = arith.index_cast %swap3A_338 : i32 to index
    %swap3A_340 = arith.constant 0 : index
    %swap3A_341 = tpu.vector_load %arg6[%swap3A_339, %swap3A_340] {strides = array<i32>} : memref<2x32xi32, #tpu.memory_space<vmem>>, vector<1x16xi32>,
    %swap3A_342 = vector.shape_cast %swap3A_341 : vector<1x16xi32> to vector<16xi32>
    %swap3A_343 = vector.shape_cast %select_n3A_337 : vector<16xi32> to vector<1x16xi32>
    tpu.vector_store %arg6[%swap3A_339, %swap3A_340], %swap3A_343 {strides = array<i32>} : memref<2x32xi32, #tpu.memory_space<vmem>>, vector<1x16xi32>,
    %add3A_344 = arith.constant 128 : i32
    %add3A_345 = arith.addi %mul3A_2, %add3A_344 : i32
    %add3A_346 = arith.constant 16 : i32
    %add3A_347 = arith.addi %add3A_345, %add3A_346 : i32
    %iota3A_348 = tpu.iota {dimensions = array<i32: 0>} : vector<16xi32>
    %add3A_349 = vector.broadcast %add3A_347 : i32 to vector<16xi32>
    %add3A_350 = arith.addi %add3A_349, %iota3A_348 : vector<16xi32>
    %ge3A_351 = arith.constant 4096 : i32
    %ge3A_352 = vector.broadcast %ge3A_351 : i32 to vector<16xi32>
    %ge3A_353 = arith.cmpi sge, %add3A_350, %ge3A_352 : vector<16xi32>
    %sub3A_354 = arith.constant 4096 : i32
    %sub3A_355 = vector.broadcast %sub3A_354 : i32 to vector<16xi32>
    %sub3A_356 = arith.subi %add3A_350, %sub3A_355 : vector<16xi32>
    %select_n3A_357 = arith.select %ge3A_353, %sub3A_356, %add3A_350 : vector<16xi1>, vector<16xi32>
    %swap3A_358 = arith.constant 0 : i32
    %swap3A_359 = arith.index_cast %swap3A_358 : i32 to index
    %swap3A_360 = arith.constant 16 : index
    %swap3A_361 = tpu.vector_load %arg6[%swap3A_359, %swap3A_360] {strides = array<i32>} : memref<2x32xi32, #tpu.memory_space<vmem>>, vector<1x16xi32>,
    %swap3A_362 = vector.shape_cast %swap3A_361 : vector<1x16xi32> to vector<16xi32>
    %swap3A_363 = vector.shape_cast %select_n3A_357 : vector<16xi32> to vector<1x16xi32>
    tpu.vector_store %arg6[%swap3A_359, %swap3A_360], %swap3A_363 {strides = array<i32>} : memref<2x32xi32, #tpu.memory_space<vmem>>, vector<1x16xi32>,
    %dma_wait3A_364 = arith.constant 0 : i32
    %dma_wait3A_365 = arith.constant 2 : i32
    %dma_wait3A_366 = arith.constant 0 : i32
    %dma_wait3A_367 = arith.constant 0 : i32
    %dma_wait3A_368 = tpu.memref_slice %arg7[%dma_wait3A_364, %dma_wait3A_366, %dma_wait3A_367] : memref<2x32x1024xf32, #tpu.memory_space<vmem>> -> memref<1x32x1024xf32, #tpu.memory_space<vmem>>
    %dma_wait3A_369 = tpu.memref_squeeze %dma_wait3A_368 : memref<1x32x1024xf32, #tpu.memory_space<vmem>> -> memref<32x1024xf32, #tpu.memory_space<vmem>>
    %dma_wait3A_370 = arith.constant 0 : i32
    %dma_wait3A_371 = tpu.memref_slice %arg5[%dma_wait3A_365, %dma_wait3A_370] : memref<8x32xi32, #tpu.memory_space<vmem>> -> memref<1x32xi32, #tpu.memory_space<vmem>>
    %dma_wait3A_372 = tpu.memref_squeeze %dma_wait3A_371 : memref<1x32xi32, #tpu.memory_space<vmem>> -> memref<32xi32, #tpu.memory_space<vmem>>
    %dma_wait3A_373 = arith.constant 0 : i32
    %dma_wait3A_374 = arith.constant 0 : i32
    %dma_wait3A_375 = tpu.memref_slice %arg4[%dma_wait3A_373, %dma_wait3A_374] : memref<10240x1024xf32, #tpu.memory_space<hbm>> -> memref<10240x1024xf32, #tpu.memory_space<hbm>>
    tpu.wait_indirect_dma semaphore(%arg9 : memref<!tpu.dma_semaphore, #tpu.memory_space<semaphore_mem>>) src(%dma_wait3A_369 : memref<32x1024xf32, #tpu.memory_space<vmem>>) dst(%dma_wait3A_375 : memref<10240x1024xf32, #tpu.memory_space<hbm>>)
    %dma_start3A_376 = arith.constant 0 : i32
    %dma_start3A_377 = arith.constant 0 : i32
    %dma_start3A_378 = arith.constant 0 : i32
    %dma_start3A_379 = arith.constant 0 : i32
    %dma_start3A_380 = tpu.memref_slice %arg7[%dma_start3A_377, %dma_start3A_378, %dma_start3A_379] : memref<2x32x1024xf32, #tpu.memory_space<vmem>> -> memref<1x32x1024xf32, #tpu.memory_space<vmem>>
    %dma_start3A_381 = tpu.memref_squeeze %dma_start3A_380 : memref<1x32x1024xf32, #tpu.memory_space<vmem>> -> memref<32x1024xf32, #tpu.memory_space<vmem>>
    %dma_start3A_382 = arith.constant 0 : i32
    %dma_start3A_383 = tpu.memref_slice %arg6[%dma_start3A_376, %dma_start3A_382] : memref<2x32xi32, #tpu.memory_space<vmem>> -> memref<1x32xi32, #tpu.memory_space<vmem>>
    %dma_start3A_384 = tpu.memref_squeeze %dma_start3A_383 : memref<1x32xi32, #tpu.memory_space<vmem>> -> memref<32xi32, #tpu.memory_space<vmem>>
    %dma_start3A_385 = arith.constant 0 : i32
    %dma_start3A_386 = arith.constant 0 : i32
    %dma_start3A_387 = tpu.memref_slice %arg2[%dma_start3A_385, %dma_start3A_386] : memref<4096x1024xf32, #tpu.memory_space<hbm>> -> memref<4096x1024xf32, #tpu.memory_space<hbm>>
    tpu.enqueue_indirect_dma source(%dma_start3A_387 : memref<4096x1024xf32, #tpu.memory_space<hbm>>) target(%dma_start3A_381 : memref<32x1024xf32, #tpu.memory_space<vmem>>) offsets(%dma_start3A_384 : memref<32xi32, #tpu.memory_space<vmem>>) semaphore(%arg8 : memref<!tpu.dma_semaphore, #tpu.memory_space<semaphore_mem>>)
    %dma_wait3A_388 = arith.constant 0 : i32
    %dma_wait3A_389 = arith.constant 0 : i32
    %dma_wait3A_390 = arith.constant 0 : i32
    %dma_wait3A_391 = arith.constant 0 : i32
    %dma_wait3A_392 = tpu.memref_slice %arg7[%dma_wait3A_389, %dma_wait3A_390, %dma_wait3A_391] : memref<2x32x1024xf32, #tpu.memory_space<vmem>> -> memref<1x32x1024xf32, #tpu.memory_space<vmem>>
    %dma_wait3A_393 = tpu.memref_squeeze %dma_wait3A_392 : memref<1x32x1024xf32, #tpu.memory_space<vmem>> -> memref<32x1024xf32, #tpu.memory_space<vmem>>
    %dma_wait3A_394 = arith.constant 0 : i32
    %dma_wait3A_395 = tpu.memref_slice %arg6[%dma_wait3A_388, %dma_wait3A_394] : memref<2x32xi32, #tpu.memory_space<vmem>> -> memref<1x32xi32, #tpu.memory_space<vmem>>
    %dma_wait3A_396 = tpu.memref_squeeze %dma_wait3A_395 : memref<1x32xi32, #tpu.memory_space<vmem>> -> memref<32xi32, #tpu.memory_space<vmem>>
    %dma_wait3A_397 = arith.constant 0 : i32
    %dma_wait3A_398 = arith.constant 0 : i32
    %dma_wait3A_399 = tpu.memref_slice %arg2[%dma_wait3A_397, %dma_wait3A_398] : memref<4096x1024xf32, #tpu.memory_space<hbm>> -> memref<4096x1024xf32, #tpu.memory_space<hbm>>
    tpu.wait_indirect_dma semaphore(%arg8 : memref<!tpu.dma_semaphore, #tpu.memory_space<semaphore_mem>>) src(%dma_wait3A_399 : memref<4096x1024xf32, #tpu.memory_space<hbm>>) dst(%dma_wait3A_393 : memref<32x1024xf32, #tpu.memory_space<vmem>>)
    %dma_start3A_400 = arith.constant 0 : i32
    %dma_start3A_401 = arith.constant 4 : i32
    %dma_start3A_402 = arith.constant 0 : i32
    %dma_start3A_403 = arith.constant 0 : i32
    %dma_start3A_404 = tpu.memref_slice %arg7[%dma_start3A_400, %dma_start3A_402, %dma_start3A_403] : memref<2x32x1024xf32, #tpu.memory_space<vmem>> -> memref<1x32x1024xf32, #tpu.memory_space<vmem>>
    %dma_start3A_405 = tpu.memref_squeeze %dma_start3A_404 : memref<1x32x1024xf32, #tpu.memory_space<vmem>> -> memref<32x1024xf32, #tpu.memory_space<vmem>>
    %dma_start3A_406 = arith.constant 0 : i32
    %dma_start3A_407 = tpu.memref_slice %arg5[%dma_start3A_401, %dma_start3A_406] : memref<8x32xi32, #tpu.memory_space<vmem>> -> memref<1x32xi32, #tpu.memory_space<vmem>>
    %dma_start3A_408 = tpu.memref_squeeze %dma_start3A_407 : memref<1x32xi32, #tpu.memory_space<vmem>> -> memref<32xi32, #tpu.memory_space<vmem>>
    %dma_start3A_409 = arith.constant 0 : i32
    %dma_start3A_410 = arith.constant 0 : i32
    %dma_start3A_411 = tpu.memref_slice %arg4[%dma_start3A_409, %dma_start3A_410] : memref<10240x1024xf32, #tpu.memory_space<hbm>> -> memref<10240x1024xf32, #tpu.memory_space<hbm>>
    tpu.enqueue_indirect_dma source(%dma_start3A_405 : memref<32x1024xf32, #tpu.memory_space<vmem>>) target(%dma_start3A_411 : memref<10240x1024xf32, #tpu.memory_space<hbm>>) offsets(%dma_start3A_408 : memref<32xi32, #tpu.memory_space<vmem>>) semaphore(%arg9 : memref<!tpu.dma_semaphore, #tpu.memory_space<semaphore_mem>>)
    %add3A_412 = arith.constant 160 : i32
    %add3A_413 = arith.addi %mul3A_2, %add3A_412 : i32
    %add3A_414 = arith.constant 0 : i32
    %add3A_415 = arith.addi %add3A_413, %add3A_414 : i32
    %iota3A_416 = tpu.iota {dimensions = array<i32: 0>} : vector<16xi32>
    %add3A_417 = vector.broadcast %add3A_415 : i32 to vector<16xi32>
    %add3A_418 = arith.addi %add3A_417, %iota3A_416 : vector<16xi32>
    %ge3A_419 = arith.constant 4096 : i32
    %ge3A_420 = vector.broadcast %ge3A_419 : i32 to vector<16xi32>
    %ge3A_421 = arith.cmpi sge, %add3A_418, %ge3A_420 : vector<16xi32>
    %sub3A_422 = arith.constant 4096 : i32
    %sub3A_423 = vector.broadcast %sub3A_422 : i32 to vector<16xi32>
    %sub3A_424 = arith.subi %add3A_418, %sub3A_423 : vector<16xi32>
    %select_n3A_425 = arith.select %ge3A_421, %sub3A_424, %add3A_418 : vector<16xi1>, vector<16xi32>
    %swap3A_426 = arith.constant 1 : i32
    %swap3A_427 = arith.index_cast %swap3A_426 : i32 to index
    %swap3A_428 = arith.constant 0 : index
    %swap3A_429 = tpu.vector_load %arg6[%swap3A_427, %swap3A_428] {strides = array<i32>} : memref<2x32xi32, #tpu.memory_space<vmem>>, vector<1x16xi32>,
    %swap3A_430 = vector.shape_cast %swap3A_429 : vector<1x16xi32> to vector<16xi32>
    %swap3A_431 = vector.shape_cast %select_n3A_425 : vector<16xi32> to vector<1x16xi32>
    tpu.vector_store %arg6[%swap3A_427, %swap3A_428], %swap3A_431 {strides = array<i32>} : memref<2x32xi32, #tpu.memory_space<vmem>>, vector<1x16xi32>,
    %add3A_432 = arith.constant 160 : i32
    %add3A_433 = arith.addi %mul3A_2, %add3A_432 : i32
    %add3A_434 = arith.constant 16 : i32
    %add3A_435 = arith.addi %add3A_433, %add3A_434 : i32
    %iota3A_436 = tpu.iota {dimensions = array<i32: 0>} : vector<16xi32>
    %add3A_437 = vector.broadcast %add3A_435 : i32 to vector<16xi32>
    %add3A_438 = arith.addi %add3A_437, %iota3A_436 : vector<16xi32>
    %ge3A_439 = arith.constant 4096 : i32
    %ge3A_440 = vector.broadcast %ge3A_439 : i32 to vector<16xi32>
    %ge3A_441 = arith.cmpi sge, %add3A_438, %ge3A_440 : vector<16xi32>
    %sub3A_442 = arith.constant 4096 : i32
    %sub3A_443 = vector.broadcast %sub3A_442 : i32 to vector<16xi32>
    %sub3A_444 = arith.subi %add3A_438, %sub3A_443 : vector<16xi32>
    %select_n3A_445 = arith.select %ge3A_441, %sub3A_444, %add3A_438 : vector<16xi1>, vector<16xi32>
    %swap3A_446 = arith.constant 1 : i32
    %swap3A_447 = arith.index_cast %swap3A_446 : i32 to index
    %swap3A_448 = arith.constant 16 : index
    %swap3A_449 = tpu.vector_load %arg6[%swap3A_447, %swap3A_448] {strides = array<i32>} : memref<2x32xi32, #tpu.memory_space<vmem>>, vector<1x16xi32>,
    %swap3A_450 = vector.shape_cast %swap3A_449 : vector<1x16xi32> to vector<16xi32>
    %swap3A_451 = vector.shape_cast %select_n3A_445 : vector<16xi32> to vector<1x16xi32>
    tpu.vector_store %arg6[%swap3A_447, %swap3A_448], %swap3A_451 {strides = array<i32>} : memref<2x32xi32, #tpu.memory_space<vmem>>, vector<1x16xi32>,
    %dma_wait3A_452 = arith.constant 1 : i32
    %dma_wait3A_453 = arith.constant 3 : i32
    %dma_wait3A_454 = arith.constant 0 : i32
    %dma_wait3A_455 = arith.constant 0 : i32
    %dma_wait3A_456 = tpu.memref_slice %arg7[%dma_wait3A_452, %dma_wait3A_454, %dma_wait3A_455] : memref<2x32x1024xf32, #tpu.memory_space<vmem>> -> memref<1x32x1024xf32, #tpu.memory_space<vmem>>
    %dma_wait3A_457 = tpu.memref_squeeze %dma_wait3A_456 : memref<1x32x1024xf32, #tpu.memory_space<vmem>> -> memref<32x1024xf32, #tpu.memory_space<vmem>>
    %dma_wait3A_458 = arith.constant 0 : i32
    %dma_wait3A_459 = tpu.memref_slice %arg5[%dma_wait3A_453, %dma_wait3A_458] : memref<8x32xi32, #tpu.memory_space<vmem>> -> memref<1x32xi32, #tpu.memory_space<vmem>>
    %dma_wait3A_460 = tpu.memref_squeeze %dma_wait3A_459 : memref<1x32xi32, #tpu.memory_space<vmem>> -> memref<32xi32, #tpu.memory_space<vmem>>
    %dma_wait3A_461 = arith.constant 0 : i32
    %dma_wait3A_462 = arith.constant 0 : i32
    %dma_wait3A_463 = tpu.memref_slice %arg4[%dma_wait3A_461, %dma_wait3A_462] : memref<10240x1024xf32, #tpu.memory_space<hbm>> -> memref<10240x1024xf32, #tpu.memory_space<hbm>>
    tpu.wait_indirect_dma semaphore(%arg9 : memref<!tpu.dma_semaphore, #tpu.memory_space<semaphore_mem>>) src(%dma_wait3A_457 : memref<32x1024xf32, #tpu.memory_space<vmem>>) dst(%dma_wait3A_463 : memref<10240x1024xf32, #tpu.memory_space<hbm>>)
    %dma_start3A_464 = arith.constant 1 : i32
    %dma_start3A_465 = arith.constant 1 : i32
    %dma_start3A_466 = arith.constant 0 : i32
    %dma_start3A_467 = arith.constant 0 : i32
    %dma_start3A_468 = tpu.memref_slice %arg7[%dma_start3A_465, %dma_start3A_466, %dma_start3A_467] : memref<2x32x1024xf32, #tpu.memory_space<vmem>> -> memref<1x32x1024xf32, #tpu.memory_space<vmem>>
    %dma_start3A_469 = tpu.memref_squeeze %dma_start3A_468 : memref<1x32x1024xf32, #tpu.memory_space<vmem>> -> memref<32x1024xf32, #tpu.memory_space<vmem>>
    %dma_start3A_470 = arith.constant 0 : i32
    %dma_start3A_471 = tpu.memref_slice %arg6[%dma_start3A_464, %dma_start3A_470] : memref<2x32xi32, #tpu.memory_space<vmem>> -> memref<1x32xi32, #tpu.memory_space<vmem>>
    %dma_start3A_472 = tpu.memref_squeeze %dma_start3A_471 : memref<1x32xi32, #tpu.memory_space<vmem>> -> memref<32xi32, #tpu.memory_space<vmem>>
    %dma_start3A_473 = arith.constant 0 : i32
    %dma_start3A_474 = arith.constant 0 : i32
    %dma_start3A_475 = tpu.memref_slice %arg2[%dma_start3A_473, %dma_start3A_474] : memref<4096x1024xf32, #tpu.memory_space<hbm>> -> memref<4096x1024xf32, #tpu.memory_space<hbm>>
    tpu.enqueue_indirect_dma source(%dma_start3A_475 : memref<4096x1024xf32, #tpu.memory_space<hbm>>) target(%dma_start3A_469 : memref<32x1024xf32, #tpu.memory_space<vmem>>) offsets(%dma_start3A_472 : memref<32xi32, #tpu.memory_space<vmem>>) semaphore(%arg8 : memref<!tpu.dma_semaphore, #tpu.memory_space<semaphore_mem>>)
    %dma_wait3A_476 = arith.constant 1 : i32
    %dma_wait3A_477 = arith.constant 1 : i32
    %dma_wait3A_478 = arith.constant 0 : i32
    %dma_wait3A_479 = arith.constant 0 : i32
    %dma_wait3A_480 = tpu.memref_slice %arg7[%dma_wait3A_477, %dma_wait3A_478, %dma_wait3A_479] : memref<2x32x1024xf32, #tpu.memory_space<vmem>> -> memref<1x32x1024xf32, #tpu.memory_space<vmem>>
    %dma_wait3A_481 = tpu.memref_squeeze %dma_wait3A_480 : memref<1x32x1024xf32, #tpu.memory_space<vmem>> -> memref<32x1024xf32, #tpu.memory_space<vmem>>
    %dma_wait3A_482 = arith.constant 0 : i32
    %dma_wait3A_483 = tpu.memref_slice %arg6[%dma_wait3A_476, %dma_wait3A_482] : memref<2x32xi32, #tpu.memory_space<vmem>> -> memref<1x32xi32, #tpu.memory_space<vmem>>
    %dma_wait3A_484 = tpu.memref_squeeze %dma_wait3A_483 : memref<1x32xi32, #tpu.memory_space<vmem>> -> memref<32xi32, #tpu.memory_space<vmem>>
    %dma_wait3A_485 = arith.constant 0 : i32
    %dma_wait3A_486 = arith.constant 0 : i32
    %dma_wait3A_487 = tpu.memref_slice %arg2[%dma_wait3A_485, %dma_wait3A_486] : memref<4096x1024xf32, #tpu.memory_space<hbm>> -> memref<4096x1024xf32, #tpu.memory_space<hbm>>
    tpu.wait_indirect_dma semaphore(%arg8 : memref<!tpu.dma_semaphore, #tpu.memory_space<semaphore_mem>>) src(%dma_wait3A_487 : memref<4096x1024xf32, #tpu.memory_space<hbm>>) dst(%dma_wait3A_481 : memref<32x1024xf32, #tpu.memory_space<vmem>>)
    %dma_start3A_488 = arith.constant 1 : i32
    %dma_start3A_489 = arith.constant 5 : i32
    %dma_start3A_490 = arith.constant 0 : i32
    %dma_start3A_491 = arith.constant 0 : i32
    %dma_start3A_492 = tpu.memref_slice %arg7[%dma_start3A_488, %dma_start3A_490, %dma_start3A_491] : memref<2x32x1024xf32, #tpu.memory_space<vmem>> -> memref<1x32x1024xf32, #tpu.memory_space<vmem>>
    %dma_start3A_493 = tpu.memref_squeeze %dma_start3A_492 : memref<1x32x1024xf32, #tpu.memory_space<vmem>> -> memref<32x1024xf32, #tpu.memory_space<vmem>>
    %dma_start3A_494 = arith.constant 0 : i32
    %dma_start3A_495 = tpu.memref_slice %arg5[%dma_start3A_489, %dma_start3A_494] : memref<8x32xi32, #tpu.memory_space<vmem>> -> memref<1x32xi32, #tpu.memory_space<vmem>>
    %dma_start3A_496 = tpu.memref_squeeze %dma_start3A_495 : memref<1x32xi32, #tpu.memory_space<vmem>> -> memref<32xi32, #tpu.memory_space<vmem>>
    %dma_start3A_497 = arith.constant 0 : i32
    %dma_start3A_498 = arith.constant 0 : i32
    %dma_start3A_499 = tpu.memref_slice %arg4[%dma_start3A_497, %dma_start3A_498] : memref<10240x1024xf32, #tpu.memory_space<hbm>> -> memref<10240x1024xf32, #tpu.memory_space<hbm>>
    tpu.enqueue_indirect_dma source(%dma_start3A_493 : memref<32x1024xf32, #tpu.memory_space<vmem>>) target(%dma_start3A_499 : memref<10240x1024xf32, #tpu.memory_space<hbm>>) offsets(%dma_start3A_496 : memref<32xi32, #tpu.memory_space<vmem>>) semaphore(%arg9 : memref<!tpu.dma_semaphore, #tpu.memory_space<semaphore_mem>>)
    %add3A_500 = arith.constant 192 : i32
    %add3A_501 = arith.addi %mul3A_2, %add3A_500 : i32
    %add3A_502 = arith.constant 0 : i32
    %add3A_503 = arith.addi %add3A_501, %add3A_502 : i32
    %iota3A_504 = tpu.iota {dimensions = array<i32: 0>} : vector<16xi32>
    %add3A_505 = vector.broadcast %add3A_503 : i32 to vector<16xi32>
    %add3A_506 = arith.addi %add3A_505, %iota3A_504 : vector<16xi32>
    %ge3A_507 = arith.constant 4096 : i32
    %ge3A_508 = vector.broadcast %ge3A_507 : i32 to vector<16xi32>
    %ge3A_509 = arith.cmpi sge, %add3A_506, %ge3A_508 : vector<16xi32>
    %sub3A_510 = arith.constant 4096 : i32
    %sub3A_511 = vector.broadcast %sub3A_510 : i32 to vector<16xi32>
    %sub3A_512 = arith.subi %add3A_506, %sub3A_511 : vector<16xi32>
    %select_n3A_513 = arith.select %ge3A_509, %sub3A_512, %add3A_506 : vector<16xi1>, vector<16xi32>
    %swap3A_514 = arith.constant 0 : i32
    %swap3A_515 = arith.index_cast %swap3A_514 : i32 to index
    %swap3A_516 = arith.constant 0 : index
    %swap3A_517 = tpu.vector_load %arg6[%swap3A_515, %swap3A_516] {strides = array<i32>} : memref<2x32xi32, #tpu.memory_space<vmem>>, vector<1x16xi32>,
    %swap3A_518 = vector.shape_cast %swap3A_517 : vector<1x16xi32> to vector<16xi32>
    %swap3A_519 = vector.shape_cast %select_n3A_513 : vector<16xi32> to vector<1x16xi32>
    tpu.vector_store %arg6[%swap3A_515, %swap3A_516], %swap3A_519 {strides = array<i32>} : memref<2x32xi32, #tpu.memory_space<vmem>>, vector<1x16xi32>,
    %add3A_520 = arith.constant 192 : i32
    %add3A_521 = arith.addi %mul3A_2, %add3A_520 : i32
    %add3A_522 = arith.constant 16 : i32
    %add3A_523 = arith.addi %add3A_521, %add3A_522 : i32
    %iota3A_524 = tpu.iota {dimensions = array<i32: 0>} : vector<16xi32>
    %add3A_525 = vector.broadcast %add3A_523 : i32 to vector<16xi32>
    %add3A_526 = arith.addi %add3A_525, %iota3A_524 : vector<16xi32>
    %ge3A_527 = arith.constant 4096 : i32
    %ge3A_528 = vector.broadcast %ge3A_527 : i32 to vector<16xi32>
    %ge3A_529 = arith.cmpi sge, %add3A_526, %ge3A_528 : vector<16xi32>
    %sub3A_530 = arith.constant 4096 : i32
    %sub3A_531 = vector.broadcast %sub3A_530 : i32 to vector<16xi32>
    %sub3A_532 = arith.subi %add3A_526, %sub3A_531 : vector<16xi32>
    %select_n3A_533 = arith.select %ge3A_529, %sub3A_532, %add3A_526 : vector<16xi1>, vector<16xi32>
    %swap3A_534 = arith.constant 0 : i32
    %swap3A_535 = arith.index_cast %swap3A_534 : i32 to index
    %swap3A_536 = arith.constant 16 : index
    %swap3A_537 = tpu.vector_load %arg6[%swap3A_535, %swap3A_536] {strides = array<i32>} : memref<2x32xi32, #tpu.memory_space<vmem>>, vector<1x16xi32>,
    %swap3A_538 = vector.shape_cast %swap3A_537 : vector<1x16xi32> to vector<16xi32>
    %swap3A_539 = vector.shape_cast %select_n3A_533 : vector<16xi32> to vector<1x16xi32>
    tpu.vector_store %arg6[%swap3A_535, %swap3A_536], %swap3A_539 {strides = array<i32>} : memref<2x32xi32, #tpu.memory_space<vmem>>, vector<1x16xi32>,
    %dma_wait3A_540 = arith.constant 0 : i32
    %dma_wait3A_541 = arith.constant 4 : i32
    %dma_wait3A_542 = arith.constant 0 : i32
    %dma_wait3A_543 = arith.constant 0 : i32
    %dma_wait3A_544 = tpu.memref_slice %arg7[%dma_wait3A_540, %dma_wait3A_542, %dma_wait3A_543] : memref<2x32x1024xf32, #tpu.memory_space<vmem>> -> memref<1x32x1024xf32, #tpu.memory_space<vmem>>
    %dma_wait3A_545 = tpu.memref_squeeze %dma_wait3A_544 : memref<1x32x1024xf32, #tpu.memory_space<vmem>> -> memref<32x1024xf32, #tpu.memory_space<vmem>>
    %dma_wait3A_546 = arith.constant 0 : i32
    %dma_wait3A_547 = tpu.memref_slice %arg5[%dma_wait3A_541, %dma_wait3A_546] : memref<8x32xi32, #tpu.memory_space<vmem>> -> memref<1x32xi32, #tpu.memory_space<vmem>>
    %dma_wait3A_548 = tpu.memref_squeeze %dma_wait3A_547 : memref<1x32xi32, #tpu.memory_space<vmem>> -> memref<32xi32, #tpu.memory_space<vmem>>
    %dma_wait3A_549 = arith.constant 0 : i32
    %dma_wait3A_550 = arith.constant 0 : i32
    %dma_wait3A_551 = tpu.memref_slice %arg4[%dma_wait3A_549, %dma_wait3A_550] : memref<10240x1024xf32, #tpu.memory_space<hbm>> -> memref<10240x1024xf32, #tpu.memory_space<hbm>>
    tpu.wait_indirect_dma semaphore(%arg9 : memref<!tpu.dma_semaphore, #tpu.memory_space<semaphore_mem>>) src(%dma_wait3A_545 : memref<32x1024xf32, #tpu.memory_space<vmem>>) dst(%dma_wait3A_551 : memref<10240x1024xf32, #tpu.memory_space<hbm>>)
    %dma_start3A_552 = arith.constant 0 : i32
    %dma_start3A_553 = arith.constant 0 : i32
    %dma_start3A_554 = arith.constant 0 : i32
    %dma_start3A_555 = arith.constant 0 : i32
    %dma_start3A_556 = tpu.memref_slice %arg7[%dma_start3A_553, %dma_start3A_554, %dma_start3A_555] : memref<2x32x1024xf32, #tpu.memory_space<vmem>> -> memref<1x32x1024xf32, #tpu.memory_space<vmem>>
    %dma_start3A_557 = tpu.memref_squeeze %dma_start3A_556 : memref<1x32x1024xf32, #tpu.memory_space<vmem>> -> memref<32x1024xf32, #tpu.memory_space<vmem>>
    %dma_start3A_558 = arith.constant 0 : i32
    %dma_start3A_559 = tpu.memref_slice %arg6[%dma_start3A_552, %dma_start3A_558] : memref<2x32xi32, #tpu.memory_space<vmem>> -> memref<1x32xi32, #tpu.memory_space<vmem>>
    %dma_start3A_560 = tpu.memref_squeeze %dma_start3A_559 : memref<1x32xi32, #tpu.memory_space<vmem>> -> memref<32xi32, #tpu.memory_space<vmem>>
    %dma_start3A_561 = arith.constant 0 : i32
    %dma_start3A_562 = arith.constant 0 : i32
    %dma_start3A_563 = tpu.memref_slice %arg2[%dma_start3A_561, %dma_start3A_562] : memref<4096x1024xf32, #tpu.memory_space<hbm>> -> memref<4096x1024xf32, #tpu.memory_space<hbm>>
    tpu.enqueue_indirect_dma source(%dma_start3A_563 : memref<4096x1024xf32, #tpu.memory_space<hbm>>) target(%dma_start3A_557 : memref<32x1024xf32, #tpu.memory_space<vmem>>) offsets(%dma_start3A_560 : memref<32xi32, #tpu.memory_space<vmem>>) semaphore(%arg8 : memref<!tpu.dma_semaphore, #tpu.memory_space<semaphore_mem>>)
    %dma_wait3A_564 = arith.constant 0 : i32
    %dma_wait3A_565 = arith.constant 0 : i32
    %dma_wait3A_566 = arith.constant 0 : i32
    %dma_wait3A_567 = arith.constant 0 : i32
    %dma_wait3A_568 = tpu.memref_slice %arg7[%dma_wait3A_565, %dma_wait3A_566, %dma_wait3A_567] : memref<2x32x1024xf32, #tpu.memory_space<vmem>> -> memref<1x32x1024xf32, #tpu.memory_space<vmem>>
    %dma_wait3A_569 = tpu.memref_squeeze %dma_wait3A_568 : memref<1x32x1024xf32, #tpu.memory_space<vmem>> -> memref<32x1024xf32, #tpu.memory_space<vmem>>
    %dma_wait3A_570 = arith.constant 0 : i32
    %dma_wait3A_571 = tpu.memref_slice %arg6[%dma_wait3A_564, %dma_wait3A_570] : memref<2x32xi32, #tpu.memory_space<vmem>> -> memref<1x32xi32, #tpu.memory_space<vmem>>
    %dma_wait3A_572 = tpu.memref_squeeze %dma_wait3A_571 : memref<1x32xi32, #tpu.memory_space<vmem>> -> memref<32xi32, #tpu.memory_space<vmem>>
    %dma_wait3A_573 = arith.constant 0 : i32
    %dma_wait3A_574 = arith.constant 0 : i32
    %dma_wait3A_575 = tpu.memref_slice %arg2[%dma_wait3A_573, %dma_wait3A_574] : memref<4096x1024xf32, #tpu.memory_space<hbm>> -> memref<4096x1024xf32, #tpu.memory_space<hbm>>
    tpu.wait_indirect_dma semaphore(%arg8 : memref<!tpu.dma_semaphore, #tpu.memory_space<semaphore_mem>>) src(%dma_wait3A_575 : memref<4096x1024xf32, #tpu.memory_space<hbm>>) dst(%dma_wait3A_569 : memref<32x1024xf32, #tpu.memory_space<vmem>>)
    %dma_start3A_576 = arith.constant 0 : i32
    %dma_start3A_577 = arith.constant 6 : i32
    %dma_start3A_578 = arith.constant 0 : i32
    %dma_start3A_579 = arith.constant 0 : i32
    %dma_start3A_580 = tpu.memref_slice %arg7[%dma_start3A_576, %dma_start3A_578, %dma_start3A_579] : memref<2x32x1024xf32, #tpu.memory_space<vmem>> -> memref<1x32x1024xf32, #tpu.memory_space<vmem>>
    %dma_start3A_581 = tpu.memref_squeeze %dma_start3A_580 : memref<1x32x1024xf32, #tpu.memory_space<vmem>> -> memref<32x1024xf32, #tpu.memory_space<vmem>>
    %dma_start3A_582 = arith.constant 0 : i32
    %dma_start3A_583 = tpu.memref_slice %arg5[%dma_start3A_577, %dma_start3A_582] : memref<8x32xi32, #tpu.memory_space<vmem>> -> memref<1x32xi32, #tpu.memory_space<vmem>>
    %dma_start3A_584 = tpu.memref_squeeze %dma_start3A_583 : memref<1x32xi32, #tpu.memory_space<vmem>> -> memref<32xi32, #tpu.memory_space<vmem>>
    %dma_start3A_585 = arith.constant 0 : i32
    %dma_start3A_586 = arith.constant 0 : i32
    %dma_start3A_587 = tpu.memref_slice %arg4[%dma_start3A_585, %dma_start3A_586] : memref<10240x1024xf32, #tpu.memory_space<hbm>> -> memref<10240x1024xf32, #tpu.memory_space<hbm>>
    tpu.enqueue_indirect_dma source(%dma_start3A_581 : memref<32x1024xf32, #tpu.memory_space<vmem>>) target(%dma_start3A_587 : memref<10240x1024xf32, #tpu.memory_space<hbm>>) offsets(%dma_start3A_584 : memref<32xi32, #tpu.memory_space<vmem>>) semaphore(%arg9 : memref<!tpu.dma_semaphore, #tpu.memory_space<semaphore_mem>>)
    %add3A_588 = arith.constant 224 : i32
    %add3A_589 = arith.addi %mul3A_2, %add3A_588 : i32
    %add3A_590 = arith.constant 0 : i32
    %add3A_591 = arith.addi %add3A_589, %add3A_590 : i32
    %iota3A_592 = tpu.iota {dimensions = array<i32: 0>} : vector<16xi32>
    %add3A_593 = vector.broadcast %add3A_591 : i32 to vector<16xi32>
    %add3A_594 = arith.addi %add3A_593, %iota3A_592 : vector<16xi32>
    %ge3A_595 = arith.constant 4096 : i32
    %ge3A_596 = vector.broadcast %ge3A_595 : i32 to vector<16xi32>
    %ge3A_597 = arith.cmpi sge, %add3A_594, %ge3A_596 : vector<16xi32>
    %sub3A_598 = arith.constant 4096 : i32
    %sub3A_599 = vector.broadcast %sub3A_598 : i32 to vector<16xi32>
    %sub3A_600 = arith.subi %add3A_594, %sub3A_599 : vector<16xi32>
    %select_n3A_601 = arith.select %ge3A_597, %sub3A_600, %add3A_594 : vector<16xi1>, vector<16xi32>
    %swap3A_602 = arith.constant 1 : i32
    %swap3A_603 = arith.index_cast %swap3A_602 : i32 to index
    %swap3A_604 = arith.constant 0 : index
    %swap3A_605 = tpu.vector_load %arg6[%swap3A_603, %swap3A_604] {strides = array<i32>} : memref<2x32xi32, #tpu.memory_space<vmem>>, vector<1x16xi32>,
    %swap3A_606 = vector.shape_cast %swap3A_605 : vector<1x16xi32> to vector<16xi32>
    %swap3A_607 = vector.shape_cast %select_n3A_601 : vector<16xi32> to vector<1x16xi32>
    tpu.vector_store %arg6[%swap3A_603, %swap3A_604], %swap3A_607 {strides = array<i32>} : memref<2x32xi32, #tpu.memory_space<vmem>>, vector<1x16xi32>,
    %add3A_608 = arith.constant 224 : i32
    %add3A_609 = arith.addi %mul3A_2, %add3A_608 : i32
    %add3A_610 = arith.constant 16 : i32
    %add3A_611 = arith.addi %add3A_609, %add3A_610 : i32
    %iota3A_612 = tpu.iota {dimensions = array<i32: 0>} : vector<16xi32>
    %add3A_613 = vector.broadcast %add3A_611 : i32 to vector<16xi32>
    %add3A_614 = arith.addi %add3A_613, %iota3A_612 : vector<16xi32>
    %ge3A_615 = arith.constant 4096 : i32
    %ge3A_616 = vector.broadcast %ge3A_615 : i32 to vector<16xi32>
    %ge3A_617 = arith.cmpi sge, %add3A_614, %ge3A_616 : vector<16xi32>
    %sub3A_618 = arith.constant 4096 : i32
    %sub3A_619 = vector.broadcast %sub3A_618 : i32 to vector<16xi32>
    %sub3A_620 = arith.subi %add3A_614, %sub3A_619 : vector<16xi32>
    %select_n3A_621 = arith.select %ge3A_617, %sub3A_620, %add3A_614 : vector<16xi1>, vector<16xi32>
    %swap3A_622 = arith.constant 1 : i32
    %swap3A_623 = arith.index_cast %swap3A_622 : i32 to index
    %swap3A_624 = arith.constant 16 : index
    %swap3A_625 = tpu.vector_load %arg6[%swap3A_623, %swap3A_624] {strides = array<i32>} : memref<2x32xi32, #tpu.memory_space<vmem>>, vector<1x16xi32>,
    %swap3A_626 = vector.shape_cast %swap3A_625 : vector<1x16xi32> to vector<16xi32>
    %swap3A_627 = vector.shape_cast %select_n3A_621 : vector<16xi32> to vector<1x16xi32>
    tpu.vector_store %arg6[%swap3A_623, %swap3A_624], %swap3A_627 {strides = array<i32>} : memref<2x32xi32, #tpu.memory_space<vmem>>, vector<1x16xi32>,
    %dma_wait3A_628 = arith.constant 1 : i32
    %dma_wait3A_629 = arith.constant 5 : i32
    %dma_wait3A_630 = arith.constant 0 : i32
    %dma_wait3A_631 = arith.constant 0 : i32
    %dma_wait3A_632 = tpu.memref_slice %arg7[%dma_wait3A_628, %dma_wait3A_630, %dma_wait3A_631] : memref<2x32x1024xf32, #tpu.memory_space<vmem>> -> memref<1x32x1024xf32, #tpu.memory_space<vmem>>
    %dma_wait3A_633 = tpu.memref_squeeze %dma_wait3A_632 : memref<1x32x1024xf32, #tpu.memory_space<vmem>> -> memref<32x1024xf32, #tpu.memory_space<vmem>>
    %dma_wait3A_634 = arith.constant 0 : i32
    %dma_wait3A_635 = tpu.memref_slice %arg5[%dma_wait3A_629, %dma_wait3A_634] : memref<8x32xi32, #tpu.memory_space<vmem>> -> memref<1x32xi32, #tpu.memory_space<vmem>>
    %dma_wait3A_636 = tpu.memref_squeeze %dma_wait3A_635 : memref<1x32xi32, #tpu.memory_space<vmem>> -> memref<32xi32, #tpu.memory_space<vmem>>
    %dma_wait3A_637 = arith.constant 0 : i32
    %dma_wait3A_638 = arith.constant 0 : i32
    %dma_wait3A_639 = tpu.memref_slice %arg4[%dma_wait3A_637, %dma_wait3A_638] : memref<10240x1024xf32, #tpu.memory_space<hbm>> -> memref<10240x1024xf32, #tpu.memory_space<hbm>>
    tpu.wait_indirect_dma semaphore(%arg9 : memref<!tpu.dma_semaphore, #tpu.memory_space<semaphore_mem>>) src(%dma_wait3A_633 : memref<32x1024xf32, #tpu.memory_space<vmem>>) dst(%dma_wait3A_639 : memref<10240x1024xf32, #tpu.memory_space<hbm>>)
    %dma_start3A_640 = arith.constant 1 : i32
    %dma_start3A_641 = arith.constant 1 : i32
    %dma_start3A_642 = arith.constant 0 : i32
    %dma_start3A_643 = arith.constant 0 : i32
    %dma_start3A_644 = tpu.memref_slice %arg7[%dma_start3A_641, %dma_start3A_642, %dma_start3A_643] : memref<2x32x1024xf32, #tpu.memory_space<vmem>> -> memref<1x32x1024xf32, #tpu.memory_space<vmem>>
    %dma_start3A_645 = tpu.memref_squeeze %dma_start3A_644 : memref<1x32x1024xf32, #tpu.memory_space<vmem>> -> memref<32x1024xf32, #tpu.memory_space<vmem>>
    %dma_start3A_646 = arith.constant 0 : i32
    %dma_start3A_647 = tpu.memref_slice %arg6[%dma_start3A_640, %dma_start3A_646] : memref<2x32xi32, #tpu.memory_space<vmem>> -> memref<1x32xi32, #tpu.memory_space<vmem>>
    %dma_start3A_648 = tpu.memref_squeeze %dma_start3A_647 : memref<1x32xi32, #tpu.memory_space<vmem>> -> memref<32xi32, #tpu.memory_space<vmem>>
    %dma_start3A_649 = arith.constant 0 : i32
    %dma_start3A_650 = arith.constant 0 : i32
    %dma_start3A_651 = tpu.memref_slice %arg2[%dma_start3A_649, %dma_start3A_650] : memref<4096x1024xf32, #tpu.memory_space<hbm>> -> memref<4096x1024xf32, #tpu.memory_space<hbm>>
    tpu.enqueue_indirect_dma source(%dma_start3A_651 : memref<4096x1024xf32, #tpu.memory_space<hbm>>) target(%dma_start3A_645 : memref<32x1024xf32, #tpu.memory_space<vmem>>) offsets(%dma_start3A_648 : memref<32xi32, #tpu.memory_space<vmem>>) semaphore(%arg8 : memref<!tpu.dma_semaphore, #tpu.memory_space<semaphore_mem>>)
    %dma_wait3A_652 = arith.constant 1 : i32
    %dma_wait3A_653 = arith.constant 1 : i32
    %dma_wait3A_654 = arith.constant 0 : i32
    %dma_wait3A_655 = arith.constant 0 : i32
    %dma_wait3A_656 = tpu.memref_slice %arg7[%dma_wait3A_653, %dma_wait3A_654, %dma_wait3A_655] : memref<2x32x1024xf32, #tpu.memory_space<vmem>> -> memref<1x32x1024xf32, #tpu.memory_space<vmem>>
    %dma_wait3A_657 = tpu.memref_squeeze %dma_wait3A_656 : memref<1x32x1024xf32, #tpu.memory_space<vmem>> -> memref<32x1024xf32, #tpu.memory_space<vmem>>
    %dma_wait3A_658 = arith.constant 0 : i32
    %dma_wait3A_659 = tpu.memref_slice %arg6[%dma_wait3A_652, %dma_wait3A_658] : memref<2x32xi32, #tpu.memory_space<vmem>> -> memref<1x32xi32, #tpu.memory_space<vmem>>
    %dma_wait3A_660 = tpu.memref_squeeze %dma_wait3A_659 : memref<1x32xi32, #tpu.memory_space<vmem>> -> memref<32xi32, #tpu.memory_space<vmem>>
    %dma_wait3A_661 = arith.constant 0 : i32
    %dma_wait3A_662 = arith.constant 0 : i32
    %dma_wait3A_663 = tpu.memref_slice %arg2[%dma_wait3A_661, %dma_wait3A_662] : memref<4096x1024xf32, #tpu.memory_space<hbm>> -> memref<4096x1024xf32, #tpu.memory_space<hbm>>
    tpu.wait_indirect_dma semaphore(%arg8 : memref<!tpu.dma_semaphore, #tpu.memory_space<semaphore_mem>>) src(%dma_wait3A_663 : memref<4096x1024xf32, #tpu.memory_space<hbm>>) dst(%dma_wait3A_657 : memref<32x1024xf32, #tpu.memory_space<vmem>>)
    %dma_start3A_664 = arith.constant 1 : i32
    %dma_start3A_665 = arith.constant 7 : i32
    %dma_start3A_666 = arith.constant 0 : i32
    %dma_start3A_667 = arith.constant 0 : i32
    %dma_start3A_668 = tpu.memref_slice %arg7[%dma_start3A_664, %dma_start3A_666, %dma_start3A_667] : memref<2x32x1024xf32, #tpu.memory_space<vmem>> -> memref<1x32x1024xf32, #tpu.memory_space<vmem>>
    %dma_start3A_669 = tpu.memref_squeeze %dma_start3A_668 : memref<1x32x1024xf32, #tpu.memory_space<vmem>> -> memref<32x1024xf32, #tpu.memory_space<vmem>>
    %dma_start3A_670 = arith.constant 0 : i32
    %dma_start3A_671 = tpu.memref_slice %arg5[%dma_start3A_665, %dma_start3A_670] : memref<8x32xi32, #tpu.memory_space<vmem>> -> memref<1x32xi32, #tpu.memory_space<vmem>>
    %dma_start3A_672 = tpu.memref_squeeze %dma_start3A_671 : memref<1x32xi32, #tpu.memory_space<vmem>> -> memref<32xi32, #tpu.memory_space<vmem>>
    %dma_start3A_673 = arith.constant 0 : i32
    %dma_start3A_674 = arith.constant 0 : i32
    %dma_start3A_675 = tpu.memref_slice %arg4[%dma_start3A_673, %dma_start3A_674] : memref<10240x1024xf32, #tpu.memory_space<hbm>> -> memref<10240x1024xf32, #tpu.memory_space<hbm>>
    tpu.enqueue_indirect_dma source(%dma_start3A_669 : memref<32x1024xf32, #tpu.memory_space<vmem>>) target(%dma_start3A_675 : memref<10240x1024xf32, #tpu.memory_space<hbm>>) offsets(%dma_start3A_672 : memref<32xi32, #tpu.memory_space<vmem>>) semaphore(%arg9 : memref<!tpu.dma_semaphore, #tpu.memory_space<semaphore_mem>>)
    %dma_wait3A_676 = arith.constant 0 : i32
    %dma_wait3A_677 = arith.constant 6 : i32
    %dma_wait3A_678 = arith.constant 0 : i32
    %dma_wait3A_679 = arith.constant 0 : i32
    %dma_wait3A_680 = tpu.memref_slice %arg7[%dma_wait3A_676, %dma_wait3A_678, %dma_wait3A_679] : memref<2x32x1024xf32, #tpu.memory_space<vmem>> -> memref<1x32x1024xf32, #tpu.memory_space<vmem>>
    %dma_wait3A_681 = tpu.memref_squeeze %dma_wait3A_680 : memref<1x32x1024xf32, #tpu.memory_space<vmem>> -> memref<32x1024xf32, #tpu.memory_space<vmem>>
    %dma_wait3A_682 = arith.constant 0 : i32
    %dma_wait3A_683 = tpu.memref_slice %arg5[%dma_wait3A_677, %dma_wait3A_682] : memref<8x32xi32, #tpu.memory_space<vmem>> -> memref<1x32xi32, #tpu.memory_space<vmem>>
    %dma_wait3A_684 = tpu.memref_squeeze %dma_wait3A_683 : memref<1x32xi32, #tpu.memory_space<vmem>> -> memref<32xi32, #tpu.memory_space<vmem>>
    %dma_wait3A_685 = arith.constant 0 : i32
    %dma_wait3A_686 = arith.constant 0 : i32
    %dma_wait3A_687 = tpu.memref_slice %arg4[%dma_wait3A_685, %dma_wait3A_686] : memref<10240x1024xf32, #tpu.memory_space<hbm>> -> memref<10240x1024xf32, #tpu.memory_space<hbm>>
    tpu.wait_indirect_dma semaphore(%arg9 : memref<!tpu.dma_semaphore, #tpu.memory_space<semaphore_mem>>) src(%dma_wait3A_681 : memref<32x1024xf32, #tpu.memory_space<vmem>>) dst(%dma_wait3A_687 : memref<10240x1024xf32, #tpu.memory_space<hbm>>)
    %dma_wait3A_688 = arith.constant 1 : i32
    %dma_wait3A_689 = arith.constant 7 : i32
    %dma_wait3A_690 = arith.constant 0 : i32
    %dma_wait3A_691 = arith.constant 0 : i32
    %dma_wait3A_692 = tpu.memref_slice %arg7[%dma_wait3A_688, %dma_wait3A_690, %dma_wait3A_691] : memref<2x32x1024xf32, #tpu.memory_space<vmem>> -> memref<1x32x1024xf32, #tpu.memory_space<vmem>>
    %dma_wait3A_693 = tpu.memref_squeeze %dma_wait3A_692 : memref<1x32x1024xf32, #tpu.memory_space<vmem>> -> memref<32x1024xf32, #tpu.memory_space<vmem>>
    %dma_wait3A_694 = arith.constant 0 : i32
    %dma_wait3A_695 = tpu.memref_slice %arg5[%dma_wait3A_689, %dma_wait3A_694] : memref<8x32xi32, #tpu.memory_space<vmem>> -> memref<1x32xi32, #tpu.memory_space<vmem>>
    %dma_wait3A_696 = tpu.memref_squeeze %dma_wait3A_695 : memref<1x32xi32, #tpu.memory_space<vmem>> -> memref<32xi32, #tpu.memory_space<vmem>>
    %dma_wait3A_697 = arith.constant 0 : i32
    %dma_wait3A_698 = arith.constant 0 : i32
    %dma_wait3A_699 = tpu.memref_slice %arg4[%dma_wait3A_697, %dma_wait3A_698] : memref<10240x1024xf32, #tpu.memory_space<hbm>> -> memref<10240x1024xf32, #tpu.memory_space<hbm>>
    tpu.wait_indirect_dma semaphore(%arg9 : memref<!tpu.dma_semaphore, #tpu.memory_space<semaphore_mem>>) src(%dma_wait3A_693 : memref<32x1024xf32, #tpu.memory_space<vmem>>) dst(%dma_wait3A_699 : memref<10240x1024xf32, #tpu.memory_space<hbm>>)
    return
  }
}

module attributes {stable_mosaic.version = 14 : i64} {
  func.func @_gate_body(%arg0: i32, %arg1: memref<1024x1024xf32, #tpu.memory_space<vmem>>, %arg2: memref<1024x8xf32, #tpu.memory_space<vmem>>, %arg3: memref<8x1xf32, #tpu.memory_space<vmem>>, %arg4: memref<1x1x1024xi32, #tpu.memory_space<vmem>>, %arg5: memref<1x1x1024xi32, #tpu.memory_space<vmem>>, %arg6: memref<1x1x1024xf32, #tpu.memory_space<vmem>>, %arg7: memref<1x1x1024xf32, #tpu.memory_space<vmem>>) attributes {dimension_semantics = [#tpu.dimension_semantics<arbitrary>], iteration_bounds = array<i64: 4>, scalar_prefetch = 0 : i64, scratch_operands = 0 : i64, tpu.core_type = #tpu.core_type<tc>, window_params = [{transform_indices = @transform_0, window_bounds = array<i64: 1024, 1024>}, {pipeline_mode = #tpu.pipeline_mode<synchronous>, transform_indices = @transform_1, window_bounds = array<i64: 1024, 8>}, {pipeline_mode = #tpu.pipeline_mode<synchronous>, transform_indices = @transform_2, window_bounds = array<i64: 8, 1>}, {transform_indices = @transform_3, window_bounds = array<i64: 1, 1, 1024>}, {transform_indices = @transform_4, window_bounds = array<i64: 1, 1, 1024>}, {transform_indices = @transform_5, window_bounds = array<i64: 1, 1, 1024>}, {transform_indices = @transform_6, window_bounds = array<i64: 1, 1, 1024>}]} {
    %get3A = arith.constant 0 : index
    %get3A_0 = arith.constant 0 : index
    %get3A_1 = vector.load %arg2[%get3A, %get3A_0] : memref<1024x8xf32, #tpu.memory_space<vmem>>, vector<1024x8xf32>
    %get3A_2 = arith.constant 0 : index
    %get3A_3 = arith.constant 0 : index
    %get3A_4 = vector.load %arg1[%get3A_2, %get3A_3] : memref<1024x1024xf32, #tpu.memory_space<vmem>>, vector<1024x1024xf32>
    %dot_general3A = arith.constant dense<0.000000e+00> : vector<8x1024xf32>
    %dot_general3A_5 = tpu.matmul %get3A_1, %get3A_4, %dot_general3A {dimension_numbers = #tpu.dot_dimension_numbers<[0], [1], [1], [0], [0, 1, 1, 0], [], []>, transpose_lhs_hint = false} : vector<1024x8xf32>, vector<1024x1024xf32>, vector<8x1024xf32> -> vector<8x1024xf32>
    %get3A_6 = arith.constant 0 : index
    %get3A_7 = arith.constant 0 : index
    %get3A_8 = vector.load %arg3[%get3A_6, %get3A_7] : memref<8x1xf32, #tpu.memory_space<vmem>>, vector<8x1xf32>
    %add3A = vector.broadcast %get3A_8 : vector<8x1xf32> to vector<8x1024xf32>
    %add3A_9 = arith.addf %dot_general3A_5, %add3A : vector<8x1024xf32>
    %argmax3A = tpu.reduce_index %add3A_9 {axis = 0 : i32, kind = #tpu.reduction_kind<arg_max>} : vector<8x1024xf32> -> vector<1024xi32>
    %broadcast_in_dim3A = vector.shape_cast %argmax3A : vector<1024xi32> to vector<1x1024xi32>
    %reduce_max3A = arith.constant dense<0xFF800000> : vector<1024xf32>
    %reduce_max3A_10 = vector.multi_reduction <maximumf>, %add3A_9, %reduce_max3A [0] : vector<8x1024xf32> to vector<1024xf32>
    %broadcast_in_dim3A_11 = vector.shape_cast %reduce_max3A_10 : vector<1024xf32> to vector<1x1024xf32>
    %iota3A = tpu.iota {dimensions = array<i32: 0>} : vector<8x1024xi32>
    %eq3A = vector.broadcast %broadcast_in_dim3A : vector<1x1024xi32> to vector<8x1024xi32>
    %eq3A_12 = arith.cmpi eq, %iota3A, %eq3A : vector<8x1024xi32>
    %jit3A = arith.constant 0xFF800000 : f32
    %broadcast_in_dim3A_13 = vector.broadcast %jit3A : f32 to vector<8x1024xf32>
    %select_n3A = arith.select %eq3A_12, %broadcast_in_dim3A_13, %add3A_9 : vector<8x1024xi1>, vector<8x1024xf32>
    %argmax3A_14 = tpu.reduce_index %select_n3A {axis = 0 : i32, kind = #tpu.reduction_kind<arg_max>} : vector<8x1024xf32> -> vector<1024xi32>
    %broadcast_in_dim3A_15 = vector.shape_cast %argmax3A_14 : vector<1024xi32> to vector<1x1024xi32>
    %reduce_max3A_16 = arith.constant dense<0xFF800000> : vector<1024xf32>
    %reduce_max3A_17 = vector.multi_reduction <maximumf>, %select_n3A, %reduce_max3A_16 [0] : vector<8x1024xf32> to vector<1024xf32>
    %broadcast_in_dim3A_18 = vector.shape_cast %reduce_max3A_17 : vector<1024xf32> to vector<1x1024xf32>
    %sub3A = arith.subf %broadcast_in_dim3A_18, %broadcast_in_dim3A_11 : vector<1x1024xf32>
    %exp3A = math.exp %sub3A : vector<1x1024xf32>
    %add3A_19 = arith.constant 1.000000e+00 : f32
    %add3A_20 = vector.broadcast %add3A_19 : f32 to vector<1x1024xf32>
    %add3A_21 = arith.addf %add3A_20, %exp3A : vector<1x1024xf32>
    %div3A = arith.constant 1.000000e+00 : f32
    %div3A_22 = vector.broadcast %div3A : f32 to vector<1x1024xf32>
    %div3A_23 = arith.divf %div3A_22, %add3A_21 : vector<1x1024xf32>
    %swap3A = arith.constant 0 : index
    %swap3A_24 = arith.constant 0 : index
    %swap3A_25 = arith.constant 0 : index
    %swap3A_26 = vector.load %arg4[%swap3A, %swap3A_24, %swap3A_25] : memref<1x1x1024xi32, #tpu.memory_space<vmem>>, vector<1x1x1024xi32>
    %swap3A_27 = vector.shape_cast %swap3A_26 : vector<1x1x1024xi32> to vector<1x1024xi32>
    %swap3A_28 = vector.shape_cast %broadcast_in_dim3A : vector<1x1024xi32> to vector<1x1x1024xi32>
    tpu.vector_store %arg4[%swap3A, %swap3A_24, %swap3A_25], %swap3A_28 {strides = array<i32>} : memref<1x1x1024xi32, #tpu.memory_space<vmem>>, vector<1x1x1024xi32>,
    %swap3A_29 = arith.constant 0 : index
    %swap3A_30 = arith.constant 0 : index
    %swap3A_31 = arith.constant 0 : index
    %swap3A_32 = vector.load %arg5[%swap3A_29, %swap3A_30, %swap3A_31] : memref<1x1x1024xi32, #tpu.memory_space<vmem>>, vector<1x1x1024xi32>
    %swap3A_33 = vector.shape_cast %swap3A_32 : vector<1x1x1024xi32> to vector<1x1024xi32>
    %swap3A_34 = vector.shape_cast %broadcast_in_dim3A_15 : vector<1x1024xi32> to vector<1x1x1024xi32>
    tpu.vector_store %arg5[%swap3A_29, %swap3A_30, %swap3A_31], %swap3A_34 {strides = array<i32>} : memref<1x1x1024xi32, #tpu.memory_space<vmem>>, vector<1x1x1024xi32>,
    %swap3A_35 = arith.constant 0 : index
    %swap3A_36 = arith.constant 0 : index
    %swap3A_37 = arith.constant 0 : index
    %swap3A_38 = vector.load %arg6[%swap3A_35, %swap3A_36, %swap3A_37] : memref<1x1x1024xf32, #tpu.memory_space<vmem>>, vector<1x1x1024xf32>
    %swap3A_39 = vector.shape_cast %swap3A_38 : vector<1x1x1024xf32> to vector<1x1024xf32>
    %swap3A_40 = vector.shape_cast %div3A_23 : vector<1x1024xf32> to vector<1x1x1024xf32>
    tpu.vector_store %arg6[%swap3A_35, %swap3A_36, %swap3A_37], %swap3A_40 {strides = array<i32>} : memref<1x1x1024xf32, #tpu.memory_space<vmem>>, vector<1x1x1024xf32>,
    %sub3A_41 = arith.constant 1.000000e+00 : f32
    %sub3A_42 = vector.broadcast %sub3A_41 : f32 to vector<1x1024xf32>
    %sub3A_43 = arith.subf %sub3A_42, %div3A_23 : vector<1x1024xf32>
    %swap3A_44 = arith.constant 0 : index
    %swap3A_45 = arith.constant 0 : index
    %swap3A_46 = arith.constant 0 : index
    %swap3A_47 = vector.load %arg7[%swap3A_44, %swap3A_45, %swap3A_46] : memref<1x1x1024xf32, #tpu.memory_space<vmem>>, vector<1x1x1024xf32>
    %swap3A_48 = vector.shape_cast %swap3A_47 : vector<1x1x1024xf32> to vector<1x1024xf32>
    %swap3A_49 = vector.shape_cast %sub3A_43 : vector<1x1024xf32> to vector<1x1x1024xf32>
    tpu.vector_store %arg7[%swap3A_44, %swap3A_45, %swap3A_46], %swap3A_49 {strides = array<i32>} : memref<1x1x1024xf32, #tpu.memory_space<vmem>>, vector<1x1x1024xf32>,
    return
  }
  func.func @transform_0(%arg0: i32) -> (i32, i32) {
    %c0_i32 = arith.constant 0 : i32
    %c0_i32_0 = arith.constant 0 : i32
    return %arg0, %c0_i32 : i32, i32
  }
  func.func @transform_1(%arg0: i32) -> (i32, i32) {
    %c0_i32 = arith.constant 0 : i32
    %c0_i32_0 = arith.constant 0 : i32
    %c0_i32_1 = arith.constant 0 : i32
    return %c0_i32, %c0_i32_0 : i32, i32
  }
  func.func @transform_2(%arg0: i32) -> (i32, i32) {
    %c0_i32 = arith.constant 0 : i32
    %c0_i32_0 = arith.constant 0 : i32
    %c0_i32_1 = arith.constant 0 : i32
    return %c0_i32, %c0_i32_0 : i32, i32
  }
  func.func @transform_3(%arg0: i32) -> (i32, i32, i32) {
    %c0_i32 = arith.constant 0 : i32
    %c0_i32_0 = arith.constant 0 : i32
    %c0_i32_1 = arith.constant 0 : i32
    return %arg0, %c0_i32, %c0_i32_0 : i32, i32, i32
  }
  func.func @transform_4(%arg0: i32) -> (i32, i32, i32) {
    %c0_i32 = arith.constant 0 : i32
    %c0_i32_0 = arith.constant 0 : i32
    %c0_i32_1 = arith.constant 0 : i32
    return %arg0, %c0_i32, %c0_i32_0 : i32, i32, i32
  }
  func.func @transform_5(%arg0: i32) -> (i32, i32, i32) {
    %c0_i32 = arith.constant 0 : i32
    %c0_i32_0 = arith.constant 0 : i32
    %c0_i32_1 = arith.constant 0 : i32
    return %arg0, %c0_i32, %c0_i32_0 : i32, i32, i32
  }
  func.func @transform_6(%arg0: i32) -> (i32, i32, i32) {
    %c0_i32 = arith.constant 0 : i32
    %c0_i32_0 = arith.constant 0 : i32
    %c0_i32_1 = arith.constant 0 : i32
    return %arg0, %c0_i32, %c0_i32_0 : i32, i32, i32
  }
}

module attributes {stable_mosaic.version = 14 : i64} {
  func.func @_routing_body(%arg0: memref<4x1x1024xi32, #tpu.memory_space<vmem>>, %arg1: memref<4x1x1024xi32, #tpu.memory_space<vmem>>, %arg2: memref<64x128xi32, #tpu.memory_space<vmem>>, %arg3: memref<1x128xi32, #tpu.memory_space<vmem>>) attributes {dimension_semantics = [], scalar_prefetch = 0 : i64, scratch_operands = 0 : i64, tpu.core_type = #tpu.core_type<tc>} {
    %get3A = arith.constant 0 : index
    %get3A_0 = arith.constant 0 : index
    %get3A_1 = arith.constant 0 : index
    %get3A_2 = vector.load %arg0[%get3A, %get3A_0, %get3A_1] : memref<4x1x1024xi32, #tpu.memory_space<vmem>>, vector<4x1x1024xi32>
    %reshape3A = vector.shape_cast %get3A_2 : vector<4x1x1024xi32> to vector<32x128xi32>
    %get3A_3 = arith.constant 0 : index
    %get3A_4 = arith.constant 0 : index
    %get3A_5 = arith.constant 0 : index
    %get3A_6 = vector.load %arg1[%get3A_3, %get3A_4, %get3A_5] : memref<4x1x1024xi32, #tpu.memory_space<vmem>>, vector<4x1x1024xi32>
    %reshape3A_7 = vector.shape_cast %get3A_6 : vector<4x1x1024xi32> to vector<32x128xi32>
    %concatenate3A = tpu.concatenate %reshape3A, %reshape3A_7 in 0 : vector<32x128xi32>, vector<32x128xi32> -> vector<64x128xi32>
    %iota3A = tpu.iota {dimensions = array<i32: 0>} : vector<128x128xi32>
    %iota3A_8 = tpu.iota {dimensions = array<i32: 1>} : vector<128x128xi32>
    %le3A = arith.cmpi sle, %iota3A, %iota3A_8 : vector<128x128xi32>
    %convert_element_type3A = arith.extui %le3A : vector<128x128xi1> to vector<128x128xi32>
    %convert_element_type3A_9 = arith.sitofp %convert_element_type3A : vector<128x128xi32> to vector<128x128xf32>
    %convert_element_type3A_10 = arith.truncf %convert_element_type3A_9 : vector<128x128xf32> to vector<128x128xbf16>
    %iota3A_11 = tpu.iota {dimensions = array<i32: 0>} : vector<64x64xi32>
    %iota3A_12 = tpu.iota {dimensions = array<i32: 1>} : vector<64x64xi32>
    %gt3A = arith.cmpi sgt, %iota3A_11, %iota3A_12 : vector<64x64xi32>
    %convert_element_type3A_13 = arith.extui %gt3A : vector<64x64xi1> to vector<64x64xi32>
    %convert_element_type3A_14 = arith.sitofp %convert_element_type3A_13 : vector<64x64xi32> to vector<64x64xf32>
    %convert_element_type3A_15 = arith.truncf %convert_element_type3A_14 : vector<64x64xf32> to vector<64x64xbf16>
    %broadcast_in_dim3A = arith.constant 0.000000e+00 : f32
    %broadcast_in_dim3A_16 = vector.broadcast %broadcast_in_dim3A : f32 to vector<64x128xf32>
    %eq3A = arith.constant 0 : i32
    %eq3A_17 = vector.broadcast %eq3A : i32 to vector<64x128xi32>
    %eq3A_18 = arith.cmpi eq, %concatenate3A, %eq3A_17 : vector<64x128xi32>
    %convert_element_type3A_19 = arith.extui %eq3A_18 : vector<64x128xi1> to vector<64x128xi32>
    %convert_element_type3A_20 = arith.sitofp %convert_element_type3A_19 : vector<64x128xi32> to vector<64x128xf32>
    %convert_element_type3A_21 = arith.truncf %convert_element_type3A_20 : vector<64x128xf32> to vector<64x128xbf16>
    %dot_general3A = arith.constant dense<0.000000e+00> : vector<64x128xf32>
    %dot_general3A_22 = tpu.matmul %convert_element_type3A_21, %convert_element_type3A_10, %dot_general3A {dimension_numbers = #tpu.dot_dimension_numbers<[1], [0], [0], [1], [0, 0, 1, 1], [], []>, transpose_lhs_hint = false} : vector<64x128xbf16>, vector<128x128xbf16>, vector<64x128xf32> -> vector<64x128xf32>
    %slice3A = vector.extract_strided_slice %dot_general3A_22 {offsets = [0, 127], sizes = [64, 1], strides = [1, 1]} : vector<64x128xf32> to vector<64x1xf32>
    %convert_element_type3A_23 = arith.truncf %slice3A : vector<64x1xf32> to vector<64x1xbf16>
    %dot_general3A_24 = arith.constant dense<0.000000e+00> : vector<64x1xf32>
    %dot_general3A_25 = tpu.matmul %convert_element_type3A_15, %convert_element_type3A_23, %dot_general3A_24 {dimension_numbers = #tpu.dot_dimension_numbers<[1], [0], [0], [1], [0, 0, 1, 1], [], []>, transpose_lhs_hint = false} : vector<64x64xbf16>, vector<64x1xbf16>, vector<64x1xf32> -> vector<64x1xf32>
    %sub3A = arith.subf %dot_general3A_22, %convert_element_type3A_20 : vector<64x128xf32>
    %add3A = vector.broadcast %dot_general3A_25 : vector<64x1xf32> to vector<64x128xf32>
    %add3A_26 = arith.addf %sub3A, %add3A : vector<64x128xf32>
    %reduce_sum3A = vector.shape_cast %convert_element_type3A_20 : vector<64x128xf32> to vector<1x64x128xf32>
    %reduce_sum3A_27 = arith.constant dense<0.000000e+00> : vector<1xf32>
    %reduce_sum3A_28 = vector.multi_reduction <add>, %reduce_sum3A, %reduce_sum3A_27 [1, 2] : vector<1x64x128xf32> to vector<1xf32>
    %reduce_sum3A_29 = vector.shape_cast %reduce_sum3A_28 : vector<1xf32> to vector<1x1x1xf32>
    %reduce_sum3A_30 = vector.extract %reduce_sum3A_29[0, 0, 0] : f32 from vector<1x1x1xf32>
    %add3A_31 = arith.constant 0.000000e+00 : f32
    %add3A_32 = vector.broadcast %add3A_31 : f32 to vector<64x128xf32>
    %add3A_33 = arith.addf %add3A_32, %add3A_26 : vector<64x128xf32>
    %mul3A = arith.mulf %convert_element_type3A_20, %add3A_33 : vector<64x128xf32>
    %add3A_34 = arith.addf %broadcast_in_dim3A_16, %mul3A : vector<64x128xf32>
    %div3A = arith.constant 2.560000e+02 : f32
    %div3A_35 = arith.divf %reduce_sum3A_30, %div3A : f32
    %ceil3A = math.ceil %div3A_35 : f32
    %mul3A_36 = arith.constant 2.560000e+02 : f32
    %mul3A_37 = arith.mulf %ceil3A, %mul3A_36 : f32
    %add3A_38 = arith.constant 0.000000e+00 : f32
    %add3A_39 = arith.addf %add3A_38, %mul3A_37 : f32
    %div3A_40 = arith.constant 2.560000e+02 : f32
    %div3A_41 = arith.divf %add3A_39, %div3A_40 : f32
    %eq3A_42 = arith.constant 1 : i32
    %eq3A_43 = vector.broadcast %eq3A_42 : i32 to vector<64x128xi32>
    %eq3A_44 = arith.cmpi eq, %concatenate3A, %eq3A_43 : vector<64x128xi32>
    %convert_element_type3A_45 = arith.extui %eq3A_44 : vector<64x128xi1> to vector<64x128xi32>
    %convert_element_type3A_46 = arith.sitofp %convert_element_type3A_45 : vector<64x128xi32> to vector<64x128xf32>
    %convert_element_type3A_47 = arith.truncf %convert_element_type3A_46 : vector<64x128xf32> to vector<64x128xbf16>
    %dot_general3A_48 = arith.constant dense<0.000000e+00> : vector<64x128xf32>
    %dot_general3A_49 = tpu.matmul %convert_element_type3A_47, %convert_element_type3A_10, %dot_general3A_48 {dimension_numbers = #tpu.dot_dimension_numbers<[1], [0], [0], [1], [0, 0, 1, 1], [], []>, transpose_lhs_hint = false} : vector<64x128xbf16>, vector<128x128xbf16>, vector<64x128xf32> -> vector<64x128xf32>
    %slice3A_50 = vector.extract_strided_slice %dot_general3A_49 {offsets = [0, 127], sizes = [64, 1], strides = [1, 1]} : vector<64x128xf32> to vector<64x1xf32>
    %convert_element_type3A_51 = arith.truncf %slice3A_50 : vector<64x1xf32> to vector<64x1xbf16>
    %dot_general3A_52 = arith.constant dense<0.000000e+00> : vector<64x1xf32>
    %dot_general3A_53 = tpu.matmul %convert_element_type3A_15, %convert_element_type3A_51, %dot_general3A_52 {dimension_numbers = #tpu.dot_dimension_numbers<[1], [0], [0], [1], [0, 0, 1, 1], [], []>, transpose_lhs_hint = false} : vector<64x64xbf16>, vector<64x1xbf16>, vector<64x1xf32> -> vector<64x1xf32>
    %sub3A_54 = arith.subf %dot_general3A_49, %convert_element_type3A_46 : vector<64x128xf32>
    %add3A_55 = vector.broadcast %dot_general3A_53 : vector<64x1xf32> to vector<64x128xf32>
    %add3A_56 = arith.addf %sub3A_54, %add3A_55 : vector<64x128xf32>
    %reduce_sum3A_57 = vector.shape_cast %convert_element_type3A_46 : vector<64x128xf32> to vector<1x64x128xf32>
    %reduce_sum3A_58 = arith.constant dense<0.000000e+00> : vector<1xf32>
    %reduce_sum3A_59 = vector.multi_reduction <add>, %reduce_sum3A_57, %reduce_sum3A_58 [1, 2] : vector<1x64x128xf32> to vector<1xf32>
    %reduce_sum3A_60 = vector.shape_cast %reduce_sum3A_59 : vector<1xf32> to vector<1x1x1xf32>
    %reduce_sum3A_61 = vector.extract %reduce_sum3A_60[0, 0, 0] : f32 from vector<1x1x1xf32>
    %add3A_62 = vector.broadcast %add3A_39 : f32 to vector<64x128xf32>
    %add3A_63 = arith.addf %add3A_62, %add3A_56 : vector<64x128xf32>
    %mul3A_64 = arith.mulf %convert_element_type3A_46, %add3A_63 : vector<64x128xf32>
    %add3A_65 = arith.addf %add3A_34, %mul3A_64 : vector<64x128xf32>
    %div3A_66 = arith.constant 2.560000e+02 : f32
    %div3A_67 = arith.divf %reduce_sum3A_61, %div3A_66 : f32
    %ceil3A_68 = math.ceil %div3A_67 : f32
    %mul3A_69 = arith.constant 2.560000e+02 : f32
    %mul3A_70 = arith.mulf %ceil3A_68, %mul3A_69 : f32
    %add3A_71 = arith.addf %add3A_39, %mul3A_70 : f32
    %div3A_72 = arith.constant 2.560000e+02 : f32
    %div3A_73 = arith.divf %add3A_71, %div3A_72 : f32
    %eq3A_74 = arith.constant 2 : i32
    %eq3A_75 = vector.broadcast %eq3A_74 : i32 to vector<64x128xi32>
    %eq3A_76 = arith.cmpi eq, %concatenate3A, %eq3A_75 : vector<64x128xi32>
    %convert_element_type3A_77 = arith.extui %eq3A_76 : vector<64x128xi1> to vector<64x128xi32>
    %convert_element_type3A_78 = arith.sitofp %convert_element_type3A_77 : vector<64x128xi32> to vector<64x128xf32>
    %convert_element_type3A_79 = arith.truncf %convert_element_type3A_78 : vector<64x128xf32> to vector<64x128xbf16>
    %dot_general3A_80 = arith.constant dense<0.000000e+00> : vector<64x128xf32>
    %dot_general3A_81 = tpu.matmul %convert_element_type3A_79, %convert_element_type3A_10, %dot_general3A_80 {dimension_numbers = #tpu.dot_dimension_numbers<[1], [0], [0], [1], [0, 0, 1, 1], [], []>, transpose_lhs_hint = false} : vector<64x128xbf16>, vector<128x128xbf16>, vector<64x128xf32> -> vector<64x128xf32>
    %slice3A_82 = vector.extract_strided_slice %dot_general3A_81 {offsets = [0, 127], sizes = [64, 1], strides = [1, 1]} : vector<64x128xf32> to vector<64x1xf32>
    %convert_element_type3A_83 = arith.truncf %slice3A_82 : vector<64x1xf32> to vector<64x1xbf16>
    %dot_general3A_84 = arith.constant dense<0.000000e+00> : vector<64x1xf32>
    %dot_general3A_85 = tpu.matmul %convert_element_type3A_15, %convert_element_type3A_83, %dot_general3A_84 {dimension_numbers = #tpu.dot_dimension_numbers<[1], [0], [0], [1], [0, 0, 1, 1], [], []>, transpose_lhs_hint = false} : vector<64x64xbf16>, vector<64x1xbf16>, vector<64x1xf32> -> vector<64x1xf32>
    %sub3A_86 = arith.subf %dot_general3A_81, %convert_element_type3A_78 : vector<64x128xf32>
    %add3A_87 = vector.broadcast %dot_general3A_85 : vector<64x1xf32> to vector<64x128xf32>
    %add3A_88 = arith.addf %sub3A_86, %add3A_87 : vector<64x128xf32>
    %reduce_sum3A_89 = vector.shape_cast %convert_element_type3A_78 : vector<64x128xf32> to vector<1x64x128xf32>
    %reduce_sum3A_90 = arith.constant dense<0.000000e+00> : vector<1xf32>
    %reduce_sum3A_91 = vector.multi_reduction <add>, %reduce_sum3A_89, %reduce_sum3A_90 [1, 2] : vector<1x64x128xf32> to vector<1xf32>
    %reduce_sum3A_92 = vector.shape_cast %reduce_sum3A_91 : vector<1xf32> to vector<1x1x1xf32>
    %reduce_sum3A_93 = vector.extract %reduce_sum3A_92[0, 0, 0] : f32 from vector<1x1x1xf32>
    %add3A_94 = vector.broadcast %add3A_71 : f32 to vector<64x128xf32>
    %add3A_95 = arith.addf %add3A_94, %add3A_88 : vector<64x128xf32>
    %mul3A_96 = arith.mulf %convert_element_type3A_78, %add3A_95 : vector<64x128xf32>
    %add3A_97 = arith.addf %add3A_65, %mul3A_96 : vector<64x128xf32>
    %div3A_98 = arith.constant 2.560000e+02 : f32
    %div3A_99 = arith.divf %reduce_sum3A_93, %div3A_98 : f32
    %ceil3A_100 = math.ceil %div3A_99 : f32
    %mul3A_101 = arith.constant 2.560000e+02 : f32
    %mul3A_102 = arith.mulf %ceil3A_100, %mul3A_101 : f32
    %add3A_103 = arith.addf %add3A_71, %mul3A_102 : f32
    %div3A_104 = arith.constant 2.560000e+02 : f32
    %div3A_105 = arith.divf %add3A_103, %div3A_104 : f32
    %eq3A_106 = arith.constant 3 : i32
    %eq3A_107 = vector.broadcast %eq3A_106 : i32 to vector<64x128xi32>
    %eq3A_108 = arith.cmpi eq, %concatenate3A, %eq3A_107 : vector<64x128xi32>
    %convert_element_type3A_109 = arith.extui %eq3A_108 : vector<64x128xi1> to vector<64x128xi32>
    %convert_element_type3A_110 = arith.sitofp %convert_element_type3A_109 : vector<64x128xi32> to vector<64x128xf32>
    %convert_element_type3A_111 = arith.truncf %convert_element_type3A_110 : vector<64x128xf32> to vector<64x128xbf16>
    %dot_general3A_112 = arith.constant dense<0.000000e+00> : vector<64x128xf32>
    %dot_general3A_113 = tpu.matmul %convert_element_type3A_111, %convert_element_type3A_10, %dot_general3A_112 {dimension_numbers = #tpu.dot_dimension_numbers<[1], [0], [0], [1], [0, 0, 1, 1], [], []>, transpose_lhs_hint = false} : vector<64x128xbf16>, vector<128x128xbf16>, vector<64x128xf32> -> vector<64x128xf32>
    %slice3A_114 = vector.extract_strided_slice %dot_general3A_113 {offsets = [0, 127], sizes = [64, 1], strides = [1, 1]} : vector<64x128xf32> to vector<64x1xf32>
    %convert_element_type3A_115 = arith.truncf %slice3A_114 : vector<64x1xf32> to vector<64x1xbf16>
    %dot_general3A_116 = arith.constant dense<0.000000e+00> : vector<64x1xf32>
    %dot_general3A_117 = tpu.matmul %convert_element_type3A_15, %convert_element_type3A_115, %dot_general3A_116 {dimension_numbers = #tpu.dot_dimension_numbers<[1], [0], [0], [1], [0, 0, 1, 1], [], []>, transpose_lhs_hint = false} : vector<64x64xbf16>, vector<64x1xbf16>, vector<64x1xf32> -> vector<64x1xf32>
    %sub3A_118 = arith.subf %dot_general3A_113, %convert_element_type3A_110 : vector<64x128xf32>
    %add3A_119 = vector.broadcast %dot_general3A_117 : vector<64x1xf32> to vector<64x128xf32>
    %add3A_120 = arith.addf %sub3A_118, %add3A_119 : vector<64x128xf32>
    %reduce_sum3A_121 = vector.shape_cast %convert_element_type3A_110 : vector<64x128xf32> to vector<1x64x128xf32>
    %reduce_sum3A_122 = arith.constant dense<0.000000e+00> : vector<1xf32>
    %reduce_sum3A_123 = vector.multi_reduction <add>, %reduce_sum3A_121, %reduce_sum3A_122 [1, 2] : vector<1x64x128xf32> to vector<1xf32>
    %reduce_sum3A_124 = vector.shape_cast %reduce_sum3A_123 : vector<1xf32> to vector<1x1x1xf32>
    %reduce_sum3A_125 = vector.extract %reduce_sum3A_124[0, 0, 0] : f32 from vector<1x1x1xf32>
    %add3A_126 = vector.broadcast %add3A_103 : f32 to vector<64x128xf32>
    %add3A_127 = arith.addf %add3A_126, %add3A_120 : vector<64x128xf32>
    %mul3A_128 = arith.mulf %convert_element_type3A_110, %add3A_127 : vector<64x128xf32>
    %add3A_129 = arith.addf %add3A_97, %mul3A_128 : vector<64x128xf32>
    %div3A_130 = arith.constant 2.560000e+02 : f32
    %div3A_131 = arith.divf %reduce_sum3A_125, %div3A_130 : f32
    %ceil3A_132 = math.ceil %div3A_131 : f32
    %mul3A_133 = arith.constant 2.560000e+02 : f32
    %mul3A_134 = arith.mulf %ceil3A_132, %mul3A_133 : f32
    %add3A_135 = arith.addf %add3A_103, %mul3A_134 : f32
    %div3A_136 = arith.constant 2.560000e+02 : f32
    %div3A_137 = arith.divf %add3A_135, %div3A_136 : f32
    %eq3A_138 = arith.constant 4 : i32
    %eq3A_139 = vector.broadcast %eq3A_138 : i32 to vector<64x128xi32>
    %eq3A_140 = arith.cmpi eq, %concatenate3A, %eq3A_139 : vector<64x128xi32>
    %convert_element_type3A_141 = arith.extui %eq3A_140 : vector<64x128xi1> to vector<64x128xi32>
    %convert_element_type3A_142 = arith.sitofp %convert_element_type3A_141 : vector<64x128xi32> to vector<64x128xf32>
    %convert_element_type3A_143 = arith.truncf %convert_element_type3A_142 : vector<64x128xf32> to vector<64x128xbf16>
    %dot_general3A_144 = arith.constant dense<0.000000e+00> : vector<64x128xf32>
    %dot_general3A_145 = tpu.matmul %convert_element_type3A_143, %convert_element_type3A_10, %dot_general3A_144 {dimension_numbers = #tpu.dot_dimension_numbers<[1], [0], [0], [1], [0, 0, 1, 1], [], []>, transpose_lhs_hint = false} : vector<64x128xbf16>, vector<128x128xbf16>, vector<64x128xf32> -> vector<64x128xf32>
    %slice3A_146 = vector.extract_strided_slice %dot_general3A_145 {offsets = [0, 127], sizes = [64, 1], strides = [1, 1]} : vector<64x128xf32> to vector<64x1xf32>
    %convert_element_type3A_147 = arith.truncf %slice3A_146 : vector<64x1xf32> to vector<64x1xbf16>
    %dot_general3A_148 = arith.constant dense<0.000000e+00> : vector<64x1xf32>
    %dot_general3A_149 = tpu.matmul %convert_element_type3A_15, %convert_element_type3A_147, %dot_general3A_148 {dimension_numbers = #tpu.dot_dimension_numbers<[1], [0], [0], [1], [0, 0, 1, 1], [], []>, transpose_lhs_hint = false} : vector<64x64xbf16>, vector<64x1xbf16>, vector<64x1xf32> -> vector<64x1xf32>
    %sub3A_150 = arith.subf %dot_general3A_145, %convert_element_type3A_142 : vector<64x128xf32>
    %add3A_151 = vector.broadcast %dot_general3A_149 : vector<64x1xf32> to vector<64x128xf32>
    %add3A_152 = arith.addf %sub3A_150, %add3A_151 : vector<64x128xf32>
    %reduce_sum3A_153 = vector.shape_cast %convert_element_type3A_142 : vector<64x128xf32> to vector<1x64x128xf32>
    %reduce_sum3A_154 = arith.constant dense<0.000000e+00> : vector<1xf32>
    %reduce_sum3A_155 = vector.multi_reduction <add>, %reduce_sum3A_153, %reduce_sum3A_154 [1, 2] : vector<1x64x128xf32> to vector<1xf32>
    %reduce_sum3A_156 = vector.shape_cast %reduce_sum3A_155 : vector<1xf32> to vector<1x1x1xf32>
    %reduce_sum3A_157 = vector.extract %reduce_sum3A_156[0, 0, 0] : f32 from vector<1x1x1xf32>
    %add3A_158 = vector.broadcast %add3A_135 : f32 to vector<64x128xf32>
    %add3A_159 = arith.addf %add3A_158, %add3A_152 : vector<64x128xf32>
    %mul3A_160 = arith.mulf %convert_element_type3A_142, %add3A_159 : vector<64x128xf32>
    %add3A_161 = arith.addf %add3A_129, %mul3A_160 : vector<64x128xf32>
    %div3A_162 = arith.constant 2.560000e+02 : f32
    %div3A_163 = arith.divf %reduce_sum3A_157, %div3A_162 : f32
    %ceil3A_164 = math.ceil %div3A_163 : f32
    %mul3A_165 = arith.constant 2.560000e+02 : f32
    %mul3A_166 = arith.mulf %ceil3A_164, %mul3A_165 : f32
    %add3A_167 = arith.addf %add3A_135, %mul3A_166 : f32
    %div3A_168 = arith.constant 2.560000e+02 : f32
    %div3A_169 = arith.divf %add3A_167, %div3A_168 : f32
    %eq3A_170 = arith.constant 5 : i32
    %eq3A_171 = vector.broadcast %eq3A_170 : i32 to vector<64x128xi32>
    %eq3A_172 = arith.cmpi eq, %concatenate3A, %eq3A_171 : vector<64x128xi32>
    %convert_element_type3A_173 = arith.extui %eq3A_172 : vector<64x128xi1> to vector<64x128xi32>
    %convert_element_type3A_174 = arith.sitofp %convert_element_type3A_173 : vector<64x128xi32> to vector<64x128xf32>
    %convert_element_type3A_175 = arith.truncf %convert_element_type3A_174 : vector<64x128xf32> to vector<64x128xbf16>
    %dot_general3A_176 = arith.constant dense<0.000000e+00> : vector<64x128xf32>
    %dot_general3A_177 = tpu.matmul %convert_element_type3A_175, %convert_element_type3A_10, %dot_general3A_176 {dimension_numbers = #tpu.dot_dimension_numbers<[1], [0], [0], [1], [0, 0, 1, 1], [], []>, transpose_lhs_hint = false} : vector<64x128xbf16>, vector<128x128xbf16>, vector<64x128xf32> -> vector<64x128xf32>
    %slice3A_178 = vector.extract_strided_slice %dot_general3A_177 {offsets = [0, 127], sizes = [64, 1], strides = [1, 1]} : vector<64x128xf32> to vector<64x1xf32>
    %convert_element_type3A_179 = arith.truncf %slice3A_178 : vector<64x1xf32> to vector<64x1xbf16>
    %dot_general3A_180 = arith.constant dense<0.000000e+00> : vector<64x1xf32>
    %dot_general3A_181 = tpu.matmul %convert_element_type3A_15, %convert_element_type3A_179, %dot_general3A_180 {dimension_numbers = #tpu.dot_dimension_numbers<[1], [0], [0], [1], [0, 0, 1, 1], [], []>, transpose_lhs_hint = false} : vector<64x64xbf16>, vector<64x1xbf16>, vector<64x1xf32> -> vector<64x1xf32>
    %sub3A_182 = arith.subf %dot_general3A_177, %convert_element_type3A_174 : vector<64x128xf32>
    %add3A_183 = vector.broadcast %dot_general3A_181 : vector<64x1xf32> to vector<64x128xf32>
    %add3A_184 = arith.addf %sub3A_182, %add3A_183 : vector<64x128xf32>
    %reduce_sum3A_185 = vector.shape_cast %convert_element_type3A_174 : vector<64x128xf32> to vector<1x64x128xf32>
    %reduce_sum3A_186 = arith.constant dense<0.000000e+00> : vector<1xf32>
    %reduce_sum3A_187 = vector.multi_reduction <add>, %reduce_sum3A_185, %reduce_sum3A_186 [1, 2] : vector<1x64x128xf32> to vector<1xf32>
    %reduce_sum3A_188 = vector.shape_cast %reduce_sum3A_187 : vector<1xf32> to vector<1x1x1xf32>
    %reduce_sum3A_189 = vector.extract %reduce_sum3A_188[0, 0, 0] : f32 from vector<1x1x1xf32>
    %add3A_190 = vector.broadcast %add3A_167 : f32 to vector<64x128xf32>
    %add3A_191 = arith.addf %add3A_190, %add3A_184 : vector<64x128xf32>
    %mul3A_192 = arith.mulf %convert_element_type3A_174, %add3A_191 : vector<64x128xf32>
    %add3A_193 = arith.addf %add3A_161, %mul3A_192 : vector<64x128xf32>
    %div3A_194 = arith.constant 2.560000e+02 : f32
    %div3A_195 = arith.divf %reduce_sum3A_189, %div3A_194 : f32
    %ceil3A_196 = math.ceil %div3A_195 : f32
    %mul3A_197 = arith.constant 2.560000e+02 : f32
    %mul3A_198 = arith.mulf %ceil3A_196, %mul3A_197 : f32
    %add3A_199 = arith.addf %add3A_167, %mul3A_198 : f32
    %div3A_200 = arith.constant 2.560000e+02 : f32
    %div3A_201 = arith.divf %add3A_199, %div3A_200 : f32
    %eq3A_202 = arith.constant 6 : i32
    %eq3A_203 = vector.broadcast %eq3A_202 : i32 to vector<64x128xi32>
    %eq3A_204 = arith.cmpi eq, %concatenate3A, %eq3A_203 : vector<64x128xi32>
    %convert_element_type3A_205 = arith.extui %eq3A_204 : vector<64x128xi1> to vector<64x128xi32>
    %convert_element_type3A_206 = arith.sitofp %convert_element_type3A_205 : vector<64x128xi32> to vector<64x128xf32>
    %convert_element_type3A_207 = arith.truncf %convert_element_type3A_206 : vector<64x128xf32> to vector<64x128xbf16>
    %dot_general3A_208 = arith.constant dense<0.000000e+00> : vector<64x128xf32>
    %dot_general3A_209 = tpu.matmul %convert_element_type3A_207, %convert_element_type3A_10, %dot_general3A_208 {dimension_numbers = #tpu.dot_dimension_numbers<[1], [0], [0], [1], [0, 0, 1, 1], [], []>, transpose_lhs_hint = false} : vector<64x128xbf16>, vector<128x128xbf16>, vector<64x128xf32> -> vector<64x128xf32>
    %slice3A_210 = vector.extract_strided_slice %dot_general3A_209 {offsets = [0, 127], sizes = [64, 1], strides = [1, 1]} : vector<64x128xf32> to vector<64x1xf32>
    %convert_element_type3A_211 = arith.truncf %slice3A_210 : vector<64x1xf32> to vector<64x1xbf16>
    %dot_general3A_212 = arith.constant dense<0.000000e+00> : vector<64x1xf32>
    %dot_general3A_213 = tpu.matmul %convert_element_type3A_15, %convert_element_type3A_211, %dot_general3A_212 {dimension_numbers = #tpu.dot_dimension_numbers<[1], [0], [0], [1], [0, 0, 1, 1], [], []>, transpose_lhs_hint = false} : vector<64x64xbf16>, vector<64x1xbf16>, vector<64x1xf32> -> vector<64x1xf32>
    %sub3A_214 = arith.subf %dot_general3A_209, %convert_element_type3A_206 : vector<64x128xf32>
    %add3A_215 = vector.broadcast %dot_general3A_213 : vector<64x1xf32> to vector<64x128xf32>
    %add3A_216 = arith.addf %sub3A_214, %add3A_215 : vector<64x128xf32>
    %reduce_sum3A_217 = vector.shape_cast %convert_element_type3A_206 : vector<64x128xf32> to vector<1x64x128xf32>
    %reduce_sum3A_218 = arith.constant dense<0.000000e+00> : vector<1xf32>
    %reduce_sum3A_219 = vector.multi_reduction <add>, %reduce_sum3A_217, %reduce_sum3A_218 [1, 2] : vector<1x64x128xf32> to vector<1xf32>
    %reduce_sum3A_220 = vector.shape_cast %reduce_sum3A_219 : vector<1xf32> to vector<1x1x1xf32>
    %reduce_sum3A_221 = vector.extract %reduce_sum3A_220[0, 0, 0] : f32 from vector<1x1x1xf32>
    %add3A_222 = vector.broadcast %add3A_199 : f32 to vector<64x128xf32>
    %add3A_223 = arith.addf %add3A_222, %add3A_216 : vector<64x128xf32>
    %mul3A_224 = arith.mulf %convert_element_type3A_206, %add3A_223 : vector<64x128xf32>
    %add3A_225 = arith.addf %add3A_193, %mul3A_224 : vector<64x128xf32>
    %div3A_226 = arith.constant 2.560000e+02 : f32
    %div3A_227 = arith.divf %reduce_sum3A_221, %div3A_226 : f32
    %ceil3A_228 = math.ceil %div3A_227 : f32
    %mul3A_229 = arith.constant 2.560000e+02 : f32
    %mul3A_230 = arith.mulf %ceil3A_228, %mul3A_229 : f32
    %add3A_231 = arith.addf %add3A_199, %mul3A_230 : f32
    %div3A_232 = arith.constant 2.560000e+02 : f32
    %div3A_233 = arith.divf %add3A_231, %div3A_232 : f32
    %eq3A_234 = arith.constant 7 : i32
    %eq3A_235 = vector.broadcast %eq3A_234 : i32 to vector<64x128xi32>
    %eq3A_236 = arith.cmpi eq, %concatenate3A, %eq3A_235 : vector<64x128xi32>
    %convert_element_type3A_237 = arith.extui %eq3A_236 : vector<64x128xi1> to vector<64x128xi32>
    %convert_element_type3A_238 = arith.sitofp %convert_element_type3A_237 : vector<64x128xi32> to vector<64x128xf32>
    %convert_element_type3A_239 = arith.truncf %convert_element_type3A_238 : vector<64x128xf32> to vector<64x128xbf16>
    %dot_general3A_240 = arith.constant dense<0.000000e+00> : vector<64x128xf32>
    %dot_general3A_241 = tpu.matmul %convert_element_type3A_239, %convert_element_type3A_10, %dot_general3A_240 {dimension_numbers = #tpu.dot_dimension_numbers<[1], [0], [0], [1], [0, 0, 1, 1], [], []>, transpose_lhs_hint = false} : vector<64x128xbf16>, vector<128x128xbf16>, vector<64x128xf32> -> vector<64x128xf32>
    %slice3A_242 = vector.extract_strided_slice %dot_general3A_241 {offsets = [0, 127], sizes = [64, 1], strides = [1, 1]} : vector<64x128xf32> to vector<64x1xf32>
    %convert_element_type3A_243 = arith.truncf %slice3A_242 : vector<64x1xf32> to vector<64x1xbf16>
    %dot_general3A_244 = arith.constant dense<0.000000e+00> : vector<64x1xf32>
    %dot_general3A_245 = tpu.matmul %convert_element_type3A_15, %convert_element_type3A_243, %dot_general3A_244 {dimension_numbers = #tpu.dot_dimension_numbers<[1], [0], [0], [1], [0, 0, 1, 1], [], []>, transpose_lhs_hint = false} : vector<64x64xbf16>, vector<64x1xbf16>, vector<64x1xf32> -> vector<64x1xf32>
    %sub3A_246 = arith.subf %dot_general3A_241, %convert_element_type3A_238 : vector<64x128xf32>
    %add3A_247 = vector.broadcast %dot_general3A_245 : vector<64x1xf32> to vector<64x128xf32>
    %add3A_248 = arith.addf %sub3A_246, %add3A_247 : vector<64x128xf32>
    %reduce_sum3A_249 = vector.shape_cast %convert_element_type3A_238 : vector<64x128xf32> to vector<1x64x128xf32>
    %reduce_sum3A_250 = arith.constant dense<0.000000e+00> : vector<1xf32>
    %reduce_sum3A_251 = vector.multi_reduction <add>, %reduce_sum3A_249, %reduce_sum3A_250 [1, 2] : vector<1x64x128xf32> to vector<1xf32>
    %reduce_sum3A_252 = vector.shape_cast %reduce_sum3A_251 : vector<1xf32> to vector<1x1x1xf32>
    %reduce_sum3A_253 = vector.extract %reduce_sum3A_252[0, 0, 0] : f32 from vector<1x1x1xf32>
    %add3A_254 = vector.broadcast %add3A_231 : f32 to vector<64x128xf32>
    %add3A_255 = arith.addf %add3A_254, %add3A_248 : vector<64x128xf32>
    %mul3A_256 = arith.mulf %convert_element_type3A_238, %add3A_255 : vector<64x128xf32>
    %add3A_257 = arith.addf %add3A_225, %mul3A_256 : vector<64x128xf32>
    %div3A_258 = arith.constant 2.560000e+02 : f32
    %div3A_259 = arith.divf %reduce_sum3A_253, %div3A_258 : f32
    %ceil3A_260 = math.ceil %div3A_259 : f32
    %mul3A_261 = arith.constant 2.560000e+02 : f32
    %mul3A_262 = arith.mulf %ceil3A_260, %mul3A_261 : f32
    %add3A_263 = arith.addf %add3A_231, %mul3A_262 : f32
    %div3A_264 = arith.constant 2.560000e+02 : f32
    %div3A_265 = arith.divf %add3A_263, %div3A_264 : f32
    %convert_element_type3A_266 = arith.fptosi %add3A_257 : vector<64x128xf32> to vector<64x128xi32>
    %swap3A = arith.constant 0 : index
    %swap3A_267 = arith.constant 0 : index
    %swap3A_268 = vector.load %arg2[%swap3A, %swap3A_267] : memref<64x128xi32, #tpu.memory_space<vmem>>, vector<64x128xi32>
    tpu.vector_store %arg2[%swap3A, %swap3A_267], %convert_element_type3A_266 {strides = array<i32>} : memref<64x128xi32, #tpu.memory_space<vmem>>, vector<64x128xi32>,
    %iota3A_269 = tpu.iota {dimensions = array<i32: 1>} : vector<1x128xi32>
    %convert_element_type3A_270 = arith.sitofp %iota3A_269 : vector<1x128xi32> to vector<1x128xf32>
    %broadcast_in_dim3A_271 = arith.constant 0 : i32
    %broadcast_in_dim3A_272 = vector.broadcast %broadcast_in_dim3A_271 : i32 to vector<1x128xi32>
    %ge3A = vector.broadcast %div3A_41 : f32 to vector<1x128xf32>
    %ge3A_273 = arith.cmpf oge, %convert_element_type3A_270, %ge3A : vector<1x128xf32>
    %convert_element_type3A_274 = arith.extui %ge3A_273 : vector<1x128xi1> to vector<1x128xi32>
    %add3A_275 = arith.addi %broadcast_in_dim3A_272, %convert_element_type3A_274 : vector<1x128xi32>
    %ge3A_276 = vector.broadcast %div3A_73 : f32 to vector<1x128xf32>
    %ge3A_277 = arith.cmpf oge, %convert_element_type3A_270, %ge3A_276 : vector<1x128xf32>
    %convert_element_type3A_278 = arith.extui %ge3A_277 : vector<1x128xi1> to vector<1x128xi32>
    %add3A_279 = arith.addi %add3A_275, %convert_element_type3A_278 : vector<1x128xi32>
    %ge3A_280 = vector.broadcast %div3A_105 : f32 to vector<1x128xf32>
    %ge3A_281 = arith.cmpf oge, %convert_element_type3A_270, %ge3A_280 : vector<1x128xf32>
    %convert_element_type3A_282 = arith.extui %ge3A_281 : vector<1x128xi1> to vector<1x128xi32>
    %add3A_283 = arith.addi %add3A_279, %convert_element_type3A_282 : vector<1x128xi32>
    %ge3A_284 = vector.broadcast %div3A_137 : f32 to vector<1x128xf32>
    %ge3A_285 = arith.cmpf oge, %convert_element_type3A_270, %ge3A_284 : vector<1x128xf32>
    %convert_element_type3A_286 = arith.extui %ge3A_285 : vector<1x128xi1> to vector<1x128xi32>
    %add3A_287 = arith.addi %add3A_283, %convert_element_type3A_286 : vector<1x128xi32>
    %ge3A_288 = vector.broadcast %div3A_169 : f32 to vector<1x128xf32>
    %ge3A_289 = arith.cmpf oge, %convert_element_type3A_270, %ge3A_288 : vector<1x128xf32>
    %convert_element_type3A_290 = arith.extui %ge3A_289 : vector<1x128xi1> to vector<1x128xi32>
    %add3A_291 = arith.addi %add3A_287, %convert_element_type3A_290 : vector<1x128xi32>
    %ge3A_292 = vector.broadcast %div3A_201 : f32 to vector<1x128xf32>
    %ge3A_293 = arith.cmpf oge, %convert_element_type3A_270, %ge3A_292 : vector<1x128xf32>
    %convert_element_type3A_294 = arith.extui %ge3A_293 : vector<1x128xi1> to vector<1x128xi32>
    %add3A_295 = arith.addi %add3A_291, %convert_element_type3A_294 : vector<1x128xi32>
    %ge3A_296 = vector.broadcast %div3A_233 : f32 to vector<1x128xf32>
    %ge3A_297 = arith.cmpf oge, %convert_element_type3A_270, %ge3A_296 : vector<1x128xf32>
    %convert_element_type3A_298 = arith.extui %ge3A_297 : vector<1x128xi1> to vector<1x128xi32>
    %add3A_299 = arith.addi %add3A_295, %convert_element_type3A_298 : vector<1x128xi32>
    %convert_element_type3A_300 = arith.fptosi %div3A_265 : f32 to i32
    %iota3A_301 = tpu.iota {dimensions = array<i32: 1>} : vector<1x128xi32>
    %eq3A_302 = arith.constant 127 : i32
    %eq3A_303 = vector.broadcast %eq3A_302 : i32 to vector<1x128xi32>
    %eq3A_304 = arith.cmpi eq, %iota3A_301, %eq3A_303 : vector<1x128xi32>
    %broadcast_in_dim3A_305 = vector.broadcast %convert_element_type3A_300 : i32 to vector<1x128xi32>
    %select_n3A = arith.select %eq3A_304, %broadcast_in_dim3A_305, %add3A_299 : vector<1x128xi1>, vector<1x128xi32>
    %swap3A_306 = arith.constant 0 : index
    %swap3A_307 = arith.constant 0 : index
    %swap3A_308 = vector.load %arg3[%swap3A_306, %swap3A_307] : memref<1x128xi32, #tpu.memory_space<vmem>>, vector<1x128xi32>
    tpu.vector_store %arg3[%swap3A_306, %swap3A_307], %select_n3A {strides = array<i32>} : memref<1x128xi32, #tpu.memory_space<vmem>>, vector<1x128xi32>,
    return
  }
}

module attributes {stable_mosaic.version = 14 : i64} {
  func.func @_ffn_body(%arg0: i32, %arg1: memref<128xi32, #tpu.memory_space<smem>>, %arg2: memref<256x1024xf32, #tpu.memory_space<vmem>>, %arg3: memref<1x1024x2048xbf16, #tpu.memory_space<vmem>>, %arg4: memref<1x1x2048xf32, #tpu.memory_space<vmem>>, %arg5: memref<1x2048x1024xbf16, #tpu.memory_space<vmem>>, %arg6: memref<1x1x1024xf32, #tpu.memory_space<vmem>>, %arg7: memref<256x1024xf32, #tpu.memory_space<vmem>>) attributes {dimension_semantics = [#tpu.dimension_semantics<arbitrary>], iteration_bounds = array<i64: 40>, scalar_prefetch = 1 : i64, scratch_operands = 0 : i64, tpu.core_type = #tpu.core_type<tc>, window_params = [{transform_indices = @transform_0, window_bounds = array<i64: 256, 1024>}, {transform_indices = @transform_1, window_bounds = array<i64: 1, 1024, 2048>}, {transform_indices = @transform_2, window_bounds = array<i64: 1, 1, 2048>}, {transform_indices = @transform_3, window_bounds = array<i64: 1, 2048, 1024>}, {transform_indices = @transform_4, window_bounds = array<i64: 1, 1, 1024>}, {transform_indices = @transform_5, window_bounds = array<i64: 256, 1024>}]} {
    %get3A = arith.constant 127 : index
    %get3A_0 = memref.load %arg1[%get3A] : memref<128xi32, #tpu.memory_space<smem>>
    %lt3A = arith.cmpi slt, %arg0, %get3A_0 : i32
    %convert_element_type3A = arith.extui %lt3A : i1 to i32
    %cond3A = arith.constant 0 : i32
    %cond3A_1 = arith.cmpi ne, %convert_element_type3A, %cond3A : i32
    scf.if %cond3A_1 {
      %get3A_2 = arith.constant 0 : index
      %get3A_3 = arith.constant 0 : index
      %get3A_4 = vector.load %arg2[%get3A_2, %get3A_3] : memref<256x1024xf32, #tpu.memory_space<vmem>>, vector<256x1024xf32>
      %convert_element_type3A_5 = arith.truncf %get3A_4 : vector<256x1024xf32> to vector<256x1024xbf16>
      %get3A_6 = arith.constant 0 : index
      %get3A_7 = arith.constant 0 : index
      %get3A_8 = arith.constant 0 : index
      %get3A_9 = vector.load %arg3[%get3A_6, %get3A_7, %get3A_8] : memref<1x1024x2048xbf16, #tpu.memory_space<vmem>>, vector<1x1024x2048xbf16>
      %get3A_10 = vector.shape_cast %get3A_9 : vector<1x1024x2048xbf16> to vector<1024x2048xbf16>
      %dot_general3A = arith.constant dense<0.000000e+00> : vector<256x2048xf32>
      %dot_general3A_11 = tpu.matmul %convert_element_type3A_5, %get3A_10, %dot_general3A {dimension_numbers = #tpu.dot_dimension_numbers<[1], [0], [0], [1], [0, 0, 1, 1], [], []>, transpose_lhs_hint = false} : vector<256x1024xbf16>, vector<1024x2048xbf16>, vector<256x2048xf32> -> vector<256x2048xf32>
      %get3A_12 = arith.constant 0 : index
      %get3A_13 = arith.constant 0 : index
      %get3A_14 = arith.constant 0 : index
      %get3A_15 = vector.load %arg4[%get3A_12, %get3A_13, %get3A_14] : memref<1x1x2048xf32, #tpu.memory_space<vmem>>, vector<1x1x2048xf32>
      %get3A_16 = vector.shape_cast %get3A_15 : vector<1x1x2048xf32> to vector<1x2048xf32>
      %add3A = vector.broadcast %get3A_16 : vector<1x2048xf32> to vector<256x2048xf32>
      %add3A_17 = arith.addf %dot_general3A_11, %add3A : vector<256x2048xf32>
      %mul3A = arith.constant 5.000000e-01 : f32
      %mul3A_18 = vector.broadcast %mul3A : f32 to vector<256x2048xf32>
      %mul3A_19 = arith.mulf %mul3A_18, %add3A_17 : vector<256x2048xf32>
      %mul3A_20 = arith.constant 0.707106769 : f32
      %mul3A_21 = vector.broadcast %mul3A_20 : f32 to vector<256x2048xf32>
      %mul3A_22 = arith.mulf %add3A_17, %mul3A_21 : vector<256x2048xf32>
      %erf3A = math.erf %mul3A_22 : vector<256x2048xf32>
      %add3A_23 = arith.constant 1.000000e+00 : f32
      %add3A_24 = vector.broadcast %add3A_23 : f32 to vector<256x2048xf32>
      %add3A_25 = arith.addf %add3A_24, %erf3A : vector<256x2048xf32>
      %mul3A_26 = arith.mulf %mul3A_19, %add3A_25 : vector<256x2048xf32>
      %convert_element_type3A_27 = arith.truncf %mul3A_26 : vector<256x2048xf32> to vector<256x2048xbf16>
      %get3A_28 = arith.constant 0 : index
      %get3A_29 = arith.constant 0 : index
      %get3A_30 = arith.constant 0 : index
      %get3A_31 = vector.load %arg5[%get3A_28, %get3A_29, %get3A_30] : memref<1x2048x1024xbf16, #tpu.memory_space<vmem>>, vector<1x2048x1024xbf16>
      %get3A_32 = vector.shape_cast %get3A_31 : vector<1x2048x1024xbf16> to vector<2048x1024xbf16>
      %dot_general3A_33 = arith.constant dense<0.000000e+00> : vector<256x1024xf32>
      %dot_general3A_34 = tpu.matmul %convert_element_type3A_27, %get3A_32, %dot_general3A_33 {dimension_numbers = #tpu.dot_dimension_numbers<[1], [0], [0], [1], [0, 0, 1, 1], [], []>, transpose_lhs_hint = false} : vector<256x2048xbf16>, vector<2048x1024xbf16>, vector<256x1024xf32> -> vector<256x1024xf32>
      %get3A_35 = arith.constant 0 : index
      %get3A_36 = arith.constant 0 : index
      %get3A_37 = arith.constant 0 : index
      %get3A_38 = vector.load %arg6[%get3A_35, %get3A_36, %get3A_37] : memref<1x1x1024xf32, #tpu.memory_space<vmem>>, vector<1x1x1024xf32>
      %get3A_39 = vector.shape_cast %get3A_38 : vector<1x1x1024xf32> to vector<1x1024xf32>
      %add3A_40 = vector.broadcast %get3A_39 : vector<1x1024xf32> to vector<256x1024xf32>
      %add3A_41 = arith.addf %dot_general3A_34, %add3A_40 : vector<256x1024xf32>
      %swap3A = arith.constant 0 : index
      %swap3A_42 = arith.constant 0 : index
      %swap3A_43 = vector.load %arg7[%swap3A, %swap3A_42] : memref<256x1024xf32, #tpu.memory_space<vmem>>, vector<256x1024xf32>
      tpu.vector_store %arg7[%swap3A, %swap3A_42], %add3A_41 {strides = array<i32>} : memref<256x1024xf32, #tpu.memory_space<vmem>>, vector<256x1024xf32>,
    } else {
    }
    return
  }
  func.func @transform_0(%arg0: i32, %arg1: memref<128xi32, #tpu.memory_space<smem>>) -> (i32, i32) {
    %c0_i32 = arith.constant 0 : i32
    %c0_i32_0 = arith.constant 0 : i32
    return %arg0, %c0_i32 : i32, i32
  }
  func.func @transform_1(%arg0: i32, %arg1: memref<128xi32, #tpu.memory_space<smem>>) -> (i32, i32, i32) {
    %get3A = arith.index_cast %arg0 : i32 to index
    %get3A_0 = memref.load %arg1[%get3A] : memref<128xi32, #tpu.memory_space<smem>>
    %c0_i32 = arith.constant 0 : i32
    %c0_i32_1 = arith.constant 0 : i32
    %c0_i32_2 = arith.constant 0 : i32
    return %get3A_0, %c0_i32, %c0_i32_1 : i32, i32, i32
  }
  func.func @transform_2(%arg0: i32, %arg1: memref<128xi32, #tpu.memory_space<smem>>) -> (i32, i32, i32) {
    %get3A = arith.index_cast %arg0 : i32 to index
    %get3A_0 = memref.load %arg1[%get3A] : memref<128xi32, #tpu.memory_space<smem>>
    %c0_i32 = arith.constant 0 : i32
    %c0_i32_1 = arith.constant 0 : i32
    %c0_i32_2 = arith.constant 0 : i32
    return %get3A_0, %c0_i32, %c0_i32_1 : i32, i32, i32
  }
  func.func @transform_3(%arg0: i32, %arg1: memref<128xi32, #tpu.memory_space<smem>>) -> (i32, i32, i32) {
    %get3A = arith.index_cast %arg0 : i32 to index
    %get3A_0 = memref.load %arg1[%get3A] : memref<128xi32, #tpu.memory_space<smem>>
    %c0_i32 = arith.constant 0 : i32
    %c0_i32_1 = arith.constant 0 : i32
    %c0_i32_2 = arith.constant 0 : i32
    return %get3A_0, %c0_i32, %c0_i32_1 : i32, i32, i32
  }
  func.func @transform_4(%arg0: i32, %arg1: memref<128xi32, #tpu.memory_space<smem>>) -> (i32, i32, i32) {
    %get3A = arith.index_cast %arg0 : i32 to index
    %get3A_0 = memref.load %arg1[%get3A] : memref<128xi32, #tpu.memory_space<smem>>
    %c0_i32 = arith.constant 0 : i32
    %c0_i32_1 = arith.constant 0 : i32
    %c0_i32_2 = arith.constant 0 : i32
    return %get3A_0, %c0_i32, %c0_i32_1 : i32, i32, i32
  }
  func.func @transform_5(%arg0: i32, %arg1: memref<128xi32, #tpu.memory_space<smem>>) -> (i32, i32) {
    %c0_i32 = arith.constant 0 : i32
    %c0_i32_0 = arith.constant 0 : i32
    return %arg0, %c0_i32 : i32, i32
  }
}

module attributes {stable_mosaic.version = 14 : i64} {
  func.func @_add_body(%arg0: i32, %arg1: memref<512x1024xf32, #tpu.memory_space<vmem>>, %arg2: memref<512x1024xf32, #tpu.memory_space<vmem>>, %arg3: memref<512x1xf32, #tpu.memory_space<vmem>>, %arg4: memref<512x1xf32, #tpu.memory_space<vmem>>, %arg5: memref<512x1024xf32, #tpu.memory_space<vmem>>) attributes {dimension_semantics = [#tpu.dimension_semantics<arbitrary>], iteration_bounds = array<i64: 8>, scalar_prefetch = 0 : i64, scratch_operands = 0 : i64, tpu.core_type = #tpu.core_type<tc>, window_params = [{transform_indices = @transform_0, window_bounds = array<i64: 512, 1024>}, {transform_indices = @transform_1, window_bounds = array<i64: 512, 1024>}, {transform_indices = @transform_2, window_bounds = array<i64: 512, 1>}, {transform_indices = @transform_3, window_bounds = array<i64: 512, 1>}, {transform_indices = @transform_4, window_bounds = array<i64: 512, 1024>}]} {
    %get3A = arith.constant 0 : index
    %get3A_0 = arith.constant 0 : index
    %get3A_1 = vector.load %arg1[%get3A, %get3A_0] : memref<512x1024xf32, #tpu.memory_space<vmem>>, vector<512x1024xf32>
    %get3A_2 = arith.constant 0 : index
    %get3A_3 = arith.constant 0 : index
    %get3A_4 = vector.load %arg3[%get3A_2, %get3A_3] : memref<512x1xf32, #tpu.memory_space<vmem>>, vector<512x1xf32>
    %mul3A = vector.broadcast %get3A_4 : vector<512x1xf32> to vector<512x1024xf32>
    %mul3A_5 = arith.mulf %get3A_1, %mul3A : vector<512x1024xf32>
    %get3A_6 = arith.constant 0 : index
    %get3A_7 = arith.constant 0 : index
    %get3A_8 = vector.load %arg2[%get3A_6, %get3A_7] : memref<512x1024xf32, #tpu.memory_space<vmem>>, vector<512x1024xf32>
    %get3A_9 = arith.constant 0 : index
    %get3A_10 = arith.constant 0 : index
    %get3A_11 = vector.load %arg4[%get3A_9, %get3A_10] : memref<512x1xf32, #tpu.memory_space<vmem>>, vector<512x1xf32>
    %mul3A_12 = vector.broadcast %get3A_11 : vector<512x1xf32> to vector<512x1024xf32>
    %mul3A_13 = arith.mulf %get3A_8, %mul3A_12 : vector<512x1024xf32>
    %add3A = arith.addf %mul3A_5, %mul3A_13 : vector<512x1024xf32>
    %swap3A = arith.constant 0 : index
    %swap3A_14 = arith.constant 0 : index
    %swap3A_15 = vector.load %arg5[%swap3A, %swap3A_14] : memref<512x1024xf32, #tpu.memory_space<vmem>>, vector<512x1024xf32>
    tpu.vector_store %arg5[%swap3A, %swap3A_14], %add3A {strides = array<i32>} : memref<512x1024xf32, #tpu.memory_space<vmem>>, vector<512x1024xf32>,
    return
  }
  func.func @transform_0(%arg0: i32) -> (i32, i32) {
    %c0_i32 = arith.constant 0 : i32
    %c0_i32_0 = arith.constant 0 : i32
    return %arg0, %c0_i32 : i32, i32
  }
  func.func @transform_1(%arg0: i32) -> (i32, i32) {
    %add3A = arith.constant 8 : i32
    %add3A_0 = arith.addi %arg0, %add3A : i32
    %c0_i32 = arith.constant 0 : i32
    %c0_i32_1 = arith.constant 0 : i32
    return %add3A_0, %c0_i32 : i32, i32
  }
  func.func @transform_2(%arg0: i32) -> (i32, i32) {
    %c0_i32 = arith.constant 0 : i32
    %c0_i32_0 = arith.constant 0 : i32
    return %arg0, %c0_i32 : i32, i32
  }
  func.func @transform_3(%arg0: i32) -> (i32, i32) {
    %c0_i32 = arith.constant 0 : i32
    %c0_i32_0 = arith.constant 0 : i32
    return %arg0, %c0_i32 : i32, i32
  }
  func.func @transform_4(%arg0: i32) -> (i32, i32) {
    %c0_i32 = arith.constant 0 : i32
    %c0_i32_0 = arith.constant 0 : i32
    return %arg0, %c0_i32 : i32, i32
  }
}

</mosaic_0001>

<sc_bundles>
// kernel: _moe.11.cloned.1.call-start
scs
__scs_entry_jumppad:
0x0: {  	(pc) =	sbr.rel $0x88, $3  }
0x1: {  	(tag) =	ssettag $0x0;
	lr =	simm.s32 $0x1  }
0x2: {  	[smem:$0x3F9A] =	sst lr;
	_ =	strace $0xD0000000  }
0x3: {  	_ = 	snop  }
0x4: {  	_ = 	snop  }
0x5: {  	_ = 	snop  }
0x6: {  	_ = 	snop  }
0x7: {  	_ = 	snop  }
__scs_overlays_trampoline_lowered:
0x8: {  	[smem:$0x3FA9] =	sst s0  }
0x9: {  	[smem:$0x3FAA] =	sst s1  }
0xa: {  	[smem:$0x3FAB] =	sst s2  }
0xb: {  	[smem:$0x3FAC] =	sst s3  }
0xc: {  	[smem:$0x3FAD] =	sst s4  }
0xd: {  	[smem:$0x3FAE] =	sst s5  }
0xe: {  	[smem:$0x3FAF] =	sst s6  }
0xf: {  	[smem:$0x3FB0] =	sst s7  }
0x10: {  	[smem:$0x3FB1] =	sst s8  }
0x11: {  	[smem:$0x3FB2] =	sst s9;
	s0 =	simm.s32 @!p0 $0x0  }
0x12: {  	s1 =	sld [smem:$0x3F98];
	s0 =	simm.s32 @p0 $0x1  }
0x13: {  	[smem:$0x3FB3] =	sst s0;
	s0 =	simm.s32 @!p1 $0x0  }
0x14: {  	s2 =	sld [smem:$0x3F97];
	s0 =	simm.s32 @p1 $0x1  }
0x15: {  	[smem:$0x3FB4] =	sst s0;
	s0 =	simm.s32 @!p2 $0x0  }
0x16: {  	s3 =	sld [smem:$0x3FDB];
	s0 =	simm.s32 @p2 $0x1  }
0x17: {  	s4 =	simm.s32 $0x1BF5;
	[smem:$0x3FB6] =	sst s0  }
0x18: {  	s0 =	sld [smem:$0x3F99];
	_ =	swait.ge [sflag:s4], $0x0  }
0x19: {  	s7 =	sld [smem:$0x3F9A]  }
0x1a: {  	s8 =	sadd.s32 $0xFFFFE003, lr  }
0x1b: {  	s9 =	sadd.s32 $0xFFFFFEF7, lr;
	s5 =	simm.s32 $0xFFFFFFFF;
	p2 =	slt.u32 s8, $0xFFFFF086  }
0x1c: {  	p1 =	slt.u32 s9, $0xF7A;
	s5 =	simm.s32 @!p2 $0x0  }
0x1d: {  	s5 =	simm.s32 @p1 $0x1;
	p0 =	seq.s32 s7, s2  }
0x1e: {  	s7 =	smul.u32 @!p0 $0xF7A, s2;
	p2 =	seq.s32 @!p0 s5, $0x0  }
0x1f: {  	s9 =	smul.u32 $0xF7A, s1;
	s8 =	simm.s32 @!p0 $0x1BF5;
	p2 =	por !p2, p0  }
0x20: {  	[sflag:s8] =	ssyncset.s32 @!p0 $0xFFFFF086;
	s6 =	sadd.s32 @!p0 s3, s7;
	s7 =	simm.s32 @!p0 $0x108  }
0x21: {  	s3 =	sadd.s32 s3, s9;
	s6 =	sadd.s32 @!p0 $0x88, s6;
	s7 =	simm.s32 @p2 $0x1082  }
0x22: {  	[simem:s7], [sflag:s8] =	dma.local @!p0 [hbm:s6], $0xF7A  }
0x23: {  	s9 =	sor.u32 $0xD0000000, s2;
	s6 =	simm.s32 $0x108;
	_ =	swait.ge @!p0 [sflag:s8], $0x0  }
0x24: {  	s3 =	sadd.s32 $0x88, s3;
	s6 =	simm.s32 @!p1 $0x1082;
	[sflag:s4] =	ssyncset.s32 $0xFFFFF086  }
0x25: {  	[simem:s6], [sflag:s4] =	dma.local [hbm:s3], $0xF7A  }
0x26: {  	[smem:$0x3F9A] =	sst s1;
	(tag) =	ssettag s2;
	_ =	strace s9  }
0x27: {  	s1 =	sld [smem:$0x3FAA]  }
0x28: {  	s2 =	sld [smem:$0x3FAB]  }
0x29: {  	s4 =	sld [smem:$0x3FAD]  }
0x2a: {  	p0 =	seq.s32 s5, $0x0;
	s5 =	sld [smem:$0x3FAE]  }
0x2b: {  	s6 =	sld [smem:$0x3FAF]  }
0x2c: {  	s7 =	sld [smem:$0x3FB0]  }
0x2d: {  	s3 =	simm.s32 $0x108;
	s8 =	sld [smem:$0x3FB1]  }
0x2e: {  	s3 =	simm.s32 @!p0 $0x1082;
	s9 =	sld [smem:$0x3FB2]  }
0x2f: {  	lr =	sadd.s32 s0, s3;
	s0 =	sld [smem:$0x3FA9]  }
0x30: {  	s3 =	sld [smem:$0x3FAC]  }
0x31: {  	[smem:$0x3FB5] =	sst s10  }
0x32: {  	s10 =	sld [smem:$0x3FB3];
	_ =	sdelay $0x3  }
0x33: {  	p0 =	seq.s32 s10, $0x1;
	s10 =	sld [smem:$0x3FB5];
	_ =	sdelay $0x3  }
0x34: {  	[smem:$0x3FB5] =	sst s10  }
0x35: {  	s10 =	sld [smem:$0x3FB4];
	_ =	sdelay $0x3  }
0x36: {  	p1 =	seq.s32 s10, $0x1;
	s10 =	sld [smem:$0x3FB5];
	_ =	sdelay $0x3  }
0x37: {  	[smem:$0x3FB5] =	sst s10  }
0x38: {  	s10 =	sld [smem:$0x3FB6]  }
0x39: {  	_ = 	snop;
	(pc) =	sbr.ind lr, $3  }
0x3a: {  	_ = 	snop  }
0x3b: {  	_ = 	snop  }
0x3c: {  	p2 =	seq.s32 s10, $0x1;
	s10 =	sld [smem:$0x3FB5]  }
0x3d: {  	_ =	shalt  }
0x3e: {  	_ =	shalt  }
0x3f: {  	_ =	shalt  }
0x40: {  	_ =	shalt  }
0x41: {  	_ =	shalt  }
0x42: {  	_ =	shalt  }
0x43: {  	_ =	shalt  }
0x44: {  	_ =	shalt  }
0x45: {  	_ =	shalt  }
0x46: {  	_ =	shalt  }
0x47: {  	_ =	shalt  }
0x48: {  	_ =	shalt  }
0x49: {  	_ =	shalt  }
0x4a: {  	_ =	shalt  }
0x4b: {  	_ =	shalt  }
0x4c: {  	_ =	shalt  }
0x4d: {  	_ =	shalt  }
0x4e: {  	_ =	shalt  }
0x4f: {  	_ =	shalt  }
0x50: {  	_ =	shalt  }
0x51: {  	_ =	shalt  }
0x52: {  	_ =	shalt  }
0x53: {  	_ =	shalt  }
0x54: {  	_ =	shalt  }
0x55: {  	_ =	shalt  }
0x56: {  	_ =	shalt  }
0x57: {  	_ =	shalt  }
0x58: {  	_ =	shalt  }
0x59: {  	_ =	shalt  }
0x5a: {  	_ =	shalt  }
0x5b: {  	_ =	shalt  }
0x5c: {  	_ =	shalt  }
0x5d: {  	_ =	shalt  }
0x5e: {  	_ =	shalt  }
0x5f: {  	_ =	shalt  }
0x60: {  	_ =	shalt  }
0x61: {  	_ =	shalt  }
0x62: {  	_ =	shalt  }
0x63: {  	_ =	shalt  }
0x64: {  	_ =	shalt  }
0x65: {  	_ =	shalt  }
0x66: {  	_ =	shalt  }
0x67: {  	_ =	shalt  }
0x68: {  	_ =	shalt  }
0x69: {  	_ =	shalt  }
0x6a: {  	_ =	shalt  }
0x6b: {  	_ =	shalt  }
0x6c: {  	_ =	shalt  }
0x6d: {  	_ =	shalt  }
0x6e: {  	_ =	shalt  }
0x6f: {  	_ =	shalt  }
0x70: {  	_ =	shalt  }
0x71: {  	_ =	shalt  }
0x72: {  	_ =	shalt  }
0x73: {  	_ =	shalt  }
0x74: {  	_ =	shalt  }
0x75: {  	_ =	shalt  }
0x76: {  	_ =	shalt  }
0x77: {  	_ =	shalt  }
0x78: {  	_ =	shalt  }
0x79: {  	_ =	shalt  }
0x7a: {  	_ =	shalt  }
0x7b: {  	_ =	shalt  }
0x7c: {  	_ =	shalt  }
0x7d: {  	_ =	shalt  }
0x7e: {  	_ =	shalt  }
0x7f: {  	_ =	shalt  }
0x80: {  	_ =	shalt  }
0x81: {  	_ =	shalt  }
0x82: {  	_ =	shalt  }
0x83: {  	_ =	shalt  }
0x84: {  	_ =	shalt  }
0x85: {  	_ =	shalt  }
0x86: {  	_ =	shalt  }
0x87: {  	_ =	shalt  }
.Lfunc_end0:
.L_simem_size_0:
called_computation.1_lowered:
.L_overlay_start_0:
0x88: {  	s2 =	sld [smem:$0x3FD9]  }
0x89: {  	s3 =	sld [smem:$0x3FFE];
	_ =	sdelay $0x1  }
0x8a: {  	s1 =	srdreg.scid  }
0x8b: {  	s0 =	sand.u32 $0x1, s1  }
0x8c: {  	s17 =	sshll.u32 s0, $0xA;
	s2 =	sadd.s32 s3, s2  }
0x8d: {  	s2 =	sadd.s32 s2, s17  }
0x8e: {  	[smem:$0x3FC1] =	sst s2  }
0x8f: {  	_ = 	snop  }
0x90: {  	s2 =	sld [smem:$0x3FD0];
	(tm) =	ssettm $0x1  }
0x91: {  	s18 =	sld [smem:$0x3FFB];
	_ =	sdelay $0x3  }
0x92: {  	_ =	strace s18  }
0x93: {  	s3 =	sld [smem:$0x3FFC];
	_ =	sdelay $0x3  }
0x94: {  	_ =	strace s3  }
0x95: {  	s3 =	sld [smem:$0x3FFD];
	_ =	sdelay $0x3  }
0x96: {  	_ =	strace s3  }
0x97: {  	_ =	strace $0x8FFFFFFF  }
0x98: {  	s19 =	sld [smem:$0x3FDB];
	_ =	sdelay $0x1  }
0x99: {  	s4 =	simm.s32 $_scs_section_size  }
0x9a: {  	s5 =	simm.s32 $_size__tile_overlayer_lowered;
	s6 =	simm.s32 $_tile_overlayer_lowered  }
0x9b: {  	s22 =	simm.s32 $0x1BFF;
	s21 =	sshll.u32 s6, $0x1;
	s3 =	sadd.s32 s4, s19  }
0x9c: {  	s7 =	simm.s32 $0x0;
	s20 =	sshll.u32 s5, $0x1;
	s5 =	sadd.s32 s21, s3  }
0x9d: {  	[timem:s7], [sflag:s22] =	dma.local [hbm:s5], s20  }
0x9e: {  	_ =	swait.ge [sflag:s22], s20  }
0x9f: {  	s4 =	ssub.s32 $0x0, s20;
	[sflag:s22] =	ssyncset.done $0x0  }
0xa0: {  	[sflag:s22] =	ssyncadd.s32 s4;
	_ =	sdelay $0x1  }
0xa1: {  	s23 =	simm.s32 $0x1B8B  }
0xa2: {  	_ =	swait.ge [sflag:s23], $0x1  }
0xa3: {  	[sflag:s23] =	ssyncset.done $0x0  }
0xa4: {  	s25 =	simm.s32 $0x1B8E;
	s24 =	sld [smem:$0x3FFE];
	[sflag:s23] =	ssyncadd.s32 $0xFFFFFFFF  }
0xa5: {  	s26 =	simm.s32 $execute0_lowered;
	[smem:$0x3FD2] =	sst s25  }
0xa6: {  	s5 =	sshll.u32 s26, $0x1;
	_ =	strace $0x80000049;
	[dreg:$0x1] =	wrdreg $0xFFFFFFFF  }
0xa7: {  	s28 =	simm.s32 $_size_execute0_lowered;
	s3 =	sadd.s32 s3, s5;
	[dreg:$0x0] =	wrdreg $0x0  }
0xa8: {  	s5 =	sshll.u32 s28, $0x1;
	[dreg:$0x2] =	wrdreg s3  }
0xa9: {  	[dreg:$0x3] =	wrdreg s5  }
0xaa: {  	[dreg:$0x4] =	wrdreg $0xC0  }
0xab: {  	_ =	task [dreg:s7], $0x5FFFF  }
0xac: {  	[dreg:$0x1] =	wrdreg $0xFFFFFFFF  }
0xad: {  	[dreg:$0x0] =	wrdreg $0x60  }
0xae: {  	[dreg:$0x2] =	wrdreg s24  }
0xaf: {  	[dreg:$0x3] =	wrdreg s2  }
0xb0: {  	[dreg:$0x4] =	wrdreg $0x9  }
0xb1: {  	_ =	task.clear_ibuf [dreg:s7], $0x5FFFF;
	_ =	strace $0x90000049  }
0xb2: {  	s29 =	simm.s32 $0x9;
	_ =	strace $0x8000004B  }
0xb3: {  	_ =	swait.ge [sflag:s29], $0x1  }
0xb4: {  	[sflag:s29] =	ssyncadd.s32 $0xFFFFFFFF  }
0xb5: {  	_ =	strace $0x9000004B  }
0xb6: {  	_ =	sfence  }
0xb7: {  	s30 =	sld [smem:$0x0];
	_ =	sdelay $0x2  }
0xb8: {  	s31 =	sshll.u32 s1, $0xD;
	s1 =	sshrl.u32 s1, $0x2  }
0xb9: {  	s3 =	sand.u32 $0x4000, s31;
	s1 =	sadd.s32 s1, s30  }
0xba: {  	s0 =	sor.u32 s3, s0;
	s1 =	sshll.u32 s1, $0x11  }
0xbb: {  	s0 =	sor.u32 s1, s0  }
0xbc: {  	s0 =	sadd.s32 $0x8F2B, s0  }
0xbd: {  	[sflag:s0] =	ssyncadd.remote.s32 $0x1  }
0xbe: {  	_ =	sfence.sel $0xFFFF  }
0xbf: {  	[dreg:$0x0] =	wrdreg $0xFFFFFFFF;
	(pc) =	sbr.abs _section_cstart, $3  }
0xc0: {  	[dreg:$0x1] =	wrdreg $0xFFFFFFFF  }
0xc1: {  	_ =	task.clear_ibuf [dreg:s7], $0x2FFFF;
	_ =	strace $0x9FFFFFFF  }
0xc2: {  	(tm) =	ssettm $0x7FFFFFFF  }
0xc3: {  	_ =	shalt  }
tec
execute0_lowered:
.L_overlay_start_1:
0x0: {  	(tag) =	ssettag $0x1  }
0x1: {  	s1 =	srdreg.scid;
	s2 =	stileid.u32  }
0x2: {  	s0 =	rddreg [dreg:$0x0];
	s1 =	sand.u32 $0x1, s1;
	s4 =	sshll.u32 s2, $0x1  }
0x3: {  	s3 =	rddreg [dreg:$0x1];
	s4 =	sor.u32 s1, s4  }
0x4: {  	s2 =	simm.s32 $0x0;
	s5 =	sshll.u32 s4, $0xF;
	s4 =	sshll.u32 s4, $0x7  }
0x5: {  	[smem:$0x7FF] =	sst s2;
	s5 =	sadd.s32 s5, s0;
	s3 =	sadd.s32 s3, s4  }
0x6: {  	_ =	strace $0x8000004A;
	[dreg:$0x3] =	wrdreg s3;
	s24 =	sadd.s32 $0x1E00, s5  }
0x7: {  	s23 =	simm.s32 $0x400;
	s25 =	sadd.s32 $0x2E00, s5;
	[dreg:$0x4] =	wrdreg s24  }
0x8: {  	s18 =	simm.s32 $0x2;
	s26 =	sadd.s32 $0x3E00, s5;
	[dreg:$0x5] =	wrdreg s25  }
0x9: {  	s1 =	ssub.s32 $0x2, s1;
	s28 =	sadd.s32 $0x4E00, s5;
	[dreg:$0x6] =	wrdreg s26  }
0xa: {  	s6 =	sshrl.u32 s1, $0x1;
	s29 =	sadd.s32 $0x5E00, s5;
	[dreg:$0x7] =	wrdreg s28  }
0xb: {  	s1 =	ssub.s32 s1, s6;
	s30 =	sadd.s32 $0x6E00, s5;
	[dreg:$0x8] =	wrdreg s29  }
0xc: {  	s4 =	sadd.s32 $0x341F00, s0;
	s31 =	sadd.s32 $0x7E00, s5;
	[dreg:$0x9] =	wrdreg s30  }
0xd: {  	v2 =	vlaneseq.u32;
	s6 =	sadd.s32 $0x342100, s0;
	s7 =	sadd.s32 $0x8E00, s5;
	[dreg:$0xa] =	wrdreg s31  }
0xe: {  	vm0 =	vmmov $0xffff;
	v1 =	vshrl.u32 v2, $0x3;
	s3 =	sadd.s32 $0x341E00, s0;
	s5 =	sadd.s32 $0x342000, s0;
	[dreg:$0xb] =	wrdreg s7  }
0xf: {  	v0 =	vand.u32 $0x7, v2;
	v2 =	vor.u32 $0x8, v2;
	v1 =	vmul.u32 $0x8, v1;
	s7 =	smax.u32 s1, $0x1;
	s25 =	simm.s32 $0x1;
	s26 =	simm.s32 $0x8400  }
.LBB2_1:
0x10: {  	s19 =	rddreg [dreg:$0x3];
	s9 =	simm.s32 $0x3  }
0x11: {  	[tilespmem:s2], [sflag:$0x3] =	stream.linear.gather [hbm4b:s19+s2], $0x400, $0x38;
	[tilespmem:$0x10400] =	vst v63  }
0x12: {  	_ =	swait.ge [sflag:s9], $0x400  }
0x13: {  	[sflag:s9] =	ssyncset.done $0x0  }
0x14: {  	[sflag:s9] =	ssyncadd.s32 $0xFFFFFC00  }
0x15: {  	v3 =	vld [tilespmem:$0x0];
	_ =	sdelay $0x4  }
0x16: {  	v4 =	vshll.u32 v3, $0x3  }
0x17: {  	v3 =	vand.u32 $0x7, v3;
	v4 =	vand.u32 $0xFFFFFFC0, v4  }
0x18: {  	v3 =	vor.u32 v3, v4  }
0x19: {  	v4 =	vperm.xlane v3, v0;
	_ =	sdelay $0x1  }
0x1a: {  	v4 =	vadd.s32 v1, v4;
	_ =	sdelay $0x4  }
0x1b: {  	[tilespmem:s23], [sflag:$0x1] =	stream.indirect_vreg.gather [hbm4b:s3+s2], $0x80, v4, vm0, $0xb8;
	[tilespmem:$0x10400] =	vst v63  }
0x1c: {  	s0 =	simm.s32 $0xC00;
	v3 =	vperm.xlane v3, v2  }
0x1d: {  	[tilespmem:s0], [sflag:$0x1] =	stream.indirect_vreg.gather [hbm4b:s4+s2], $0x80, v4, vm0, $0xb8;
	[tilespmem:$0x10400] =	vst v63  }
0x1e: {  	s10 =	simm.s32 $0x1400;
	v3 =	vadd.s32 v1, v3  }
0x1f: {  	[tilespmem:s10], [sflag:$0x1] =	stream.indirect_vreg.gather [hbm4b:s5+s2], $0x80, v4, vm0, $0xb8;
	[tilespmem:$0x10400] =	vst v63  }
0x20: {  	s11 =	simm.s32 $0x1C00  }
0x21: {  	[tilespmem:s11], [sflag:$0x1] =	stream.indirect_vreg.gather [hbm4b:s6+s2], $0x80, v4, vm0, $0xb8;
	[tilespmem:$0x10400] =	vst v63  }
0x22: {  	s12 =	simm.s32 $0x2400  }
0x23: {  	[tilespmem:s12], [sflag:$0x1] =	stream.indirect_vreg.gather [hbm4b:s3+s2], $0x80, v3, vm0, $0xb8;
	[tilespmem:$0x10400] =	vst v63  }
0x24: {  	s13 =	simm.s32 $0x2C00  }
0x25: {  	[tilespmem:s13], [sflag:$0x1] =	stream.indirect_vreg.gather [hbm4b:s4+s2], $0x80, v3, vm0, $0xb8;
	[tilespmem:$0x10400] =	vst v63  }
0x26: {  	s14 =	simm.s32 $0x3400  }
0x27: {  	[tilespmem:s14], [sflag:$0x1] =	stream.indirect_vreg.gather [hbm4b:s5+s2], $0x80, v3, vm0, $0xb8;
	[tilespmem:$0x10400] =	vst v63  }
0x28: {  	s15 =	simm.s32 $0x3C00  }
0x29: {  	[tilespmem:s15], [sflag:$0x1] =	stream.indirect_vreg.gather [hbm4b:s6+s2], $0x80, v3, vm0, $0xb8;
	[tilespmem:$0x10400] =	vst v63  }
0x2a: {  	v3 =	vld [tilespmem:$0x10];
	_ =	sdelay $0x4  }
0x2b: {  	v49 =	vshll.u32 v3, $0x3  }
0x2c: {  	v3 =	vand.u32 $0x7, v3;
	v4 =	vand.u32 $0xFFFFFFC0, v49  }
0x2d: {  	v3 =	vor.u32 v3, v4  }
0x2e: {  	v4 =	vperm.xlane v3, v0;
	_ =	sdelay $0x1  }
0x2f: {  	v4 =	vadd.s32 v1, v4;
	_ =	sdelay $0x3  }
0x30: {  	s16 =	simm.s32 $0x4400  }
0x31: {  	[tilespmem:s16], [sflag:$0x1] =	stream.indirect_vreg.gather [hbm4b:s3+s2], $0x80, v4, vm0, $0xb8;
	[tilespmem:$0x10400] =	vst v63  }
0x32: {  	s17 =	simm.s32 $0x4C00;
	v3 =	vperm.xlane v3, v2  }
0x33: {  	[tilespmem:s17], [sflag:$0x1] =	stream.indirect_vreg.gather [hbm4b:s4+s2], $0x80, v4, vm0, $0xb8;
	[tilespmem:$0x10400] =	vst v63  }
0x34: {  	s19 =	simm.s32 $0x5400;
	v3 =	vadd.s32 v1, v3  }
0x35: {  	[tilespmem:s19], [sflag:$0x1] =	stream.indirect_vreg.gather [hbm4b:s5+s2], $0x80, v4, vm0, $0xb8;
	[tilespmem:$0x10400] =	vst v63  }
0x36: {  	s20 =	simm.s32 $0x5C00  }
0x37: {  	[tilespmem:s20], [sflag:$0x1] =	stream.indirect_vreg.gather [hbm4b:s6+s2], $0x80, v4, vm0, $0xb8;
	[tilespmem:$0x10400] =	vst v63  }
0x38: {  	s21 =	simm.s32 $0x6400  }
0x39: {  	[tilespmem:s21], [sflag:$0x1] =	stream.indirect_vreg.gather [hbm4b:s3+s2], $0x80, v3, vm0, $0xb8;
	[tilespmem:$0x10400] =	vst v63  }
0x3a: {  	s22 =	simm.s32 $0x6C00  }
0x3b: {  	[tilespmem:s22], [sflag:$0x1] =	stream.indirect_vreg.gather [hbm4b:s4+s2], $0x80, v3, vm0, $0xb8;
	[tilespmem:$0x10400] =	vst v63  }
0x3c: {  	s24 =	simm.s32 $0x7400  }
0x3d: {  	[tilespmem:s24], [sflag:$0x1] =	stream.indirect_vreg.gather [hbm4b:s5+s2], $0x80, v3, vm0, $0xb8;
	[tilespmem:$0x10400] =	vst v63  }
0x3e: {  	s28 =	simm.s32 $0x7C00  }
0x3f: {  	[tilespmem:s28], [sflag:$0x1] =	stream.indirect_vreg.gather [hbm4b:s6+s2], $0x80, v3, vm0, $0xb8;
	[tilespmem:$0x10400] =	vst v63  }
0x40: {  	_ =	swait.ge [sflag:s25], $0x8000  }
0x41: {  	[sflag:s25] =	ssyncset.done $0x0  }
0x42: {  	s29 =	rddreg [dreg:$0x4];
	[sflag:s25] =	ssyncadd.s32 $0xFFFF8000  }
0x43: {  	[hbm4b:s29+s2] =	stream.linear.scatter [tilespmem:s23], [sflag:$0x2], $0x8000, $0x38;
	[tilespmem:$0x10400] =	vst v63  }
0x44: {  	v3 =	vld [tilespmem:$0x80];
	_ =	sdelay $0x4  }
0x45: {  	v50 =	vshll.u32 v3, $0x3  }
0x46: {  	v3 =	vand.u32 $0x7, v3;
	v4 =	vand.u32 $0xFFFFFFC0, v50  }
0x47: {  	v3 =	vor.u32 v3, v4  }
0x48: {  	v4 =	vperm.xlane v3, v0;
	_ =	sdelay $0x1  }
0x49: {  	v4 =	vadd.s32 v1, v4;
	_ =	sdelay $0x4  }
0x4a: {  	[tilespmem:s26], [sflag:$0x1] =	stream.indirect_vreg.gather [hbm4b:s3+s2], $0x80, v4, vm0, $0xb8;
	[tilespmem:$0x10400] =	vst v63  }
0x4b: {  	s30 =	simm.s32 $0x8C00;
	v3 =	vperm.xlane v3, v2  }
0x4c: {  	[tilespmem:s30], [sflag:$0x1] =	stream.indirect_vreg.gather [hbm4b:s4+s2], $0x80, v4, vm0, $0xb8;
	[tilespmem:$0x10400] =	vst v63  }
0x4d: {  	s31 =	simm.s32 $0x9400;
	v3 =	vadd.s32 v1, v3  }
0x4e: {  	[tilespmem:s31], [sflag:$0x1] =	stream.indirect_vreg.gather [hbm4b:s5+s2], $0x80, v4, vm0, $0xb8;
	[tilespmem:$0x10400] =	vst v63  }
0x4f: {  	s16 =	simm.s32 $0x9C00  }
0x50: {  	[tilespmem:s16], [sflag:$0x1] =	stream.indirect_vreg.gather [hbm4b:s6+s2], $0x80, v4, vm0, $0xb8;
	[tilespmem:$0x10400] =	vst v63  }
0x51: {  	s17 =	simm.s32 $0xA400  }
0x52: {  	[tilespmem:s17], [sflag:$0x1] =	stream.indirect_vreg.gather [hbm4b:s3+s2], $0x80, v3, vm0, $0xb8;
	[tilespmem:$0x10400] =	vst v63  }
0x53: {  	s19 =	simm.s32 $0xAC00  }
0x54: {  	[tilespmem:s19], [sflag:$0x1] =	stream.indirect_vreg.gather [hbm4b:s4+s2], $0x80, v3, vm0, $0xb8;
	[tilespmem:$0x10400] =	vst v63  }
0x55: {  	s20 =	simm.s32 $0xB400  }
0x56: {  	[tilespmem:s20], [sflag:$0x1] =	stream.indirect_vreg.gather [hbm4b:s5+s2], $0x80, v3, vm0, $0xb8;
	[tilespmem:$0x10400] =	vst v63  }
0x57: {  	s21 =	simm.s32 $0xBC00  }
0x58: {  	[tilespmem:s21], [sflag:$0x1] =	stream.indirect_vreg.gather [hbm4b:s6+s2], $0x80, v3, vm0, $0xb8;
	[tilespmem:$0x10400] =	vst v63  }
0x59: {  	v3 =	vld [tilespmem:$0x90];
	_ =	sdelay $0x4  }
0x5a: {  	v51 =	vshll.u32 v3, $0x3  }
0x5b: {  	v3 =	vand.u32 $0x7, v3;
	v4 =	vand.u32 $0xFFFFFFC0, v51  }
0x5c: {  	v3 =	vor.u32 v3, v4  }
0x5d: {  	v4 =	vperm.xlane v3, v0;
	_ =	sdelay $0x1  }
0x5e: {  	v4 =	vadd.s32 v1, v4;
	_ =	sdelay $0x3  }
0x5f: {  	s24 =	simm.s32 $0xC400  }
0x60: {  	[tilespmem:s24], [sflag:$0x1] =	stream.indirect_vreg.gather [hbm4b:s3+s2], $0x80, v4, vm0, $0xb8;
	[tilespmem:$0x10400] =	vst v63  }
0x61: {  	s28 =	simm.s32 $0xCC00;
	v3 =	vperm.xlane v3, v2  }
0x62: {  	[tilespmem:s28], [sflag:$0x1] =	stream.indirect_vreg.gather [hbm4b:s4+s2], $0x80, v4, vm0, $0xb8;
	[tilespmem:$0x10400] =	vst v63  }
0x63: {  	s30 =	simm.s32 $0xD400;
	v3 =	vadd.s32 v1, v3  }
0x64: {  	[tilespmem:s30], [sflag:$0x1] =	stream.indirect_vreg.gather [hbm4b:s5+s2], $0x80, v4, vm0, $0xb8;
	[tilespmem:$0x10400] =	vst v63  }
0x65: {  	s31 =	simm.s32 $0xDC00  }
0x66: {  	[tilespmem:s31], [sflag:$0x1] =	stream.indirect_vreg.gather [hbm4b:s6+s2], $0x80, v4, vm0, $0xb8;
	[tilespmem:$0x10400] =	vst v63  }
0x67: {  	s0 =	simm.s32 $0xE400  }
0x68: {  	[tilespmem:s0], [sflag:$0x1] =	stream.indirect_vreg.gather [hbm4b:s3+s2], $0x80, v3, vm0, $0xb8;
	[tilespmem:$0x10400] =	vst v63  }
0x69: {  	s17 =	simm.s32 $0xEC00  }
0x6a: {  	[tilespmem:s17], [sflag:$0x1] =	stream.indirect_vreg.gather [hbm4b:s4+s2], $0x80, v3, vm0, $0xb8;
	[tilespmem:$0x10400] =	vst v63  }
0x6b: {  	s24 =	simm.s32 $0xF400  }
0x6c: {  	[tilespmem:s24], [sflag:$0x1] =	stream.indirect_vreg.gather [hbm4b:s5+s2], $0x80, v3, vm0, $0xb8;
	[tilespmem:$0x10400] =	vst v63  }
0x6d: {  	s30 =	simm.s32 $0xFC00  }
0x6e: {  	[tilespmem:s30], [sflag:$0x1] =	stream.indirect_vreg.gather [hbm4b:s6+s2], $0x80, v3, vm0, $0xb8;
	[tilespmem:$0x10400] =	vst v63  }
0x6f: {  	_ =	swait.ge [sflag:s25], $0x8000  }
0x70: {  	[sflag:s25] =	ssyncset.done $0x0  }
0x71: {  	s0 =	rddreg [dreg:$0x5];
	[sflag:s25] =	ssyncadd.s32 $0xFFFF8000  }
0x72: {  	[hbm4b:s0+s2] =	stream.linear.scatter [tilespmem:s26], [sflag:$0x2], $0x8000, $0x38;
	[tilespmem:$0x10400] =	vst v63  }
0x73: {  	_ =	swait.ge [sflag:s18], $0x8000  }
0x74: {  	[sflag:s18] =	ssyncset.done $0x0  }
0x75: {  	[sflag:s18] =	ssyncadd.s32 $0xFFFF8000  }
0x76: {  	v3 =	vld [tilespmem:$0x100];
	_ =	sdelay $0x4  }
0x77: {  	v52 =	vshll.u32 v3, $0x3  }
0x78: {  	v3 =	vand.u32 $0x7, v3;
	v4 =	vand.u32 $0xFFFFFFC0, v52  }
0x79: {  	v3 =	vor.u32 v3, v4  }
0x7a: {  	v4 =	vperm.xlane v3, v0;
	_ =	sdelay $0x1  }
0x7b: {  	v4 =	vadd.s32 v1, v4;
	_ =	sdelay $0x4  }
0x7c: {  	[tilespmem:s23], [sflag:$0x1] =	stream.indirect_vreg.gather [hbm4b:s3+s2], $0x80, v4, vm0, $0xb8;
	[tilespmem:$0x10400] =	vst v63  }
0x7d: {  	s9 =	simm.s32 $0xC00;
	v3 =	vperm.xlane v3, v2  }
0x7e: {  	[tilespmem:s9], [sflag:$0x1] =	stream.indirect_vreg.gather [hbm4b:s4+s2], $0x80, v4, vm0, $0xb8;
	[tilespmem:$0x10400] =	vst v63  }
0x7f: {  	s8 =	simm.s32 $0x1400;
	v3 =	vadd.s32 v1, v3  }
0x80: {  	[tilespmem:s8], [sflag:$0x1] =	stream.indirect_vreg.gather [hbm4b:s5+s2], $0x80, v4, vm0, $0xb8;
	[tilespmem:$0x10400] =	vst v63  }
0x81: {  	s9 =	simm.s32 $0x1C00  }
0x82: {  	[tilespmem:s9], [sflag:$0x1] =	stream.indirect_vreg.gather [hbm4b:s6+s2], $0x80, v4, vm0, $0xb8;
	[tilespmem:$0x10400] =	vst v63  }
0x83: {  	s10 =	simm.s32 $0x2400  }
0x84: {  	[tilespmem:s10], [sflag:$0x1] =	stream.indirect_vreg.gather [hbm4b:s3+s2], $0x80, v3, vm0, $0xb8;
	[tilespmem:$0x10400] =	vst v63  }
0x85: {  	s11 =	simm.s32 $0x2C00  }
0x86: {  	[tilespmem:s11], [sflag:$0x1] =	stream.indirect_vreg.gather [hbm4b:s4+s2], $0x80, v3, vm0, $0xb8;
	[tilespmem:$0x10400] =	vst v63  }
0x87: {  	s12 =	simm.s32 $0x3400  }
0x88: {  	[tilespmem:s12], [sflag:$0x1] =	stream.indirect_vreg.gather [hbm4b:s5+s2], $0x80, v3, vm0, $0xb8;
	[tilespmem:$0x10400] =	vst v63  }
0x89: {  	s13 =	simm.s32 $0x3C00  }
0x8a: {  	[tilespmem:s13], [sflag:$0x1] =	stream.indirect_vreg.gather [hbm4b:s6+s2], $0x80, v3, vm0, $0xb8;
	[tilespmem:$0x10400] =	vst v63  }
0x8b: {  	v3 =	vld [tilespmem:$0x110];
	_ =	sdelay $0x4  }
0x8c: {  	v53 =	vshll.u32 v3, $0x3  }
0x8d: {  	v3 =	vand.u32 $0x7, v3;
	v4 =	vand.u32 $0xFFFFFFC0, v53  }
0x8e: {  	v3 =	vor.u32 v3, v4  }
0x8f: {  	v4 =	vperm.xlane v3, v0;
	_ =	sdelay $0x1  }
0x90: {  	v4 =	vadd.s32 v1, v4;
	_ =	sdelay $0x3  }
0x91: {  	s14 =	simm.s32 $0x4400  }
0x92: {  	[tilespmem:s14], [sflag:$0x1] =	stream.indirect_vreg.gather [hbm4b:s3+s2], $0x80, v4, vm0, $0xb8;
	[tilespmem:$0x10400] =	vst v63  }
0x93: {  	s15 =	simm.s32 $0x4C00;
	v3 =	vperm.xlane v3, v2  }
0x94: {  	[tilespmem:s15], [sflag:$0x1] =	stream.indirect_vreg.gather [hbm4b:s4+s2], $0x80, v4, vm0, $0xb8;
	[tilespmem:$0x10400] =	vst v63  }
0x95: {  	s10 =	simm.s32 $0x5400;
	v3 =	vadd.s32 v1, v3  }
0x96: {  	[tilespmem:s10], [sflag:$0x1] =	stream.indirect_vreg.gather [hbm4b:s5+s2], $0x80, v4, vm0, $0xb8;
	[tilespmem:$0x10400] =	vst v63  }
0x97: {  	s11 =	simm.s32 $0x5C00  }
0x98: {  	[tilespmem:s11], [sflag:$0x1] =	stream.indirect_vreg.gather [hbm4b:s6+s2], $0x80, v4, vm0, $0xb8;
	[tilespmem:$0x10400] =	vst v63  }
0x99: {  	s12 =	simm.s32 $0x6400  }
0x9a: {  	[tilespmem:s12], [sflag:$0x1] =	stream.indirect_vreg.gather [hbm4b:s3+s2], $0x80, v3, vm0, $0xb8;
	[tilespmem:$0x10400] =	vst v63  }
0x9b: {  	s13 =	simm.s32 $0x6C00  }
0x9c: {  	[tilespmem:s13], [sflag:$0x1] =	stream.indirect_vreg.gather [hbm4b:s4+s2], $0x80, v3, vm0, $0xb8;
	[tilespmem:$0x10400] =	vst v63  }
0x9d: {  	s14 =	simm.s32 $0x7400  }
0x9e: {  	[tilespmem:s14], [sflag:$0x1] =	stream.indirect_vreg.gather [hbm4b:s5+s2], $0x80, v3, vm0, $0xb8;
	[tilespmem:$0x10400] =	vst v63  }
0x9f: {  	s15 =	simm.s32 $0x7C00  }
0xa0: {  	[tilespmem:s15], [sflag:$0x1] =	stream.indirect_vreg.gather [hbm4b:s6+s2], $0x80, v3, vm0, $0xb8;
	[tilespmem:$0x10400] =	vst v63  }
0xa1: {  	_ =	swait.ge [sflag:s25], $0x8000  }
0xa2: {  	[sflag:s25] =	ssyncset.done $0x0  }
0xa3: {  	s24 =	rddreg [dreg:$0x6];
	[sflag:s25] =	ssyncadd.s32 $0xFFFF8000  }
0xa4: {  	[hbm4b:s24+s2] =	stream.linear.scatter [tilespmem:s23], [sflag:$0x2], $0x8000, $0x38;
	[tilespmem:$0x10400] =	vst v63  }
0xa5: {  	_ =	swait.ge [sflag:s18], $0x8000  }
0xa6: {  	[sflag:s18] =	ssyncset.done $0x0  }
0xa7: {  	[sflag:s18] =	ssyncadd.s32 $0xFFFF8000  }
0xa8: {  	v3 =	vld [tilespmem:$0x180];
	_ =	sdelay $0x4  }
0xa9: {  	v54 =	vshll.u32 v3, $0x3  }
0xaa: {  	v3 =	vand.u32 $0x7, v3;
	v4 =	vand.u32 $0xFFFFFFC0, v54  }
0xab: {  	v3 =	vor.u32 v3, v4  }
0xac: {  	v4 =	vperm.xlane v3, v0;
	_ =	sdelay $0x1  }
0xad: {  	v4 =	vadd.s32 v1, v4;
	_ =	sdelay $0x4  }
0xae: {  	[tilespmem:s26], [sflag:$0x1] =	stream.indirect_vreg.gather [hbm4b:s3+s2], $0x80, v4, vm0, $0xb8;
	[tilespmem:$0x10400] =	vst v63  }
0xaf: {  	s1 =	simm.s32 $0x8C00;
	v3 =	vperm.xlane v3, v2  }
0xb0: {  	[tilespmem:s1], [sflag:$0x1] =	stream.indirect_vreg.gather [hbm4b:s4+s2], $0x80, v4, vm0, $0xb8;
	[tilespmem:$0x10400] =	vst v63  }
0xb1: {  	s0 =	simm.s32 $0x9400;
	v3 =	vadd.s32 v1, v3  }
0xb2: {  	[tilespmem:s0], [sflag:$0x1] =	stream.indirect_vreg.gather [hbm4b:s5+s2], $0x80, v4, vm0, $0xb8;
	[tilespmem:$0x10400] =	vst v63  }
0xb3: {  	s1 =	simm.s32 $0x9C00  }
0xb4: {  	[tilespmem:s1], [sflag:$0x1] =	stream.indirect_vreg.gather [hbm4b:s6+s2], $0x80, v4, vm0, $0xb8;
	[tilespmem:$0x10400] =	vst v63  }
0xb5: {  	s8 =	simm.s32 $0xA400  }
0xb6: {  	[tilespmem:s8], [sflag:$0x1] =	stream.indirect_vreg.gather [hbm4b:s3+s2], $0x80, v3, vm0, $0xb8;
	[tilespmem:$0x10400] =	vst v63  }
0xb7: {  	s29 =	simm.s32 $0xAC00  }
0xb8: {  	[tilespmem:s29], [sflag:$0x1] =	stream.indirect_vreg.gather [hbm4b:s4+s2], $0x80, v3, vm0, $0xb8;
	[tilespmem:$0x10400] =	vst v63  }
0xb9: {  	s22 =	simm.s32 $0xB400  }
0xba: {  	[tilespmem:s22], [sflag:$0x1] =	stream.indirect_vreg.gather [hbm4b:s5+s2], $0x80, v3, vm0, $0xb8;
	[tilespmem:$0x10400] =	vst v63  }
0xbb: {  	s20 =	simm.s32 $0xBC00  }
0xbc: {  	[tilespmem:s20], [sflag:$0x1] =	stream.indirect_vreg.gather [hbm4b:s6+s2], $0x80, v3, vm0, $0xb8;
	[tilespmem:$0x10400] =	vst v63  }
0xbd: {  	v3 =	vld [tilespmem:$0x190];
	_ =	sdelay $0x4  }
0xbe: {  	v55 =	vshll.u32 v3, $0x3  }
0xbf: {  	v3 =	vand.u32 $0x7, v3;
	v4 =	vand.u32 $0xFFFFFFC0, v55  }
0xc0: {  	v3 =	vor.u32 v3, v4  }
0xc1: {  	v4 =	vperm.xlane v3, v0;
	_ =	sdelay $0x1  }
0xc2: {  	v4 =	vadd.s32 v1, v4;
	_ =	sdelay $0x3  }
0xc3: {  	s21 =	simm.s32 $0xC400  }
0xc4: {  	[tilespmem:s21], [sflag:$0x1] =	stream.indirect_vreg.gather [hbm4b:s3+s2], $0x80, v4, vm0, $0xb8;
	[tilespmem:$0x10400] =	vst v63  }
0xc5: {  	s16 =	simm.s32 $0xCC00;
	v3 =	vperm.xlane v3, v2  }
0xc6: {  	[tilespmem:s16], [sflag:$0x1] =	stream.indirect_vreg.gather [hbm4b:s4+s2], $0x80, v4, vm0, $0xb8;
	[tilespmem:$0x10400] =	vst v63  }
0xc7: {  	s28 =	simm.s32 $0xD400;
	v3 =	vadd.s32 v1, v3  }
0xc8: {  	[tilespmem:s28], [sflag:$0x1] =	stream.indirect_vreg.gather [hbm4b:s5+s2], $0x80, v4, vm0, $0xb8;
	[tilespmem:$0x10400] =	vst v63  }
0xc9: {  	s31 =	simm.s32 $0xDC00  }
0xca: {  	[tilespmem:s31], [sflag:$0x1] =	stream.indirect_vreg.gather [hbm4b:s6+s2], $0x80, v4, vm0, $0xb8;
	[tilespmem:$0x10400] =	vst v63  }
0xcb: {  	s29 =	simm.s32 $0xE400  }
0xcc: {  	[tilespmem:s29], [sflag:$0x1] =	stream.indirect_vreg.gather [hbm4b:s3+s2], $0x80, v3, vm0, $0xb8;
	[tilespmem:$0x10400] =	vst v63  }
0xcd: {  	s19 =	simm.s32 $0xEC00  }
0xce: {  	[tilespmem:s19], [sflag:$0x1] =	stream.indirect_vreg.gather [hbm4b:s4+s2], $0x80, v3, vm0, $0xb8;
	[tilespmem:$0x10400] =	vst v63  }
0xcf: {  	s19 =	simm.s32 $0xF400  }
0xd0: {  	[tilespmem:s19], [sflag:$0x1] =	stream.indirect_vreg.gather [hbm4b:s5+s2], $0x80, v3, vm0, $0xb8;
	[tilespmem:$0x10400] =	vst v63  }
0xd1: {  	s17 =	simm.s32 $0xFC00  }
0xd2: {  	[tilespmem:s17], [sflag:$0x1] =	stream.indirect_vreg.gather [hbm4b:s6+s2], $0x80, v3, vm0, $0xb8;
	[tilespmem:$0x10400] =	vst v63  }
0xd3: {  	_ =	swait.ge [sflag:s25], $0x8000  }
0xd4: {  	[sflag:s25] =	ssyncset.done $0x0  }
0xd5: {  	s17 =	rddreg [dreg:$0x7];
	[sflag:s25] =	ssyncadd.s32 $0xFFFF8000  }
0xd6: {  	[hbm4b:s17+s2] =	stream.linear.scatter [tilespmem:s26], [sflag:$0x2], $0x8000, $0x38;
	[tilespmem:$0x10400] =	vst v63  }
0xd7: {  	_ =	swait.ge [sflag:s18], $0x8000  }
0xd8: {  	[sflag:s18] =	ssyncset.done $0x0  }
0xd9: {  	[sflag:s18] =	ssyncadd.s32 $0xFFFF8000  }
0xda: {  	v3 =	vld [tilespmem:$0x200];
	_ =	sdelay $0x4  }
0xdb: {  	v56 =	vshll.u32 v3, $0x3  }
0xdc: {  	v3 =	vand.u32 $0x7, v3;
	v4 =	vand.u32 $0xFFFFFFC0, v56  }
0xdd: {  	v3 =	vor.u32 v3, v4  }
0xde: {  	v4 =	vperm.xlane v3, v0;
	_ =	sdelay $0x1  }
0xdf: {  	v4 =	vadd.s32 v1, v4;
	_ =	sdelay $0x4  }
0xe0: {  	[tilespmem:s23], [sflag:$0x1] =	stream.indirect_vreg.gather [hbm4b:s3+s2], $0x80, v4, vm0, $0xb8;
	[tilespmem:$0x10400] =	vst v63  }
0xe1: {  	s19 =	simm.s32 $0xC00;
	v3 =	vperm.xlane v3, v2  }
0xe2: {  	[tilespmem:s19], [sflag:$0x1] =	stream.indirect_vreg.gather [hbm4b:s4+s2], $0x80, v4, vm0, $0xb8;
	[tilespmem:$0x10400] =	vst v63  }
0xe3: {  	v3 =	vadd.s32 v1, v3;
	s19 =	simm.s32 $0x1400  }
0xe4: {  	[tilespmem:s19], [sflag:$0x1] =	stream.indirect_vreg.gather [hbm4b:s5+s2], $0x80, v4, vm0, $0xb8;
	[tilespmem:$0x10400] =	vst v63  }
0xe5: {  	_ = 	snop  }
0xe6: {  	[tilespmem:s9], [sflag:$0x1] =	stream.indirect_vreg.gather [hbm4b:s6+s2], $0x80, v4, vm0, $0xb8;
	[tilespmem:$0x10400] =	vst v63  }
0xe7: {  	s19 =	simm.s32 $0x2400  }
0xe8: {  	[tilespmem:s19], [sflag:$0x1] =	stream.indirect_vreg.gather [hbm4b:s3+s2], $0x80, v3, vm0, $0xb8;
	[tilespmem:$0x10400] =	vst v63  }
0xe9: {  	s19 =	simm.s32 $0x2C00  }
0xea: {  	[tilespmem:s19], [sflag:$0x1] =	stream.indirect_vreg.gather [hbm4b:s4+s2], $0x80, v3, vm0, $0xb8;
	[tilespmem:$0x10400] =	vst v63  }
0xeb: {  	s19 =	simm.s32 $0x3400  }
0xec: {  	[tilespmem:s19], [sflag:$0x1] =	stream.indirect_vreg.gather [hbm4b:s5+s2], $0x80, v3, vm0, $0xb8;
	[tilespmem:$0x10400] =	vst v63  }
0xed: {  	s19 =	simm.s32 $0x3C00  }
0xee: {  	[tilespmem:s19], [sflag:$0x1] =	stream.indirect_vreg.gather [hbm4b:s6+s2], $0x80, v3, vm0, $0xb8;
	[tilespmem:$0x10400] =	vst v63  }
0xef: {  	v3 =	vld [tilespmem:$0x210];
	_ =	sdelay $0x4  }
0xf0: {  	v57 =	vshll.u32 v3, $0x3  }
0xf1: {  	v3 =	vand.u32 $0x7, v3;
	v4 =	vand.u32 $0xFFFFFFC0, v57  }
0xf2: {  	v3 =	vor.u32 v3, v4  }
0xf3: {  	v4 =	vperm.xlane v3, v0;
	_ =	sdelay $0x1  }
0xf4: {  	v4 =	vadd.s32 v1, v4;
	_ =	sdelay $0x3  }
0xf5: {  	s19 =	simm.s32 $0x4400  }
0xf6: {  	[tilespmem:s19], [sflag:$0x1] =	stream.indirect_vreg.gather [hbm4b:s3+s2], $0x80, v4, vm0, $0xb8;
	[tilespmem:$0x10400] =	vst v63  }
0xf7: {  	v3 =	vperm.xlane v3, v2;
	s19 =	simm.s32 $0x4C00  }
0xf8: {  	[tilespmem:s19], [sflag:$0x1] =	stream.indirect_vreg.gather [hbm4b:s4+s2], $0x80, v4, vm0, $0xb8;
	[tilespmem:$0x10400] =	vst v63  }
0xf9: {  	v3 =	vadd.s32 v1, v3  }
0xfa: {  	[tilespmem:s10], [sflag:$0x1] =	stream.indirect_vreg.gather [hbm4b:s5+s2], $0x80, v4, vm0, $0xb8;
	[tilespmem:$0x10400] =	vst v63  }
0xfb: {  	_ = 	snop  }
0xfc: {  	[tilespmem:s11], [sflag:$0x1] =	stream.indirect_vreg.gather [hbm4b:s6+s2], $0x80, v4, vm0, $0xb8;
	[tilespmem:$0x10400] =	vst v63  }
0xfd: {  	_ = 	snop  }
0xfe: {  	[tilespmem:s12], [sflag:$0x1] =	stream.indirect_vreg.gather [hbm4b:s3+s2], $0x80, v3, vm0, $0xb8;
	[tilespmem:$0x10400] =	vst v63  }
0xff: {  	_ = 	snop  }
0x100: {  	[tilespmem:s13], [sflag:$0x1] =	stream.indirect_vreg.gather [hbm4b:s4+s2], $0x80, v3, vm0, $0xb8;
	[tilespmem:$0x10400] =	vst v63  }
0x101: {  	_ = 	snop  }
0x102: {  	[tilespmem:s14], [sflag:$0x1] =	stream.indirect_vreg.gather [hbm4b:s5+s2], $0x80, v3, vm0, $0xb8;
	[tilespmem:$0x10400] =	vst v63  }
0x103: {  	_ = 	snop  }
0x104: {  	[tilespmem:s15], [sflag:$0x1] =	stream.indirect_vreg.gather [hbm4b:s6+s2], $0x80, v3, vm0, $0xb8;
	[tilespmem:$0x10400] =	vst v63  }
0x105: {  	_ =	swait.ge [sflag:s25], $0x8000  }
0x106: {  	[sflag:s25] =	ssyncset.done $0x0  }
0x107: {  	s17 =	rddreg [dreg:$0x8];
	[sflag:s25] =	ssyncadd.s32 $0xFFFF8000  }
0x108: {  	[hbm4b:s17+s2] =	stream.linear.scatter [tilespmem:s23], [sflag:$0x2], $0x8000, $0x38;
	[tilespmem:$0x10400] =	vst v63  }
0x109: {  	_ =	swait.ge [sflag:s18], $0x8000  }
0x10a: {  	[sflag:s18] =	ssyncset.done $0x0  }
0x10b: {  	[sflag:s18] =	ssyncadd.s32 $0xFFFF8000  }
0x10c: {  	v3 =	vld [tilespmem:$0x280];
	_ =	sdelay $0x4  }
0x10d: {  	v58 =	vshll.u32 v3, $0x3  }
0x10e: {  	v3 =	vand.u32 $0x7, v3;
	v4 =	vand.u32 $0xFFFFFFC0, v58  }
0x10f: {  	v3 =	vor.u32 v3, v4  }
0x110: {  	v4 =	vperm.xlane v3, v0;
	_ =	sdelay $0x1  }
0x111: {  	v4 =	vadd.s32 v1, v4;
	_ =	sdelay $0x4  }
0x112: {  	[tilespmem:s26], [sflag:$0x1] =	stream.indirect_vreg.gather [hbm4b:s3+s2], $0x80, v4, vm0, $0xb8;
	[tilespmem:$0x10400] =	vst v63  }
0x113: {  	s30 =	simm.s32 $0x8C00;
	v3 =	vperm.xlane v3, v2  }
0x114: {  	[tilespmem:s30], [sflag:$0x1] =	stream.indirect_vreg.gather [hbm4b:s4+s2], $0x80, v4, vm0, $0xb8;
	[tilespmem:$0x10400] =	vst v63  }
0x115: {  	v3 =	vadd.s32 v1, v3  }
0x116: {  	[tilespmem:s0], [sflag:$0x1] =	stream.indirect_vreg.gather [hbm4b:s5+s2], $0x80, v4, vm0, $0xb8;
	[tilespmem:$0x10400] =	vst v63  }
0x117: {  	_ = 	snop  }
0x118: {  	[tilespmem:s1], [sflag:$0x1] =	stream.indirect_vreg.gather [hbm4b:s6+s2], $0x80, v4, vm0, $0xb8;
	[tilespmem:$0x10400] =	vst v63  }
0x119: {  	_ = 	snop  }
0x11a: {  	[tilespmem:s8], [sflag:$0x1] =	stream.indirect_vreg.gather [hbm4b:s3+s2], $0x80, v3, vm0, $0xb8;
	[tilespmem:$0x10400] =	vst v63  }
0x11b: {  	s24 =	simm.s32 $0xAC00  }
0x11c: {  	[tilespmem:s24], [sflag:$0x1] =	stream.indirect_vreg.gather [hbm4b:s4+s2], $0x80, v3, vm0, $0xb8;
	[tilespmem:$0x10400] =	vst v63  }
0x11d: {  	s22 =	simm.s32 $0xB400  }
0x11e: {  	[tilespmem:s22], [sflag:$0x1] =	stream.indirect_vreg.gather [hbm4b:s5+s2], $0x80, v3, vm0, $0xb8;
	[tilespmem:$0x10400] =	vst v63  }
0x11f: {  	s20 =	simm.s32 $0xBC00  }
0x120: {  	[tilespmem:s20], [sflag:$0x1] =	stream.indirect_vreg.gather [hbm4b:s6+s2], $0x80, v3, vm0, $0xb8;
	[tilespmem:$0x10400] =	vst v63  }
0x121: {  	v3 =	vld [tilespmem:$0x290];
	_ =	sdelay $0x4  }
0x122: {  	v59 =	vshll.u32 v3, $0x3  }
0x123: {  	v3 =	vand.u32 $0x7, v3;
	v4 =	vand.u32 $0xFFFFFFC0, v59  }
0x124: {  	v3 =	vor.u32 v3, v4  }
0x125: {  	v4 =	vperm.xlane v3, v0;
	_ =	sdelay $0x1  }
0x126: {  	v4 =	vadd.s32 v1, v4;
	_ =	sdelay $0x3  }
0x127: {  	s21 =	simm.s32 $0xC400  }
0x128: {  	[tilespmem:s21], [sflag:$0x1] =	stream.indirect_vreg.gather [hbm4b:s3+s2], $0x80, v4, vm0, $0xb8;
	[tilespmem:$0x10400] =	vst v63  }
0x129: {  	v3 =	vperm.xlane v3, v2;
	s21 =	simm.s32 $0xCC00  }
0x12a: {  	[tilespmem:s21], [sflag:$0x1] =	stream.indirect_vreg.gather [hbm4b:s4+s2], $0x80, v4, vm0, $0xb8;
	[tilespmem:$0x10400] =	vst v63  }
0x12b: {  	s28 =	simm.s32 $0xD400;
	v3 =	vadd.s32 v1, v3  }
0x12c: {  	[tilespmem:s28], [sflag:$0x1] =	stream.indirect_vreg.gather [hbm4b:s5+s2], $0x80, v4, vm0, $0xb8;
	[tilespmem:$0x10400] =	vst v63  }
0x12d: {  	s31 =	simm.s32 $0xDC00  }
0x12e: {  	[tilespmem:s31], [sflag:$0x1] =	stream.indirect_vreg.gather [hbm4b:s6+s2], $0x80, v4, vm0, $0xb8;
	[tilespmem:$0x10400] =	vst v63  }
0x12f: {  	s29 =	simm.s32 $0xE400  }
0x130: {  	[tilespmem:s29], [sflag:$0x1] =	stream.indirect_vreg.gather [hbm4b:s3+s2], $0x80, v3, vm0, $0xb8;
	[tilespmem:$0x10400] =	vst v63  }
0x131: {  	s29 =	simm.s32 $0xEC00  }
0x132: {  	[tilespmem:s29], [sflag:$0x1] =	stream.indirect_vreg.gather [hbm4b:s4+s2], $0x80, v3, vm0, $0xb8;
	[tilespmem:$0x10400] =	vst v63  }
0x133: {  	s16 =	simm.s32 $0xF400  }
0x134: {  	[tilespmem:s16], [sflag:$0x1] =	stream.indirect_vreg.gather [hbm4b:s5+s2], $0x80, v3, vm0, $0xb8;
	[tilespmem:$0x10400] =	vst v63  }
0x135: {  	s19 =	simm.s32 $0xFC00  }
0x136: {  	[tilespmem:s19], [sflag:$0x1] =	stream.indirect_vreg.gather [hbm4b:s6+s2], $0x80, v3, vm0, $0xb8;
	[tilespmem:$0x10400] =	vst v63  }
0x137: {  	_ =	swait.ge [sflag:s25], $0x8000  }
0x138: {  	[sflag:s25] =	ssyncset.done $0x0  }
0x139: {  	s19 =	rddreg [dreg:$0x9];
	[sflag:s25] =	ssyncadd.s32 $0xFFFF8000  }
0x13a: {  	[hbm4b:s19+s2] =	stream.linear.scatter [tilespmem:s26], [sflag:$0x2], $0x8000, $0x38;
	[tilespmem:$0x10400] =	vst v63  }
0x13b: {  	_ =	swait.ge [sflag:s18], $0x8000  }
0x13c: {  	[sflag:s18] =	ssyncset.done $0x0  }
0x13d: {  	[sflag:s18] =	ssyncadd.s32 $0xFFFF8000  }
0x13e: {  	v3 =	vld [tilespmem:$0x300];
	_ =	sdelay $0x4  }
0x13f: {  	v60 =	vshll.u32 v3, $0x3  }
0x140: {  	v3 =	vand.u32 $0x7, v3;
	v4 =	vand.u32 $0xFFFFFFC0, v60  }
0x141: {  	v3 =	vor.u32 v3, v4  }
0x142: {  	v4 =	vperm.xlane v3, v0;
	_ =	sdelay $0x1  }
0x143: {  	v4 =	vadd.s32 v1, v4;
	_ =	sdelay $0x4  }
0x144: {  	[tilespmem:s23], [sflag:$0x1] =	stream.indirect_vreg.gather [hbm4b:s3+s2], $0x80, v4, vm0, $0xb8;
	[tilespmem:$0x10400] =	vst v63  }
0x145: {  	s19 =	simm.s32 $0xC00;
	v3 =	vperm.xlane v3, v2  }
0x146: {  	[tilespmem:s19], [sflag:$0x1] =	stream.indirect_vreg.gather [hbm4b:s4+s2], $0x80, v4, vm0, $0xb8;
	[tilespmem:$0x10400] =	vst v63  }
0x147: {  	v3 =	vadd.s32 v1, v3;
	s19 =	simm.s32 $0x1400  }
0x148: {  	[tilespmem:s19], [sflag:$0x1] =	stream.indirect_vreg.gather [hbm4b:s5+s2], $0x80, v4, vm0, $0xb8;
	[tilespmem:$0x10400] =	vst v63  }
0x149: {  	s9 =	simm.s32 $0x1C00  }
0x14a: {  	[tilespmem:s9], [sflag:$0x1] =	stream.indirect_vreg.gather [hbm4b:s6+s2], $0x80, v4, vm0, $0xb8;
	[tilespmem:$0x10400] =	vst v63  }
0x14b: {  	s19 =	simm.s32 $0x2400  }
0x14c: {  	[tilespmem:s19], [sflag:$0x1] =	stream.indirect_vreg.gather [hbm4b:s3+s2], $0x80, v3, vm0, $0xb8;
	[tilespmem:$0x10400] =	vst v63  }
0x14d: {  	s19 =	simm.s32 $0x2C00  }
0x14e: {  	[tilespmem:s19], [sflag:$0x1] =	stream.indirect_vreg.gather [hbm4b:s4+s2], $0x80, v3, vm0, $0xb8;
	[tilespmem:$0x10400] =	vst v63  }
0x14f: {  	s19 =	simm.s32 $0x3400  }
0x150: {  	[tilespmem:s19], [sflag:$0x1] =	stream.indirect_vreg.gather [hbm4b:s5+s2], $0x80, v3, vm0, $0xb8;
	[tilespmem:$0x10400] =	vst v63  }
0x151: {  	s19 =	simm.s32 $0x3C00  }
0x152: {  	[tilespmem:s19], [sflag:$0x1] =	stream.indirect_vreg.gather [hbm4b:s6+s2], $0x80, v3, vm0, $0xb8;
	[tilespmem:$0x10400] =	vst v63  }
0x153: {  	v3 =	vld [tilespmem:$0x310];
	_ =	sdelay $0x4  }
0x154: {  	v61 =	vshll.u32 v3, $0x3  }
0x155: {  	v3 =	vand.u32 $0x7, v3;
	v4 =	vand.u32 $0xFFFFFFC0, v61  }
0x156: {  	v3 =	vor.u32 v3, v4  }
0x157: {  	v4 =	vperm.xlane v3, v0;
	_ =	sdelay $0x1  }
0x158: {  	v4 =	vadd.s32 v1, v4;
	_ =	sdelay $0x3  }
0x159: {  	s19 =	simm.s32 $0x4400  }
0x15a: {  	[tilespmem:s19], [sflag:$0x1] =	stream.indirect_vreg.gather [hbm4b:s3+s2], $0x80, v4, vm0, $0xb8;
	[tilespmem:$0x10400] =	vst v63  }
0x15b: {  	v3 =	vperm.xlane v3, v2;
	s19 =	simm.s32 $0x4C00  }
0x15c: {  	[tilespmem:s19], [sflag:$0x1] =	stream.indirect_vreg.gather [hbm4b:s4+s2], $0x80, v4, vm0, $0xb8;
	[tilespmem:$0x10400] =	vst v63  }
0x15d: {  	s10 =	simm.s32 $0x5400;
	v3 =	vadd.s32 v1, v3  }
0x15e: {  	[tilespmem:s10], [sflag:$0x1] =	stream.indirect_vreg.gather [hbm4b:s5+s2], $0x80, v4, vm0, $0xb8;
	[tilespmem:$0x10400] =	vst v63  }
0x15f: {  	s11 =	simm.s32 $0x5C00  }
0x160: {  	[tilespmem:s11], [sflag:$0x1] =	stream.indirect_vreg.gather [hbm4b:s6+s2], $0x80, v4, vm0, $0xb8;
	[tilespmem:$0x10400] =	vst v63  }
0x161: {  	s12 =	simm.s32 $0x6400  }
0x162: {  	[tilespmem:s12], [sflag:$0x1] =	stream.indirect_vreg.gather [hbm4b:s3+s2], $0x80, v3, vm0, $0xb8;
	[tilespmem:$0x10400] =	vst v63  }
0x163: {  	s13 =	simm.s32 $0x6C00  }
0x164: {  	[tilespmem:s13], [sflag:$0x1] =	stream.indirect_vreg.gather [hbm4b:s4+s2], $0x80, v3, vm0, $0xb8;
	[tilespmem:$0x10400] =	vst v63  }
0x165: {  	s14 =	simm.s32 $0x7400  }
0x166: {  	[tilespmem:s14], [sflag:$0x1] =	stream.indirect_vreg.gather [hbm4b:s5+s2], $0x80, v3, vm0, $0xb8;
	[tilespmem:$0x10400] =	vst v63  }
0x167: {  	s15 =	simm.s32 $0x7C00  }
0x168: {  	[tilespmem:s15], [sflag:$0x1] =	stream.indirect_vreg.gather [hbm4b:s6+s2], $0x80, v3, vm0, $0xb8;
	[tilespmem:$0x10400] =	vst v63  }
0x169: {  	_ =	swait.ge [sflag:s25], $0x8000  }
0x16a: {  	[sflag:s25] =	ssyncset.done $0x0  }
0x16b: {  	s15 =	rddreg [dreg:$0xa];
	[sflag:s25] =	ssyncadd.s32 $0xFFFF8000  }
0x16c: {  	[hbm4b:s15+s2] =	stream.linear.scatter [tilespmem:s23], [sflag:$0x2], $0x8000, $0x38;
	[tilespmem:$0x10400] =	vst v63  }
0x16d: {  	_ =	swait.ge [sflag:s18], $0x8000  }
0x16e: {  	[sflag:s18] =	ssyncset.done $0x0  }
0x16f: {  	[sflag:s18] =	ssyncadd.s32 $0xFFFF8000  }
0x170: {  	v3 =	vld [tilespmem:$0x380];
	_ =	sdelay $0x4  }
0x171: {  	v62 =	vshll.u32 v3, $0x3  }
0x172: {  	v3 =	vand.u32 $0x7, v3;
	v4 =	vand.u32 $0xFFFFFFC0, v62  }
0x173: {  	v3 =	vor.u32 v3, v4  }
0x174: {  	v4 =	vperm.xlane v3, v0;
	_ =	sdelay $0x1  }
0x175: {  	v4 =	vadd.s32 v1, v4;
	_ =	sdelay $0x4  }
0x176: {  	[tilespmem:s26], [sflag:$0x1] =	stream.indirect_vreg.gather [hbm4b:s3+s2], $0x80, v4, vm0, $0xb8;
	[tilespmem:$0x10400] =	vst v63  }
0x177: {  	s19 =	simm.s32 $0x8C00;
	v3 =	vperm.xlane v3, v2  }
0x178: {  	[tilespmem:s19], [sflag:$0x1] =	stream.indirect_vreg.gather [hbm4b:s4+s2], $0x80, v4, vm0, $0xb8;
	[tilespmem:$0x10400] =	vst v63  }
0x179: {  	s0 =	simm.s32 $0x9400;
	v3 =	vadd.s32 v1, v3  }
0x17a: {  	[tilespmem:s0], [sflag:$0x1] =	stream.indirect_vreg.gather [hbm4b:s5+s2], $0x80, v4, vm0, $0xb8;
	[tilespmem:$0x10400] =	vst v63  }
0x17b: {  	s1 =	simm.s32 $0x9C00  }
0x17c: {  	[tilespmem:s1], [sflag:$0x1] =	stream.indirect_vreg.gather [hbm4b:s6+s2], $0x80, v4, vm0, $0xb8;
	[tilespmem:$0x10400] =	vst v63  }
0x17d: {  	s8 =	simm.s32 $0xA400  }
0x17e: {  	[tilespmem:s8], [sflag:$0x1] =	stream.indirect_vreg.gather [hbm4b:s3+s2], $0x80, v3, vm0, $0xb8;
	[tilespmem:$0x10400] =	vst v63  }
0x17f: {  	s30 =	simm.s32 $0xAC00  }
0x180: {  	[tilespmem:s30], [sflag:$0x1] =	stream.indirect_vreg.gather [hbm4b:s4+s2], $0x80, v3, vm0, $0xb8;
	[tilespmem:$0x10400] =	vst v63  }
0x181: {  	s17 =	simm.s32 $0xB400  }
0x182: {  	[tilespmem:s17], [sflag:$0x1] =	stream.indirect_vreg.gather [hbm4b:s5+s2], $0x80, v3, vm0, $0xb8;
	[tilespmem:$0x10400] =	vst v63  }
0x183: {  	s22 =	simm.s32 $0xBC00  }
0x184: {  	[tilespmem:s22], [sflag:$0x1] =	stream.indirect_vreg.gather [hbm4b:s6+s2], $0x80, v3, vm0, $0xb8;
	[tilespmem:$0x10400] =	vst v63  }
0x185: {  	v3 =	vld [tilespmem:$0x390];
	_ =	sdelay $0x4  }
0x186: {  	v63 =	vshll.u32 v3, $0x3  }
0x187: {  	v3 =	vand.u32 $0x7, v3;
	v4 =	vand.u32 $0xFFFFFFC0, v63  }
0x188: {  	v3 =	vor.u32 v3, v4  }
0x189: {  	v4 =	vperm.xlane v3, v0;
	_ =	sdelay $0x1  }
0x18a: {  	v4 =	vadd.s32 v1, v4;
	_ =	sdelay $0x3  }
0x18b: {  	s24 =	simm.s32 $0xC400  }
0x18c: {  	[tilespmem:s24], [sflag:$0x1] =	stream.indirect_vreg.gather [hbm4b:s3+s2], $0x80, v4, vm0, $0xb8;
	[tilespmem:$0x10400] =	vst v63  }
0x18d: {  	s30 =	simm.s32 $0xCC00;
	v3 =	vperm.xlane v3, v2  }
0x18e: {  	[tilespmem:s30], [sflag:$0x1] =	stream.indirect_vreg.gather [hbm4b:s4+s2], $0x80, v4, vm0, $0xb8;
	[tilespmem:$0x10400] =	vst v63  }
0x18f: {  	s21 =	simm.s32 $0xD400;
	v3 =	vadd.s32 v1, v3  }
0x190: {  	[tilespmem:s21], [sflag:$0x1] =	stream.indirect_vreg.gather [hbm4b:s5+s2], $0x80, v4, vm0, $0xb8;
	[tilespmem:$0x10400] =	vst v63  }
0x191: {  	s31 =	simm.s32 $0xDC00  }
0x192: {  	[tilespmem:s31], [sflag:$0x1] =	stream.indirect_vreg.gather [hbm4b:s6+s2], $0x80, v4, vm0, $0xb8;
	[tilespmem:$0x10400] =	vst v63  }
0x193: {  	s28 =	simm.s32 $0xE400  }
0x194: {  	[tilespmem:s28], [sflag:$0x1] =	stream.indirect_vreg.gather [hbm4b:s3+s2], $0x80, v3, vm0, $0xb8;
	[tilespmem:$0x10400] =	vst v63  }
0x195: {  	s29 =	simm.s32 $0xEC00  }
0x196: {  	[tilespmem:s29], [sflag:$0x1] =	stream.indirect_vreg.gather [hbm4b:s4+s2], $0x80, v3, vm0, $0xb8;
	[tilespmem:$0x10400] =	vst v63  }
0x197: {  	s20 =	simm.s32 $0xF400  }
0x198: {  	[tilespmem:s20], [sflag:$0x1] =	stream.indirect_vreg.gather [hbm4b:s5+s2], $0x80, v3, vm0, $0xb8;
	[tilespmem:$0x10400] =	vst v63  }
0x199: {  	s16 =	simm.s32 $0xFC00  }
0x19a: {  	[tilespmem:s16], [sflag:$0x1] =	stream.indirect_vreg.gather [hbm4b:s6+s2], $0x80, v3, vm0, $0xb8;
	[tilespmem:$0x10400] =	vst v63  }
0x19b: {  	_ =	swait.ge [sflag:s25], $0x8000  }
0x19c: {  	[sflag:s25] =	ssyncset.done $0x0  }
0x19d: {  	s31 =	rddreg [dreg:$0xb];
	[sflag:s25] =	ssyncadd.s32 $0xFFFF8000  }
0x19e: {  	[hbm4b:s31+s2] =	stream.linear.scatter [tilespmem:s26], [sflag:$0x2], $0x8000, $0x38;
	[tilespmem:$0x10400] =	vst v63  }
0x19f: {  	p0 =	sne.s32 s7, $0x1;
	_ =	swait.ge [sflag:s18], $0x8000  }
.Ltmp0:
0x1a0: {  	[sflag:s18] =	ssyncset.done $0x0;
	(pc) =	sbr.rel @p0 .LBB2_1-.Ltmp0, $4  }
0x1a1: {  	[sflag:s18] =	ssyncadd.s32 $0xFFFF8000  }
0x1a2: {  	_ =	swait.ge [sflag:s18], $0x8000  }
0x1a3: {  	[sflag:s18] =	ssyncset.done $0x0  }
0x1a4: {  	s7 =	sadd.s32 $0xFFFFFFFF, s7;
	[sflag:s18] =	ssyncadd.s32 $0xFFFF8000  }
0x1a5: {  	_ =	sfence.sel $0x180000  }
0x1a6: {  	[bflag:$0x0] =	sbarrier.arrive $0xFFFF  }
0x1a7: {  	_ =	strace $0x9000004A  }
0x1a8: {  	s0 =	stileid.u32;
	[bflag:$0x2] =	sbarrier.arrive $0xFFFF  }
0x1a9: {  	p0 =	sne.s32 s0, $0x0;
	s0 =	rddreg [dreg:$0x2]  }
0x1aa: {  	s0 =	sadd.s32 @!p0 $0x100000, s0  }
0x1ab: {  	[sflag:s0] =	ssyncadd.tile.s32 @!p0 $0x1;
	_ =	shalt  }
.Lfunc_end2:
_tile_overlayer_lowered:
.L_overlay_start_2:
0x1ac: {  	(tag) =	ssettag $0x2  }
0x1ad: {  	s0 =	rddreg [dreg:$0x0];
	s2 =	stileid.u32  }
0x1ae: {  	s1 =	rddreg [dreg:$0x1];
	p0 =	sne.s32 s2, $0x0  }
0x1af: {  	s3 =	rddreg [dreg:$0x2];
	[bflag:$0x3] =	sbarrier.arrive $0xFFFF;
	s2 =	simm.s32 @!p0 $0x1C03  }
0x1b0: {  	[timem:s3], [sflag:s2] =	dma.local @!p0 [hbm:s0], s1  }
0x1b1: {  	s0 =	simm.s32 @!p0 $0x3  }
0x1b2: {  	_ =	swait.ge @!p0 [sflag:s0], s1  }
0x1b3: {  	s1 =	ssub.s32 @!p0 $0x0, s1;
	[sflag:s0] =	ssyncset.done @!p0 $0x0  }
0x1b4: {  	[sflag:s0] =	ssyncadd.s32 @!p0 s1  }
0x1b5: {  	[bflag:$0x3] =	sbarrier.arrive $0xFFFF  }
0x1b6: {  	_ =	shalt  }

// kernel: _moe.8.cloned.1.call-start
scs
__scs_entry_jumppad:
0x0: {  	(pc) =	sbr.rel $0x88, $3  }
0x1: {  	(tag) =	ssettag $0x0;
	lr =	simm.s32 $0x1  }
0x2: {  	[smem:$0x3F9A] =	sst lr;
	_ =	strace $0xD0000000  }
0x3: {  	_ = 	snop  }
0x4: {  	_ = 	snop  }
0x5: {  	_ = 	snop  }
0x6: {  	_ = 	snop  }
0x7: {  	_ = 	snop  }
__scs_overlays_trampoline_lowered:
0x8: {  	[smem:$0x3FA9] =	sst s0  }
0x9: {  	[smem:$0x3FAA] =	sst s1  }
0xa: {  	[smem:$0x3FAB] =	sst s2  }
0xb: {  	[smem:$0x3FAC] =	sst s3  }
0xc: {  	[smem:$0x3FAD] =	sst s4  }
0xd: {  	[smem:$0x3FAE] =	sst s5  }
0xe: {  	[smem:$0x3FAF] =	sst s6  }
0xf: {  	[smem:$0x3FB0] =	sst s7  }
0x10: {  	[smem:$0x3FB1] =	sst s8  }
0x11: {  	[smem:$0x3FB2] =	sst s9;
	s0 =	simm.s32 @!p0 $0x0  }
0x12: {  	s1 =	sld [smem:$0x3F98];
	s0 =	simm.s32 @p0 $0x1  }
0x13: {  	[smem:$0x3FB3] =	sst s0;
	s0 =	simm.s32 @!p1 $0x0  }
0x14: {  	s2 =	sld [smem:$0x3F97];
	s0 =	simm.s32 @p1 $0x1  }
0x15: {  	[smem:$0x3FB4] =	sst s0;
	s0 =	simm.s32 @!p2 $0x0  }
0x16: {  	s3 =	sld [smem:$0x3FDB];
	s0 =	simm.s32 @p2 $0x1  }
0x17: {  	s4 =	simm.s32 $0x1BF5;
	[smem:$0x3FB6] =	sst s0  }
0x18: {  	s0 =	sld [smem:$0x3F99];
	_ =	swait.ge [sflag:s4], $0x0  }
0x19: {  	s7 =	sld [smem:$0x3F9A]  }
0x1a: {  	s8 =	sadd.s32 $0xFFFFE003, lr  }
0x1b: {  	s9 =	sadd.s32 $0xFFFFFEF7, lr;
	s5 =	simm.s32 $0xFFFFFFFF;
	p2 =	slt.u32 s8, $0xFFFFF086  }
0x1c: {  	p1 =	slt.u32 s9, $0xF7A;
	s5 =	simm.s32 @!p2 $0x0  }
0x1d: {  	s5 =	simm.s32 @p1 $0x1;
	p0 =	seq.s32 s7, s2  }
0x1e: {  	s7 =	smul.u32 @!p0 $0xF7A, s2;
	p2 =	seq.s32 @!p0 s5, $0x0  }
0x1f: {  	s9 =	smul.u32 $0xF7A, s1;
	s8 =	simm.s32 @!p0 $0x1BF5;
	p2 =	por !p2, p0  }
0x20: {  	[sflag:s8] =	ssyncset.s32 @!p0 $0xFFFFF086;
	s6 =	sadd.s32 @!p0 s3, s7;
	s7 =	simm.s32 @!p0 $0x108  }
0x21: {  	s3 =	sadd.s32 s3, s9;
	s6 =	sadd.s32 @!p0 $0x88, s6;
	s7 =	simm.s32 @p2 $0x1082  }
0x22: {  	[simem:s7], [sflag:s8] =	dma.local @!p0 [hbm:s6], $0xF7A  }
0x23: {  	s9 =	sor.u32 $0xD0000000, s2;
	s6 =	simm.s32 $0x108;
	_ =	swait.ge @!p0 [sflag:s8], $0x0  }
0x24: {  	s3 =	sadd.s32 $0x88, s3;
	s6 =	simm.s32 @!p1 $0x1082;
	[sflag:s4] =	ssyncset.s32 $0xFFFFF086  }
0x25: {  	[simem:s6], [sflag:s4] =	dma.local [hbm:s3], $0xF7A  }
0x26: {  	[smem:$0x3F9A] =	sst s1;
	(tag) =	ssettag s2;
	_ =	strace s9  }
0x27: {  	s1 =	sld [smem:$0x3FAA]  }
0x28: {  	s2 =	sld [smem:$0x3FAB]  }
0x29: {  	s4 =	sld [smem:$0x3FAD]  }
0x2a: {  	p0 =	seq.s32 s5, $0x0;
	s5 =	sld [smem:$0x3FAE]  }
0x2b: {  	s6 =	sld [smem:$0x3FAF]  }
0x2c: {  	s7 =	sld [smem:$0x3FB0]  }
0x2d: {  	s3 =	simm.s32 $0x108;
	s8 =	sld [smem:$0x3FB1]  }
0x2e: {  	s3 =	simm.s32 @!p0 $0x1082;
	s9 =	sld [smem:$0x3FB2]  }
0x2f: {  	lr =	sadd.s32 s0, s3;
	s0 =	sld [smem:$0x3FA9]  }
0x30: {  	s3 =	sld [smem:$0x3FAC]  }
0x31: {  	[smem:$0x3FB5] =	sst s10  }
0x32: {  	s10 =	sld [smem:$0x3FB3];
	_ =	sdelay $0x3  }
0x33: {  	p0 =	seq.s32 s10, $0x1;
	s10 =	sld [smem:$0x3FB5];
	_ =	sdelay $0x3  }
0x34: {  	[smem:$0x3FB5] =	sst s10  }
0x35: {  	s10 =	sld [smem:$0x3FB4];
	_ =	sdelay $0x3  }
0x36: {  	p1 =	seq.s32 s10, $0x1;
	s10 =	sld [smem:$0x3FB5];
	_ =	sdelay $0x3  }
0x37: {  	[smem:$0x3FB5] =	sst s10  }
0x38: {  	s10 =	sld [smem:$0x3FB6]  }
0x39: {  	_ = 	snop;
	(pc) =	sbr.ind lr, $3  }
0x3a: {  	_ = 	snop  }
0x3b: {  	_ = 	snop  }
0x3c: {  	p2 =	seq.s32 s10, $0x1;
	s10 =	sld [smem:$0x3FB5]  }
0x3d: {  	_ =	shalt  }
0x3e: {  	_ =	shalt  }
0x3f: {  	_ =	shalt  }
0x40: {  	_ =	shalt  }
0x41: {  	_ =	shalt  }
0x42: {  	_ =	shalt  }
0x43: {  	_ =	shalt  }
0x44: {  	_ =	shalt  }
0x45: {  	_ =	shalt  }
0x46: {  	_ =	shalt  }
0x47: {  	_ =	shalt  }
0x48: {  	_ =	shalt  }
0x49: {  	_ =	shalt  }
0x4a: {  	_ =	shalt  }
0x4b: {  	_ =	shalt  }
0x4c: {  	_ =	shalt  }
0x4d: {  	_ =	shalt  }
0x4e: {  	_ =	shalt  }
0x4f: {  	_ =	shalt  }
0x50: {  	_ =	shalt  }
0x51: {  	_ =	shalt  }
0x52: {  	_ =	shalt  }
0x53: {  	_ =	shalt  }
0x54: {  	_ =	shalt  }
0x55: {  	_ =	shalt  }
0x56: {  	_ =	shalt  }
0x57: {  	_ =	shalt  }
0x58: {  	_ =	shalt  }
0x59: {  	_ =	shalt  }
0x5a: {  	_ =	shalt  }
0x5b: {  	_ =	shalt  }
0x5c: {  	_ =	shalt  }
0x5d: {  	_ =	shalt  }
0x5e: {  	_ =	shalt  }
0x5f: {  	_ =	shalt  }
0x60: {  	_ =	shalt  }
0x61: {  	_ =	shalt  }
0x62: {  	_ =	shalt  }
0x63: {  	_ =	shalt  }
0x64: {  	_ =	shalt  }
0x65: {  	_ =	shalt  }
0x66: {  	_ =	shalt  }
0x67: {  	_ =	shalt  }
0x68: {  	_ =	shalt  }
0x69: {  	_ =	shalt  }
0x6a: {  	_ =	shalt  }
0x6b: {  	_ =	shalt  }
0x6c: {  	_ =	shalt  }
0x6d: {  	_ =	shalt  }
0x6e: {  	_ =	shalt  }
0x6f: {  	_ =	shalt  }
0x70: {  	_ =	shalt  }
0x71: {  	_ =	shalt  }
0x72: {  	_ =	shalt  }
0x73: {  	_ =	shalt  }
0x74: {  	_ =	shalt  }
0x75: {  	_ =	shalt  }
0x76: {  	_ =	shalt  }
0x77: {  	_ =	shalt  }
0x78: {  	_ =	shalt  }
0x79: {  	_ =	shalt  }
0x7a: {  	_ =	shalt  }
0x7b: {  	_ =	shalt  }
0x7c: {  	_ =	shalt  }
0x7d: {  	_ =	shalt  }
0x7e: {  	_ =	shalt  }
0x7f: {  	_ =	shalt  }
0x80: {  	_ =	shalt  }
0x81: {  	_ =	shalt  }
0x82: {  	_ =	shalt  }
0x83: {  	_ =	shalt  }
0x84: {  	_ =	shalt  }
0x85: {  	_ =	shalt  }
0x86: {  	_ =	shalt  }
0x87: {  	_ =	shalt  }
.Lfunc_end0:
.L_simem_size_0:
called_computation_lowered:
.L_overlay_start_0:
0x88: {  	s2 =	sld [smem:$0x3FD9]  }
0x89: {  	s3 =	sld [smem:$0x3FFE];
	_ =	sdelay $0x1  }
0x8a: {  	s1 =	srdreg.scid  }
0x8b: {  	s0 =	sand.u32 $0x1, s1  }
0x8c: {  	s17 =	sshll.u32 s0, $0xA;
	s2 =	sadd.s32 s3, s2  }
0x8d: {  	s2 =	sadd.s32 s2, s17  }
0x8e: {  	[smem:$0x3FC1] =	sst s2  }
0x8f: {  	_ = 	snop  }
0x90: {  	s2 =	sld [smem:$0x3FC9]  }
0x91: {  	s18 =	sld [smem:$0x3FD0];
	(tm) =	ssettm $0x1  }
0x92: {  	s4 =	sld [smem:$0x3FFB];
	_ =	sdelay $0x3  }
0x93: {  	_ =	strace s4  }
0x94: {  	s4 =	sld [smem:$0x3FFC];
	_ =	sdelay $0x3  }
0x95: {  	_ =	strace s4  }
0x96: {  	s4 =	sld [smem:$0x3FFD];
	_ =	sdelay $0x3  }
0x97: {  	_ =	strace s4  }
0x98: {  	_ =	strace $0x8FFFFFFF  }
0x99: {  	s19 =	sld [smem:$0x3FDB];
	_ =	sdelay $0x1  }
0x9a: {  	s5 =	simm.s32 $_scs_section_size  }
0x9b: {  	s6 =	simm.s32 $_size__tile_overlayer_lowered;
	s7 =	simm.s32 $_tile_overlayer_lowered  }
0x9c: {  	s22 =	simm.s32 $0x1BFF;
	s21 =	sshll.u32 s7, $0x1;
	s4 =	sadd.s32 s5, s19  }
0x9d: {  	s8 =	simm.s32 $0x0;
	s20 =	sshll.u32 s6, $0x1;
	s6 =	sadd.s32 s21, s4  }
0x9e: {  	[timem:s8], [sflag:s22] =	dma.local [hbm:s6], s20  }
0x9f: {  	_ =	swait.ge [sflag:s22], s20  }
0xa0: {  	s5 =	ssub.s32 $0x0, s20;
	[sflag:s22] =	ssyncset.done $0x0  }
0xa1: {  	[sflag:s22] =	ssyncadd.s32 s5;
	_ =	sdelay $0x1  }
0xa2: {  	s23 =	simm.s32 $0x1B8B  }
0xa3: {  	_ =	swait.ge [sflag:s23], $0x1  }
0xa4: {  	[sflag:s23] =	ssyncset.done $0x0  }
0xa5: {  	s25 =	simm.s32 $0x1B8E;
	s24 =	sld [smem:$0x3FFE];
	[sflag:s23] =	ssyncadd.s32 $0xFFFFFFFF  }
0xa6: {  	s26 =	simm.s32 $execute0_lowered;
	[smem:$0x3FD2] =	sst s25  }
0xa7: {  	s6 =	sshll.u32 s26, $0x1;
	_ =	strace $0x80000046;
	[dreg:$0x1] =	wrdreg $0xFFFFFFFF  }
0xa8: {  	s28 =	simm.s32 $_size_execute0_lowered;
	s4 =	sadd.s32 s4, s6;
	[dreg:$0x0] =	wrdreg $0x0  }
0xa9: {  	s6 =	sshll.u32 s28, $0x1;
	[dreg:$0x2] =	wrdreg s4  }
0xaa: {  	[dreg:$0x3] =	wrdreg s6  }
0xab: {  	[dreg:$0x4] =	wrdreg $0xC0  }
0xac: {  	_ =	task [dreg:s8], $0x5FFFF  }
0xad: {  	[dreg:$0x1] =	wrdreg $0xFFFFFFFF  }
0xae: {  	[dreg:$0x0] =	wrdreg $0x60  }
0xaf: {  	[dreg:$0x2] =	wrdreg s2  }
0xb0: {  	[dreg:$0x3] =	wrdreg s18  }
0xb1: {  	[dreg:$0x4] =	wrdreg s24  }
0xb2: {  	[dreg:$0x5] =	wrdreg $0x9  }
0xb3: {  	_ =	task.clear_ibuf [dreg:s8], $0x6FFFF;
	_ =	strace $0x90000046  }
0xb4: {  	s29 =	simm.s32 $0x9;
	_ =	strace $0x80000048  }
0xb5: {  	_ =	swait.ge [sflag:s29], $0x1  }
0xb6: {  	[sflag:s29] =	ssyncadd.s32 $0xFFFFFFFF  }
0xb7: {  	_ =	strace $0x90000048  }
0xb8: {  	_ =	sfence  }
0xb9: {  	s30 =	sld [smem:$0x0];
	_ =	sdelay $0x2  }
0xba: {  	s31 =	sshll.u32 s1, $0xD;
	s1 =	sshrl.u32 s1, $0x2  }
0xbb: {  	s3 =	sand.u32 $0x4000, s31;
	s1 =	sadd.s32 s1, s30  }
0xbc: {  	s0 =	sor.u32 s3, s0;
	s1 =	sshll.u32 s1, $0x11  }
0xbd: {  	s0 =	sor.u32 s1, s0  }
0xbe: {  	s0 =	sadd.s32 $0x8F2B, s0  }
0xbf: {  	[sflag:s0] =	ssyncadd.remote.s32 $0x1  }
0xc0: {  	_ =	sfence.sel $0xFFFF  }
0xc1: {  	[dreg:$0x0] =	wrdreg $0xFFFFFFFF;
	(pc) =	sbr.abs _section_cstart, $3  }
0xc2: {  	[dreg:$0x1] =	wrdreg $0xFFFFFFFF  }
0xc3: {  	_ =	task.clear_ibuf [dreg:s8], $0x2FFFF;
	_ =	strace $0x9FFFFFFF  }
0xc4: {  	(tm) =	ssettm $0x7FFFFFFF  }
0xc5: {  	_ =	shalt  }
tec
execute0_lowered:
.L_overlay_start_1:
0x0: {  	(tag) =	ssettag $0x1  }
0x1: {  	s0 =	srdreg.scid;
	s1 =	stileid.u32  }
0x2: {  	s2 =	sand.u32 $0x1, s0;
	s16 =	sshll.u32 s1, $0x1  }
0x3: {  	s4 =	sor.u32 s2, s16  }
0x4: {  	v18 =	vlaneseq.u32;
	s0 =	sshll.u32 s4, $0x8  }
0x5: {  	v15 =	vor.u32 $0xFFFFF000, v18;
	v0 =	vmov s0;
	v1 =	vor.u32 s0, v18;
	s17 =	sor.u32 $0x10, s0  }
0x6: {  	s19 =	sor.u32 $0x30, s0;
	s20 =	sor.u32 $0x40, s0;
	vm0 =	vgt.u32 v0, $0xFFF;
	v0 =	vadd.s32 s0, v15;
	v2 =	vmov s17  }
0x7: {  	s25 =	sor.u32 $0x90, s0;
	s26 =	sor.u32 $0xA0, s0;
	v3 =	vor.u32 s17, v18;
	v5 =	vor.u32 s19, v18;
	v8 =	vmov s20  }
0x8: {  	v9 =	vor.u32 s20, v18;
	v11 =	vor.u32 s25, v18;
	v14 =	vmov s26  }
0x9: {  	s6 =	sor.u32 $0xE0, s0;
	v16 =	vor.u32 s26, v18;
	vm1 =	vgt.u32 v2, $0xFFF;
	v2 =	vadd.s32 s17, v15  }
0xa: {  	s18 =	sor.u32 $0x20, s0;
	v19 =	vor.u32 s6, v18;
	v0 =	vsel vm0, v0, v1;
	v1 =	vsel vm1, v2, v3  }
0xb: {  	v2 =	vmov s18;
	v3 =	vor.u32 s18, v18;
	v4 =	vshll.u32 v0, $0x3  }
0xc: {  	v6 =	vand.u32 $0x7, v0;
	vm0 =	vgt.u32 v2, $0xFFF;
	v2 =	vadd.s32 s18, v15  }
0xd: {  	v7 =	vand.u32 $0xFFFFF840, v4;
	v2 =	vsel vm0, v2, v3;
	v3 =	vmov s19  }
0xe: {  	v20 =	vor.u32 v6, v7;
	vm0 =	vgt.u32 v3, $0xFFF;
	v3 =	vadd.s32 s19, v15  }
0xf: {  	v4 =	vshll.u32 v2, $0x3;
	v3 =	vsel vm0, v3, v5;
	v5 =	vand.u32 $0x7, v2  }
0x10: {  	s21 =	sor.u32 $0x50, s0;
	vm0 =	vgt.u32 v8, $0xFFF;
	v8 =	vadd.s32 s20, v15;
	v10 =	vand.u32 $0xFFFFFFC0, v4  }
0x11: {  	v4 =	vsel vm0, v8, v9;
	v8 =	vmov s21;
	v9 =	vor.u32 s21, v18  }
0x12: {  	v21 =	vor.u32 v5, v10;
	vm0 =	vgt.u32 v8, $0xFFF;
	v8 =	vadd.s32 s21, v15  }
0x13: {  	s22 =	sor.u32 $0x60, s0;
	v7 =	vand.u32 $0x7, v4;
	v6 =	vshll.u32 v4, $0x3;
	v5 =	vsel vm0, v8, v9  }
0x14: {  	v8 =	vmov s22;
	v9 =	vor.u32 s22, v18;
	v10 =	vand.u32 $0xFFFFFFC0, v6  }
0x15: {  	s23 =	sor.u32 $0x70, s0;
	vm0 =	vgt.u32 v8, $0xFFF;
	v8 =	vadd.s32 s22, v15;
	v22 =	vor.u32 v7, v10  }
0x16: {  	v6 =	vsel vm0, v8, v9;
	v8 =	vmov s23;
	v9 =	vor.u32 s23, v18  }
0x17: {  	s24 =	sor.u32 $0x80, s0;
	vm0 =	vgt.u32 v8, $0xFFF;
	v8 =	vadd.s32 s23, v15;
	v10 =	vshll.u32 v6, $0x3  }
0x18: {  	v12 =	vand.u32 $0x7, v6;
	v7 =	vsel vm0, v8, v9;
	v8 =	vmov s24  }
0x19: {  	v9 =	vor.u32 s24, v18;
	vm0 =	vgt.u32 v8, $0xFFF;
	v8 =	vadd.s32 s24, v15  }
0x1a: {  	v13 =	vand.u32 $0xFFFFFFC0, v10;
	v8 =	vsel vm0, v8, v9;
	v9 =	vmov s25  }
0x1b: {  	v25 =	vor.u32 v12, v13;
	vm0 =	vgt.u32 v9, $0xFFF;
	v9 =	vadd.s32 s25, v15  }
0x1c: {  	v10 =	vshll.u32 v8, $0x3;
	v9 =	vsel vm0, v9, v11;
	v11 =	vand.u32 $0x7, v8  }
0x1d: {  	s28 =	sor.u32 $0xB0, s0;
	vm0 =	vgt.u32 v14, $0xFFF;
	v14 =	vadd.s32 s26, v15;
	v17 =	vand.u32 $0xFFFFFFC0, v10  }
0x1e: {  	v10 =	vsel vm0, v14, v16;
	v14 =	vmov s28;
	v16 =	vor.u32 s28, v18  }
0x1f: {  	v26 =	vor.u32 v11, v17;
	vm0 =	vgt.u32 v14, $0xFFF;
	v14 =	vadd.s32 s28, v15  }
0x20: {  	s3 =	sor.u32 $0xC0, s0;
	v13 =	vand.u32 $0x7, v10;
	v12 =	vshll.u32 v10, $0x3;
	v11 =	vsel vm0, v14, v16  }
0x21: {  	v14 =	vmov s3;
	v16 =	vor.u32 s3, v18;
	v17 =	vand.u32 $0xFFFFFFC0, v12  }
0x22: {  	s30 =	sor.u32 $0xD0, s0;
	vm0 =	vgt.u32 v14, $0xFFF;
	v14 =	vadd.s32 s3, v15;
	v27 =	vor.u32 v13, v17  }
0x23: {  	v17 =	vmov s6;
	v12 =	vsel vm0, v14, v16;
	v14 =	vmov s30  }
0x24: {  	v16 =	vor.u32 s30, v18;
	vm0 =	vgt.u32 v14, $0xFFF;
	v14 =	vadd.s32 s30, v15  }
0x25: {  	v13 =	vsel vm0, v14, v16;
	v14 =	vshll.u32 v12, $0x3;
	v16 =	vand.u32 $0x7, v12  }
0x26: {  	s0 =	sor.u32 $0xF0, s0;
	vm0 =	vgt.u32 v17, $0xFFF;
	v17 =	vadd.s32 s6, v15;
	v14 =	vand.u32 $0xFFFFFFC0, v14  }
0x27: {  	v15 =	vadd.s32 s0, v15;
	v28 =	vor.u32 v16, v14;
	v16 =	vmov s0  }
0x28: {  	v14 =	vsel vm0, v17, v19;
	v17 =	vor.u32 s0, v18;
	vm0 =	vgt.u32 v16, $0xFFF  }
0x29: {  	v16 =	vand.u32 $0x7, v18;
	v19 =	vshll.u32 v14, $0x3;
	v24 =	vand.u32 $0x7, v14  }
0x2a: {  	v15 =	vsel vm0, v15, v17;
	v17 =	vshrl.u32 v18, $0x3;
	v23 =	vperm.xlane v20, v16  }
0x2b: {  	v19 =	vand.u32 $0xFFFFFFC0, v19;
	v18 =	vor.u32 $0x8, v18;
	v30 =	vperm.xlane v22, v16  }
0x2c: {  	v32 =	vperm.xlane v25, v16;
	v17 =	vmul.u32 $0x8, v17;
	v20 =	vperm.xlane v20, v18  }
0x2d: {  	v29 =	vor.u32 v24, v19;
	v24 =	vperm.xlane v21, v18;
	v31 =	vperm.xlane v22, v18  }
0x2e: {  	s29 =	rddreg [dreg:$0x0];
	vm0 =	vmmov $0xffff;
	v63 =	vperm.xlane v26, v18;
	v33 =	vperm.xlane v27, v18  }
0x2f: {  	s5 =	rddreg [dreg:$0x1];
	v34 =	vperm.xlane v28, v18;
	v19 =	vadd.s32 v17, v23;
	v23 =	vperm.xlane v21, v16  }
0x30: {  	s10 =	rddreg [dreg:$0x2];
	v35 =	vperm.xlane v29, v16;
	v36 =	vperm.xlane v29, v18;
	v20 =	vadd.s32 v17, v20  }
0x31: {  	s7 =	sadd.s32 $0x300, s29;
	s8 =	sadd.s32 $0x1F00, s10;
	s2 =	ssub.s32 $0x2, s2;
	v21 =	vadd.s32 v17, v23;
	v23 =	vadd.s32 v17, v30;
	v30 =	vperm.xlane v25, v18  }
0x32: {  	s9 =	sadd.s32 $0x2000, s10;
	s4 =	sshll.u32 s4, $0x7;
	s31 =	sshrl.u32 s2, $0x1;
	v22 =	vadd.s32 v17, v24;
	v24 =	vadd.s32 v17, v31;
	v31 =	vperm.xlane v26, v16  }
0x33: {  	s5 =	sadd.s32 s5, s4;
	s4 =	sadd.s32 $0x1E00, s10;
	s3 =	simm.s32 $0x0;
	v25 =	vadd.s32 v17, v32;
	v26 =	vadd.s32 v17, v30;
	v30 =	vperm.xlane v27, v16  }
0x34: {  	s2 =	ssub.s32 s2, s31;
	s10 =	sadd.s32 $0x2100, s10;
	[smem:$0x7FF] =	sst s3;
	v32 =	vadd.s32 v17, v34;
	v27 =	vadd.s32 v17, v31;
	v31 =	vperm.xlane v28, v16  }
0x35: {  	s25 =	simm.s32 $0x1;
	_ =	strace $0x80000047;
	[dreg:$0x4] =	wrdreg s5;
	v34 =	vadd.s32 v17, v36;
	v28 =	vadd.s32 v17, v63;
	v29 =	vadd.s32 v17, v30  }
0x36: {  	s5 =	sadd.s32 $0x100, s29;
	s6 =	sadd.s32 $0x200, s29;
	s0 =	smax.u32 s2, $0x1;
	v30 =	vadd.s32 v17, v33;
	v31 =	vadd.s32 v17, v31;
	v33 =	vadd.s32 v17, v35  }
.LBB2_1:
0x37: {  	[dreg:$0x5] =	wrdreg s0  }
0x38: {  	s26 =	rddreg [dreg:$0x4];
	s30 =	simm.s32 $0x3  }
0x39: {  	[tilespmem:s3], [sflag:$0x3] =	stream.linear.gather [hbm4b:s26+s3], $0x400, $0x38;
	[tilespmem:$0x10500] =	vst v63  }
0x3a: {  	_ =	swait.ge [sflag:s30], $0x400  }
0x3b: {  	[sflag:s30] =	ssyncset.done $0x0  }
0x3c: {  	[sflag:s30] =	ssyncadd.s32 $0xFFFFFC00  }
0x3d: {  	[tilespmem:$0x400] =	vst v0  }
0x3e: {  	s26 =	simm.s32 $0x500;
	[tilespmem:$0x410] =	vst v1;
	s1 =	rddreg [dreg:$0x0]  }
0x3f: {  	[tilespmem:s26], [sflag:$0x1] =	stream.indirect_vreg.gather [hbm4b:s1+s3], $0x80, v19, vm0, $0xb8;
	[tilespmem:$0x10500] =	vst v63  }
0x40: {  	s31 =	simm.s32 $0xD00  }
0x41: {  	[tilespmem:s31], [sflag:$0x1] =	stream.indirect_vreg.gather [hbm4b:s5+s3], $0x80, v19, vm0, $0xb8;
	[tilespmem:$0x10500] =	vst v63  }
0x42: {  	s2 =	simm.s32 $0x1500  }
0x43: {  	[tilespmem:s2], [sflag:$0x1] =	stream.indirect_vreg.gather [hbm4b:s6+s3], $0x80, v19, vm0, $0xb8;
	[tilespmem:$0x10500] =	vst v63  }
0x44: {  	s11 =	simm.s32 $0x1D00  }
0x45: {  	[tilespmem:s11], [sflag:$0x1] =	stream.indirect_vreg.gather [hbm4b:s7+s3], $0x80, v19, vm0, $0xb8;
	[tilespmem:$0x10500] =	vst v63  }
0x46: {  	s12 =	simm.s32 $0x2500  }
0x47: {  	[tilespmem:s12], [sflag:$0x1] =	stream.indirect_vreg.gather [hbm4b:s1+s3], $0x80, v20, vm0, $0xb8;
	[tilespmem:$0x10500] =	vst v63  }
0x48: {  	s13 =	simm.s32 $0x2D00  }
0x49: {  	[tilespmem:s13], [sflag:$0x1] =	stream.indirect_vreg.gather [hbm4b:s5+s3], $0x80, v20, vm0, $0xb8;
	[tilespmem:$0x10500] =	vst v63  }
0x4a: {  	s14 =	simm.s32 $0x3500  }
0x4b: {  	[tilespmem:s14], [sflag:$0x1] =	stream.indirect_vreg.gather [hbm4b:s6+s3], $0x80, v20, vm0, $0xb8;
	[tilespmem:$0x10500] =	vst v63  }
0x4c: {  	s15 =	simm.s32 $0x3D00  }
0x4d: {  	[tilespmem:s15], [sflag:$0x1] =	stream.indirect_vreg.gather [hbm4b:s7+s3], $0x80, v20, vm0, $0xb8;
	[tilespmem:$0x10500] =	vst v63  }
0x4e: {  	v35 =	vld [tilespmem:$0x410];
	_ =	sdelay $0x4  }
0x4f: {  	v36 =	vshll.u32 v35, $0x3  }
0x50: {  	v35 =	vand.u32 $0x7, v35;
	v36 =	vand.u32 $0xFFFFFFC0, v36  }
0x51: {  	v35 =	vor.u32 v35, v36  }
0x52: {  	v36 =	vperm.xlane v35, v16;
	_ =	sdelay $0x1  }
0x53: {  	v36 =	vadd.s32 v17, v36;
	_ =	sdelay $0x3  }
0x54: {  	s16 =	simm.s32 $0x4500  }
0x55: {  	[tilespmem:s16], [sflag:$0x1] =	stream.indirect_vreg.gather [hbm4b:s1+s3], $0x80, v36, vm0, $0xb8;
	[tilespmem:$0x10500] =	vst v63  }
0x56: {  	s17 =	simm.s32 $0x4D00;
	v35 =	vperm.xlane v35, v18  }
0x57: {  	[tilespmem:s17], [sflag:$0x1] =	stream.indirect_vreg.gather [hbm4b:s5+s3], $0x80, v36, vm0, $0xb8;
	[tilespmem:$0x10500] =	vst v63  }
0x58: {  	s18 =	simm.s32 $0x5500;
	v35 =	vadd.s32 v17, v35  }
0x59: {  	[tilespmem:s18], [sflag:$0x1] =	stream.indirect_vreg.gather [hbm4b:s6+s3], $0x80, v36, vm0, $0xb8;
	[tilespmem:$0x10500] =	vst v63  }
0x5a: {  	s19 =	simm.s32 $0x5D00  }
0x5b: {  	[tilespmem:s19], [sflag:$0x1] =	stream.indirect_vreg.gather [hbm4b:s7+s3], $0x80, v36, vm0, $0xb8;
	[tilespmem:$0x10500] =	vst v63  }
0x5c: {  	s24 =	simm.s32 $0x6500  }
0x5d: {  	[tilespmem:s24], [sflag:$0x1] =	stream.indirect_vreg.gather [hbm4b:s1+s3], $0x80, v35, vm0, $0xb8;
	[tilespmem:$0x10500] =	vst v63  }
0x5e: {  	s28 =	simm.s32 $0x6D00  }
0x5f: {  	[tilespmem:s28], [sflag:$0x1] =	stream.indirect_vreg.gather [hbm4b:s5+s3], $0x80, v35, vm0, $0xb8;
	[tilespmem:$0x10500] =	vst v63  }
0x60: {  	s29 =	simm.s32 $0x7500  }
0x61: {  	[tilespmem:s29], [sflag:$0x1] =	stream.indirect_vreg.gather [hbm4b:s6+s3], $0x80, v35, vm0, $0xb8;
	[tilespmem:$0x10500] =	vst v63  }
0x62: {  	s30 =	simm.s32 $0x7D00  }
0x63: {  	[tilespmem:s30], [sflag:$0x1] =	stream.indirect_vreg.gather [hbm4b:s7+s3], $0x80, v35, vm0, $0xb8;
	[tilespmem:$0x10500] =	vst v63  }
0x64: {  	_ =	swait.ge [sflag:s25], $0x8000  }
0x65: {  	[sflag:s25] =	ssyncset.done $0x0  }
0x66: {  	[sflag:s25] =	ssyncadd.s32 $0xFFFF8000  }
0x67: {  	v51 =	vld [tilespmem:$0x0];
	_ =	sdelay $0x4  }
0x68: {  	v52 =	vshll.u32 v51, $0x3  }
0x69: {  	v35 =	vand.u32 $0x7, v51;
	v36 =	vand.u32 $0xFFFFFFC0, v52  }
0x6a: {  	v35 =	vor.u32 v35, v36  }
0x6b: {  	v36 =	vperm.xlane v35, v16;
	_ =	sdelay $0x1  }
0x6c: {  	v36 =	vadd.s32 v17, v36;
	_ =	sdelay $0x4  }
0x6d: {  	[hbm4b:s4+s3] =	stream.indirect_vreg.scatter [tilespmem:s26], [sflag:$0x2], $0x80, v36, vm0, $0xb8;
	[tilespmem:$0x10500] =	vst v63  }
0x6e: {  	s23 =	simm.s32 $0xD00;
	v35 =	vperm.xlane v35, v18  }
0x6f: {  	[hbm4b:s8+s3] =	stream.indirect_vreg.scatter [tilespmem:s23], [sflag:$0x2], $0x80, v36, vm0, $0xb8;
	[tilespmem:$0x10500] =	vst v63  }
0x70: {  	s2 =	simm.s32 $0x1500;
	v35 =	vadd.s32 v17, v35  }
0x71: {  	[hbm4b:s9+s3] =	stream.indirect_vreg.scatter [tilespmem:s2], [sflag:$0x2], $0x80, v36, vm0, $0xb8;
	[tilespmem:$0x10500] =	vst v63  }
0x72: {  	s11 =	simm.s32 $0x1D00  }
0x73: {  	[hbm4b:s10+s3] =	stream.indirect_vreg.scatter [tilespmem:s11], [sflag:$0x2], $0x80, v36, vm0, $0xb8;
	[tilespmem:$0x10500] =	vst v63  }
0x74: {  	s12 =	simm.s32 $0x2500  }
0x75: {  	[hbm4b:s4+s3] =	stream.indirect_vreg.scatter [tilespmem:s12], [sflag:$0x2], $0x80, v35, vm0, $0xb8;
	[tilespmem:$0x10500] =	vst v63  }
0x76: {  	s13 =	simm.s32 $0x2D00  }
0x77: {  	[hbm4b:s8+s3] =	stream.indirect_vreg.scatter [tilespmem:s13], [sflag:$0x2], $0x80, v35, vm0, $0xb8;
	[tilespmem:$0x10500] =	vst v63  }
0x78: {  	s14 =	simm.s32 $0x3500  }
0x79: {  	[hbm4b:s9+s3] =	stream.indirect_vreg.scatter [tilespmem:s14], [sflag:$0x2], $0x80, v35, vm0, $0xb8;
	[tilespmem:$0x10500] =	vst v63  }
0x7a: {  	s20 =	simm.s32 $0x3D00  }
0x7b: {  	[hbm4b:s10+s3] =	stream.indirect_vreg.scatter [tilespmem:s20], [sflag:$0x2], $0x80, v35, vm0, $0xb8;
	[tilespmem:$0x10500] =	vst v63  }
0x7c: {  	v35 =	vld [tilespmem:$0x10];
	_ =	sdelay $0x4  }
0x7d: {  	v53 =	vshll.u32 v35, $0x3  }
0x7e: {  	v35 =	vand.u32 $0x7, v35;
	v36 =	vand.u32 $0xFFFFFFC0, v53  }
0x7f: {  	v35 =	vor.u32 v35, v36  }
0x80: {  	v36 =	vperm.xlane v35, v16;
	_ =	sdelay $0x1  }
0x81: {  	v36 =	vadd.s32 v17, v36;
	_ =	sdelay $0x3  }
0x82: {  	s21 =	simm.s32 $0x4500  }
0x83: {  	[hbm4b:s4+s3] =	stream.indirect_vreg.scatter [tilespmem:s21], [sflag:$0x2], $0x80, v36, vm0, $0xb8;
	[tilespmem:$0x10500] =	vst v63  }
0x84: {  	s22 =	simm.s32 $0x4D00;
	v35 =	vperm.xlane v35, v18  }
0x85: {  	[hbm4b:s8+s3] =	stream.indirect_vreg.scatter [tilespmem:s22], [sflag:$0x2], $0x80, v36, vm0, $0xb8;
	[tilespmem:$0x10500] =	vst v63  }
0x86: {  	s15 =	simm.s32 $0x5500;
	v35 =	vadd.s32 v17, v35  }
0x87: {  	[hbm4b:s9+s3] =	stream.indirect_vreg.scatter [tilespmem:s15], [sflag:$0x2], $0x80, v36, vm0, $0xb8;
	[tilespmem:$0x10500] =	vst v63  }
0x88: {  	s16 =	simm.s32 $0x5D00  }
0x89: {  	[hbm4b:s10+s3] =	stream.indirect_vreg.scatter [tilespmem:s16], [sflag:$0x2], $0x80, v36, vm0, $0xb8;
	[tilespmem:$0x10500] =	vst v63  }
0x8a: {  	s17 =	simm.s32 $0x6500  }
0x8b: {  	[hbm4b:s4+s3] =	stream.indirect_vreg.scatter [tilespmem:s17], [sflag:$0x2], $0x80, v35, vm0, $0xb8;
	[tilespmem:$0x10500] =	vst v63  }
0x8c: {  	s18 =	simm.s32 $0x6D00  }
0x8d: {  	[hbm4b:s8+s3] =	stream.indirect_vreg.scatter [tilespmem:s18], [sflag:$0x2], $0x80, v35, vm0, $0xb8;
	[tilespmem:$0x10500] =	vst v63  }
0x8e: {  	s19 =	simm.s32 $0x7500  }
0x8f: {  	[hbm4b:s9+s3] =	stream.indirect_vreg.scatter [tilespmem:s19], [sflag:$0x2], $0x80, v35, vm0, $0xb8;
	[tilespmem:$0x10500] =	vst v63  }
0x90: {  	s31 =	simm.s32 $0x7D00  }
0x91: {  	[hbm4b:s10+s3] =	stream.indirect_vreg.scatter [tilespmem:s31], [sflag:$0x2], $0x80, v35, vm0, $0xb8;
	[tilespmem:$0x10500] =	vst v63  }
0x92: {  	[tilespmem:$0x480] =	vst v2  }
0x93: {  	s14 =	simm.s32 $0x8500;
	[tilespmem:$0x490] =	vst v3  }
0x94: {  	[tilespmem:s14], [sflag:$0x1] =	stream.indirect_vreg.gather [hbm4b:s1+s3], $0x80, v21, vm0, $0xb8;
	[tilespmem:$0x10500] =	vst v63  }
0x95: {  	s15 =	simm.s32 $0x8D00  }
0x96: {  	[tilespmem:s15], [sflag:$0x1] =	stream.indirect_vreg.gather [hbm4b:s5+s3], $0x80, v21, vm0, $0xb8;
	[tilespmem:$0x10500] =	vst v63  }
0x97: {  	s24 =	simm.s32 $0x9500  }
0x98: {  	[tilespmem:s24], [sflag:$0x1] =	stream.indirect_vreg.gather [hbm4b:s6+s3], $0x80, v21, vm0, $0xb8;
	[tilespmem:$0x10500] =	vst v63  }
0x99: {  	s16 =	simm.s32 $0x9D00  }
0x9a: {  	[tilespmem:s16], [sflag:$0x1] =	stream.indirect_vreg.gather [hbm4b:s7+s3], $0x80, v21, vm0, $0xb8;
	[tilespmem:$0x10500] =	vst v63  }
0x9b: {  	s17 =	simm.s32 $0xA500  }
0x9c: {  	[tilespmem:s17], [sflag:$0x1] =	stream.indirect_vreg.gather [hbm4b:s1+s3], $0x80, v22, vm0, $0xb8;
	[tilespmem:$0x10500] =	vst v63  }
0x9d: {  	s18 =	simm.s32 $0xAD00  }
0x9e: {  	[tilespmem:s18], [sflag:$0x1] =	stream.indirect_vreg.gather [hbm4b:s5+s3], $0x80, v22, vm0, $0xb8;
	[tilespmem:$0x10500] =	vst v63  }
0x9f: {  	s19 =	simm.s32 $0xB500  }
0xa0: {  	[tilespmem:s19], [sflag:$0x1] =	stream.indirect_vreg.gather [hbm4b:s6+s3], $0x80, v22, vm0, $0xb8;
	[tilespmem:$0x10500] =	vst v63  }
0xa1: {  	s20 =	simm.s32 $0xBD00  }
0xa2: {  	[tilespmem:s20], [sflag:$0x1] =	stream.indirect_vreg.gather [hbm4b:s7+s3], $0x80, v22, vm0, $0xb8;
	[tilespmem:$0x10500] =	vst v63  }
0xa3: {  	v35 =	vld [tilespmem:$0x490];
	_ =	sdelay $0x4  }
0xa4: {  	v54 =	vshll.u32 v35, $0x3  }
0xa5: {  	v35 =	vand.u32 $0x7, v35;
	v36 =	vand.u32 $0xFFFFFFC0, v54  }
0xa6: {  	v35 =	vor.u32 v35, v36  }
0xa7: {  	v36 =	vperm.xlane v35, v16;
	_ =	sdelay $0x1  }
0xa8: {  	v36 =	vadd.s32 v17, v36;
	_ =	sdelay $0x3  }
0xa9: {  	s21 =	simm.s32 $0xC500  }
0xaa: {  	[tilespmem:s21], [sflag:$0x1] =	stream.indirect_vreg.gather [hbm4b:s1+s3], $0x80, v36, vm0, $0xb8;
	[tilespmem:$0x10500] =	vst v63  }
0xab: {  	s22 =	simm.s32 $0xCD00;
	v35 =	vperm.xlane v35, v18  }
0xac: {  	[tilespmem:s22], [sflag:$0x1] =	stream.indirect_vreg.gather [hbm4b:s5+s3], $0x80, v36, vm0, $0xb8;
	[tilespmem:$0x10500] =	vst v63  }
0xad: {  	s28 =	simm.s32 $0xD500;
	v35 =	vadd.s32 v17, v35  }
0xae: {  	[tilespmem:s28], [sflag:$0x1] =	stream.indirect_vreg.gather [hbm4b:s6+s3], $0x80, v36, vm0, $0xb8;
	[tilespmem:$0x10500] =	vst v63  }
0xaf: {  	s30 =	simm.s32 $0xDD00  }
0xb0: {  	[tilespmem:s30], [sflag:$0x1] =	stream.indirect_vreg.gather [hbm4b:s7+s3], $0x80, v36, vm0, $0xb8;
	[tilespmem:$0x10500] =	vst v63  }
0xb1: {  	s31 =	simm.s32 $0xE500  }
0xb2: {  	[tilespmem:s31], [sflag:$0x1] =	stream.indirect_vreg.gather [hbm4b:s1+s3], $0x80, v35, vm0, $0xb8;
	[tilespmem:$0x10500] =	vst v63  }
0xb3: {  	s16 =	simm.s32 $0xED00  }
0xb4: {  	[tilespmem:s16], [sflag:$0x1] =	stream.indirect_vreg.gather [hbm4b:s5+s3], $0x80, v35, vm0, $0xb8;
	[tilespmem:$0x10500] =	vst v63  }
0xb5: {  	s22 =	simm.s32 $0xF500  }
0xb6: {  	[tilespmem:s22], [sflag:$0x1] =	stream.indirect_vreg.gather [hbm4b:s6+s3], $0x80, v35, vm0, $0xb8;
	[tilespmem:$0x10500] =	vst v63  }
0xb7: {  	s30 =	simm.s32 $0xFD00  }
0xb8: {  	[tilespmem:s30], [sflag:$0x1] =	stream.indirect_vreg.gather [hbm4b:s7+s3], $0x80, v35, vm0, $0xb8;
	[tilespmem:$0x10500] =	vst v63  }
0xb9: {  	_ =	swait.ge [sflag:s25], $0x8000  }
0xba: {  	[sflag:s25] =	ssyncset.done $0x0  }
0xbb: {  	[sflag:s25] =	ssyncadd.s32 $0xFFFF8000  }
0xbc: {  	v55 =	vld [tilespmem:$0x80];
	_ =	sdelay $0x4  }
0xbd: {  	v56 =	vshll.u32 v55, $0x3  }
0xbe: {  	v35 =	vand.u32 $0x7, v55;
	v36 =	vand.u32 $0xFFFFFFC0, v56  }
0xbf: {  	v35 =	vor.u32 v35, v36  }
0xc0: {  	v36 =	vperm.xlane v35, v16;
	_ =	sdelay $0x1  }
0xc1: {  	v36 =	vadd.s32 v17, v36;
	_ =	sdelay $0x3  }
0xc2: {  	s29 =	simm.s32 $0x8500  }
0xc3: {  	[hbm4b:s4+s3] =	stream.indirect_vreg.scatter [tilespmem:s29], [sflag:$0x2], $0x80, v36, vm0, $0xb8;
	[tilespmem:$0x10500] =	vst v63  }
0xc4: {  	s23 =	simm.s32 $0x8D00;
	v35 =	vperm.xlane v35, v18  }
0xc5: {  	[hbm4b:s8+s3] =	stream.indirect_vreg.scatter [tilespmem:s23], [sflag:$0x2], $0x80, v36, vm0, $0xb8;
	[tilespmem:$0x10500] =	vst v63  }
0xc6: {  	s2 =	simm.s32 $0x9500;
	v35 =	vadd.s32 v17, v35  }
0xc7: {  	[hbm4b:s9+s3] =	stream.indirect_vreg.scatter [tilespmem:s2], [sflag:$0x2], $0x80, v36, vm0, $0xb8;
	[tilespmem:$0x10500] =	vst v63  }
0xc8: {  	s0 =	simm.s32 $0x9D00  }
0xc9: {  	[hbm4b:s10+s3] =	stream.indirect_vreg.scatter [tilespmem:s0], [sflag:$0x2], $0x80, v36, vm0, $0xb8;
	[tilespmem:$0x10500] =	vst v63  }
0xca: {  	s12 =	simm.s32 $0xA500  }
0xcb: {  	[hbm4b:s4+s3] =	stream.indirect_vreg.scatter [tilespmem:s12], [sflag:$0x2], $0x80, v35, vm0, $0xb8;
	[tilespmem:$0x10500] =	vst v63  }
0xcc: {  	s11 =	simm.s32 $0xAD00  }
0xcd: {  	[hbm4b:s8+s3] =	stream.indirect_vreg.scatter [tilespmem:s11], [sflag:$0x2], $0x80, v35, vm0, $0xb8;
	[tilespmem:$0x10500] =	vst v63  }
0xce: {  	s13 =	simm.s32 $0xB500  }
0xcf: {  	[hbm4b:s9+s3] =	stream.indirect_vreg.scatter [tilespmem:s13], [sflag:$0x2], $0x80, v35, vm0, $0xb8;
	[tilespmem:$0x10500] =	vst v63  }
0xd0: {  	s19 =	simm.s32 $0xBD00  }
0xd1: {  	[hbm4b:s10+s3] =	stream.indirect_vreg.scatter [tilespmem:s19], [sflag:$0x2], $0x80, v35, vm0, $0xb8;
	[tilespmem:$0x10500] =	vst v63  }
0xd2: {  	v35 =	vld [tilespmem:$0x90];
	_ =	sdelay $0x4  }
0xd3: {  	v57 =	vshll.u32 v35, $0x3  }
0xd4: {  	v35 =	vand.u32 $0x7, v35;
	v36 =	vand.u32 $0xFFFFFFC0, v57  }
0xd5: {  	v35 =	vor.u32 v35, v36  }
0xd6: {  	v36 =	vperm.xlane v35, v16;
	_ =	sdelay $0x1  }
0xd7: {  	v36 =	vadd.s32 v17, v36;
	_ =	sdelay $0x3  }
0xd8: {  	s21 =	simm.s32 $0xC500  }
0xd9: {  	[hbm4b:s4+s3] =	stream.indirect_vreg.scatter [tilespmem:s21], [sflag:$0x2], $0x80, v36, vm0, $0xb8;
	[tilespmem:$0x10500] =	vst v63  }
0xda: {  	s20 =	simm.s32 $0xCD00;
	v35 =	vperm.xlane v35, v18  }
0xdb: {  	[hbm4b:s8+s3] =	stream.indirect_vreg.scatter [tilespmem:s20], [sflag:$0x2], $0x80, v36, vm0, $0xb8;
	[tilespmem:$0x10500] =	vst v63  }
0xdc: {  	s15 =	simm.s32 $0xD500;
	v35 =	vadd.s32 v17, v35  }
0xdd: {  	[hbm4b:s9+s3] =	stream.indirect_vreg.scatter [tilespmem:s15], [sflag:$0x2], $0x80, v36, vm0, $0xb8;
	[tilespmem:$0x10500] =	vst v63  }
0xde: {  	s14 =	simm.s32 $0xDD00  }
0xdf: {  	[hbm4b:s10+s3] =	stream.indirect_vreg.scatter [tilespmem:s14], [sflag:$0x2], $0x80, v36, vm0, $0xb8;
	[tilespmem:$0x10500] =	vst v63  }
0xe0: {  	s17 =	simm.s32 $0xE500  }
0xe1: {  	[hbm4b:s4+s3] =	stream.indirect_vreg.scatter [tilespmem:s17], [sflag:$0x2], $0x80, v35, vm0, $0xb8;
	[tilespmem:$0x10500] =	vst v63  }
0xe2: {  	s18 =	simm.s32 $0xED00  }
0xe3: {  	[hbm4b:s8+s3] =	stream.indirect_vreg.scatter [tilespmem:s18], [sflag:$0x2], $0x80, v35, vm0, $0xb8;
	[tilespmem:$0x10500] =	vst v63  }
0xe4: {  	s28 =	simm.s32 $0xF500  }
0xe5: {  	[hbm4b:s9+s3] =	stream.indirect_vreg.scatter [tilespmem:s28], [sflag:$0x2], $0x80, v35, vm0, $0xb8;
	[tilespmem:$0x10500] =	vst v63  }
0xe6: {  	s31 =	simm.s32 $0xFD00  }
0xe7: {  	[hbm4b:s10+s3] =	stream.indirect_vreg.scatter [tilespmem:s31], [sflag:$0x2], $0x80, v35, vm0, $0xb8;
	[tilespmem:$0x10500] =	vst v63  }
0xe8: {  	[tilespmem:$0x400] =	vst v4  }
0xe9: {  	s2 =	simm.s32 $0x2;
	[tilespmem:$0x410] =	vst v5  }
0xea: {  	_ =	swait.ge [sflag:s2], $0x8000  }
0xeb: {  	[sflag:s2] =	ssyncset.done $0x0  }
0xec: {  	[sflag:s2] =	ssyncadd.s32 $0xFFFF8000  }
0xed: {  	[tilespmem:s26], [sflag:$0x1] =	stream.indirect_vreg.gather [hbm4b:s1+s3], $0x80, v23, vm0, $0xb8;
	[tilespmem:$0x10500] =	vst v63  }
0xee: {  	s21 =	simm.s32 $0xD00  }
0xef: {  	[tilespmem:s21], [sflag:$0x1] =	stream.indirect_vreg.gather [hbm4b:s5+s3], $0x80, v23, vm0, $0xb8;
	[tilespmem:$0x10500] =	vst v63  }
0xf0: {  	s22 =	simm.s32 $0x1500  }
0xf1: {  	[tilespmem:s22], [sflag:$0x1] =	stream.indirect_vreg.gather [hbm4b:s6+s3], $0x80, v23, vm0, $0xb8;
	[tilespmem:$0x10500] =	vst v63  }
0xf2: {  	s23 =	simm.s32 $0x1D00  }
0xf3: {  	[tilespmem:s23], [sflag:$0x1] =	stream.indirect_vreg.gather [hbm4b:s7+s3], $0x80, v23, vm0, $0xb8;
	[tilespmem:$0x10500] =	vst v63  }
0xf4: {  	s13 =	simm.s32 $0x2500  }
0xf5: {  	[tilespmem:s13], [sflag:$0x1] =	stream.indirect_vreg.gather [hbm4b:s1+s3], $0x80, v24, vm0, $0xb8;
	[tilespmem:$0x10500] =	vst v63  }
0xf6: {  	s14 =	simm.s32 $0x2D00  }
0xf7: {  	[tilespmem:s14], [sflag:$0x1] =	stream.indirect_vreg.gather [hbm4b:s5+s3], $0x80, v24, vm0, $0xb8;
	[tilespmem:$0x10500] =	vst v63  }
0xf8: {  	s15 =	simm.s32 $0x3500  }
0xf9: {  	[tilespmem:s15], [sflag:$0x1] =	stream.indirect_vreg.gather [hbm4b:s6+s3], $0x80, v24, vm0, $0xb8;
	[tilespmem:$0x10500] =	vst v63  }
0xfa: {  	s0 =	simm.s32 $0x3D00  }
0xfb: {  	[tilespmem:s0], [sflag:$0x1] =	stream.indirect_vreg.gather [hbm4b:s7+s3], $0x80, v24, vm0, $0xb8;
	[tilespmem:$0x10500] =	vst v63  }
0xfc: {  	v58 =	vld [tilespmem:$0x410];
	_ =	sdelay $0x4  }
0xfd: {  	v59 =	vshll.u32 v58, $0x3  }
0xfe: {  	v35 =	vand.u32 $0x7, v58;
	v36 =	vand.u32 $0xFFFFFFC0, v59  }
0xff: {  	v35 =	vor.u32 v35, v36  }
0x100: {  	v36 =	vperm.xlane v35, v16;
	_ =	sdelay $0x1  }
0x101: {  	v36 =	vadd.s32 v17, v36;
	_ =	sdelay $0x3  }
0x102: {  	s11 =	simm.s32 $0x4500  }
0x103: {  	[tilespmem:s11], [sflag:$0x1] =	stream.indirect_vreg.gather [hbm4b:s1+s3], $0x80, v36, vm0, $0xb8;
	[tilespmem:$0x10500] =	vst v63  }
0x104: {  	s12 =	simm.s32 $0x4D00;
	v35 =	vperm.xlane v35, v18  }
0x105: {  	[tilespmem:s12], [sflag:$0x1] =	stream.indirect_vreg.gather [hbm4b:s5+s3], $0x80, v36, vm0, $0xb8;
	[tilespmem:$0x10500] =	vst v63  }
0x106: {  	s16 =	simm.s32 $0x5500;
	v35 =	vadd.s32 v17, v35  }
0x107: {  	[tilespmem:s16], [sflag:$0x1] =	stream.indirect_vreg.gather [hbm4b:s6+s3], $0x80, v36, vm0, $0xb8;
	[tilespmem:$0x10500] =	vst v63  }
0x108: {  	s19 =	simm.s32 $0x5D00  }
0x109: {  	[tilespmem:s19], [sflag:$0x1] =	stream.indirect_vreg.gather [hbm4b:s7+s3], $0x80, v36, vm0, $0xb8;
	[tilespmem:$0x10500] =	vst v63  }
0x10a: {  	s24 =	simm.s32 $0x6500  }
0x10b: {  	[tilespmem:s24], [sflag:$0x1] =	stream.indirect_vreg.gather [hbm4b:s1+s3], $0x80, v35, vm0, $0xb8;
	[tilespmem:$0x10500] =	vst v63  }
0x10c: {  	s28 =	simm.s32 $0x6D00  }
0x10d: {  	[tilespmem:s28], [sflag:$0x1] =	stream.indirect_vreg.gather [hbm4b:s5+s3], $0x80, v35, vm0, $0xb8;
	[tilespmem:$0x10500] =	vst v63  }
0x10e: {  	s30 =	simm.s32 $0x7500  }
0x10f: {  	[tilespmem:s30], [sflag:$0x1] =	stream.indirect_vreg.gather [hbm4b:s6+s3], $0x80, v35, vm0, $0xb8;
	[tilespmem:$0x10500] =	vst v63  }
0x110: {  	s31 =	simm.s32 $0x7D00  }
0x111: {  	[tilespmem:s31], [sflag:$0x1] =	stream.indirect_vreg.gather [hbm4b:s7+s3], $0x80, v35, vm0, $0xb8;
	[tilespmem:$0x10500] =	vst v63  }
0x112: {  	_ =	swait.ge [sflag:s25], $0x8000  }
0x113: {  	[sflag:s25] =	ssyncset.done $0x0  }
0x114: {  	[sflag:s25] =	ssyncadd.s32 $0xFFFF8000  }
0x115: {  	v60 =	vld [tilespmem:$0x100];
	_ =	sdelay $0x4  }
0x116: {  	v61 =	vshll.u32 v60, $0x3  }
0x117: {  	v35 =	vand.u32 $0x7, v60;
	v36 =	vand.u32 $0xFFFFFFC0, v61  }
0x118: {  	v35 =	vor.u32 v35, v36  }
0x119: {  	v36 =	vperm.xlane v35, v16;
	_ =	sdelay $0x1  }
0x11a: {  	v36 =	vadd.s32 v17, v36;
	_ =	sdelay $0x4  }
0x11b: {  	[hbm4b:s4+s3] =	stream.indirect_vreg.scatter [tilespmem:s26], [sflag:$0x2], $0x80, v36, vm0, $0xb8;
	[tilespmem:$0x10500] =	vst v63  }
0x11c: {  	v35 =	vperm.xlane v35, v18  }
0x11d: {  	[hbm4b:s8+s3] =	stream.indirect_vreg.scatter [tilespmem:s21], [sflag:$0x2], $0x80, v36, vm0, $0xb8;
	[tilespmem:$0x10500] =	vst v63  }
0x11e: {  	v35 =	vadd.s32 v17, v35  }
0x11f: {  	[hbm4b:s9+s3] =	stream.indirect_vreg.scatter [tilespmem:s22], [sflag:$0x2], $0x80, v36, vm0, $0xb8;
	[tilespmem:$0x10500] =	vst v63  }
0x120: {  	_ = 	snop  }
0x121: {  	[hbm4b:s10+s3] =	stream.indirect_vreg.scatter [tilespmem:s23], [sflag:$0x2], $0x80, v36, vm0, $0xb8;
	[tilespmem:$0x10500] =	vst v63  }
0x122: {  	_ = 	snop  }
0x123: {  	[hbm4b:s4+s3] =	stream.indirect_vreg.scatter [tilespmem:s13], [sflag:$0x2], $0x80, v35, vm0, $0xb8;
	[tilespmem:$0x10500] =	vst v63  }
0x124: {  	_ = 	snop  }
0x125: {  	[hbm4b:s8+s3] =	stream.indirect_vreg.scatter [tilespmem:s14], [sflag:$0x2], $0x80, v35, vm0, $0xb8;
	[tilespmem:$0x10500] =	vst v63  }
0x126: {  	_ = 	snop  }
0x127: {  	[hbm4b:s9+s3] =	stream.indirect_vreg.scatter [tilespmem:s15], [sflag:$0x2], $0x80, v35, vm0, $0xb8;
	[tilespmem:$0x10500] =	vst v63  }
0x128: {  	_ = 	snop  }
0x129: {  	[hbm4b:s10+s3] =	stream.indirect_vreg.scatter [tilespmem:s0], [sflag:$0x2], $0x80, v35, vm0, $0xb8;
	[tilespmem:$0x10500] =	vst v63  }
0x12a: {  	v35 =	vld [tilespmem:$0x110];
	_ =	sdelay $0x4  }
0x12b: {  	v62 =	vshll.u32 v35, $0x3  }
0x12c: {  	v35 =	vand.u32 $0x7, v35;
	v36 =	vand.u32 $0xFFFFFFC0, v62  }
0x12d: {  	v35 =	vor.u32 v35, v36  }
0x12e: {  	v36 =	vperm.xlane v35, v16;
	_ =	sdelay $0x1  }
0x12f: {  	v36 =	vadd.s32 v17, v36;
	_ =	sdelay $0x4  }
0x130: {  	[hbm4b:s4+s3] =	stream.indirect_vreg.scatter [tilespmem:s11], [sflag:$0x2], $0x80, v36, vm0, $0xb8;
	[tilespmem:$0x10500] =	vst v63  }
0x131: {  	v35 =	vperm.xlane v35, v18  }
0x132: {  	[hbm4b:s8+s3] =	stream.indirect_vreg.scatter [tilespmem:s12], [sflag:$0x2], $0x80, v36, vm0, $0xb8;
	[tilespmem:$0x10500] =	vst v63  }
0x133: {  	v35 =	vadd.s32 v17, v35  }
0x134: {  	[hbm4b:s9+s3] =	stream.indirect_vreg.scatter [tilespmem:s16], [sflag:$0x2], $0x80, v36, vm0, $0xb8;
	[tilespmem:$0x10500] =	vst v63  }
0x135: {  	_ = 	snop  }
0x136: {  	[hbm4b:s10+s3] =	stream.indirect_vreg.scatter [tilespmem:s19], [sflag:$0x2], $0x80, v36, vm0, $0xb8;
	[tilespmem:$0x10500] =	vst v63  }
0x137: {  	_ = 	snop  }
0x138: {  	[hbm4b:s4+s3] =	stream.indirect_vreg.scatter [tilespmem:s24], [sflag:$0x2], $0x80, v35, vm0, $0xb8;
	[tilespmem:$0x10500] =	vst v63  }
0x139: {  	_ = 	snop  }
0x13a: {  	[hbm4b:s8+s3] =	stream.indirect_vreg.scatter [tilespmem:s28], [sflag:$0x2], $0x80, v35, vm0, $0xb8;
	[tilespmem:$0x10500] =	vst v63  }
0x13b: {  	_ = 	snop  }
0x13c: {  	[hbm4b:s9+s3] =	stream.indirect_vreg.scatter [tilespmem:s30], [sflag:$0x2], $0x80, v35, vm0, $0xb8;
	[tilespmem:$0x10500] =	vst v63  }
0x13d: {  	_ = 	snop  }
0x13e: {  	[hbm4b:s10+s3] =	stream.indirect_vreg.scatter [tilespmem:s31], [sflag:$0x2], $0x80, v35, vm0, $0xb8;
	[tilespmem:$0x10500] =	vst v63  }
0x13f: {  	[tilespmem:$0x480] =	vst v6  }
0x140: {  	[tilespmem:$0x490] =	vst v7  }
0x141: {  	_ =	swait.ge [sflag:s2], $0x8000  }
0x142: {  	[sflag:s2] =	ssyncset.done $0x0  }
0x143: {  	s20 =	simm.s32 $0x8500;
	[sflag:s2] =	ssyncadd.s32 $0xFFFF8000  }
0x144: {  	[tilespmem:s20], [sflag:$0x1] =	stream.indirect_vreg.gather [hbm4b:s1+s3], $0x80, v25, vm0, $0xb8;
	[tilespmem:$0x10500] =	vst v63  }
0x145: {  	s24 =	simm.s32 $0x8D00  }
0x146: {  	[tilespmem:s24], [sflag:$0x1] =	stream.indirect_vreg.gather [hbm4b:s5+s3], $0x80, v25, vm0, $0xb8;
	[tilespmem:$0x10500] =	vst v63  }
0x147: {  	s14 =	simm.s32 $0x9500  }
0x148: {  	[tilespmem:s14], [sflag:$0x1] =	stream.indirect_vreg.gather [hbm4b:s6+s3], $0x80, v25, vm0, $0xb8;
	[tilespmem:$0x10500] =	vst v63  }
0x149: {  	s16 =	simm.s32 $0x9D00  }
0x14a: {  	[tilespmem:s16], [sflag:$0x1] =	stream.indirect_vreg.gather [hbm4b:s7+s3], $0x80, v25, vm0, $0xb8;
	[tilespmem:$0x10500] =	vst v63  }
0x14b: {  	s19 =	simm.s32 $0xA500  }
0x14c: {  	[tilespmem:s19], [sflag:$0x1] =	stream.indirect_vreg.gather [hbm4b:s1+s3], $0x80, v26, vm0, $0xb8;
	[tilespmem:$0x10500] =	vst v63  }
0x14d: {  	s12 =	simm.s32 $0xAD00  }
0x14e: {  	[tilespmem:s12], [sflag:$0x1] =	stream.indirect_vreg.gather [hbm4b:s5+s3], $0x80, v26, vm0, $0xb8;
	[tilespmem:$0x10500] =	vst v63  }
0x14f: {  	s31 =	simm.s32 $0xB500  }
0x150: {  	[tilespmem:s31], [sflag:$0x1] =	stream.indirect_vreg.gather [hbm4b:s6+s3], $0x80, v26, vm0, $0xb8;
	[tilespmem:$0x10500] =	vst v63  }
0x151: {  	s13 =	simm.s32 $0xBD00  }
0x152: {  	[tilespmem:s13], [sflag:$0x1] =	stream.indirect_vreg.gather [hbm4b:s7+s3], $0x80, v26, vm0, $0xb8;
	[tilespmem:$0x10500] =	vst v63  }
0x153: {  	v63 =	vld [tilespmem:$0x490];
	_ =	sdelay $0x4  }
0x154: {  	v40 =	vshll.u32 v63, $0x3  }
0x155: {  	v35 =	vand.u32 $0x7, v63;
	v36 =	vand.u32 $0xFFFFFFC0, v40  }
0x156: {  	v35 =	vor.u32 v35, v36  }
0x157: {  	v36 =	vperm.xlane v35, v16;
	_ =	sdelay $0x1  }
0x158: {  	v36 =	vadd.s32 v17, v36;
	_ =	sdelay $0x3  }
0x159: {  	s15 =	simm.s32 $0xC500  }
0x15a: {  	[tilespmem:s15], [sflag:$0x1] =	stream.indirect_vreg.gather [hbm4b:s1+s3], $0x80, v36, vm0, $0xb8;
	[tilespmem:$0x10500] =	vst v63  }
0x15b: {  	s18 =	simm.s32 $0xCD00;
	v35 =	vperm.xlane v35, v18  }
0x15c: {  	[tilespmem:s18], [sflag:$0x1] =	stream.indirect_vreg.gather [hbm4b:s5+s3], $0x80, v36, vm0, $0xb8;
	[tilespmem:$0x10500] =	vst v63  }
0x15d: {  	s30 =	simm.s32 $0xD500;
	v35 =	vadd.s32 v17, v35  }
0x15e: {  	[tilespmem:s30], [sflag:$0x1] =	stream.indirect_vreg.gather [hbm4b:s6+s3], $0x80, v36, vm0, $0xb8;
	[tilespmem:$0x10500] =	vst v63  }
0x15f: {  	s28 =	simm.s32 $0xDD00  }
0x160: {  	[tilespmem:s28], [sflag:$0x1] =	stream.indirect_vreg.gather [hbm4b:s7+s3], $0x80, v36, vm0, $0xb8;
	[tilespmem:$0x10500] =	vst v63  }
0x161: {  	s21 =	simm.s32 $0xE500  }
0x162: {  	[tilespmem:s21], [sflag:$0x1] =	stream.indirect_vreg.gather [hbm4b:s1+s3], $0x80, v35, vm0, $0xb8;
	[tilespmem:$0x10500] =	vst v63  }
0x163: {  	s22 =	simm.s32 $0xED00  }
0x164: {  	[tilespmem:s22], [sflag:$0x1] =	stream.indirect_vreg.gather [hbm4b:s5+s3], $0x80, v35, vm0, $0xb8;
	[tilespmem:$0x10500] =	vst v63  }
0x165: {  	s23 =	simm.s32 $0xF500  }
0x166: {  	[tilespmem:s23], [sflag:$0x1] =	stream.indirect_vreg.gather [hbm4b:s6+s3], $0x80, v35, vm0, $0xb8;
	[tilespmem:$0x10500] =	vst v63  }
0x167: {  	s29 =	simm.s32 $0xFD00  }
0x168: {  	[tilespmem:s29], [sflag:$0x1] =	stream.indirect_vreg.gather [hbm4b:s7+s3], $0x80, v35, vm0, $0xb8;
	[tilespmem:$0x10500] =	vst v63  }
0x169: {  	_ =	swait.ge [sflag:s25], $0x8000  }
0x16a: {  	[sflag:s25] =	ssyncset.done $0x0  }
0x16b: {  	[sflag:s25] =	ssyncadd.s32 $0xFFFF8000  }
0x16c: {  	v41 =	vld [tilespmem:$0x180];
	_ =	sdelay $0x4  }
0x16d: {  	v42 =	vshll.u32 v41, $0x3  }
0x16e: {  	v35 =	vand.u32 $0x7, v41;
	v36 =	vand.u32 $0xFFFFFFC0, v42  }
0x16f: {  	v35 =	vor.u32 v35, v36  }
0x170: {  	v36 =	vperm.xlane v35, v16;
	_ =	sdelay $0x1  }
0x171: {  	v36 =	vadd.s32 v17, v36;
	_ =	sdelay $0x4  }
0x172: {  	[hbm4b:s4+s3] =	stream.indirect_vreg.scatter [tilespmem:s20], [sflag:$0x2], $0x80, v36, vm0, $0xb8;
	[tilespmem:$0x10500] =	vst v63  }
0x173: {  	v35 =	vperm.xlane v35, v18  }
0x174: {  	[hbm4b:s8+s3] =	stream.indirect_vreg.scatter [tilespmem:s24], [sflag:$0x2], $0x80, v36, vm0, $0xb8;
	[tilespmem:$0x10500] =	vst v63  }
0x175: {  	v35 =	vadd.s32 v17, v35  }
0x176: {  	[hbm4b:s9+s3] =	stream.indirect_vreg.scatter [tilespmem:s14], [sflag:$0x2], $0x80, v36, vm0, $0xb8;
	[tilespmem:$0x10500] =	vst v63  }
0x177: {  	_ = 	snop  }
0x178: {  	[hbm4b:s10+s3] =	stream.indirect_vreg.scatter [tilespmem:s16], [sflag:$0x2], $0x80, v36, vm0, $0xb8;
	[tilespmem:$0x10500] =	vst v63  }
0x179: {  	_ = 	snop  }
0x17a: {  	[hbm4b:s4+s3] =	stream.indirect_vreg.scatter [tilespmem:s19], [sflag:$0x2], $0x80, v35, vm0, $0xb8;
	[tilespmem:$0x10500] =	vst v63  }
0x17b: {  	_ = 	snop  }
0x17c: {  	[hbm4b:s8+s3] =	stream.indirect_vreg.scatter [tilespmem:s12], [sflag:$0x2], $0x80, v35, vm0, $0xb8;
	[tilespmem:$0x10500] =	vst v63  }
0x17d: {  	_ = 	snop  }
0x17e: {  	[hbm4b:s9+s3] =	stream.indirect_vreg.scatter [tilespmem:s31], [sflag:$0x2], $0x80, v35, vm0, $0xb8;
	[tilespmem:$0x10500] =	vst v63  }
0x17f: {  	_ = 	snop  }
0x180: {  	[hbm4b:s10+s3] =	stream.indirect_vreg.scatter [tilespmem:s13], [sflag:$0x2], $0x80, v35, vm0, $0xb8;
	[tilespmem:$0x10500] =	vst v63  }
0x181: {  	v35 =	vld [tilespmem:$0x190];
	_ =	sdelay $0x4  }
0x182: {  	v43 =	vshll.u32 v35, $0x3  }
0x183: {  	v35 =	vand.u32 $0x7, v35;
	v36 =	vand.u32 $0xFFFFFFC0, v43  }
0x184: {  	v35 =	vor.u32 v35, v36  }
0x185: {  	v36 =	vperm.xlane v35, v16;
	_ =	sdelay $0x1  }
0x186: {  	v36 =	vadd.s32 v17, v36;
	_ =	sdelay $0x4  }
0x187: {  	[hbm4b:s4+s3] =	stream.indirect_vreg.scatter [tilespmem:s15], [sflag:$0x2], $0x80, v36, vm0, $0xb8;
	[tilespmem:$0x10500] =	vst v63  }
0x188: {  	v35 =	vperm.xlane v35, v18  }
0x189: {  	[hbm4b:s8+s3] =	stream.indirect_vreg.scatter [tilespmem:s18], [sflag:$0x2], $0x80, v36, vm0, $0xb8;
	[tilespmem:$0x10500] =	vst v63  }
0x18a: {  	v35 =	vadd.s32 v17, v35  }
0x18b: {  	[hbm4b:s9+s3] =	stream.indirect_vreg.scatter [tilespmem:s30], [sflag:$0x2], $0x80, v36, vm0, $0xb8;
	[tilespmem:$0x10500] =	vst v63  }
0x18c: {  	_ = 	snop  }
0x18d: {  	[hbm4b:s10+s3] =	stream.indirect_vreg.scatter [tilespmem:s28], [sflag:$0x2], $0x80, v36, vm0, $0xb8;
	[tilespmem:$0x10500] =	vst v63  }
0x18e: {  	_ = 	snop  }
0x18f: {  	[hbm4b:s4+s3] =	stream.indirect_vreg.scatter [tilespmem:s21], [sflag:$0x2], $0x80, v35, vm0, $0xb8;
	[tilespmem:$0x10500] =	vst v63  }
0x190: {  	_ = 	snop  }
0x191: {  	[hbm4b:s8+s3] =	stream.indirect_vreg.scatter [tilespmem:s22], [sflag:$0x2], $0x80, v35, vm0, $0xb8;
	[tilespmem:$0x10500] =	vst v63  }
0x192: {  	_ = 	snop  }
0x193: {  	[hbm4b:s9+s3] =	stream.indirect_vreg.scatter [tilespmem:s23], [sflag:$0x2], $0x80, v35, vm0, $0xb8;
	[tilespmem:$0x10500] =	vst v63  }
0x194: {  	_ = 	snop  }
0x195: {  	[hbm4b:s10+s3] =	stream.indirect_vreg.scatter [tilespmem:s29], [sflag:$0x2], $0x80, v35, vm0, $0xb8;
	[tilespmem:$0x10500] =	vst v63  }
0x196: {  	[tilespmem:$0x400] =	vst v8  }
0x197: {  	[tilespmem:$0x410] =	vst v9  }
0x198: {  	_ =	swait.ge [sflag:s2], $0x8000  }
0x199: {  	[sflag:s2] =	ssyncset.done $0x0  }
0x19a: {  	[sflag:s2] =	ssyncadd.s32 $0xFFFF8000  }
0x19b: {  	[tilespmem:s26], [sflag:$0x1] =	stream.indirect_vreg.gather [hbm4b:s1+s3], $0x80, v27, vm0, $0xb8;
	[tilespmem:$0x10500] =	vst v63  }
0x19c: {  	s16 =	simm.s32 $0xD00  }
0x19d: {  	[tilespmem:s16], [sflag:$0x1] =	stream.indirect_vreg.gather [hbm4b:s5+s3], $0x80, v27, vm0, $0xb8;
	[tilespmem:$0x10500] =	vst v63  }
0x19e: {  	s19 =	simm.s32 $0x1500  }
0x19f: {  	[tilespmem:s19], [sflag:$0x1] =	stream.indirect_vreg.gather [hbm4b:s6+s3], $0x80, v27, vm0, $0xb8;
	[tilespmem:$0x10500] =	vst v63  }
0x1a0: {  	s22 =	simm.s32 $0x1D00  }
0x1a1: {  	[tilespmem:s22], [sflag:$0x1] =	stream.indirect_vreg.gather [hbm4b:s7+s3], $0x80, v27, vm0, $0xb8;
	[tilespmem:$0x10500] =	vst v63  }
0x1a2: {  	s24 =	simm.s32 $0x2500  }
0x1a3: {  	[tilespmem:s24], [sflag:$0x1] =	stream.indirect_vreg.gather [hbm4b:s1+s3], $0x80, v28, vm0, $0xb8;
	[tilespmem:$0x10500] =	vst v63  }
0x1a4: {  	s30 =	simm.s32 $0x2D00  }
0x1a5: {  	[tilespmem:s30], [sflag:$0x1] =	stream.indirect_vreg.gather [hbm4b:s5+s3], $0x80, v28, vm0, $0xb8;
	[tilespmem:$0x10500] =	vst v63  }
0x1a6: {  	s11 =	simm.s32 $0x3500  }
0x1a7: {  	[tilespmem:s11], [sflag:$0x1] =	stream.indirect_vreg.gather [hbm4b:s6+s3], $0x80, v28, vm0, $0xb8;
	[tilespmem:$0x10500] =	vst v63  }
0x1a8: {  	s12 =	simm.s32 $0x3D00  }
0x1a9: {  	[tilespmem:s12], [sflag:$0x1] =	stream.indirect_vreg.gather [hbm4b:s7+s3], $0x80, v28, vm0, $0xb8;
	[tilespmem:$0x10500] =	vst v63  }
0x1aa: {  	v44 =	vld [tilespmem:$0x410];
	_ =	sdelay $0x4  }
0x1ab: {  	v45 =	vshll.u32 v44, $0x3  }
0x1ac: {  	v35 =	vand.u32 $0x7, v44;
	v36 =	vand.u32 $0xFFFFFFC0, v45  }
0x1ad: {  	v35 =	vor.u32 v35, v36  }
0x1ae: {  	v36 =	vperm.xlane v35, v16;
	_ =	sdelay $0x1  }
0x1af: {  	v36 =	vadd.s32 v17, v36;
	_ =	sdelay $0x3  }
0x1b0: {  	s14 =	simm.s32 $0x4500  }
0x1b1: {  	[tilespmem:s14], [sflag:$0x1] =	stream.indirect_vreg.gather [hbm4b:s1+s3], $0x80, v36, vm0, $0xb8;
	[tilespmem:$0x10500] =	vst v63  }
0x1b2: {  	s18 =	simm.s32 $0x4D00;
	v35 =	vperm.xlane v35, v18  }
0x1b3: {  	[tilespmem:s18], [sflag:$0x1] =	stream.indirect_vreg.gather [hbm4b:s5+s3], $0x80, v36, vm0, $0xb8;
	[tilespmem:$0x10500] =	vst v63  }
0x1b4: {  	s20 =	simm.s32 $0x5500;
	v35 =	vadd.s32 v17, v35  }
0x1b5: {  	[tilespmem:s20], [sflag:$0x1] =	stream.indirect_vreg.gather [hbm4b:s6+s3], $0x80, v36, vm0, $0xb8;
	[tilespmem:$0x10500] =	vst v63  }
0x1b6: {  	s21 =	simm.s32 $0x5D00  }
0x1b7: {  	[tilespmem:s21], [sflag:$0x1] =	stream.indirect_vreg.gather [hbm4b:s7+s3], $0x80, v36, vm0, $0xb8;
	[tilespmem:$0x10500] =	vst v63  }
0x1b8: {  	s0 =	simm.s32 $0x6500  }
0x1b9: {  	[tilespmem:s0], [sflag:$0x1] =	stream.indirect_vreg.gather [hbm4b:s1+s3], $0x80, v35, vm0, $0xb8;
	[tilespmem:$0x10500] =	vst v63  }
0x1ba: {  	s17 =	simm.s32 $0x6D00  }
0x1bb: {  	[tilespmem:s17], [sflag:$0x1] =	stream.indirect_vreg.gather [hbm4b:s5+s3], $0x80, v35, vm0, $0xb8;
	[tilespmem:$0x10500] =	vst v63  }
0x1bc: {  	s29 =	simm.s32 $0x7500  }
0x1bd: {  	[tilespmem:s29], [sflag:$0x1] =	stream.indirect_vreg.gather [hbm4b:s6+s3], $0x80, v35, vm0, $0xb8;
	[tilespmem:$0x10500] =	vst v63  }
0x1be: {  	s31 =	simm.s32 $0x7D00  }
0x1bf: {  	[tilespmem:s31], [sflag:$0x1] =	stream.indirect_vreg.gather [hbm4b:s7+s3], $0x80, v35, vm0, $0xb8;
	[tilespmem:$0x10500] =	vst v63  }
0x1c0: {  	_ =	swait.ge [sflag:s25], $0x8000  }
0x1c1: {  	[sflag:s25] =	ssyncset.done $0x0  }
0x1c2: {  	[sflag:s25] =	ssyncadd.s32 $0xFFFF8000  }
0x1c3: {  	v46 =	vld [tilespmem:$0x200];
	_ =	sdelay $0x4  }
0x1c4: {  	v47 =	vshll.u32 v46, $0x3  }
0x1c5: {  	v35 =	vand.u32 $0x7, v46;
	v36 =	vand.u32 $0xFFFFFFC0, v47  }
0x1c6: {  	v35 =	vor.u32 v35, v36  }
0x1c7: {  	v36 =	vperm.xlane v35, v16;
	_ =	sdelay $0x1  }
0x1c8: {  	v36 =	vadd.s32 v17, v36;
	_ =	sdelay $0x4  }
0x1c9: {  	[hbm4b:s4+s3] =	stream.indirect_vreg.scatter [tilespmem:s26], [sflag:$0x2], $0x80, v36, vm0, $0xb8;
	[tilespmem:$0x10500] =	vst v63  }
0x1ca: {  	v35 =	vperm.xlane v35, v18  }
0x1cb: {  	[hbm4b:s8+s3] =	stream.indirect_vreg.scatter [tilespmem:s16], [sflag:$0x2], $0x80, v36, vm0, $0xb8;
	[tilespmem:$0x10500] =	vst v63  }
0x1cc: {  	v35 =	vadd.s32 v17, v35  }
0x1cd: {  	[hbm4b:s9+s3] =	stream.indirect_vreg.scatter [tilespmem:s19], [sflag:$0x2], $0x80, v36, vm0, $0xb8;
	[tilespmem:$0x10500] =	vst v63  }
0x1ce: {  	_ = 	snop  }
0x1cf: {  	[hbm4b:s10+s3] =	stream.indirect_vreg.scatter [tilespmem:s22], [sflag:$0x2], $0x80, v36, vm0, $0xb8;
	[tilespmem:$0x10500] =	vst v63  }
0x1d0: {  	_ = 	snop  }
0x1d1: {  	[hbm4b:s4+s3] =	stream.indirect_vreg.scatter [tilespmem:s24], [sflag:$0x2], $0x80, v35, vm0, $0xb8;
	[tilespmem:$0x10500] =	vst v63  }
0x1d2: {  	_ = 	snop  }
0x1d3: {  	[hbm4b:s8+s3] =	stream.indirect_vreg.scatter [tilespmem:s30], [sflag:$0x2], $0x80, v35, vm0, $0xb8;
	[tilespmem:$0x10500] =	vst v63  }
0x1d4: {  	_ = 	snop  }
0x1d5: {  	[hbm4b:s9+s3] =	stream.indirect_vreg.scatter [tilespmem:s11], [sflag:$0x2], $0x80, v35, vm0, $0xb8;
	[tilespmem:$0x10500] =	vst v63  }
0x1d6: {  	_ = 	snop  }
0x1d7: {  	[hbm4b:s10+s3] =	stream.indirect_vreg.scatter [tilespmem:s12], [sflag:$0x2], $0x80, v35, vm0, $0xb8;
	[tilespmem:$0x10500] =	vst v63  }
0x1d8: {  	v35 =	vld [tilespmem:$0x210];
	_ =	sdelay $0x4  }
0x1d9: {  	v48 =	vshll.u32 v35, $0x3  }
0x1da: {  	v35 =	vand.u32 $0x7, v35;
	v36 =	vand.u32 $0xFFFFFFC0, v48  }
0x1db: {  	v35 =	vor.u32 v35, v36  }
0x1dc: {  	v36 =	vperm.xlane v35, v16;
	_ =	sdelay $0x1  }
0x1dd: {  	v36 =	vadd.s32 v17, v36;
	_ =	sdelay $0x4  }
0x1de: {  	[hbm4b:s4+s3] =	stream.indirect_vreg.scatter [tilespmem:s14], [sflag:$0x2], $0x80, v36, vm0, $0xb8;
	[tilespmem:$0x10500] =	vst v63  }
0x1df: {  	v35 =	vperm.xlane v35, v18  }
0x1e0: {  	[hbm4b:s8+s3] =	stream.indirect_vreg.scatter [tilespmem:s18], [sflag:$0x2], $0x80, v36, vm0, $0xb8;
	[tilespmem:$0x10500] =	vst v63  }
0x1e1: {  	v35 =	vadd.s32 v17, v35  }
0x1e2: {  	[hbm4b:s9+s3] =	stream.indirect_vreg.scatter [tilespmem:s20], [sflag:$0x2], $0x80, v36, vm0, $0xb8;
	[tilespmem:$0x10500] =	vst v63  }
0x1e3: {  	_ = 	snop  }
0x1e4: {  	[hbm4b:s10+s3] =	stream.indirect_vreg.scatter [tilespmem:s21], [sflag:$0x2], $0x80, v36, vm0, $0xb8;
	[tilespmem:$0x10500] =	vst v63  }
0x1e5: {  	_ = 	snop  }
0x1e6: {  	[hbm4b:s4+s3] =	stream.indirect_vreg.scatter [tilespmem:s0], [sflag:$0x2], $0x80, v35, vm0, $0xb8;
	[tilespmem:$0x10500] =	vst v63  }
0x1e7: {  	_ = 	snop  }
0x1e8: {  	[hbm4b:s8+s3] =	stream.indirect_vreg.scatter [tilespmem:s17], [sflag:$0x2], $0x80, v35, vm0, $0xb8;
	[tilespmem:$0x10500] =	vst v63  }
0x1e9: {  	_ = 	snop  }
0x1ea: {  	[hbm4b:s9+s3] =	stream.indirect_vreg.scatter [tilespmem:s29], [sflag:$0x2], $0x80, v35, vm0, $0xb8;
	[tilespmem:$0x10500] =	vst v63  }
0x1eb: {  	_ = 	snop  }
0x1ec: {  	[hbm4b:s10+s3] =	stream.indirect_vreg.scatter [tilespmem:s31], [sflag:$0x2], $0x80, v35, vm0, $0xb8;
	[tilespmem:$0x10500] =	vst v63  }
0x1ed: {  	[tilespmem:$0x480] =	vst v10  }
0x1ee: {  	[tilespmem:$0x490] =	vst v11  }
0x1ef: {  	_ =	swait.ge [sflag:s2], $0x8000  }
0x1f0: {  	[sflag:s2] =	ssyncset.done $0x0  }
0x1f1: {  	s0 =	simm.s32 $0x8500;
	[sflag:s2] =	ssyncadd.s32 $0xFFFF8000  }
0x1f2: {  	[tilespmem:s0], [sflag:$0x1] =	stream.indirect_vreg.gather [hbm4b:s1+s3], $0x80, v29, vm0, $0xb8;
	[tilespmem:$0x10500] =	vst v63  }
0x1f3: {  	s11 =	simm.s32 $0x8D00  }
0x1f4: {  	[tilespmem:s11], [sflag:$0x1] =	stream.indirect_vreg.gather [hbm4b:s5+s3], $0x80, v29, vm0, $0xb8;
	[tilespmem:$0x10500] =	vst v63  }
0x1f5: {  	s19 =	simm.s32 $0x9500  }
0x1f6: {  	[tilespmem:s19], [sflag:$0x1] =	stream.indirect_vreg.gather [hbm4b:s6+s3], $0x80, v29, vm0, $0xb8;
	[tilespmem:$0x10500] =	vst v63  }
0x1f7: {  	s29 =	simm.s32 $0x9D00  }
0x1f8: {  	[tilespmem:s29], [sflag:$0x1] =	stream.indirect_vreg.gather [hbm4b:s7+s3], $0x80, v29, vm0, $0xb8;
	[tilespmem:$0x10500] =	vst v63  }
0x1f9: {  	s28 =	simm.s32 $0xA500  }
0x1fa: {  	[tilespmem:s28], [sflag:$0x1] =	stream.indirect_vreg.gather [hbm4b:s1+s3], $0x80, v30, vm0, $0xb8;
	[tilespmem:$0x10500] =	vst v63  }
0x1fb: {  	s22 =	simm.s32 $0xAD00  }
0x1fc: {  	[tilespmem:s22], [sflag:$0x1] =	stream.indirect_vreg.gather [hbm4b:s5+s3], $0x80, v30, vm0, $0xb8;
	[tilespmem:$0x10500] =	vst v63  }
0x1fd: {  	s31 =	simm.s32 $0xB500  }
0x1fe: {  	[tilespmem:s31], [sflag:$0x1] =	stream.indirect_vreg.gather [hbm4b:s6+s3], $0x80, v30, vm0, $0xb8;
	[tilespmem:$0x10500] =	vst v63  }
0x1ff: {  	s15 =	simm.s32 $0xBD00  }
0x200: {  	[tilespmem:s15], [sflag:$0x1] =	stream.indirect_vreg.gather [hbm4b:s7+s3], $0x80, v30, vm0, $0xb8;
	[tilespmem:$0x10500] =	vst v63  }
0x201: {  	v49 =	vld [tilespmem:$0x490];
	_ =	sdelay $0x4  }
0x202: {  	v50 =	vshll.u32 v49, $0x3  }
0x203: {  	v35 =	vand.u32 $0x7, v49;
	v36 =	vand.u32 $0xFFFFFFC0, v50  }
0x204: {  	v35 =	vor.u32 v35, v36  }
0x205: {  	v36 =	vperm.xlane v35, v16;
	_ =	sdelay $0x1  }
0x206: {  	v36 =	vadd.s32 v17, v36;
	_ =	sdelay $0x3  }
0x207: {  	s17 =	simm.s32 $0xC500  }
0x208: {  	[tilespmem:s17], [sflag:$0x1] =	stream.indirect_vreg.gather [hbm4b:s1+s3], $0x80, v36, vm0, $0xb8;
	[tilespmem:$0x10500] =	vst v63  }
0x209: {  	s16 =	simm.s32 $0xCD00;
	v35 =	vperm.xlane v35, v18  }
0x20a: {  	[tilespmem:s16], [sflag:$0x1] =	stream.indirect_vreg.gather [hbm4b:s5+s3], $0x80, v36, vm0, $0xb8;
	[tilespmem:$0x10500] =	vst v63  }
0x20b: {  	s21 =	simm.s32 $0xD500;
	v35 =	vadd.s32 v17, v35  }
0x20c: {  	[tilespmem:s21], [sflag:$0x1] =	stream.indirect_vreg.gather [hbm4b:s6+s3], $0x80, v36, vm0, $0xb8;
	[tilespmem:$0x10500] =	vst v63  }
0x20d: {  	s20 =	simm.s32 $0xDD00  }
0x20e: {  	[tilespmem:s20], [sflag:$0x1] =	stream.indirect_vreg.gather [hbm4b:s7+s3], $0x80, v36, vm0, $0xb8;
	[tilespmem:$0x10500] =	vst v63  }
0x20f: {  	s13 =	simm.s32 $0xE500  }
0x210: {  	[tilespmem:s13], [sflag:$0x1] =	stream.indirect_vreg.gather [hbm4b:s1+s3], $0x80, v35, vm0, $0xb8;
	[tilespmem:$0x10500] =	vst v63  }
0x211: {  	s12 =	simm.s32 $0xED00  }
0x212: {  	[tilespmem:s12], [sflag:$0x1] =	stream.indirect_vreg.gather [hbm4b:s5+s3], $0x80, v35, vm0, $0xb8;
	[tilespmem:$0x10500] =	vst v63  }
0x213: {  	s14 =	simm.s32 $0xF500  }
0x214: {  	[tilespmem:s14], [sflag:$0x1] =	stream.indirect_vreg.gather [hbm4b:s6+s3], $0x80, v35, vm0, $0xb8;
	[tilespmem:$0x10500] =	vst v63  }
0x215: {  	s18 =	simm.s32 $0xFD00  }
0x216: {  	[tilespmem:s18], [sflag:$0x1] =	stream.indirect_vreg.gather [hbm4b:s7+s3], $0x80, v35, vm0, $0xb8;
	[tilespmem:$0x10500] =	vst v63  }
0x217: {  	_ =	swait.ge [sflag:s25], $0x8000  }
0x218: {  	[sflag:s25] =	ssyncset.done $0x0  }
0x219: {  	[sflag:s25] =	ssyncadd.s32 $0xFFFF8000  }
0x21a: {  	v51 =	vld [tilespmem:$0x280];
	_ =	sdelay $0x4  }
0x21b: {  	v52 =	vshll.u32 v51, $0x3  }
0x21c: {  	v35 =	vand.u32 $0x7, v51;
	v36 =	vand.u32 $0xFFFFFFC0, v52  }
0x21d: {  	v35 =	vor.u32 v35, v36  }
0x21e: {  	v36 =	vperm.xlane v35, v16;
	_ =	sdelay $0x1  }
0x21f: {  	v36 =	vadd.s32 v17, v36;
	_ =	sdelay $0x4  }
0x220: {  	[hbm4b:s4+s3] =	stream.indirect_vreg.scatter [tilespmem:s0], [sflag:$0x2], $0x80, v36, vm0, $0xb8;
	[tilespmem:$0x10500] =	vst v63  }
0x221: {  	v35 =	vperm.xlane v35, v18  }
0x222: {  	[hbm4b:s8+s3] =	stream.indirect_vreg.scatter [tilespmem:s11], [sflag:$0x2], $0x80, v36, vm0, $0xb8;
	[tilespmem:$0x10500] =	vst v63  }
0x223: {  	v35 =	vadd.s32 v17, v35  }
0x224: {  	[hbm4b:s9+s3] =	stream.indirect_vreg.scatter [tilespmem:s19], [sflag:$0x2], $0x80, v36, vm0, $0xb8;
	[tilespmem:$0x10500] =	vst v63  }
0x225: {  	_ = 	snop  }
0x226: {  	[hbm4b:s10+s3] =	stream.indirect_vreg.scatter [tilespmem:s29], [sflag:$0x2], $0x80, v36, vm0, $0xb8;
	[tilespmem:$0x10500] =	vst v63  }
0x227: {  	_ = 	snop  }
0x228: {  	[hbm4b:s4+s3] =	stream.indirect_vreg.scatter [tilespmem:s28], [sflag:$0x2], $0x80, v35, vm0, $0xb8;
	[tilespmem:$0x10500] =	vst v63  }
0x229: {  	_ = 	snop  }
0x22a: {  	[hbm4b:s8+s3] =	stream.indirect_vreg.scatter [tilespmem:s22], [sflag:$0x2], $0x80, v35, vm0, $0xb8;
	[tilespmem:$0x10500] =	vst v63  }
0x22b: {  	_ = 	snop  }
0x22c: {  	[hbm4b:s9+s3] =	stream.indirect_vreg.scatter [tilespmem:s31], [sflag:$0x2], $0x80, v35, vm0, $0xb8;
	[tilespmem:$0x10500] =	vst v63  }
0x22d: {  	_ = 	snop  }
0x22e: {  	[hbm4b:s10+s3] =	stream.indirect_vreg.scatter [tilespmem:s15], [sflag:$0x2], $0x80, v35, vm0, $0xb8;
	[tilespmem:$0x10500] =	vst v63  }
0x22f: {  	v35 =	vld [tilespmem:$0x290];
	_ =	sdelay $0x4  }
0x230: {  	v53 =	vshll.u32 v35, $0x3  }
0x231: {  	v35 =	vand.u32 $0x7, v35;
	v36 =	vand.u32 $0xFFFFFFC0, v53  }
0x232: {  	v35 =	vor.u32 v35, v36  }
0x233: {  	v36 =	vperm.xlane v35, v16;
	_ =	sdelay $0x1  }
0x234: {  	v36 =	vadd.s32 v17, v36;
	_ =	sdelay $0x4  }
0x235: {  	[hbm4b:s4+s3] =	stream.indirect_vreg.scatter [tilespmem:s17], [sflag:$0x2], $0x80, v36, vm0, $0xb8;
	[tilespmem:$0x10500] =	vst v63  }
0x236: {  	v35 =	vperm.xlane v35, v18  }
0x237: {  	[hbm4b:s8+s3] =	stream.indirect_vreg.scatter [tilespmem:s16], [sflag:$0x2], $0x80, v36, vm0, $0xb8;
	[tilespmem:$0x10500] =	vst v63  }
0x238: {  	v35 =	vadd.s32 v17, v35  }
0x239: {  	[hbm4b:s9+s3] =	stream.indirect_vreg.scatter [tilespmem:s21], [sflag:$0x2], $0x80, v36, vm0, $0xb8;
	[tilespmem:$0x10500] =	vst v63  }
0x23a: {  	_ = 	snop  }
0x23b: {  	[hbm4b:s10+s3] =	stream.indirect_vreg.scatter [tilespmem:s20], [sflag:$0x2], $0x80, v36, vm0, $0xb8;
	[tilespmem:$0x10500] =	vst v63  }
0x23c: {  	_ = 	snop  }
0x23d: {  	[hbm4b:s4+s3] =	stream.indirect_vreg.scatter [tilespmem:s13], [sflag:$0x2], $0x80, v35, vm0, $0xb8;
	[tilespmem:$0x10500] =	vst v63  }
0x23e: {  	_ = 	snop  }
0x23f: {  	[hbm4b:s8+s3] =	stream.indirect_vreg.scatter [tilespmem:s12], [sflag:$0x2], $0x80, v35, vm0, $0xb8;
	[tilespmem:$0x10500] =	vst v63  }
0x240: {  	_ = 	snop  }
0x241: {  	[hbm4b:s9+s3] =	stream.indirect_vreg.scatter [tilespmem:s14], [sflag:$0x2], $0x80, v35, vm0, $0xb8;
	[tilespmem:$0x10500] =	vst v63  }
0x242: {  	_ = 	snop  }
0x243: {  	[hbm4b:s10+s3] =	stream.indirect_vreg.scatter [tilespmem:s18], [sflag:$0x2], $0x80, v35, vm0, $0xb8;
	[tilespmem:$0x10500] =	vst v63  }
0x244: {  	[tilespmem:$0x400] =	vst v12  }
0x245: {  	[tilespmem:$0x410] =	vst v13  }
0x246: {  	_ =	swait.ge [sflag:s2], $0x8000  }
0x247: {  	[sflag:s2] =	ssyncset.done $0x0  }
0x248: {  	[sflag:s2] =	ssyncadd.s32 $0xFFFF8000  }
0x249: {  	[tilespmem:s26], [sflag:$0x1] =	stream.indirect_vreg.gather [hbm4b:s1+s3], $0x80, v31, vm0, $0xb8;
	[tilespmem:$0x10500] =	vst v63  }
0x24a: {  	s0 =	simm.s32 $0xD00  }
0x24b: {  	[tilespmem:s0], [sflag:$0x1] =	stream.indirect_vreg.gather [hbm4b:s5+s3], $0x80, v31, vm0, $0xb8;
	[tilespmem:$0x10500] =	vst v63  }
0x24c: {  	s19 =	simm.s32 $0x1500  }
0x24d: {  	[tilespmem:s19], [sflag:$0x1] =	stream.indirect_vreg.gather [hbm4b:s6+s3], $0x80, v31, vm0, $0xb8;
	[tilespmem:$0x10500] =	vst v63  }
0x24e: {  	s14 =	simm.s32 $0x1D00  }
0x24f: {  	[tilespmem:s14], [sflag:$0x1] =	stream.indirect_vreg.gather [hbm4b:s7+s3], $0x80, v31, vm0, $0xb8;
	[tilespmem:$0x10500] =	vst v63  }
0x250: {  	s16 =	simm.s32 $0x2500  }
0x251: {  	[tilespmem:s16], [sflag:$0x1] =	stream.indirect_vreg.gather [hbm4b:s1+s3], $0x80, v32, vm0, $0xb8;
	[tilespmem:$0x10500] =	vst v63  }
0x252: {  	s23 =	simm.s32 $0x2D00  }
0x253: {  	[tilespmem:s23], [sflag:$0x1] =	stream.indirect_vreg.gather [hbm4b:s5+s3], $0x80, v32, vm0, $0xb8;
	[tilespmem:$0x10500] =	vst v63  }
0x254: {  	s24 =	simm.s32 $0x3500  }
0x255: {  	[tilespmem:s24], [sflag:$0x1] =	stream.indirect_vreg.gather [hbm4b:s6+s3], $0x80, v32, vm0, $0xb8;
	[tilespmem:$0x10500] =	vst v63  }
0x256: {  	s11 =	simm.s32 $0x3D00  }
0x257: {  	[tilespmem:s11], [sflag:$0x1] =	stream.indirect_vreg.gather [hbm4b:s7+s3], $0x80, v32, vm0, $0xb8;
	[tilespmem:$0x10500] =	vst v63  }
0x258: {  	v54 =	vld [tilespmem:$0x410];
	_ =	sdelay $0x4  }
0x259: {  	v55 =	vshll.u32 v54, $0x3  }
0x25a: {  	v35 =	vand.u32 $0x7, v54;
	v36 =	vand.u32 $0xFFFFFFC0, v55  }
0x25b: {  	v35 =	vor.u32 v35, v36  }
0x25c: {  	v36 =	vperm.xlane v35, v16;
	_ =	sdelay $0x1  }
0x25d: {  	v36 =	vadd.s32 v17, v36;
	_ =	sdelay $0x3  }
0x25e: {  	s12 =	simm.s32 $0x4500  }
0x25f: {  	[tilespmem:s12], [sflag:$0x1] =	stream.indirect_vreg.gather [hbm4b:s1+s3], $0x80, v36, vm0, $0xb8;
	[tilespmem:$0x10500] =	vst v63  }
0x260: {  	s13 =	simm.s32 $0x4D00;
	v35 =	vperm.xlane v35, v18  }
0x261: {  	[tilespmem:s13], [sflag:$0x1] =	stream.indirect_vreg.gather [hbm4b:s5+s3], $0x80, v36, vm0, $0xb8;
	[tilespmem:$0x10500] =	vst v63  }
0x262: {  	s30 =	simm.s32 $0x5500;
	v35 =	vadd.s32 v17, v35  }
0x263: {  	[tilespmem:s30], [sflag:$0x1] =	stream.indirect_vreg.gather [hbm4b:s6+s3], $0x80, v36, vm0, $0xb8;
	[tilespmem:$0x10500] =	vst v63  }
0x264: {  	s17 =	simm.s32 $0x5D00  }
0x265: {  	[tilespmem:s17], [sflag:$0x1] =	stream.indirect_vreg.gather [hbm4b:s7+s3], $0x80, v36, vm0, $0xb8;
	[tilespmem:$0x10500] =	vst v63  }
0x266: {  	s18 =	simm.s32 $0x6500  }
0x267: {  	[tilespmem:s18], [sflag:$0x1] =	stream.indirect_vreg.gather [hbm4b:s1+s3], $0x80, v35, vm0, $0xb8;
	[tilespmem:$0x10500] =	vst v63  }
0x268: {  	s20 =	simm.s32 $0x6D00  }
0x269: {  	[tilespmem:s20], [sflag:$0x1] =	stream.indirect_vreg.gather [hbm4b:s5+s3], $0x80, v35, vm0, $0xb8;
	[tilespmem:$0x10500] =	vst v63  }
0x26a: {  	s21 =	simm.s32 $0x7500  }
0x26b: {  	[tilespmem:s21], [sflag:$0x1] =	stream.indirect_vreg.gather [hbm4b:s6+s3], $0x80, v35, vm0, $0xb8;
	[tilespmem:$0x10500] =	vst v63  }
0x26c: {  	s15 =	simm.s32 $0x7D00  }
0x26d: {  	[tilespmem:s15], [sflag:$0x1] =	stream.indirect_vreg.gather [hbm4b:s7+s3], $0x80, v35, vm0, $0xb8;
	[tilespmem:$0x10500] =	vst v63  }
0x26e: {  	_ =	swait.ge [sflag:s25], $0x8000  }
0x26f: {  	[sflag:s25] =	ssyncset.done $0x0  }
0x270: {  	[sflag:s25] =	ssyncadd.s32 $0xFFFF8000  }
0x271: {  	v56 =	vld [tilespmem:$0x300];
	_ =	sdelay $0x4  }
0x272: {  	v57 =	vshll.u32 v56, $0x3  }
0x273: {  	v35 =	vand.u32 $0x7, v56;
	v36 =	vand.u32 $0xFFFFFFC0, v57  }
0x274: {  	v35 =	vor.u32 v35, v36  }
0x275: {  	v36 =	vperm.xlane v35, v16;
	_ =	sdelay $0x1  }
0x276: {  	v36 =	vadd.s32 v17, v36;
	_ =	sdelay $0x4  }
0x277: {  	[hbm4b:s4+s3] =	stream.indirect_vreg.scatter [tilespmem:s26], [sflag:$0x2], $0x80, v36, vm0, $0xb8;
	[tilespmem:$0x10500] =	vst v63  }
0x278: {  	v35 =	vperm.xlane v35, v18  }
0x279: {  	[hbm4b:s8+s3] =	stream.indirect_vreg.scatter [tilespmem:s0], [sflag:$0x2], $0x80, v36, vm0, $0xb8;
	[tilespmem:$0x10500] =	vst v63  }
0x27a: {  	v35 =	vadd.s32 v17, v35  }
0x27b: {  	[hbm4b:s9+s3] =	stream.indirect_vreg.scatter [tilespmem:s19], [sflag:$0x2], $0x80, v36, vm0, $0xb8;
	[tilespmem:$0x10500] =	vst v63  }
0x27c: {  	_ = 	snop  }
0x27d: {  	[hbm4b:s10+s3] =	stream.indirect_vreg.scatter [tilespmem:s14], [sflag:$0x2], $0x80, v36, vm0, $0xb8;
	[tilespmem:$0x10500] =	vst v63  }
0x27e: {  	_ = 	snop  }
0x27f: {  	[hbm4b:s4+s3] =	stream.indirect_vreg.scatter [tilespmem:s16], [sflag:$0x2], $0x80, v35, vm0, $0xb8;
	[tilespmem:$0x10500] =	vst v63  }
0x280: {  	_ = 	snop  }
0x281: {  	[hbm4b:s8+s3] =	stream.indirect_vreg.scatter [tilespmem:s23], [sflag:$0x2], $0x80, v35, vm0, $0xb8;
	[tilespmem:$0x10500] =	vst v63  }
0x282: {  	_ = 	snop  }
0x283: {  	[hbm4b:s9+s3] =	stream.indirect_vreg.scatter [tilespmem:s24], [sflag:$0x2], $0x80, v35, vm0, $0xb8;
	[tilespmem:$0x10500] =	vst v63  }
0x284: {  	_ = 	snop  }
0x285: {  	[hbm4b:s10+s3] =	stream.indirect_vreg.scatter [tilespmem:s11], [sflag:$0x2], $0x80, v35, vm0, $0xb8;
	[tilespmem:$0x10500] =	vst v63  }
0x286: {  	v35 =	vld [tilespmem:$0x310];
	_ =	sdelay $0x4  }
0x287: {  	v58 =	vshll.u32 v35, $0x3  }
0x288: {  	v35 =	vand.u32 $0x7, v35;
	v36 =	vand.u32 $0xFFFFFFC0, v58  }
0x289: {  	v35 =	vor.u32 v35, v36  }
0x28a: {  	v36 =	vperm.xlane v35, v16;
	_ =	sdelay $0x1  }
0x28b: {  	v36 =	vadd.s32 v17, v36;
	_ =	sdelay $0x4  }
0x28c: {  	[hbm4b:s4+s3] =	stream.indirect_vreg.scatter [tilespmem:s12], [sflag:$0x2], $0x80, v36, vm0, $0xb8;
	[tilespmem:$0x10500] =	vst v63  }
0x28d: {  	v35 =	vperm.xlane v35, v18  }
0x28e: {  	[hbm4b:s8+s3] =	stream.indirect_vreg.scatter [tilespmem:s13], [sflag:$0x2], $0x80, v36, vm0, $0xb8;
	[tilespmem:$0x10500] =	vst v63  }
0x28f: {  	v35 =	vadd.s32 v17, v35  }
0x290: {  	[hbm4b:s9+s3] =	stream.indirect_vreg.scatter [tilespmem:s30], [sflag:$0x2], $0x80, v36, vm0, $0xb8;
	[tilespmem:$0x10500] =	vst v63  }
0x291: {  	_ = 	snop  }
0x292: {  	[hbm4b:s10+s3] =	stream.indirect_vreg.scatter [tilespmem:s17], [sflag:$0x2], $0x80, v36, vm0, $0xb8;
	[tilespmem:$0x10500] =	vst v63  }
0x293: {  	_ = 	snop  }
0x294: {  	[hbm4b:s4+s3] =	stream.indirect_vreg.scatter [tilespmem:s18], [sflag:$0x2], $0x80, v35, vm0, $0xb8;
	[tilespmem:$0x10500] =	vst v63  }
0x295: {  	_ = 	snop  }
0x296: {  	[hbm4b:s8+s3] =	stream.indirect_vreg.scatter [tilespmem:s20], [sflag:$0x2], $0x80, v35, vm0, $0xb8;
	[tilespmem:$0x10500] =	vst v63  }
0x297: {  	_ = 	snop  }
0x298: {  	[hbm4b:s9+s3] =	stream.indirect_vreg.scatter [tilespmem:s21], [sflag:$0x2], $0x80, v35, vm0, $0xb8;
	[tilespmem:$0x10500] =	vst v63  }
0x299: {  	_ = 	snop  }
0x29a: {  	[hbm4b:s10+s3] =	stream.indirect_vreg.scatter [tilespmem:s15], [sflag:$0x2], $0x80, v35, vm0, $0xb8;
	[tilespmem:$0x10500] =	vst v63  }
0x29b: {  	[tilespmem:$0x480] =	vst v14  }
0x29c: {  	[tilespmem:$0x490] =	vst v15  }
0x29d: {  	_ =	swait.ge [sflag:s2], $0x8000  }
0x29e: {  	[sflag:s2] =	ssyncset.done $0x0  }
0x29f: {  	s19 =	simm.s32 $0x8500;
	[sflag:s2] =	ssyncadd.s32 $0xFFFF8000  }
0x2a0: {  	[tilespmem:s19], [sflag:$0x1] =	stream.indirect_vreg.gather [hbm4b:s1+s3], $0x80, v33, vm0, $0xb8;
	[tilespmem:$0x10500] =	vst v63  }
0x2a1: {  	s0 =	simm.s32 $0x8D00  }
0x2a2: {  	[tilespmem:s0], [sflag:$0x1] =	stream.indirect_vreg.gather [hbm4b:s5+s3], $0x80, v33, vm0, $0xb8;
	[tilespmem:$0x10500] =	vst v63  }
0x2a3: {  	s11 =	simm.s32 $0x9500  }
0x2a4: {  	[tilespmem:s11], [sflag:$0x1] =	stream.indirect_vreg.gather [hbm4b:s6+s3], $0x80, v33, vm0, $0xb8;
	[tilespmem:$0x10500] =	vst v63  }
0x2a5: {  	s29 =	simm.s32 $0x9D00  }
0x2a6: {  	[tilespmem:s29], [sflag:$0x1] =	stream.indirect_vreg.gather [hbm4b:s7+s3], $0x80, v33, vm0, $0xb8;
	[tilespmem:$0x10500] =	vst v63  }
0x2a7: {  	s28 =	simm.s32 $0xA500  }
0x2a8: {  	[tilespmem:s28], [sflag:$0x1] =	stream.indirect_vreg.gather [hbm4b:s1+s3], $0x80, v34, vm0, $0xb8;
	[tilespmem:$0x10500] =	vst v63  }
0x2a9: {  	s22 =	simm.s32 $0xAD00  }
0x2aa: {  	[tilespmem:s22], [sflag:$0x1] =	stream.indirect_vreg.gather [hbm4b:s5+s3], $0x80, v34, vm0, $0xb8;
	[tilespmem:$0x10500] =	vst v63  }
0x2ab: {  	s31 =	simm.s32 $0xB500  }
0x2ac: {  	[tilespmem:s31], [sflag:$0x1] =	stream.indirect_vreg.gather [hbm4b:s6+s3], $0x80, v34, vm0, $0xb8;
	[tilespmem:$0x10500] =	vst v63  }
0x2ad: {  	s12 =	simm.s32 $0xBD00  }
0x2ae: {  	[tilespmem:s12], [sflag:$0x1] =	stream.indirect_vreg.gather [hbm4b:s7+s3], $0x80, v34, vm0, $0xb8;
	[tilespmem:$0x10500] =	vst v63  }
0x2af: {  	v59 =	vld [tilespmem:$0x490];
	_ =	sdelay $0x4  }
0x2b0: {  	v60 =	vshll.u32 v59, $0x3  }
0x2b1: {  	v35 =	vand.u32 $0x7, v59;
	v36 =	vand.u32 $0xFFFFFFC0, v60  }
0x2b2: {  	v35 =	vor.u32 v35, v36  }
0x2b3: {  	v36 =	vperm.xlane v35, v16;
	_ =	sdelay $0x1  }
0x2b4: {  	v36 =	vadd.s32 v17, v36;
	_ =	sdelay $0x3  }
0x2b5: {  	s13 =	simm.s32 $0xC500  }
0x2b6: {  	[tilespmem:s13], [sflag:$0x1] =	stream.indirect_vreg.gather [hbm4b:s1+s3], $0x80, v36, vm0, $0xb8;
	[tilespmem:$0x10500] =	vst v63  }
0x2b7: {  	s14 =	simm.s32 $0xCD00;
	v35 =	vperm.xlane v35, v18  }
0x2b8: {  	[tilespmem:s14], [sflag:$0x1] =	stream.indirect_vreg.gather [hbm4b:s5+s3], $0x80, v36, vm0, $0xb8;
	[tilespmem:$0x10500] =	vst v63  }
0x2b9: {  	s18 =	simm.s32 $0xD500;
	v35 =	vadd.s32 v17, v35  }
0x2ba: {  	[tilespmem:s18], [sflag:$0x1] =	stream.indirect_vreg.gather [hbm4b:s6+s3], $0x80, v36, vm0, $0xb8;
	[tilespmem:$0x10500] =	vst v63  }
0x2bb: {  	s21 =	simm.s32 $0xDD00  }
0x2bc: {  	[tilespmem:s21], [sflag:$0x1] =	stream.indirect_vreg.gather [hbm4b:s7+s3], $0x80, v36, vm0, $0xb8;
	[tilespmem:$0x10500] =	vst v63  }
0x2bd: {  	s23 =	simm.s32 $0xE500  }
0x2be: {  	[tilespmem:s23], [sflag:$0x1] =	stream.indirect_vreg.gather [hbm4b:s1+s3], $0x80, v35, vm0, $0xb8;
	[tilespmem:$0x10500] =	vst v63  }
0x2bf: {  	s24 =	simm.s32 $0xED00  }
0x2c0: {  	[tilespmem:s24], [sflag:$0x1] =	stream.indirect_vreg.gather [hbm4b:s5+s3], $0x80, v35, vm0, $0xb8;
	[tilespmem:$0x10500] =	vst v63  }
0x2c1: {  	s26 =	simm.s32 $0xF500  }
0x2c2: {  	[tilespmem:s26], [sflag:$0x1] =	stream.indirect_vreg.gather [hbm4b:s6+s3], $0x80, v35, vm0, $0xb8;
	[tilespmem:$0x10500] =	vst v63  }
0x2c3: {  	s30 =	simm.s32 $0xFD00  }
0x2c4: {  	[tilespmem:s30], [sflag:$0x1] =	stream.indirect_vreg.gather [hbm4b:s7+s3], $0x80, v35, vm0, $0xb8;
	[tilespmem:$0x10500] =	vst v63  }
0x2c5: {  	_ =	swait.ge [sflag:s25], $0x8000  }
0x2c6: {  	[sflag:s25] =	ssyncset.done $0x0  }
0x2c7: {  	[sflag:s25] =	ssyncadd.s32 $0xFFFF8000  }
0x2c8: {  	v61 =	vld [tilespmem:$0x380];
	_ =	sdelay $0x4  }
0x2c9: {  	v62 =	vshll.u32 v61, $0x3  }
0x2ca: {  	v35 =	vand.u32 $0x7, v61;
	v36 =	vand.u32 $0xFFFFFFC0, v62  }
0x2cb: {  	v35 =	vor.u32 v35, v36  }
0x2cc: {  	v36 =	vperm.xlane v35, v16;
	_ =	sdelay $0x1  }
0x2cd: {  	v36 =	vadd.s32 v17, v36;
	_ =	sdelay $0x4  }
0x2ce: {  	[hbm4b:s4+s3] =	stream.indirect_vreg.scatter [tilespmem:s19], [sflag:$0x2], $0x80, v36, vm0, $0xb8;
	[tilespmem:$0x10500] =	vst v63  }
0x2cf: {  	v35 =	vperm.xlane v35, v18  }
0x2d0: {  	[hbm4b:s8+s3] =	stream.indirect_vreg.scatter [tilespmem:s0], [sflag:$0x2], $0x80, v36, vm0, $0xb8;
	[tilespmem:$0x10500] =	vst v63  }
0x2d1: {  	v35 =	vadd.s32 v17, v35  }
0x2d2: {  	[hbm4b:s9+s3] =	stream.indirect_vreg.scatter [tilespmem:s11], [sflag:$0x2], $0x80, v36, vm0, $0xb8;
	[tilespmem:$0x10500] =	vst v63  }
0x2d3: {  	_ = 	snop  }
0x2d4: {  	[hbm4b:s10+s3] =	stream.indirect_vreg.scatter [tilespmem:s29], [sflag:$0x2], $0x80, v36, vm0, $0xb8;
	[tilespmem:$0x10500] =	vst v63  }
0x2d5: {  	_ = 	snop  }
0x2d6: {  	[hbm4b:s4+s3] =	stream.indirect_vreg.scatter [tilespmem:s28], [sflag:$0x2], $0x80, v35, vm0, $0xb8;
	[tilespmem:$0x10500] =	vst v63  }
0x2d7: {  	_ = 	snop  }
0x2d8: {  	[hbm4b:s8+s3] =	stream.indirect_vreg.scatter [tilespmem:s22], [sflag:$0x2], $0x80, v35, vm0, $0xb8;
	[tilespmem:$0x10500] =	vst v63  }
0x2d9: {  	_ = 	snop  }
0x2da: {  	[hbm4b:s9+s3] =	stream.indirect_vreg.scatter [tilespmem:s31], [sflag:$0x2], $0x80, v35, vm0, $0xb8;
	[tilespmem:$0x10500] =	vst v63  }
0x2db: {  	_ = 	snop  }
0x2dc: {  	[hbm4b:s10+s3] =	stream.indirect_vreg.scatter [tilespmem:s12], [sflag:$0x2], $0x80, v35, vm0, $0xb8;
	[tilespmem:$0x10500] =	vst v63  }
0x2dd: {  	v35 =	vld [tilespmem:$0x390];
	_ =	sdelay $0x4  }
0x2de: {  	v63 =	vshll.u32 v35, $0x3  }
0x2df: {  	v35 =	vand.u32 $0x7, v35;
	v36 =	vand.u32 $0xFFFFFFC0, v63  }
0x2e0: {  	v35 =	vor.u32 v35, v36  }
0x2e1: {  	v36 =	vperm.xlane v35, v16;
	_ =	sdelay $0x1  }
0x2e2: {  	v36 =	vadd.s32 v17, v36;
	_ =	sdelay $0x4  }
0x2e3: {  	[hbm4b:s4+s3] =	stream.indirect_vreg.scatter [tilespmem:s13], [sflag:$0x2], $0x80, v36, vm0, $0xb8;
	[tilespmem:$0x10500] =	vst v63  }
0x2e4: {  	v35 =	vperm.xlane v35, v18  }
0x2e5: {  	[hbm4b:s8+s3] =	stream.indirect_vreg.scatter [tilespmem:s14], [sflag:$0x2], $0x80, v36, vm0, $0xb8;
	[tilespmem:$0x10500] =	vst v63  }
0x2e6: {  	v35 =	vadd.s32 v17, v35  }
0x2e7: {  	[hbm4b:s9+s3] =	stream.indirect_vreg.scatter [tilespmem:s18], [sflag:$0x2], $0x80, v36, vm0, $0xb8;
	[tilespmem:$0x10500] =	vst v63  }
0x2e8: {  	_ = 	snop  }
0x2e9: {  	[hbm4b:s10+s3] =	stream.indirect_vreg.scatter [tilespmem:s21], [sflag:$0x2], $0x80, v36, vm0, $0xb8;
	[tilespmem:$0x10500] =	vst v63  }
0x2ea: {  	_ = 	snop  }
0x2eb: {  	[hbm4b:s4+s3] =	stream.indirect_vreg.scatter [tilespmem:s23], [sflag:$0x2], $0x80, v35, vm0, $0xb8;
	[tilespmem:$0x10500] =	vst v63  }
0x2ec: {  	_ = 	snop  }
0x2ed: {  	[hbm4b:s8+s3] =	stream.indirect_vreg.scatter [tilespmem:s24], [sflag:$0x2], $0x80, v35, vm0, $0xb8;
	[tilespmem:$0x10500] =	vst v63  }
0x2ee: {  	_ = 	snop  }
0x2ef: {  	[hbm4b:s9+s3] =	stream.indirect_vreg.scatter [tilespmem:s26], [sflag:$0x2], $0x80, v35, vm0, $0xb8;
	[tilespmem:$0x10500] =	vst v63  }
0x2f0: {  	s31 =	rddreg [dreg:$0x5]  }
0x2f1: {  	[hbm4b:s10+s3] =	stream.indirect_vreg.scatter [tilespmem:s30], [sflag:$0x2], $0x80, v35, vm0, $0xb8;
	[tilespmem:$0x10500] =	vst v63  }
0x2f2: {  	p0 =	sne.s32 s31, $0x1;
	_ =	swait.ge [sflag:s2], $0x8000  }
.Ltmp0:
0x2f3: {  	[sflag:s2] =	ssyncset.done $0x0;
	(pc) =	sbr.rel @p0 .LBB2_1-.Ltmp0, $4  }
0x2f4: {  	[sflag:s2] =	ssyncadd.s32 $0xFFFF8000  }
0x2f5: {  	_ =	swait.ge [sflag:s2], $0x8000  }
0x2f6: {  	[sflag:s2] =	ssyncset.done $0x0  }
0x2f7: {  	s0 =	sadd.s32 $0xFFFFFFFF, s31;
	[sflag:s2] =	ssyncadd.s32 $0xFFFF8000  }
0x2f8: {  	_ =	sfence.sel $0x180000  }
0x2f9: {  	[bflag:$0x0] =	sbarrier.arrive $0xFFFF  }
0x2fa: {  	_ =	strace $0x90000047  }
0x2fb: {  	s0 =	stileid.u32;
	[bflag:$0x2] =	sbarrier.arrive $0xFFFF  }
0x2fc: {  	p0 =	sne.s32 s0, $0x0;
	s0 =	rddreg [dreg:$0x3]  }
0x2fd: {  	s0 =	sadd.s32 @!p0 $0x100000, s0  }
0x2fe: {  	[sflag:s0] =	ssyncadd.tile.s32 @!p0 $0x1;
	_ =	shalt  }
.Lfunc_end2:
_tile_overlayer_lowered:
.L_overlay_start_2:
0x2ff: {  	(tag) =	ssettag $0x2  }
0x300: {  	s0 =	rddreg [dreg:$0x0];
	s2 =	stileid.u32  }
0x301: {  	s1 =	rddreg [dreg:$0x1];
	p0 =	sne.s32 s2, $0x0  }
0x302: {  	s3 =	rddreg [dreg:$0x2];
	[bflag:$0x3] =	sbarrier.arrive $0xFFFF;
	s2 =	simm.s32 @!p0 $0x1C03  }
0x303: {  	[timem:s3], [sflag:s2] =	dma.local @!p0 [hbm:s0], s1  }
0x304: {  	s0 =	simm.s32 @!p0 $0x3  }
0x305: {  	_ =	swait.ge @!p0 [sflag:s0], s1  }
0x306: {  	s1 =	ssub.s32 @!p0 $0x0, s1;
	[sflag:s0] =	ssyncset.done @!p0 $0x0  }
0x307: {  	[sflag:s0] =	ssyncadd.s32 @!p0 s1  }
0x308: {  	[bflag:$0x3] =	sbarrier.arrive $0xFFFF  }
0x309: {  	_ =	shalt  }

</sc_bundles>
